<compile_context>
chip_gen: v7x
topology: tpu7x:2x2x1
jax: 0.10.2.dev20260603
libtpu: 0.0.44.dev20260713+nightly
codegen_flags: <defaults>
</compile_context>

<pallas_src>
import jax
import jax.numpy as jnp
from jax import lax
from jax.experimental import pallas as pl
from jax.experimental.pallas import tpu as pltpu
from jax.experimental.pallas import tpu_sc as plsc

N = 10000
D = 128
E = 320000

NC = 2
NS = 16
L = 16

K = 128
CH0 = 152
CH1 = 8
CHUNKS_TOT = CH0 + CH1
E_PAD = NS * CHUNKS_TOT * K
C_ROWS = E_PAD // K

ACC_ROWS = 10240
PAD_DST = 10008
HN = 10240

NBUF = 2
BLK = 8


def _sc_body(x_hbm, srcm, dstm, sums_out, counts_out,
             sbuf_s, sbuf_d, rows, hist, acc, gsems, ssems, isems):
    cid = lax.axis_index("c")
    sid = lax.axis_index("s")
    my_chunks = jnp.where(cid == 0, CH0, CH1)
    nblk = my_chunks // BLK
    row_base = jnp.where(cid == 0, sid * CH0, NS * CH0 + sid * CH1)

    zero16 = jnp.zeros((L,), jnp.float32)
    ones16 = jnp.ones((L,), jnp.float32)

    def z_rows(i, c):
        rows[0, i // 8, pl.ds((i % 8) * L, L)] = zero16
        return c
    lax.fori_loop(0, 128 * 8, z_rows, 0)

    def z_hist(i, c):
        hist[pl.ds(i * L, L)] = zero16
        return c
    lax.fori_loop(0, HN // L, z_hist, 0)

    for b in range(5):
        pltpu.sync_copy(rows.at[0], acc.at[pl.ds(sid * 640 + b * 128, 128)])

    plsc.subcore_barrier()

    def stage(k, h):
        base = row_base + k * BLK
        pltpu.async_copy(srcm.at[pl.ds(base, BLK)], sbuf_s.at[h], isems.at[h])
        pltpu.async_copy(dstm.at[pl.ds(base, BLK)], sbuf_d.at[h], isems.at[h])

    def wait_stage(h):
        pltpu.make_async_copy(srcm.at[pl.ds(0, BLK)], sbuf_s.at[h],
                              isems.at[h]).wait()
        pltpu.make_async_copy(dstm.at[pl.ds(0, BLK)], sbuf_d.at[h],
                              isems.at[h]).wait()

    def gather(h, r, rb):
        pltpu.async_copy(x_hbm.at[sbuf_s.at[h, r]], rows.at[rb], gsems.at[rb])

    def wait_gather(rb):
        pltpu.make_async_copy(x_hbm.at[sbuf_s.at[0, 0]], rows.at[rb],
                              gsems.at[rb]).wait()

    def scatter(h, r, rb):
        pltpu.async_copy(rows.at[rb], acc.at[sbuf_d.at[h, r]], ssems.at[rb],
                         add=True)

    def wait_scatter(rb):
        pltpu.make_async_copy(rows.at[rb], acc.at[sbuf_d.at[0, 0]],
                              ssems.at[rb]).wait()

    def hist_update(h, r):
        for j in range(K // L):
            d = sbuf_d[h, r, pl.ds(j * L, L)]
            plsc.addupdate_scatter(hist, [d], ones16)

    stage(0, 0)
    wait_stage(0)
    gather(0, 0, 0)
    hist_update(0, 0)
    gather(0, 1, 1)
    hist_update(0, 1)
    wait_gather(0)
    scatter(0, 0, 0)
    stage(1, 1)
    for c in range(2, BLK):
        rb = c % 2
        wait_scatter(rb)
        gather(0, c, rb)
        hist_update(0, c)
        wait_gather(1 - rb)
        scatter(0, c - 1, 1 - rb)

    def block(i, carry):
        h = lax.rem(i, 2)
        hp = 1 - h
        wait_scatter(0)
        wait_stage(h)
        gather(h, 0, 0)
        hist_update(h, 0)
        wait_gather(1)
        scatter(hp, BLK - 1, 1)
        wait_scatter(1)
        gather(h, 1, 1)
        hist_update(h, 1)
        wait_gather(0)
        scatter(h, 0, 0)

        @pl.when(i < nblk - 1)
        def _():
            stage(i + 1, hp)

        for u in range(2, BLK):
            rb = u % 2
            wait_scatter(rb)
            gather(h, u, rb)
            hist_update(h, u)
            wait_gather(1 - rb)
            scatter(h, u - 1, 1 - rb)
        return carry
    lax.fori_loop(1, nblk, block, 0)

    hl = lax.rem(nblk - 1, 2)
    wait_gather(1)
    scatter(hl, BLK - 1, 1)
    wait_scatter(0)
    wait_scatter(1)

    pltpu.sync_copy(hist, counts_out.at[cid, sid])

    plsc.subcore_barrier()

    pltpu.sync_copy(acc.at[pl.ds(sid * 624, 624)],
                    sums_out.at[cid, pl.ds(sid * 624, 624)])

    @pl.when(sid == 0)
    def _():
        pltpu.sync_copy(acc.at[pl.ds(16 * 624, 16)],
                        sums_out.at[cid, pl.ds(16 * 624, 16)])


@jax.jit
def _sc_call(x, srcm, dstm):
    mesh = plsc.VectorSubcoreMesh(core_axis_name="c", subcore_axis_name="s")
    f = pl.kernel(
        _sc_body,
        out_type=(
            jax.ShapeDtypeStruct((NC, N, D), jnp.float32),
            jax.ShapeDtypeStruct((NC, NS, HN), jnp.float32),
        ),
        mesh=mesh,
        scratch_types=[
            pltpu.VMEM((2, BLK, K), jnp.int32),
            pltpu.VMEM((2, BLK, K), jnp.int32),
            pltpu.VMEM((NBUF, K, D), jnp.float32),
            pltpu.VMEM((HN,), jnp.float32),
            pltpu.VMEM_SHARED((ACC_ROWS, D), jnp.float32),
            pltpu.SemaphoreType.DMA((NBUF,)),
            pltpu.SemaphoreType.DMA((NBUF,)),
            pltpu.SemaphoreType.DMA((2,)),
        ],
        compiler_params=pltpu.CompilerParams(needs_layout_passes=False),
    )
    return f(x, srcm, dstm)


def _cnt_body(h_ref, out_ref):
    s = jnp.sum(h_ref[...], axis=0, keepdims=True)
    out_ref[...] = 1.0 / jnp.maximum(s, 1.0)


def _cnt_call(h):
    return pl.pallas_call(
        _cnt_body,
        out_shape=jax.ShapeDtypeStruct((1, HN), jnp.float32),
    )(h)


def _tc_body(x_ref, s0, s1, r0, wl, wr, bl, out_ref):
    aggr = (s0[...] + s1[...]) * r0[...]
    y = lax.dot_general(aggr, wl[...], (((1,), (1,)), ((), ())),
                        preferred_element_type=jnp.float32)
    y = y + lax.dot_general(x_ref[...], wr[...], (((1,), (1,)), ((), ())),
                            preferred_element_type=jnp.float32)
    y = y + bl[...]
    g = 0.5 * y * (1.0 + lax.erf(y * 0.7071067811865476))
    out_ref[...] = x_ref[...] + g


def _tc_call(x, s0, s1, r0, W_l, W_r, bl):
    B = 2000
    grid = (N // B,)
    row_spec = pl.BlockSpec((B, D), lambda i: (i, 0))
    cnt_spec = pl.BlockSpec((B, 1), lambda i: (i, 0))
    w_spec = pl.BlockSpec((D, D), lambda i: (0, 0))
    b_spec = pl.BlockSpec((1, D), lambda i: (0, 0))
    return pl.pallas_call(
        _tc_body,
        grid=grid,
        in_specs=[row_spec, row_spec, row_spec, cnt_spec,
                  w_spec, w_spec, b_spec],
        out_specs=row_spec,
        out_shape=jax.ShapeDtypeStruct((N, D), jnp.float32),
    )(x, s0, s1, r0, W_l, W_r, bl)


def kernel(x, edge_index, W_l, b_l, W_r):
    src = edge_index[0]
    dst = edge_index[1]
    pad = E_PAD - E
    src_p = jnp.concatenate([src, jnp.zeros((pad,), jnp.int32)]).reshape(C_ROWS, K)
    dst_p = jnp.concatenate([dst, jnp.full((pad,), PAD_DST, jnp.int32)]).reshape(C_ROWS, K)
    sums_p, counts_p = _sc_call(x, src_p, dst_p)
    recip = _cnt_call(counts_p.reshape(NC * NS, HN))
    r0 = recip.reshape(-1)[:N].reshape(N, 1)
    return _tc_call(x, sums_p[0], sums_p[1], r0, W_l, W_r,
                    b_l.reshape(1, D))

# --- scband reference (transcript-rebuilt; emitter-appended) ---
"""Pipeline reference for scband-gcnresnet-31310311588150 (READ-ONLY COPY).

The authoritative reference and input builder live on the scoring server;
editing this copy changes nothing except your own understanding.
"""

import jax, jax.numpy as jnp
import numpy as np

N = 10000
E = 320000
D_IN = 128
D_OUT = 128


def setup_inputs(seed: int = 0) -> dict:
    key = jax.random.key(seed)
    k1, k2, k3, k4, k5 = jax.random.split(key, 5)
    x = jax.random.normal(k1, (N, D_IN), dtype=jnp.float32)
    edge_index = jax.random.randint(k2, (2, E), 0, N, dtype=jnp.int32)
    # SAGEConv params: lin_l applied to aggregated neighbors (with bias), lin_r applied to root (no bias)
    W_l = jax.random.normal(k3, (D_OUT, D_IN), dtype=jnp.float32) * 0.05
    b_l = jnp.zeros((D_OUT,), dtype=jnp.float32)
    W_r = jax.random.normal(k4, (D_OUT, D_IN), dtype=jnp.float32) * 0.05
    return {"x": x, "edge_index": edge_index, "W_l": W_l, "b_l": b_l, "W_r": W_r}


def reference(x, edge_index, W_l, b_l, W_r):
    # SAGEConv with mean aggregation (PyG semantics):
    #   out = lin_l(mean_{j in N(i)} x_j) + lin_r(x_i)
    src = edge_index[0]
    dst = edge_index[1]
    msgs = jnp.take(x, src, axis=0)                     # gather: [E, D_in]
    summed = jax.ops.segment_sum(msgs, dst, num_segments=N)
    counts = jax.ops.segment_sum(jnp.ones((msgs.shape[0],), dtype=x.dtype), dst, num_segments=N)
    aggr = summed / jnp.clip(counts, 1.0, None)[:, None]
    y = aggr @ W_l.T + b_l + x @ W_r.T
    # dropout is identity in eval mode; in_features == out_features so skip = x
    return x + jax.nn.gelu(y, approximate=False)

if __name__ == "__main__":
    import jax
    _d = setup_inputs()
    print(jax.jit(kernel)(*tuple(_d.values())))

</pallas_src>

<mosaic_0001>
#map = affine_map<(d0, d1) -> (0, 0)>
#map1 = affine_map<(d0, d1) -> (0, 0, 0)>
module attributes {stable_mosaic.version = 14 : i64} {
  func.func @_sc_body(%arg0: i32, %arg1: i32, %arg2: memref<10000x128xf32, #tpu.memory_space<hbm>>, %arg3: memref<2560x128xi32, #tpu.memory_space<hbm>>, %arg4: memref<2560x128xi32, #tpu.memory_space<hbm>>, %arg5: memref<2x10000x128xf32, #tpu.memory_space<hbm>>, %arg6: memref<2x16x10240xf32, #tpu.memory_space<hbm>>, %arg7: memref<2x8x128xi32, #tpu.memory_space<vmem>>, %arg8: memref<2x8x128xi32, #tpu.memory_space<vmem>>, %arg9: memref<2x128x128xf32, #tpu.memory_space<vmem>>, %arg10: memref<10240xf32, #tpu.memory_space<vmem>>, %arg11: memref<10240x128xf32, #tpu.memory_space<vmem_shared>>, %arg12: memref<2x!tpu.dma_semaphore, #tpu.memory_space<semaphore_mem>>, %arg13: memref<2x!tpu.dma_semaphore, #tpu.memory_space<semaphore_mem>>, %arg14: memref<2x!tpu.dma_semaphore, #tpu.memory_space<semaphore_mem>>) attributes {dimension_semantics = [#tpu.dimension_semantics<core_parallel>, #tpu.dimension_semantics<subcore_parallel>], iteration_bounds = array<i64: 2, 16>, scalar_prefetch = 0 : i64, scratch_operands = 8 : i64, tpu.core_type = #tpu.core_type<sc_vector_subcore>, window_params = [{transform_indices = #map}, {transform_indices = #map}, {transform_indices = #map}, {transform_indices = #map1}, {transform_indices = #map1}]} {
    %eq3A = arith.constant 0 : i32
    %eq3A_0 = arith.cmpi eq, %arg0, %eq3A : i32
    %jit3A = arith.constant 152 : i32
    %jit3A_1 = arith.constant 8 : i32
    %select_n3A = arith.select %eq3A_0, %jit3A, %jit3A_1 : i32
    %jit3A_2 = arith.constant 8 : i32
    %div3A = arith.divsi %select_n3A, %jit3A_2 : i32
    %sign3A = arith.constant 0 : i32
    %sign3A_3 = arith.cmpi sgt, %select_n3A, %sign3A : i32
    %sign3A_4 = arith.extui %sign3A_3 : i1 to i32
    %sign3A_5 = arith.constant 0 : i32
    %sign3A_6 = arith.cmpi slt, %select_n3A, %sign3A_5 : i32
    %sign3A_7 = arith.extui %sign3A_6 : i1 to i32
    %sign3A_8 = arith.subi %sign3A_4, %sign3A_7 : i32
    %sign3A_9 = arith.constant 0 : i32
    %sign3A_10 = arith.cmpi sgt, %jit3A_2, %sign3A_9 : i32
    %sign3A_11 = arith.extui %sign3A_10 : i1 to i32
    %sign3A_12 = arith.constant 0 : i32
    %sign3A_13 = arith.cmpi slt, %jit3A_2, %sign3A_12 : i32
    %sign3A_14 = arith.extui %sign3A_13 : i1 to i32
    %sign3A_15 = arith.subi %sign3A_11, %sign3A_14 : i32
    %ne3A = arith.cmpi ne, %sign3A_8, %sign3A_15 : i32
    %rem3A = arith.remsi %select_n3A, %jit3A_2 : i32
    %ne3A_16 = arith.constant 0 : i32
    %ne3A_17 = arith.cmpi ne, %rem3A, %ne3A_16 : i32
    %and3A = arith.andi %ne3A, %ne3A_17 : i1
    %sub3A = arith.constant 1 : i32
    %sub3A_18 = arith.subi %div3A, %sub3A : i32
    %select_n3A_19 = arith.select %and3A, %sub3A_18, %div3A : i32
    %eq3A_20 = arith.constant 0 : i32
    %eq3A_21 = arith.cmpi eq, %arg0, %eq3A_20 : i32
    %mul3A = arith.constant 152 : i32
    %mul3A_22 = arith.muli %arg1, %mul3A : i32
    %mul3A_23 = arith.constant 8 : i32
    %mul3A_24 = arith.muli %arg1, %mul3A_23 : i32
    %add3A = arith.constant 2432 : i32
    %add3A_25 = arith.addi %add3A, %mul3A_24 : i32
    %select_n3A_26 = arith.select %eq3A_21, %mul3A_22, %add3A_25 : i32
    %broadcast_in_dim3A = arith.constant 0.000000e+00 : f32
    %broadcast_in_dim3A_27 = vector.broadcast %broadcast_in_dim3A : f32 to vector<16xf32>
    %broadcast_in_dim3A_28 = arith.constant 1.000000e+00 : f32
    %broadcast_in_dim3A_29 = vector.broadcast %broadcast_in_dim3A_28 : f32 to vector<16xf32>
    %scan3A = arith.constant 0 : i32
    %scan3A_30 = arith.constant 0 : i32
    %scan3A_31 = arith.constant 1024 : i32
    %scan3A_32 = arith.addi %scan3A_30, %scan3A_31 : i32
    %scan3A_33 = arith.constant 1 : i32
    scf.for %scan3A_1082 = %scan3A_30 to %scan3A_32 step %scan3A_33  : i32 {
      %jit3A_1083 = arith.constant 8 : i32
      %div3A_1084 = arith.divsi %scan3A_1082, %jit3A_1083 : i32
      %sign3A_1085 = arith.constant 0 : i32
      %sign3A_1086 = arith.cmpi sgt, %scan3A_1082, %sign3A_1085 : i32
      %sign3A_1087 = arith.extui %sign3A_1086 : i1 to i32
      %sign3A_1088 = arith.constant 0 : i32
      %sign3A_1089 = arith.cmpi slt, %scan3A_1082, %sign3A_1088 : i32
      %sign3A_1090 = arith.extui %sign3A_1089 : i1 to i32
      %sign3A_1091 = arith.subi %sign3A_1087, %sign3A_1090 : i32
      %sign3A_1092 = arith.constant 0 : i32
      %sign3A_1093 = arith.cmpi sgt, %jit3A_1083, %sign3A_1092 : i32
      %sign3A_1094 = arith.extui %sign3A_1093 : i1 to i32
      %sign3A_1095 = arith.constant 0 : i32
      %sign3A_1096 = arith.cmpi slt, %jit3A_1083, %sign3A_1095 : i32
      %sign3A_1097 = arith.extui %sign3A_1096 : i1 to i32
      %sign3A_1098 = arith.subi %sign3A_1094, %sign3A_1097 : i32
      %ne3A_1099 = arith.cmpi ne, %sign3A_1091, %sign3A_1098 : i32
      %rem3A_1100 = arith.remsi %scan3A_1082, %jit3A_1083 : i32
      %ne3A_1101 = arith.constant 0 : i32
      %ne3A_1102 = arith.cmpi ne, %rem3A_1100, %ne3A_1101 : i32
      %and3A_1103 = arith.andi %ne3A_1099, %ne3A_1102 : i1
      %sub3A_1104 = arith.constant 1 : i32
      %sub3A_1105 = arith.subi %div3A_1084, %sub3A_1104 : i32
      %select_n3A_1106 = arith.select %and3A_1103, %sub3A_1105, %div3A_1084 : i32
      %jit3A_1107 = arith.constant 8 : i32
      %eq3A_1108 = arith.constant 0 : i32
      %eq3A_1109 = arith.cmpi eq, %jit3A_1107, %eq3A_1108 : i32
      %jit3A_1110 = arith.constant 1 : i32
      %select_n3A_1111 = arith.select %eq3A_1109, %jit3A_1110, %jit3A_1107 : i32
      %rem3A_1112 = arith.remsi %scan3A_1082, %select_n3A_1111 : i32
      %ne3A_1113 = arith.constant 0 : i32
      %ne3A_1114 = arith.cmpi ne, %rem3A_1112, %ne3A_1113 : i32
      %lt3A = arith.constant 0 : i32
      %lt3A_1115 = arith.cmpi slt, %rem3A_1112, %lt3A : i32
      %lt3A_1116 = arith.constant 0 : i32
      %lt3A_1117 = arith.cmpi slt, %select_n3A_1111, %lt3A_1116 : i32
      %ne3A_1118 = arith.xori %lt3A_1115, %lt3A_1117 : i1
      %and3A_1119 = arith.andi %ne3A_1118, %ne3A_1114 : i1
      %add3A_1120 = arith.addi %rem3A_1112, %select_n3A_1111 : i32
      %select_n3A_1121 = arith.select %and3A_1119, %add3A_1120, %rem3A_1112 : i32
      %mul3A_1122 = arith.constant 16 : i32
      %mul3A_1123 = arith.muli %select_n3A_1121, %mul3A_1122 : i32
      %swap3A = arith.constant 0 : i32
      %swap3A_1124 = arith.index_cast %swap3A : i32 to index
      %swap3A_1125 = arith.index_cast %select_n3A_1106 : i32 to index
      %swap3A_1126 = arith.index_cast %mul3A_1123 : i32 to index
      %swap3A_1127 = tpu.vector_load %arg9[%swap3A_1124, %swap3A_1125, %swap3A_1126] {strides = array<i32>} : memref<2x128x128xf32, #tpu.memory_space<vmem>>, vector<16xf32>,
      tpu.vector_store %arg9[%swap3A_1124, %swap3A_1125, %swap3A_1126], %broadcast_in_dim3A_27 {strides = array<i32>} : memref<2x128x128xf32, #tpu.memory_space<vmem>>, vector<16xf32>,
    }
    %scan3A_34 = arith.constant 1024 : i32
    %scan3A_35 = arith.constant 0 : i32
    %scan3A_36 = arith.constant 0 : i32
    %scan3A_37 = arith.constant 640 : i32
    %scan3A_38 = arith.addi %scan3A_36, %scan3A_37 : i32
    %scan3A_39 = arith.constant 1 : i32
    scf.for %scan3A_1082 = %scan3A_36 to %scan3A_38 step %scan3A_39  : i32 {
      %mul3A_1083 = arith.constant 16 : i32
      %mul3A_1084 = arith.muli %scan3A_1082, %mul3A_1083 : i32
      %swap3A = arith.index_cast %mul3A_1084 : i32 to index
      %swap3A_1085 = tpu.vector_load %arg10[%swap3A] {strides = array<i32>} : memref<10240xf32, #tpu.memory_space<vmem>>, vector<16xf32>,
      tpu.vector_store %arg10[%swap3A], %broadcast_in_dim3A_27 {strides = array<i32>} : memref<10240xf32, #tpu.memory_space<vmem>>, vector<16xf32>,
    }
    %scan3A_40 = arith.constant 640 : i32
    %mul3A_41 = arith.constant 640 : i32
    %mul3A_42 = arith.muli %arg1, %mul3A_41 : i32
    %add3A_43 = arith.constant 0 : i32
    %add3A_44 = arith.addi %mul3A_42, %add3A_43 : i32
    %run_scoped3A = arith.constant 0 : i32
    "tpu.region"() ({
      %run_scoped3A_1082 = tpu.sem_alloc : memref<!tpu.dma_semaphore, #tpu.memory_space<semaphore_mem>>
      %dma_start3A_1083 = arith.constant 0 : i32
      %dma_start3A_1084 = arith.constant 0 : i32
      %dma_start3A_1085 = tpu.memref_slice %arg9[%run_scoped3A, %dma_start3A_1083, %dma_start3A_1084] : memref<2x128x128xf32, #tpu.memory_space<vmem>> -> memref<1x128x128xf32, #tpu.memory_space<vmem>>
      %dma_start3A_1086 = tpu.memref_squeeze %dma_start3A_1085 : memref<1x128x128xf32, #tpu.memory_space<vmem>> -> memref<128x128xf32, #tpu.memory_space<vmem>>
      %dma_start3A_1087 = arith.constant 0 : i32
      %dma_start3A_1088 = tpu.memref_slice %arg11[%add3A_44, %dma_start3A_1087] : memref<10240x128xf32, #tpu.memory_space<vmem_shared>> -> memref<128x128xf32, #tpu.memory_space<vmem_shared>>
      %dma_start3A_1089 = arith.constant 0 : i32
      %dma_start3A_1090 = tpu.memref_slice %arg11[%add3A_44, %dma_start3A_1089] : memref<10240x128xf32, #tpu.memory_space<vmem_shared>> -> memref<128x128xf32, #tpu.memory_space<vmem_shared>>
      %dma_start3A_1091 = arith.constant 0 : i32
      %dma_start3A_1092 = arith.constant 0 : i32
      %dma_start3A_1093 = tpu.memref_slice %arg9[%run_scoped3A, %dma_start3A_1091, %dma_start3A_1092] : memref<2x128x128xf32, #tpu.memory_space<vmem>> -> memref<1x128x128xf32, #tpu.memory_space<vmem>>
      %dma_start3A_1094 = tpu.memref_squeeze %dma_start3A_1093 : memref<1x128x128xf32, #tpu.memory_space<vmem>> -> memref<128x128xf32, #tpu.memory_space<vmem>>
      tpu.enqueue_dma source(%dma_start3A_1094 : memref<128x128xf32, #tpu.memory_space<vmem>>) target(%dma_start3A_1090 : memref<128x128xf32, #tpu.memory_space<vmem_shared>>) target_semaphore(%run_scoped3A_1082 : memref<!tpu.dma_semaphore, #tpu.memory_space<semaphore_mem>>)
      %dma_wait3A_1095 = arith.constant 0 : i32
      %dma_wait3A_1096 = arith.constant 0 : i32
      %dma_wait3A_1097 = tpu.memref_slice %arg9[%run_scoped3A, %dma_wait3A_1095, %dma_wait3A_1096] : memref<2x128x128xf32, #tpu.memory_space<vmem>> -> memref<1x128x128xf32, #tpu.memory_space<vmem>>
      %dma_wait3A_1098 = tpu.memref_squeeze %dma_wait3A_1097 : memref<1x128x128xf32, #tpu.memory_space<vmem>> -> memref<128x128xf32, #tpu.memory_space<vmem>>
      %dma_wait3A_1099 = arith.constant 0 : i32
      %dma_wait3A_1100 = tpu.memref_slice %arg11[%add3A_44, %dma_wait3A_1099] : memref<10240x128xf32, #tpu.memory_space<vmem_shared>> -> memref<128x128xf32, #tpu.memory_space<vmem_shared>>
      %dma_wait3A_1101 = arith.constant 0 : i32
      %dma_wait3A_1102 = tpu.memref_slice %arg11[%add3A_44, %dma_wait3A_1101] : memref<10240x128xf32, #tpu.memory_space<vmem_shared>> -> memref<128x128xf32, #tpu.memory_space<vmem_shared>>
      %dma_wait3A_1103 = arith.constant 0 : i32
      %dma_wait3A_1104 = arith.constant 0 : i32
      %dma_wait3A_1105 = tpu.memref_slice %arg9[%run_scoped3A, %dma_wait3A_1103, %dma_wait3A_1104] : memref<2x128x128xf32, #tpu.memory_space<vmem>> -> memref<1x128x128xf32, #tpu.memory_space<vmem>>
      %dma_wait3A_1106 = tpu.memref_squeeze %dma_wait3A_1105 : memref<1x128x128xf32, #tpu.memory_space<vmem>> -> memref<128x128xf32, #tpu.memory_space<vmem>>
      tpu.wait_dma2 semaphore(%run_scoped3A_1082 : memref<!tpu.dma_semaphore, #tpu.memory_space<semaphore_mem>>) src(%dma_wait3A_1106 : memref<128x128xf32, #tpu.memory_space<vmem>>) dst(%dma_wait3A_1102 : memref<128x128xf32, #tpu.memory_space<vmem_shared>>)
      tpu.yield
    }) : () -> ()
    %mul3A_45 = arith.constant 640 : i32
    %mul3A_46 = arith.muli %arg1, %mul3A_45 : i32
    %add3A_47 = arith.constant 128 : i32
    %add3A_48 = arith.addi %mul3A_46, %add3A_47 : i32
    %run_scoped3A_49 = arith.constant 0 : i32
    "tpu.region"() ({
      %run_scoped3A_1082 = tpu.sem_alloc : memref<!tpu.dma_semaphore, #tpu.memory_space<semaphore_mem>>
      %dma_start3A_1083 = arith.constant 0 : i32
      %dma_start3A_1084 = arith.constant 0 : i32
      %dma_start3A_1085 = tpu.memref_slice %arg9[%run_scoped3A_49, %dma_start3A_1083, %dma_start3A_1084] : memref<2x128x128xf32, #tpu.memory_space<vmem>> -> memref<1x128x128xf32, #tpu.memory_space<vmem>>
      %dma_start3A_1086 = tpu.memref_squeeze %dma_start3A_1085 : memref<1x128x128xf32, #tpu.memory_space<vmem>> -> memref<128x128xf32, #tpu.memory_space<vmem>>
      %dma_start3A_1087 = arith.constant 0 : i32
      %dma_start3A_1088 = tpu.memref_slice %arg11[%add3A_48, %dma_start3A_1087] : memref<10240x128xf32, #tpu.memory_space<vmem_shared>> -> memref<128x128xf32, #tpu.memory_space<vmem_shared>>
      %dma_start3A_1089 = arith.constant 0 : i32
      %dma_start3A_1090 = tpu.memref_slice %arg11[%add3A_48, %dma_start3A_1089] : memref<10240x128xf32, #tpu.memory_space<vmem_shared>> -> memref<128x128xf32, #tpu.memory_space<vmem_shared>>
      %dma_start3A_1091 = arith.constant 0 : i32
      %dma_start3A_1092 = arith.constant 0 : i32
      %dma_start3A_1093 = tpu.memref_slice %arg9[%run_scoped3A_49, %dma_start3A_1091, %dma_start3A_1092] : memref<2x128x128xf32, #tpu.memory_space<vmem>> -> memref<1x128x128xf32, #tpu.memory_space<vmem>>
      %dma_start3A_1094 = tpu.memref_squeeze %dma_start3A_1093 : memref<1x128x128xf32, #tpu.memory_space<vmem>> -> memref<128x128xf32, #tpu.memory_space<vmem>>
      tpu.enqueue_dma source(%dma_start3A_1094 : memref<128x128xf32, #tpu.memory_space<vmem>>) target(%dma_start3A_1090 : memref<128x128xf32, #tpu.memory_space<vmem_shared>>) target_semaphore(%run_scoped3A_1082 : memref<!tpu.dma_semaphore, #tpu.memory_space<semaphore_mem>>)
      %dma_wait3A_1095 = arith.constant 0 : i32
      %dma_wait3A_1096 = arith.constant 0 : i32
      %dma_wait3A_1097 = tpu.memref_slice %arg9[%run_scoped3A_49, %dma_wait3A_1095, %dma_wait3A_1096] : memref<2x128x128xf32, #tpu.memory_space<vmem>> -> memref<1x128x128xf32, #tpu.memory_space<vmem>>
      %dma_wait3A_1098 = tpu.memref_squeeze %dma_wait3A_1097 : memref<1x128x128xf32, #tpu.memory_space<vmem>> -> memref<128x128xf32, #tpu.memory_space<vmem>>
      %dma_wait3A_1099 = arith.constant 0 : i32
      %dma_wait3A_1100 = tpu.memref_slice %arg11[%add3A_48, %dma_wait3A_1099] : memref<10240x128xf32, #tpu.memory_space<vmem_shared>> -> memref<128x128xf32, #tpu.memory_space<vmem_shared>>
      %dma_wait3A_1101 = arith.constant 0 : i32
      %dma_wait3A_1102 = tpu.memref_slice %arg11[%add3A_48, %dma_wait3A_1101] : memref<10240x128xf32, #tpu.memory_space<vmem_shared>> -> memref<128x128xf32, #tpu.memory_space<vmem_shared>>
      %dma_wait3A_1103 = arith.constant 0 : i32
      %dma_wait3A_1104 = arith.constant 0 : i32
      %dma_wait3A_1105 = tpu.memref_slice %arg9[%run_scoped3A_49, %dma_wait3A_1103, %dma_wait3A_1104] : memref<2x128x128xf32, #tpu.memory_space<vmem>> -> memref<1x128x128xf32, #tpu.memory_space<vmem>>
      %dma_wait3A_1106 = tpu.memref_squeeze %dma_wait3A_1105 : memref<1x128x128xf32, #tpu.memory_space<vmem>> -> memref<128x128xf32, #tpu.memory_space<vmem>>
      tpu.wait_dma2 semaphore(%run_scoped3A_1082 : memref<!tpu.dma_semaphore, #tpu.memory_space<semaphore_mem>>) src(%dma_wait3A_1106 : memref<128x128xf32, #tpu.memory_space<vmem>>) dst(%dma_wait3A_1102 : memref<128x128xf32, #tpu.memory_space<vmem_shared>>)
      tpu.yield
    }) : () -> ()
    %mul3A_50 = arith.constant 640 : i32
    %mul3A_51 = arith.muli %arg1, %mul3A_50 : i32
    %add3A_52 = arith.constant 256 : i32
    %add3A_53 = arith.addi %mul3A_51, %add3A_52 : i32
    %run_scoped3A_54 = arith.constant 0 : i32
    "tpu.region"() ({
      %run_scoped3A_1082 = tpu.sem_alloc : memref<!tpu.dma_semaphore, #tpu.memory_space<semaphore_mem>>
      %dma_start3A_1083 = arith.constant 0 : i32
      %dma_start3A_1084 = arith.constant 0 : i32
      %dma_start3A_1085 = tpu.memref_slice %arg9[%run_scoped3A_54, %dma_start3A_1083, %dma_start3A_1084] : memref<2x128x128xf32, #tpu.memory_space<vmem>> -> memref<1x128x128xf32, #tpu.memory_space<vmem>>
      %dma_start3A_1086 = tpu.memref_squeeze %dma_start3A_1085 : memref<1x128x128xf32, #tpu.memory_space<vmem>> -> memref<128x128xf32, #tpu.memory_space<vmem>>
      %dma_start3A_1087 = arith.constant 0 : i32
      %dma_start3A_1088 = tpu.memref_slice %arg11[%add3A_53, %dma_start3A_1087] : memref<10240x128xf32, #tpu.memory_space<vmem_shared>> -> memref<128x128xf32, #tpu.memory_space<vmem_shared>>
      %dma_start3A_1089 = arith.constant 0 : i32
      %dma_start3A_1090 = tpu.memref_slice %arg11[%add3A_53, %dma_start3A_1089] : memref<10240x128xf32, #tpu.memory_space<vmem_shared>> -> memref<128x128xf32, #tpu.memory_space<vmem_shared>>
      %dma_start3A_1091 = arith.constant 0 : i32
      %dma_start3A_1092 = arith.constant 0 : i32
      %dma_start3A_1093 = tpu.memref_slice %arg9[%run_scoped3A_54, %dma_start3A_1091, %dma_start3A_1092] : memref<2x128x128xf32, #tpu.memory_space<vmem>> -> memref<1x128x128xf32, #tpu.memory_space<vmem>>
      %dma_start3A_1094 = tpu.memref_squeeze %dma_start3A_1093 : memref<1x128x128xf32, #tpu.memory_space<vmem>> -> memref<128x128xf32, #tpu.memory_space<vmem>>
      tpu.enqueue_dma source(%dma_start3A_1094 : memref<128x128xf32, #tpu.memory_space<vmem>>) target(%dma_start3A_1090 : memref<128x128xf32, #tpu.memory_space<vmem_shared>>) target_semaphore(%run_scoped3A_1082 : memref<!tpu.dma_semaphore, #tpu.memory_space<semaphore_mem>>)
      %dma_wait3A_1095 = arith.constant 0 : i32
      %dma_wait3A_1096 = arith.constant 0 : i32
      %dma_wait3A_1097 = tpu.memref_slice %arg9[%run_scoped3A_54, %dma_wait3A_1095, %dma_wait3A_1096] : memref<2x128x128xf32, #tpu.memory_space<vmem>> -> memref<1x128x128xf32, #tpu.memory_space<vmem>>
      %dma_wait3A_1098 = tpu.memref_squeeze %dma_wait3A_1097 : memref<1x128x128xf32, #tpu.memory_space<vmem>> -> memref<128x128xf32, #tpu.memory_space<vmem>>
      %dma_wait3A_1099 = arith.constant 0 : i32
      %dma_wait3A_1100 = tpu.memref_slice %arg11[%add3A_53, %dma_wait3A_1099] : memref<10240x128xf32, #tpu.memory_space<vmem_shared>> -> memref<128x128xf32, #tpu.memory_space<vmem_shared>>
      %dma_wait3A_1101 = arith.constant 0 : i32
      %dma_wait3A_1102 = tpu.memref_slice %arg11[%add3A_53, %dma_wait3A_1101] : memref<10240x128xf32, #tpu.memory_space<vmem_shared>> -> memref<128x128xf32, #tpu.memory_space<vmem_shared>>
      %dma_wait3A_1103 = arith.constant 0 : i32
      %dma_wait3A_1104 = arith.constant 0 : i32
      %dma_wait3A_1105 = tpu.memref_slice %arg9[%run_scoped3A_54, %dma_wait3A_1103, %dma_wait3A_1104] : memref<2x128x128xf32, #tpu.memory_space<vmem>> -> memref<1x128x128xf32, #tpu.memory_space<vmem>>
      %dma_wait3A_1106 = tpu.memref_squeeze %dma_wait3A_1105 : memref<1x128x128xf32, #tpu.memory_space<vmem>> -> memref<128x128xf32, #tpu.memory_space<vmem>>
      tpu.wait_dma2 semaphore(%run_scoped3A_1082 : memref<!tpu.dma_semaphore, #tpu.memory_space<semaphore_mem>>) src(%dma_wait3A_1106 : memref<128x128xf32, #tpu.memory_space<vmem>>) dst(%dma_wait3A_1102 : memref<128x128xf32, #tpu.memory_space<vmem_shared>>)
      tpu.yield
    }) : () -> ()
    %mul3A_55 = arith.constant 640 : i32
    %mul3A_56 = arith.muli %arg1, %mul3A_55 : i32
    %add3A_57 = arith.constant 384 : i32
    %add3A_58 = arith.addi %mul3A_56, %add3A_57 : i32
    %run_scoped3A_59 = arith.constant 0 : i32
    "tpu.region"() ({
      %run_scoped3A_1082 = tpu.sem_alloc : memref<!tpu.dma_semaphore, #tpu.memory_space<semaphore_mem>>
      %dma_start3A_1083 = arith.constant 0 : i32
      %dma_start3A_1084 = arith.constant 0 : i32
      %dma_start3A_1085 = tpu.memref_slice %arg9[%run_scoped3A_59, %dma_start3A_1083, %dma_start3A_1084] : memref<2x128x128xf32, #tpu.memory_space<vmem>> -> memref<1x128x128xf32, #tpu.memory_space<vmem>>
      %dma_start3A_1086 = tpu.memref_squeeze %dma_start3A_1085 : memref<1x128x128xf32, #tpu.memory_space<vmem>> -> memref<128x128xf32, #tpu.memory_space<vmem>>
      %dma_start3A_1087 = arith.constant 0 : i32
      %dma_start3A_1088 = tpu.memref_slice %arg11[%add3A_58, %dma_start3A_1087] : memref<10240x128xf32, #tpu.memory_space<vmem_shared>> -> memref<128x128xf32, #tpu.memory_space<vmem_shared>>
      %dma_start3A_1089 = arith.constant 0 : i32
      %dma_start3A_1090 = tpu.memref_slice %arg11[%add3A_58, %dma_start3A_1089] : memref<10240x128xf32, #tpu.memory_space<vmem_shared>> -> memref<128x128xf32, #tpu.memory_space<vmem_shared>>
      %dma_start3A_1091 = arith.constant 0 : i32
      %dma_start3A_1092 = arith.constant 0 : i32
      %dma_start3A_1093 = tpu.memref_slice %arg9[%run_scoped3A_59, %dma_start3A_1091, %dma_start3A_1092] : memref<2x128x128xf32, #tpu.memory_space<vmem>> -> memref<1x128x128xf32, #tpu.memory_space<vmem>>
      %dma_start3A_1094 = tpu.memref_squeeze %dma_start3A_1093 : memref<1x128x128xf32, #tpu.memory_space<vmem>> -> memref<128x128xf32, #tpu.memory_space<vmem>>
      tpu.enqueue_dma source(%dma_start3A_1094 : memref<128x128xf32, #tpu.memory_space<vmem>>) target(%dma_start3A_1090 : memref<128x128xf32, #tpu.memory_space<vmem_shared>>) target_semaphore(%run_scoped3A_1082 : memref<!tpu.dma_semaphore, #tpu.memory_space<semaphore_mem>>)
      %dma_wait3A_1095 = arith.constant 0 : i32
      %dma_wait3A_1096 = arith.constant 0 : i32
      %dma_wait3A_1097 = tpu.memref_slice %arg9[%run_scoped3A_59, %dma_wait3A_1095, %dma_wait3A_1096] : memref<2x128x128xf32, #tpu.memory_space<vmem>> -> memref<1x128x128xf32, #tpu.memory_space<vmem>>
      %dma_wait3A_1098 = tpu.memref_squeeze %dma_wait3A_1097 : memref<1x128x128xf32, #tpu.memory_space<vmem>> -> memref<128x128xf32, #tpu.memory_space<vmem>>
      %dma_wait3A_1099 = arith.constant 0 : i32
      %dma_wait3A_1100 = tpu.memref_slice %arg11[%add3A_58, %dma_wait3A_1099] : memref<10240x128xf32, #tpu.memory_space<vmem_shared>> -> memref<128x128xf32, #tpu.memory_space<vmem_shared>>
      %dma_wait3A_1101 = arith.constant 0 : i32
      %dma_wait3A_1102 = tpu.memref_slice %arg11[%add3A_58, %dma_wait3A_1101] : memref<10240x128xf32, #tpu.memory_space<vmem_shared>> -> memref<128x128xf32, #tpu.memory_space<vmem_shared>>
      %dma_wait3A_1103 = arith.constant 0 : i32
      %dma_wait3A_1104 = arith.constant 0 : i32
      %dma_wait3A_1105 = tpu.memref_slice %arg9[%run_scoped3A_59, %dma_wait3A_1103, %dma_wait3A_1104] : memref<2x128x128xf32, #tpu.memory_space<vmem>> -> memref<1x128x128xf32, #tpu.memory_space<vmem>>
      %dma_wait3A_1106 = tpu.memref_squeeze %dma_wait3A_1105 : memref<1x128x128xf32, #tpu.memory_space<vmem>> -> memref<128x128xf32, #tpu.memory_space<vmem>>
      tpu.wait_dma2 semaphore(%run_scoped3A_1082 : memref<!tpu.dma_semaphore, #tpu.memory_space<semaphore_mem>>) src(%dma_wait3A_1106 : memref<128x128xf32, #tpu.memory_space<vmem>>) dst(%dma_wait3A_1102 : memref<128x128xf32, #tpu.memory_space<vmem_shared>>)
      tpu.yield
    }) : () -> ()
    %mul3A_60 = arith.constant 640 : i32
    %mul3A_61 = arith.muli %arg1, %mul3A_60 : i32
    %add3A_62 = arith.constant 512 : i32
    %add3A_63 = arith.addi %mul3A_61, %add3A_62 : i32
    %run_scoped3A_64 = arith.constant 0 : i32
    "tpu.region"() ({
      %run_scoped3A_1082 = tpu.sem_alloc : memref<!tpu.dma_semaphore, #tpu.memory_space<semaphore_mem>>
      %dma_start3A_1083 = arith.constant 0 : i32
      %dma_start3A_1084 = arith.constant 0 : i32
      %dma_start3A_1085 = tpu.memref_slice %arg9[%run_scoped3A_64, %dma_start3A_1083, %dma_start3A_1084] : memref<2x128x128xf32, #tpu.memory_space<vmem>> -> memref<1x128x128xf32, #tpu.memory_space<vmem>>
      %dma_start3A_1086 = tpu.memref_squeeze %dma_start3A_1085 : memref<1x128x128xf32, #tpu.memory_space<vmem>> -> memref<128x128xf32, #tpu.memory_space<vmem>>
      %dma_start3A_1087 = arith.constant 0 : i32
      %dma_start3A_1088 = tpu.memref_slice %arg11[%add3A_63, %dma_start3A_1087] : memref<10240x128xf32, #tpu.memory_space<vmem_shared>> -> memref<128x128xf32, #tpu.memory_space<vmem_shared>>
      %dma_start3A_1089 = arith.constant 0 : i32
      %dma_start3A_1090 = tpu.memref_slice %arg11[%add3A_63, %dma_start3A_1089] : memref<10240x128xf32, #tpu.memory_space<vmem_shared>> -> memref<128x128xf32, #tpu.memory_space<vmem_shared>>
      %dma_start3A_1091 = arith.constant 0 : i32
      %dma_start3A_1092 = arith.constant 0 : i32
      %dma_start3A_1093 = tpu.memref_slice %arg9[%run_scoped3A_64, %dma_start3A_1091, %dma_start3A_1092] : memref<2x128x128xf32, #tpu.memory_space<vmem>> -> memref<1x128x128xf32, #tpu.memory_space<vmem>>
      %dma_start3A_1094 = tpu.memref_squeeze %dma_start3A_1093 : memref<1x128x128xf32, #tpu.memory_space<vmem>> -> memref<128x128xf32, #tpu.memory_space<vmem>>
      tpu.enqueue_dma source(%dma_start3A_1094 : memref<128x128xf32, #tpu.memory_space<vmem>>) target(%dma_start3A_1090 : memref<128x128xf32, #tpu.memory_space<vmem_shared>>) target_semaphore(%run_scoped3A_1082 : memref<!tpu.dma_semaphore, #tpu.memory_space<semaphore_mem>>)
      %dma_wait3A_1095 = arith.constant 0 : i32
      %dma_wait3A_1096 = arith.constant 0 : i32
      %dma_wait3A_1097 = tpu.memref_slice %arg9[%run_scoped3A_64, %dma_wait3A_1095, %dma_wait3A_1096] : memref<2x128x128xf32, #tpu.memory_space<vmem>> -> memref<1x128x128xf32, #tpu.memory_space<vmem>>
      %dma_wait3A_1098 = tpu.memref_squeeze %dma_wait3A_1097 : memref<1x128x128xf32, #tpu.memory_space<vmem>> -> memref<128x128xf32, #tpu.memory_space<vmem>>
      %dma_wait3A_1099 = arith.constant 0 : i32
      %dma_wait3A_1100 = tpu.memref_slice %arg11[%add3A_63, %dma_wait3A_1099] : memref<10240x128xf32, #tpu.memory_space<vmem_shared>> -> memref<128x128xf32, #tpu.memory_space<vmem_shared>>
      %dma_wait3A_1101 = arith.constant 0 : i32
      %dma_wait3A_1102 = tpu.memref_slice %arg11[%add3A_63, %dma_wait3A_1101] : memref<10240x128xf32, #tpu.memory_space<vmem_shared>> -> memref<128x128xf32, #tpu.memory_space<vmem_shared>>
      %dma_wait3A_1103 = arith.constant 0 : i32
      %dma_wait3A_1104 = arith.constant 0 : i32
      %dma_wait3A_1105 = tpu.memref_slice %arg9[%run_scoped3A_64, %dma_wait3A_1103, %dma_wait3A_1104] : memref<2x128x128xf32, #tpu.memory_space<vmem>> -> memref<1x128x128xf32, #tpu.memory_space<vmem>>
      %dma_wait3A_1106 = tpu.memref_squeeze %dma_wait3A_1105 : memref<1x128x128xf32, #tpu.memory_space<vmem>> -> memref<128x128xf32, #tpu.memory_space<vmem>>
      tpu.wait_dma2 semaphore(%run_scoped3A_1082 : memref<!tpu.dma_semaphore, #tpu.memory_space<semaphore_mem>>) src(%dma_wait3A_1106 : memref<128x128xf32, #tpu.memory_space<vmem>>) dst(%dma_wait3A_1102 : memref<128x128xf32, #tpu.memory_space<vmem_shared>>)
      tpu.yield
    }) : () -> ()
    %barrier3A = arith.constant 0 : index
    tpu.barrier barrier_id(%barrier3A)
    %add3A_65 = arith.constant 0 : i32
    %add3A_66 = arith.addi %select_n3A_26, %add3A_65 : i32
    %dma_start3A = arith.constant 0 : i32
    %dma_start3A_67 = arith.constant 0 : i32
    %dma_start3A_68 = arith.constant 0 : i32
    %dma_start3A_69 = arith.constant 0 : i32
    %dma_start3A_70 = tpu.memref_slice %arg7[%dma_start3A, %dma_start3A_68, %dma_start3A_69] : memref<2x8x128xi32, #tpu.memory_space<vmem>> -> memref<1x8x128xi32, #tpu.memory_space<vmem>>
    %dma_start3A_71 = tpu.memref_squeeze %dma_start3A_70 : memref<1x8x128xi32, #tpu.memory_space<vmem>> -> memref<8x128xi32, #tpu.memory_space<vmem>>
    %dma_start3A_72 = arith.constant 0 : i32
    %dma_start3A_73 = tpu.memref_slice %arg3[%add3A_66, %dma_start3A_72] : memref<2560x128xi32, #tpu.memory_space<hbm>> -> memref<8x128xi32, #tpu.memory_space<hbm>>
    %dma_start3A_74 = tpu.memref_slice %arg14[%dma_start3A_67] : memref<2x!tpu.dma_semaphore, #tpu.memory_space<semaphore_mem>> -> memref<1x!tpu.dma_semaphore, #tpu.memory_space<semaphore_mem>>
    %dma_start3A_75 = tpu.memref_squeeze %dma_start3A_74 : memref<1x!tpu.dma_semaphore, #tpu.memory_space<semaphore_mem>> -> memref<!tpu.dma_semaphore, #tpu.memory_space<semaphore_mem>>
    %dma_start3A_76 = arith.constant 0 : i32
    %dma_start3A_77 = arith.constant 0 : i32
    %dma_start3A_78 = tpu.memref_slice %arg7[%dma_start3A, %dma_start3A_76, %dma_start3A_77] : memref<2x8x128xi32, #tpu.memory_space<vmem>> -> memref<1x8x128xi32, #tpu.memory_space<vmem>>
    %dma_start3A_79 = tpu.memref_squeeze %dma_start3A_78 : memref<1x8x128xi32, #tpu.memory_space<vmem>> -> memref<8x128xi32, #tpu.memory_space<vmem>>
    %dma_start3A_80 = arith.constant 0 : i32
    %dma_start3A_81 = tpu.memref_slice %arg3[%add3A_66, %dma_start3A_80] : memref<2560x128xi32, #tpu.memory_space<hbm>> -> memref<8x128xi32, #tpu.memory_space<hbm>>
    tpu.enqueue_dma source(%dma_start3A_81 : memref<8x128xi32, #tpu.memory_space<hbm>>) target(%dma_start3A_79 : memref<8x128xi32, #tpu.memory_space<vmem>>) target_semaphore(%dma_start3A_75 : memref<!tpu.dma_semaphore, #tpu.memory_space<semaphore_mem>>)
    %dma_start3A_82 = arith.constant 0 : i32
    %dma_start3A_83 = arith.constant 0 : i32
    %dma_start3A_84 = arith.constant 0 : i32
    %dma_start3A_85 = arith.constant 0 : i32
    %dma_start3A_86 = tpu.memref_slice %arg8[%dma_start3A_82, %dma_start3A_84, %dma_start3A_85] : memref<2x8x128xi32, #tpu.memory_space<vmem>> -> memref<1x8x128xi32, #tpu.memory_space<vmem>>
    %dma_start3A_87 = tpu.memref_squeeze %dma_start3A_86 : memref<1x8x128xi32, #tpu.memory_space<vmem>> -> memref<8x128xi32, #tpu.memory_space<vmem>>
    %dma_start3A_88 = arith.constant 0 : i32
    %dma_start3A_89 = tpu.memref_slice %arg4[%add3A_66, %dma_start3A_88] : memref<2560x128xi32, #tpu.memory_space<hbm>> -> memref<8x128xi32, #tpu.memory_space<hbm>>
    %dma_start3A_90 = tpu.memref_slice %arg14[%dma_start3A_83] : memref<2x!tpu.dma_semaphore, #tpu.memory_space<semaphore_mem>> -> memref<1x!tpu.dma_semaphore, #tpu.memory_space<semaphore_mem>>
    %dma_start3A_91 = tpu.memref_squeeze %dma_start3A_90 : memref<1x!tpu.dma_semaphore, #tpu.memory_space<semaphore_mem>> -> memref<!tpu.dma_semaphore, #tpu.memory_space<semaphore_mem>>
    %dma_start3A_92 = arith.constant 0 : i32
    %dma_start3A_93 = arith.constant 0 : i32
    %dma_start3A_94 = tpu.memref_slice %arg8[%dma_start3A_82, %dma_start3A_92, %dma_start3A_93] : memref<2x8x128xi32, #tpu.memory_space<vmem>> -> memref<1x8x128xi32, #tpu.memory_space<vmem>>
    %dma_start3A_95 = tpu.memref_squeeze %dma_start3A_94 : memref<1x8x128xi32, #tpu.memory_space<vmem>> -> memref<8x128xi32, #tpu.memory_space<vmem>>
    %dma_start3A_96 = arith.constant 0 : i32
    %dma_start3A_97 = tpu.memref_slice %arg4[%add3A_66, %dma_start3A_96] : memref<2560x128xi32, #tpu.memory_space<hbm>> -> memref<8x128xi32, #tpu.memory_space<hbm>>
    tpu.enqueue_dma source(%dma_start3A_97 : memref<8x128xi32, #tpu.memory_space<hbm>>) target(%dma_start3A_95 : memref<8x128xi32, #tpu.memory_space<vmem>>) target_semaphore(%dma_start3A_91 : memref<!tpu.dma_semaphore, #tpu.memory_space<semaphore_mem>>)
    %dma_wait3A = arith.constant 0 : i32
    %dma_wait3A_98 = arith.constant 0 : i32
    %dma_wait3A_99 = arith.constant 0 : i32
    %dma_wait3A_100 = arith.constant 0 : i32
    %dma_wait3A_101 = tpu.memref_slice %arg7[%dma_wait3A, %dma_wait3A_99, %dma_wait3A_100] : memref<2x8x128xi32, #tpu.memory_space<vmem>> -> memref<1x8x128xi32, #tpu.memory_space<vmem>>
    %dma_wait3A_102 = tpu.memref_squeeze %dma_wait3A_101 : memref<1x8x128xi32, #tpu.memory_space<vmem>> -> memref<8x128xi32, #tpu.memory_space<vmem>>
    %dma_wait3A_103 = arith.constant 0 : i32
    %dma_wait3A_104 = arith.constant 0 : i32
    %dma_wait3A_105 = tpu.memref_slice %arg3[%dma_wait3A_103, %dma_wait3A_104] : memref<2560x128xi32, #tpu.memory_space<hbm>> -> memref<8x128xi32, #tpu.memory_space<hbm>>
    %dma_wait3A_106 = tpu.memref_slice %arg14[%dma_wait3A_98] : memref<2x!tpu.dma_semaphore, #tpu.memory_space<semaphore_mem>> -> memref<1x!tpu.dma_semaphore, #tpu.memory_space<semaphore_mem>>
    %dma_wait3A_107 = tpu.memref_squeeze %dma_wait3A_106 : memref<1x!tpu.dma_semaphore, #tpu.memory_space<semaphore_mem>> -> memref<!tpu.dma_semaphore, #tpu.memory_space<semaphore_mem>>
    %dma_wait3A_108 = arith.constant 0 : i32
    %dma_wait3A_109 = arith.constant 0 : i32
    %dma_wait3A_110 = tpu.memref_slice %arg7[%dma_wait3A, %dma_wait3A_108, %dma_wait3A_109] : memref<2x8x128xi32, #tpu.memory_space<vmem>> -> memref<1x8x128xi32, #tpu.memory_space<vmem>>
    %dma_wait3A_111 = tpu.memref_squeeze %dma_wait3A_110 : memref<1x8x128xi32, #tpu.memory_space<vmem>> -> memref<8x128xi32, #tpu.memory_space<vmem>>
    %dma_wait3A_112 = arith.constant 0 : i32
    %dma_wait3A_113 = arith.constant 0 : i32
    %dma_wait3A_114 = tpu.memref_slice %arg3[%dma_wait3A_112, %dma_wait3A_113] : memref<2560x128xi32, #tpu.memory_space<hbm>> -> memref<8x128xi32, #tpu.memory_space<hbm>>
    tpu.wait_dma2 semaphore(%dma_wait3A_107 : memref<!tpu.dma_semaphore, #tpu.memory_space<semaphore_mem>>) src(%dma_wait3A_114 : memref<8x128xi32, #tpu.memory_space<hbm>>) dst(%dma_wait3A_111 : memref<8x128xi32, #tpu.memory_space<vmem>>)
    %dma_wait3A_115 = arith.constant 0 : i32
    %dma_wait3A_116 = arith.constant 0 : i32
    %dma_wait3A_117 = arith.constant 0 : i32
    %dma_wait3A_118 = arith.constant 0 : i32
    %dma_wait3A_119 = tpu.memref_slice %arg8[%dma_wait3A_115, %dma_wait3A_117, %dma_wait3A_118] : memref<2x8x128xi32, #tpu.memory_space<vmem>> -> memref<1x8x128xi32, #tpu.memory_space<vmem>>
    %dma_wait3A_120 = tpu.memref_squeeze %dma_wait3A_119 : memref<1x8x128xi32, #tpu.memory_space<vmem>> -> memref<8x128xi32, #tpu.memory_space<vmem>>
    %dma_wait3A_121 = arith.constant 0 : i32
    %dma_wait3A_122 = arith.constant 0 : i32
    %dma_wait3A_123 = tpu.memref_slice %arg4[%dma_wait3A_121, %dma_wait3A_122] : memref<2560x128xi32, #tpu.memory_space<hbm>> -> memref<8x128xi32, #tpu.memory_space<hbm>>
    %dma_wait3A_124 = tpu.memref_slice %arg14[%dma_wait3A_116] : memref<2x!tpu.dma_semaphore, #tpu.memory_space<semaphore_mem>> -> memref<1x!tpu.dma_semaphore, #tpu.memory_space<semaphore_mem>>
    %dma_wait3A_125 = tpu.memref_squeeze %dma_wait3A_124 : memref<1x!tpu.dma_semaphore, #tpu.memory_space<semaphore_mem>> -> memref<!tpu.dma_semaphore, #tpu.memory_space<semaphore_mem>>
    %dma_wait3A_126 = arith.constant 0 : i32
    %dma_wait3A_127 = arith.constant 0 : i32
    %dma_wait3A_128 = tpu.memref_slice %arg8[%dma_wait3A_115, %dma_wait3A_126, %dma_wait3A_127] : memref<2x8x128xi32, #tpu.memory_space<vmem>> -> memref<1x8x128xi32, #tpu.memory_space<vmem>>
    %dma_wait3A_129 = tpu.memref_squeeze %dma_wait3A_128 : memref<1x8x128xi32, #tpu.memory_space<vmem>> -> memref<8x128xi32, #tpu.memory_space<vmem>>
    %dma_wait3A_130 = arith.constant 0 : i32
    %dma_wait3A_131 = arith.constant 0 : i32
    %dma_wait3A_132 = tpu.memref_slice %arg4[%dma_wait3A_130, %dma_wait3A_131] : memref<2560x128xi32, #tpu.memory_space<hbm>> -> memref<8x128xi32, #tpu.memory_space<hbm>>
    tpu.wait_dma2 semaphore(%dma_wait3A_125 : memref<!tpu.dma_semaphore, #tpu.memory_space<semaphore_mem>>) src(%dma_wait3A_132 : memref<8x128xi32, #tpu.memory_space<hbm>>) dst(%dma_wait3A_129 : memref<8x128xi32, #tpu.memory_space<vmem>>)
    %dma_start3A_133 = arith.constant 0 : i32
    %dma_start3A_134 = arith.constant 0 : i32
    %dma_start3A_135 = arith.constant 0 : i32
    %dma_start3A_136 = arith.constant 0 : i32
    %dma_start3A_137 = arith.constant 0 : i32
    %dma_start3A_138 = arith.constant 0 : i32
    %dma_start3A_139 = tpu.memref_slice %arg9[%dma_start3A_135, %dma_start3A_137, %dma_start3A_138] : memref<2x128x128xf32, #tpu.memory_space<vmem>> -> memref<1x128x128xf32, #tpu.memory_space<vmem>>
    %dma_start3A_140 = tpu.memref_squeeze %dma_start3A_139 : memref<1x128x128xf32, #tpu.memory_space<vmem>> -> memref<128x128xf32, #tpu.memory_space<vmem>>
    %dma_start3A_141 = arith.constant 0 : i32
    %dma_start3A_142 = tpu.memref_slice %arg7[%dma_start3A_133, %dma_start3A_134, %dma_start3A_141] : memref<2x8x128xi32, #tpu.memory_space<vmem>> -> memref<1x1x128xi32, #tpu.memory_space<vmem>>
    %dma_start3A_143 = tpu.memref_squeeze %dma_start3A_142 : memref<1x1x128xi32, #tpu.memory_space<vmem>> -> memref<128xi32, #tpu.memory_space<vmem>>
    %dma_start3A_144 = arith.constant 0 : i32
    %dma_start3A_145 = arith.constant 0 : i32
    %dma_start3A_146 = tpu.memref_slice %arg2[%dma_start3A_144, %dma_start3A_145] : memref<10000x128xf32, #tpu.memory_space<hbm>> -> memref<10000x128xf32, #tpu.memory_space<hbm>>
    %dma_start3A_147 = tpu.memref_slice %arg12[%dma_start3A_136] : memref<2x!tpu.dma_semaphore, #tpu.memory_space<semaphore_mem>> -> memref<1x!tpu.dma_semaphore, #tpu.memory_space<semaphore_mem>>
    %dma_start3A_148 = tpu.memref_squeeze %dma_start3A_147 : memref<1x!tpu.dma_semaphore, #tpu.memory_space<semaphore_mem>> -> memref<!tpu.dma_semaphore, #tpu.memory_space<semaphore_mem>>
    tpu.enqueue_indirect_dma source(%dma_start3A_146 : memref<10000x128xf32, #tpu.memory_space<hbm>>) target(%dma_start3A_140 : memref<128x128xf32, #tpu.memory_space<vmem>>) offsets(%dma_start3A_143 : memref<128xi32, #tpu.memory_space<vmem>>) semaphore(%dma_start3A_148 : memref<!tpu.dma_semaphore, #tpu.memory_space<semaphore_mem>>)
    %get3A = arith.constant 0 : i32
    %get3A_149 = arith.constant 0 : i32
    %get3A_150 = arith.index_cast %get3A : i32 to index
    %get3A_151 = arith.index_cast %get3A_149 : i32 to index
    %get3A_152 = arith.constant 0 : index
    %get3A_153 = tpu.vector_load %arg8[%get3A_150, %get3A_151, %get3A_152] {strides = array<i32>} : memref<2x8x128xi32, #tpu.memory_space<vmem>>, vector<16xi32>,
    tpu.vector_store_idx %arg10[%get3A_153], %broadcast_in_dim3A_29 {add = true} : memref<10240xf32, #tpu.memory_space<vmem>>[vector<16xi32>], vector<16xf32>,
    %get3A_154 = arith.constant 0 : i32
    %get3A_155 = arith.constant 0 : i32
    %get3A_156 = arith.index_cast %get3A_154 : i32 to index
    %get3A_157 = arith.index_cast %get3A_155 : i32 to index
    %get3A_158 = arith.constant 16 : index
    %get3A_159 = tpu.vector_load %arg8[%get3A_156, %get3A_157, %get3A_158] {strides = array<i32>} : memref<2x8x128xi32, #tpu.memory_space<vmem>>, vector<16xi32>,
    tpu.vector_store_idx %arg10[%get3A_159], %broadcast_in_dim3A_29 {add = true} : memref<10240xf32, #tpu.memory_space<vmem>>[vector<16xi32>], vector<16xf32>,
    %get3A_160 = arith.constant 0 : i32
    %get3A_161 = arith.constant 0 : i32
    %get3A_162 = arith.index_cast %get3A_160 : i32 to index
    %get3A_163 = arith.index_cast %get3A_161 : i32 to index
    %get3A_164 = arith.constant 32 : index
    %get3A_165 = tpu.vector_load %arg8[%get3A_162, %get3A_163, %get3A_164] {strides = array<i32>} : memref<2x8x128xi32, #tpu.memory_space<vmem>>, vector<16xi32>,
    tpu.vector_store_idx %arg10[%get3A_165], %broadcast_in_dim3A_29 {add = true} : memref<10240xf32, #tpu.memory_space<vmem>>[vector<16xi32>], vector<16xf32>,
    %get3A_166 = arith.constant 0 : i32
    %get3A_167 = arith.constant 0 : i32
    %get3A_168 = arith.index_cast %get3A_166 : i32 to index
    %get3A_169 = arith.index_cast %get3A_167 : i32 to index
    %get3A_170 = arith.constant 48 : index
    %get3A_171 = tpu.vector_load %arg8[%get3A_168, %get3A_169, %get3A_170] {strides = array<i32>} : memref<2x8x128xi32, #tpu.memory_space<vmem>>, vector<16xi32>,
    tpu.vector_store_idx %arg10[%get3A_171], %broadcast_in_dim3A_29 {add = true} : memref<10240xf32, #tpu.memory_space<vmem>>[vector<16xi32>], vector<16xf32>,
    %get3A_172 = arith.constant 0 : i32
    %get3A_173 = arith.constant 0 : i32
    %get3A_174 = arith.index_cast %get3A_172 : i32 to index
    %get3A_175 = arith.index_cast %get3A_173 : i32 to index
    %get3A_176 = arith.constant 64 : index
    %get3A_177 = tpu.vector_load %arg8[%get3A_174, %get3A_175, %get3A_176] {strides = array<i32>} : memref<2x8x128xi32, #tpu.memory_space<vmem>>, vector<16xi32>,
    tpu.vector_store_idx %arg10[%get3A_177], %broadcast_in_dim3A_29 {add = true} : memref<10240xf32, #tpu.memory_space<vmem>>[vector<16xi32>], vector<16xf32>,
    %get3A_178 = arith.constant 0 : i32
    %get3A_179 = arith.constant 0 : i32
    %get3A_180 = arith.index_cast %get3A_178 : i32 to index
    %get3A_181 = arith.index_cast %get3A_179 : i32 to index
    %get3A_182 = arith.constant 80 : index
    %get3A_183 = tpu.vector_load %arg8[%get3A_180, %get3A_181, %get3A_182] {strides = array<i32>} : memref<2x8x128xi32, #tpu.memory_space<vmem>>, vector<16xi32>,
    tpu.vector_store_idx %arg10[%get3A_183], %broadcast_in_dim3A_29 {add = true} : memref<10240xf32, #tpu.memory_space<vmem>>[vector<16xi32>], vector<16xf32>,
    %get3A_184 = arith.constant 0 : i32
    %get3A_185 = arith.constant 0 : i32
    %get3A_186 = arith.index_cast %get3A_184 : i32 to index
    %get3A_187 = arith.index_cast %get3A_185 : i32 to index
    %get3A_188 = arith.constant 96 : index
    %get3A_189 = tpu.vector_load %arg8[%get3A_186, %get3A_187, %get3A_188] {strides = array<i32>} : memref<2x8x128xi32, #tpu.memory_space<vmem>>, vector<16xi32>,
    tpu.vector_store_idx %arg10[%get3A_189], %broadcast_in_dim3A_29 {add = true} : memref<10240xf32, #tpu.memory_space<vmem>>[vector<16xi32>], vector<16xf32>,
    %get3A_190 = arith.constant 0 : i32
    %get3A_191 = arith.constant 0 : i32
    %get3A_192 = arith.index_cast %get3A_190 : i32 to index
    %get3A_193 = arith.index_cast %get3A_191 : i32 to index
    %get3A_194 = arith.constant 112 : index
    %get3A_195 = tpu.vector_load %arg8[%get3A_192, %get3A_193, %get3A_194] {strides = array<i32>} : memref<2x8x128xi32, #tpu.memory_space<vmem>>, vector<16xi32>,
    tpu.vector_store_idx %arg10[%get3A_195], %broadcast_in_dim3A_29 {add = true} : memref<10240xf32, #tpu.memory_space<vmem>>[vector<16xi32>], vector<16xf32>,
    %dma_start3A_196 = arith.constant 0 : i32
    %dma_start3A_197 = arith.constant 1 : i32
    %dma_start3A_198 = arith.constant 1 : i32
    %dma_start3A_199 = arith.constant 1 : i32
    %dma_start3A_200 = arith.constant 0 : i32
    %dma_start3A_201 = arith.constant 0 : i32
    %dma_start3A_202 = tpu.memref_slice %arg9[%dma_start3A_198, %dma_start3A_200, %dma_start3A_201] : memref<2x128x128xf32, #tpu.memory_space<vmem>> -> memref<1x128x128xf32, #tpu.memory_space<vmem>>
    %dma_start3A_203 = tpu.memref_squeeze %dma_start3A_202 : memref<1x128x128xf32, #tpu.memory_space<vmem>> -> memref<128x128xf32, #tpu.memory_space<vmem>>
    %dma_start3A_204 = arith.constant 0 : i32
    %dma_start3A_205 = tpu.memref_slice %arg7[%dma_start3A_196, %dma_start3A_197, %dma_start3A_204] : memref<2x8x128xi32, #tpu.memory_space<vmem>> -> memref<1x1x128xi32, #tpu.memory_space<vmem>>
    %dma_start3A_206 = tpu.memref_squeeze %dma_start3A_205 : memref<1x1x128xi32, #tpu.memory_space<vmem>> -> memref<128xi32, #tpu.memory_space<vmem>>
    %dma_start3A_207 = arith.constant 0 : i32
    %dma_start3A_208 = arith.constant 0 : i32
    %dma_start3A_209 = tpu.memref_slice %arg2[%dma_start3A_207, %dma_start3A_208] : memref<10000x128xf32, #tpu.memory_space<hbm>> -> memref<10000x128xf32, #tpu.memory_space<hbm>>
    %dma_start3A_210 = tpu.memref_slice %arg12[%dma_start3A_199] : memref<2x!tpu.dma_semaphore, #tpu.memory_space<semaphore_mem>> -> memref<1x!tpu.dma_semaphore, #tpu.memory_space<semaphore_mem>>
    %dma_start3A_211 = tpu.memref_squeeze %dma_start3A_210 : memref<1x!tpu.dma_semaphore, #tpu.memory_space<semaphore_mem>> -> memref<!tpu.dma_semaphore, #tpu.memory_space<semaphore_mem>>
    tpu.enqueue_indirect_dma source(%dma_start3A_209 : memref<10000x128xf32, #tpu.memory_space<hbm>>) target(%dma_start3A_203 : memref<128x128xf32, #tpu.memory_space<vmem>>) offsets(%dma_start3A_206 : memref<128xi32, #tpu.memory_space<vmem>>) semaphore(%dma_start3A_211 : memref<!tpu.dma_semaphore, #tpu.memory_space<semaphore_mem>>)
    %get3A_212 = arith.constant 0 : i32
    %get3A_213 = arith.constant 1 : i32
    %get3A_214 = arith.index_cast %get3A_212 : i32 to index
    %get3A_215 = arith.index_cast %get3A_213 : i32 to index
    %get3A_216 = arith.constant 0 : index
    %get3A_217 = tpu.vector_load %arg8[%get3A_214, %get3A_215, %get3A_216] {strides = array<i32>} : memref<2x8x128xi32, #tpu.memory_space<vmem>>, vector<16xi32>,
    tpu.vector_store_idx %arg10[%get3A_217], %broadcast_in_dim3A_29 {add = true} : memref<10240xf32, #tpu.memory_space<vmem>>[vector<16xi32>], vector<16xf32>,
    %get3A_218 = arith.constant 0 : i32
    %get3A_219 = arith.constant 1 : i32
    %get3A_220 = arith.index_cast %get3A_218 : i32 to index
    %get3A_221 = arith.index_cast %get3A_219 : i32 to index
    %get3A_222 = arith.constant 16 : index
    %get3A_223 = tpu.vector_load %arg8[%get3A_220, %get3A_221, %get3A_222] {strides = array<i32>} : memref<2x8x128xi32, #tpu.memory_space<vmem>>, vector<16xi32>,
    tpu.vector_store_idx %arg10[%get3A_223], %broadcast_in_dim3A_29 {add = true} : memref<10240xf32, #tpu.memory_space<vmem>>[vector<16xi32>], vector<16xf32>,
    %get3A_224 = arith.constant 0 : i32
    %get3A_225 = arith.constant 1 : i32
    %get3A_226 = arith.index_cast %get3A_224 : i32 to index
    %get3A_227 = arith.index_cast %get3A_225 : i32 to index
    %get3A_228 = arith.constant 32 : index
    %get3A_229 = tpu.vector_load %arg8[%get3A_226, %get3A_227, %get3A_228] {strides = array<i32>} : memref<2x8x128xi32, #tpu.memory_space<vmem>>, vector<16xi32>,
    tpu.vector_store_idx %arg10[%get3A_229], %broadcast_in_dim3A_29 {add = true} : memref<10240xf32, #tpu.memory_space<vmem>>[vector<16xi32>], vector<16xf32>,
    %get3A_230 = arith.constant 0 : i32
    %get3A_231 = arith.constant 1 : i32
    %get3A_232 = arith.index_cast %get3A_230 : i32 to index
    %get3A_233 = arith.index_cast %get3A_231 : i32 to index
    %get3A_234 = arith.constant 48 : index
    %get3A_235 = tpu.vector_load %arg8[%get3A_232, %get3A_233, %get3A_234] {strides = array<i32>} : memref<2x8x128xi32, #tpu.memory_space<vmem>>, vector<16xi32>,
    tpu.vector_store_idx %arg10[%get3A_235], %broadcast_in_dim3A_29 {add = true} : memref<10240xf32, #tpu.memory_space<vmem>>[vector<16xi32>], vector<16xf32>,
    %get3A_236 = arith.constant 0 : i32
    %get3A_237 = arith.constant 1 : i32
    %get3A_238 = arith.index_cast %get3A_236 : i32 to index
    %get3A_239 = arith.index_cast %get3A_237 : i32 to index
    %get3A_240 = arith.constant 64 : index
    %get3A_241 = tpu.vector_load %arg8[%get3A_238, %get3A_239, %get3A_240] {strides = array<i32>} : memref<2x8x128xi32, #tpu.memory_space<vmem>>, vector<16xi32>,
    tpu.vector_store_idx %arg10[%get3A_241], %broadcast_in_dim3A_29 {add = true} : memref<10240xf32, #tpu.memory_space<vmem>>[vector<16xi32>], vector<16xf32>,
    %get3A_242 = arith.constant 0 : i32
    %get3A_243 = arith.constant 1 : i32
    %get3A_244 = arith.index_cast %get3A_242 : i32 to index
    %get3A_245 = arith.index_cast %get3A_243 : i32 to index
    %get3A_246 = arith.constant 80 : index
    %get3A_247 = tpu.vector_load %arg8[%get3A_244, %get3A_245, %get3A_246] {strides = array<i32>} : memref<2x8x128xi32, #tpu.memory_space<vmem>>, vector<16xi32>,
    tpu.vector_store_idx %arg10[%get3A_247], %broadcast_in_dim3A_29 {add = true} : memref<10240xf32, #tpu.memory_space<vmem>>[vector<16xi32>], vector<16xf32>,
    %get3A_248 = arith.constant 0 : i32
    %get3A_249 = arith.constant 1 : i32
    %get3A_250 = arith.index_cast %get3A_248 : i32 to index
    %get3A_251 = arith.index_cast %get3A_249 : i32 to index
    %get3A_252 = arith.constant 96 : index
    %get3A_253 = tpu.vector_load %arg8[%get3A_250, %get3A_251, %get3A_252] {strides = array<i32>} : memref<2x8x128xi32, #tpu.memory_space<vmem>>, vector<16xi32>,
    tpu.vector_store_idx %arg10[%get3A_253], %broadcast_in_dim3A_29 {add = true} : memref<10240xf32, #tpu.memory_space<vmem>>[vector<16xi32>], vector<16xf32>,
    %get3A_254 = arith.constant 0 : i32
    %get3A_255 = arith.constant 1 : i32
    %get3A_256 = arith.index_cast %get3A_254 : i32 to index
    %get3A_257 = arith.index_cast %get3A_255 : i32 to index
    %get3A_258 = arith.constant 112 : index
    %get3A_259 = tpu.vector_load %arg8[%get3A_256, %get3A_257, %get3A_258] {strides = array<i32>} : memref<2x8x128xi32, #tpu.memory_space<vmem>>, vector<16xi32>,
    tpu.vector_store_idx %arg10[%get3A_259], %broadcast_in_dim3A_29 {add = true} : memref<10240xf32, #tpu.memory_space<vmem>>[vector<16xi32>], vector<16xf32>,
    %dma_wait3A_260 = arith.constant 0 : i32
    %dma_wait3A_261 = arith.constant 0 : i32
    %dma_wait3A_262 = arith.constant 0 : i32
    %dma_wait3A_263 = arith.constant 0 : i32
    %dma_wait3A_264 = arith.constant 0 : i32
    %dma_wait3A_265 = arith.constant 0 : i32
    %dma_wait3A_266 = tpu.memref_slice %arg9[%dma_wait3A_262, %dma_wait3A_264, %dma_wait3A_265] : memref<2x128x128xf32, #tpu.memory_space<vmem>> -> memref<1x128x128xf32, #tpu.memory_space<vmem>>
    %dma_wait3A_267 = tpu.memref_squeeze %dma_wait3A_266 : memref<1x128x128xf32, #tpu.memory_space<vmem>> -> memref<128x128xf32, #tpu.memory_space<vmem>>
    %dma_wait3A_268 = arith.constant 0 : i32
    %dma_wait3A_269 = tpu.memref_slice %arg7[%dma_wait3A_260, %dma_wait3A_261, %dma_wait3A_268] : memref<2x8x128xi32, #tpu.memory_space<vmem>> -> memref<1x1x128xi32, #tpu.memory_space<vmem>>
    %dma_wait3A_270 = tpu.memref_squeeze %dma_wait3A_269 : memref<1x1x128xi32, #tpu.memory_space<vmem>> -> memref<128xi32, #tpu.memory_space<vmem>>
    %dma_wait3A_271 = arith.constant 0 : i32
    %dma_wait3A_272 = arith.constant 0 : i32
    %dma_wait3A_273 = tpu.memref_slice %arg2[%dma_wait3A_271, %dma_wait3A_272] : memref<10000x128xf32, #tpu.memory_space<hbm>> -> memref<10000x128xf32, #tpu.memory_space<hbm>>
    %dma_wait3A_274 = tpu.memref_slice %arg12[%dma_wait3A_263] : memref<2x!tpu.dma_semaphore, #tpu.memory_space<semaphore_mem>> -> memref<1x!tpu.dma_semaphore, #tpu.memory_space<semaphore_mem>>
    %dma_wait3A_275 = tpu.memref_squeeze %dma_wait3A_274 : memref<1x!tpu.dma_semaphore, #tpu.memory_space<semaphore_mem>> -> memref<!tpu.dma_semaphore, #tpu.memory_space<semaphore_mem>>
    tpu.wait_indirect_dma semaphore(%dma_wait3A_275 : memref<!tpu.dma_semaphore, #tpu.memory_space<semaphore_mem>>) src(%dma_wait3A_273 : memref<10000x128xf32, #tpu.memory_space<hbm>>) dst(%dma_wait3A_267 : memref<128x128xf32, #tpu.memory_space<vmem>>)
    %dma_start3A_276 = arith.constant 0 : i32
    %dma_start3A_277 = arith.constant 0 : i32
    %dma_start3A_278 = arith.constant 0 : i32
    %dma_start3A_279 = arith.constant 0 : i32
    %dma_start3A_280 = arith.constant 0 : i32
    %dma_start3A_281 = arith.constant 0 : i32
    %dma_start3A_282 = tpu.memref_slice %arg9[%dma_start3A_276, %dma_start3A_280, %dma_start3A_281] : memref<2x128x128xf32, #tpu.memory_space<vmem>> -> memref<1x128x128xf32, #tpu.memory_space<vmem>>
    %dma_start3A_283 = tpu.memref_squeeze %dma_start3A_282 : memref<1x128x128xf32, #tpu.memory_space<vmem>> -> memref<128x128xf32, #tpu.memory_space<vmem>>
    %dma_start3A_284 = arith.constant 0 : i32
    %dma_start3A_285 = tpu.memref_slice %arg8[%dma_start3A_277, %dma_start3A_278, %dma_start3A_284] : memref<2x8x128xi32, #tpu.memory_space<vmem>> -> memref<1x1x128xi32, #tpu.memory_space<vmem>>
    %dma_start3A_286 = tpu.memref_squeeze %dma_start3A_285 : memref<1x1x128xi32, #tpu.memory_space<vmem>> -> memref<128xi32, #tpu.memory_space<vmem>>
    %dma_start3A_287 = arith.constant 0 : i32
    %dma_start3A_288 = arith.constant 0 : i32
    %dma_start3A_289 = tpu.memref_slice %arg11[%dma_start3A_287, %dma_start3A_288] : memref<10240x128xf32, #tpu.memory_space<vmem_shared>> -> memref<10240x128xf32, #tpu.memory_space<vmem_shared>>
    %dma_start3A_290 = tpu.memref_slice %arg13[%dma_start3A_279] : memref<2x!tpu.dma_semaphore, #tpu.memory_space<semaphore_mem>> -> memref<1x!tpu.dma_semaphore, #tpu.memory_space<semaphore_mem>>
    %dma_start3A_291 = tpu.memref_squeeze %dma_start3A_290 : memref<1x!tpu.dma_semaphore, #tpu.memory_space<semaphore_mem>> -> memref<!tpu.dma_semaphore, #tpu.memory_space<semaphore_mem>>
    tpu.enqueue_indirect_dma source(%dma_start3A_283 : memref<128x128xf32, #tpu.memory_space<vmem>>) target(%dma_start3A_289 : memref<10240x128xf32, #tpu.memory_space<vmem_shared>>) offsets(%dma_start3A_286 : memref<128xi32, #tpu.memory_space<vmem>>) semaphore(%dma_start3A_291 : memref<!tpu.dma_semaphore, #tpu.memory_space<semaphore_mem>>) {add = true}
    %add3A_292 = arith.constant 8 : i32
    %add3A_293 = arith.addi %select_n3A_26, %add3A_292 : i32
    %dma_start3A_294 = arith.constant 1 : i32
    %dma_start3A_295 = arith.constant 1 : i32
    %dma_start3A_296 = arith.constant 0 : i32
    %dma_start3A_297 = arith.constant 0 : i32
    %dma_start3A_298 = tpu.memref_slice %arg7[%dma_start3A_294, %dma_start3A_296, %dma_start3A_297] : memref<2x8x128xi32, #tpu.memory_space<vmem>> -> memref<1x8x128xi32, #tpu.memory_space<vmem>>
    %dma_start3A_299 = tpu.memref_squeeze %dma_start3A_298 : memref<1x8x128xi32, #tpu.memory_space<vmem>> -> memref<8x128xi32, #tpu.memory_space<vmem>>
    %dma_start3A_300 = arith.constant 0 : i32
    %dma_start3A_301 = tpu.memref_slice %arg3[%add3A_293, %dma_start3A_300] : memref<2560x128xi32, #tpu.memory_space<hbm>> -> memref<8x128xi32, #tpu.memory_space<hbm>>
    %dma_start3A_302 = tpu.memref_slice %arg14[%dma_start3A_295] : memref<2x!tpu.dma_semaphore, #tpu.memory_space<semaphore_mem>> -> memref<1x!tpu.dma_semaphore, #tpu.memory_space<semaphore_mem>>
    %dma_start3A_303 = tpu.memref_squeeze %dma_start3A_302 : memref<1x!tpu.dma_semaphore, #tpu.memory_space<semaphore_mem>> -> memref<!tpu.dma_semaphore, #tpu.memory_space<semaphore_mem>>
    %dma_start3A_304 = arith.constant 0 : i32
    %dma_start3A_305 = arith.constant 0 : i32
    %dma_start3A_306 = tpu.memref_slice %arg7[%dma_start3A_294, %dma_start3A_304, %dma_start3A_305] : memref<2x8x128xi32, #tpu.memory_space<vmem>> -> memref<1x8x128xi32, #tpu.memory_space<vmem>>
    %dma_start3A_307 = tpu.memref_squeeze %dma_start3A_306 : memref<1x8x128xi32, #tpu.memory_space<vmem>> -> memref<8x128xi32, #tpu.memory_space<vmem>>
    %dma_start3A_308 = arith.constant 0 : i32
    %dma_start3A_309 = tpu.memref_slice %arg3[%add3A_293, %dma_start3A_308] : memref<2560x128xi32, #tpu.memory_space<hbm>> -> memref<8x128xi32, #tpu.memory_space<hbm>>
    tpu.enqueue_dma source(%dma_start3A_309 : memref<8x128xi32, #tpu.memory_space<hbm>>) target(%dma_start3A_307 : memref<8x128xi32, #tpu.memory_space<vmem>>) target_semaphore(%dma_start3A_303 : memref<!tpu.dma_semaphore, #tpu.memory_space<semaphore_mem>>)
    %dma_start3A_310 = arith.constant 1 : i32
    %dma_start3A_311 = arith.constant 1 : i32
    %dma_start3A_312 = arith.constant 0 : i32
    %dma_start3A_313 = arith.constant 0 : i32
    %dma_start3A_314 = tpu.memref_slice %arg8[%dma_start3A_310, %dma_start3A_312, %dma_start3A_313] : memref<2x8x128xi32, #tpu.memory_space<vmem>> -> memref<1x8x128xi32, #tpu.memory_space<vmem>>
    %dma_start3A_315 = tpu.memref_squeeze %dma_start3A_314 : memref<1x8x128xi32, #tpu.memory_space<vmem>> -> memref<8x128xi32, #tpu.memory_space<vmem>>
    %dma_start3A_316 = arith.constant 0 : i32
    %dma_start3A_317 = tpu.memref_slice %arg4[%add3A_293, %dma_start3A_316] : memref<2560x128xi32, #tpu.memory_space<hbm>> -> memref<8x128xi32, #tpu.memory_space<hbm>>
    %dma_start3A_318 = tpu.memref_slice %arg14[%dma_start3A_311] : memref<2x!tpu.dma_semaphore, #tpu.memory_space<semaphore_mem>> -> memref<1x!tpu.dma_semaphore, #tpu.memory_space<semaphore_mem>>
    %dma_start3A_319 = tpu.memref_squeeze %dma_start3A_318 : memref<1x!tpu.dma_semaphore, #tpu.memory_space<semaphore_mem>> -> memref<!tpu.dma_semaphore, #tpu.memory_space<semaphore_mem>>
    %dma_start3A_320 = arith.constant 0 : i32
    %dma_start3A_321 = arith.constant 0 : i32
    %dma_start3A_322 = tpu.memref_slice %arg8[%dma_start3A_310, %dma_start3A_320, %dma_start3A_321] : memref<2x8x128xi32, #tpu.memory_space<vmem>> -> memref<1x8x128xi32, #tpu.memory_space<vmem>>
    %dma_start3A_323 = tpu.memref_squeeze %dma_start3A_322 : memref<1x8x128xi32, #tpu.memory_space<vmem>> -> memref<8x128xi32, #tpu.memory_space<vmem>>
    %dma_start3A_324 = arith.constant 0 : i32
    %dma_start3A_325 = tpu.memref_slice %arg4[%add3A_293, %dma_start3A_324] : memref<2560x128xi32, #tpu.memory_space<hbm>> -> memref<8x128xi32, #tpu.memory_space<hbm>>
    tpu.enqueue_dma source(%dma_start3A_325 : memref<8x128xi32, #tpu.memory_space<hbm>>) target(%dma_start3A_323 : memref<8x128xi32, #tpu.memory_space<vmem>>) target_semaphore(%dma_start3A_319 : memref<!tpu.dma_semaphore, #tpu.memory_space<semaphore_mem>>)
    %dma_wait3A_326 = arith.constant 0 : i32
    %dma_wait3A_327 = arith.constant 0 : i32
    %dma_wait3A_328 = arith.constant 0 : i32
    %dma_wait3A_329 = arith.constant 0 : i32
    %dma_wait3A_330 = arith.constant 0 : i32
    %dma_wait3A_331 = arith.constant 0 : i32
    %dma_wait3A_332 = tpu.memref_slice %arg9[%dma_wait3A_326, %dma_wait3A_330, %dma_wait3A_331] : memref<2x128x128xf32, #tpu.memory_space<vmem>> -> memref<1x128x128xf32, #tpu.memory_space<vmem>>
    %dma_wait3A_333 = tpu.memref_squeeze %dma_wait3A_332 : memref<1x128x128xf32, #tpu.memory_space<vmem>> -> memref<128x128xf32, #tpu.memory_space<vmem>>
    %dma_wait3A_334 = arith.constant 0 : i32
    %dma_wait3A_335 = tpu.memref_slice %arg8[%dma_wait3A_327, %dma_wait3A_328, %dma_wait3A_334] : memref<2x8x128xi32, #tpu.memory_space<vmem>> -> memref<1x1x128xi32, #tpu.memory_space<vmem>>
    %dma_wait3A_336 = tpu.memref_squeeze %dma_wait3A_335 : memref<1x1x128xi32, #tpu.memory_space<vmem>> -> memref<128xi32, #tpu.memory_space<vmem>>
    %dma_wait3A_337 = arith.constant 0 : i32
    %dma_wait3A_338 = arith.constant 0 : i32
    %dma_wait3A_339 = tpu.memref_slice %arg11[%dma_wait3A_337, %dma_wait3A_338] : memref<10240x128xf32, #tpu.memory_space<vmem_shared>> -> memref<10240x128xf32, #tpu.memory_space<vmem_shared>>
    %dma_wait3A_340 = tpu.memref_slice %arg13[%dma_wait3A_329] : memref<2x!tpu.dma_semaphore, #tpu.memory_space<semaphore_mem>> -> memref<1x!tpu.dma_semaphore, #tpu.memory_space<semaphore_mem>>
    %dma_wait3A_341 = tpu.memref_squeeze %dma_wait3A_340 : memref<1x!tpu.dma_semaphore, #tpu.memory_space<semaphore_mem>> -> memref<!tpu.dma_semaphore, #tpu.memory_space<semaphore_mem>>
    tpu.wait_indirect_dma semaphore(%dma_wait3A_341 : memref<!tpu.dma_semaphore, #tpu.memory_space<semaphore_mem>>) src(%dma_wait3A_333 : memref<128x128xf32, #tpu.memory_space<vmem>>) dst(%dma_wait3A_339 : memref<10240x128xf32, #tpu.memory_space<vmem_shared>>)
    %dma_start3A_342 = arith.constant 0 : i32
    %dma_start3A_343 = arith.constant 2 : i32
    %dma_start3A_344 = arith.constant 0 : i32
    %dma_start3A_345 = arith.constant 0 : i32
    %dma_start3A_346 = arith.constant 0 : i32
    %dma_start3A_347 = arith.constant 0 : i32
    %dma_start3A_348 = tpu.memref_slice %arg9[%dma_start3A_344, %dma_start3A_346, %dma_start3A_347] : memref<2x128x128xf32, #tpu.memory_space<vmem>> -> memref<1x128x128xf32, #tpu.memory_space<vmem>>
    %dma_start3A_349 = tpu.memref_squeeze %dma_start3A_348 : memref<1x128x128xf32, #tpu.memory_space<vmem>> -> memref<128x128xf32, #tpu.memory_space<vmem>>
    %dma_start3A_350 = arith.constant 0 : i32
    %dma_start3A_351 = tpu.memref_slice %arg7[%dma_start3A_342, %dma_start3A_343, %dma_start3A_350] : memref<2x8x128xi32, #tpu.memory_space<vmem>> -> memref<1x1x128xi32, #tpu.memory_space<vmem>>
    %dma_start3A_352 = tpu.memref_squeeze %dma_start3A_351 : memref<1x1x128xi32, #tpu.memory_space<vmem>> -> memref<128xi32, #tpu.memory_space<vmem>>
    %dma_start3A_353 = arith.constant 0 : i32
    %dma_start3A_354 = arith.constant 0 : i32
    %dma_start3A_355 = tpu.memref_slice %arg2[%dma_start3A_353, %dma_start3A_354] : memref<10000x128xf32, #tpu.memory_space<hbm>> -> memref<10000x128xf32, #tpu.memory_space<hbm>>
    %dma_start3A_356 = tpu.memref_slice %arg12[%dma_start3A_345] : memref<2x!tpu.dma_semaphore, #tpu.memory_space<semaphore_mem>> -> memref<1x!tpu.dma_semaphore, #tpu.memory_space<semaphore_mem>>
    %dma_start3A_357 = tpu.memref_squeeze %dma_start3A_356 : memref<1x!tpu.dma_semaphore, #tpu.memory_space<semaphore_mem>> -> memref<!tpu.dma_semaphore, #tpu.memory_space<semaphore_mem>>
    tpu.enqueue_indirect_dma source(%dma_start3A_355 : memref<10000x128xf32, #tpu.memory_space<hbm>>) target(%dma_start3A_349 : memref<128x128xf32, #tpu.memory_space<vmem>>) offsets(%dma_start3A_352 : memref<128xi32, #tpu.memory_space<vmem>>) semaphore(%dma_start3A_357 : memref<!tpu.dma_semaphore, #tpu.memory_space<semaphore_mem>>)
    %get3A_358 = arith.constant 0 : i32
    %get3A_359 = arith.constant 2 : i32
    %get3A_360 = arith.index_cast %get3A_358 : i32 to index
    %get3A_361 = arith.index_cast %get3A_359 : i32 to index
    %get3A_362 = arith.constant 0 : index
    %get3A_363 = tpu.vector_load %arg8[%get3A_360, %get3A_361, %get3A_362] {strides = array<i32>} : memref<2x8x128xi32, #tpu.memory_space<vmem>>, vector<16xi32>,
    tpu.vector_store_idx %arg10[%get3A_363], %broadcast_in_dim3A_29 {add = true} : memref<10240xf32, #tpu.memory_space<vmem>>[vector<16xi32>], vector<16xf32>,
    %get3A_364 = arith.constant 0 : i32
    %get3A_365 = arith.constant 2 : i32
    %get3A_366 = arith.index_cast %get3A_364 : i32 to index
    %get3A_367 = arith.index_cast %get3A_365 : i32 to index
    %get3A_368 = arith.constant 16 : index
    %get3A_369 = tpu.vector_load %arg8[%get3A_366, %get3A_367, %get3A_368] {strides = array<i32>} : memref<2x8x128xi32, #tpu.memory_space<vmem>>, vector<16xi32>,
    tpu.vector_store_idx %arg10[%get3A_369], %broadcast_in_dim3A_29 {add = true} : memref<10240xf32, #tpu.memory_space<vmem>>[vector<16xi32>], vector<16xf32>,
    %get3A_370 = arith.constant 0 : i32
    %get3A_371 = arith.constant 2 : i32
    %get3A_372 = arith.index_cast %get3A_370 : i32 to index
    %get3A_373 = arith.index_cast %get3A_371 : i32 to index
    %get3A_374 = arith.constant 32 : index
    %get3A_375 = tpu.vector_load %arg8[%get3A_372, %get3A_373, %get3A_374] {strides = array<i32>} : memref<2x8x128xi32, #tpu.memory_space<vmem>>, vector<16xi32>,
    tpu.vector_store_idx %arg10[%get3A_375], %broadcast_in_dim3A_29 {add = true} : memref<10240xf32, #tpu.memory_space<vmem>>[vector<16xi32>], vector<16xf32>,
    %get3A_376 = arith.constant 0 : i32
    %get3A_377 = arith.constant 2 : i32
    %get3A_378 = arith.index_cast %get3A_376 : i32 to index
    %get3A_379 = arith.index_cast %get3A_377 : i32 to index
    %get3A_380 = arith.constant 48 : index
    %get3A_381 = tpu.vector_load %arg8[%get3A_378, %get3A_379, %get3A_380] {strides = array<i32>} : memref<2x8x128xi32, #tpu.memory_space<vmem>>, vector<16xi32>,
    tpu.vector_store_idx %arg10[%get3A_381], %broadcast_in_dim3A_29 {add = true} : memref<10240xf32, #tpu.memory_space<vmem>>[vector<16xi32>], vector<16xf32>,
    %get3A_382 = arith.constant 0 : i32
    %get3A_383 = arith.constant 2 : i32
    %get3A_384 = arith.index_cast %get3A_382 : i32 to index
    %get3A_385 = arith.index_cast %get3A_383 : i32 to index
    %get3A_386 = arith.constant 64 : index
    %get3A_387 = tpu.vector_load %arg8[%get3A_384, %get3A_385, %get3A_386] {strides = array<i32>} : memref<2x8x128xi32, #tpu.memory_space<vmem>>, vector<16xi32>,
    tpu.vector_store_idx %arg10[%get3A_387], %broadcast_in_dim3A_29 {add = true} : memref<10240xf32, #tpu.memory_space<vmem>>[vector<16xi32>], vector<16xf32>,
    %get3A_388 = arith.constant 0 : i32
    %get3A_389 = arith.constant 2 : i32
    %get3A_390 = arith.index_cast %get3A_388 : i32 to index
    %get3A_391 = arith.index_cast %get3A_389 : i32 to index
    %get3A_392 = arith.constant 80 : index
    %get3A_393 = tpu.vector_load %arg8[%get3A_390, %get3A_391, %get3A_392] {strides = array<i32>} : memref<2x8x128xi32, #tpu.memory_space<vmem>>, vector<16xi32>,
    tpu.vector_store_idx %arg10[%get3A_393], %broadcast_in_dim3A_29 {add = true} : memref<10240xf32, #tpu.memory_space<vmem>>[vector<16xi32>], vector<16xf32>,
    %get3A_394 = arith.constant 0 : i32
    %get3A_395 = arith.constant 2 : i32
    %get3A_396 = arith.index_cast %get3A_394 : i32 to index
    %get3A_397 = arith.index_cast %get3A_395 : i32 to index
    %get3A_398 = arith.constant 96 : index
    %get3A_399 = tpu.vector_load %arg8[%get3A_396, %get3A_397, %get3A_398] {strides = array<i32>} : memref<2x8x128xi32, #tpu.memory_space<vmem>>, vector<16xi32>,
    tpu.vector_store_idx %arg10[%get3A_399], %broadcast_in_dim3A_29 {add = true} : memref<10240xf32, #tpu.memory_space<vmem>>[vector<16xi32>], vector<16xf32>,
    %get3A_400 = arith.constant 0 : i32
    %get3A_401 = arith.constant 2 : i32
    %get3A_402 = arith.index_cast %get3A_400 : i32 to index
    %get3A_403 = arith.index_cast %get3A_401 : i32 to index
    %get3A_404 = arith.constant 112 : index
    %get3A_405 = tpu.vector_load %arg8[%get3A_402, %get3A_403, %get3A_404] {strides = array<i32>} : memref<2x8x128xi32, #tpu.memory_space<vmem>>, vector<16xi32>,
    tpu.vector_store_idx %arg10[%get3A_405], %broadcast_in_dim3A_29 {add = true} : memref<10240xf32, #tpu.memory_space<vmem>>[vector<16xi32>], vector<16xf32>,
    %dma_wait3A_406 = arith.constant 0 : i32
    %dma_wait3A_407 = arith.constant 0 : i32
    %dma_wait3A_408 = arith.constant 1 : i32
    %dma_wait3A_409 = arith.constant 1 : i32
    %dma_wait3A_410 = arith.constant 0 : i32
    %dma_wait3A_411 = arith.constant 0 : i32
    %dma_wait3A_412 = tpu.memref_slice %arg9[%dma_wait3A_408, %dma_wait3A_410, %dma_wait3A_411] : memref<2x128x128xf32, #tpu.memory_space<vmem>> -> memref<1x128x128xf32, #tpu.memory_space<vmem>>
    %dma_wait3A_413 = tpu.memref_squeeze %dma_wait3A_412 : memref<1x128x128xf32, #tpu.memory_space<vmem>> -> memref<128x128xf32, #tpu.memory_space<vmem>>
    %dma_wait3A_414 = arith.constant 0 : i32
    %dma_wait3A_415 = tpu.memref_slice %arg7[%dma_wait3A_406, %dma_wait3A_407, %dma_wait3A_414] : memref<2x8x128xi32, #tpu.memory_space<vmem>> -> memref<1x1x128xi32, #tpu.memory_space<vmem>>
    %dma_wait3A_416 = tpu.memref_squeeze %dma_wait3A_415 : memref<1x1x128xi32, #tpu.memory_space<vmem>> -> memref<128xi32, #tpu.memory_space<vmem>>
    %dma_wait3A_417 = arith.constant 0 : i32
    %dma_wait3A_418 = arith.constant 0 : i32
    %dma_wait3A_419 = tpu.memref_slice %arg2[%dma_wait3A_417, %dma_wait3A_418] : memref<10000x128xf32, #tpu.memory_space<hbm>> -> memref<10000x128xf32, #tpu.memory_space<hbm>>
    %dma_wait3A_420 = tpu.memref_slice %arg12[%dma_wait3A_409] : memref<2x!tpu.dma_semaphore, #tpu.memory_space<semaphore_mem>> -> memref<1x!tpu.dma_semaphore, #tpu.memory_space<semaphore_mem>>
    %dma_wait3A_421 = tpu.memref_squeeze %dma_wait3A_420 : memref<1x!tpu.dma_semaphore, #tpu.memory_space<semaphore_mem>> -> memref<!tpu.dma_semaphore, #tpu.memory_space<semaphore_mem>>
    tpu.wait_indirect_dma semaphore(%dma_wait3A_421 : memref<!tpu.dma_semaphore, #tpu.memory_space<semaphore_mem>>) src(%dma_wait3A_419 : memref<10000x128xf32, #tpu.memory_space<hbm>>) dst(%dma_wait3A_413 : memref<128x128xf32, #tpu.memory_space<vmem>>)
    %dma_start3A_422 = arith.constant 1 : i32
    %dma_start3A_423 = arith.constant 0 : i32
    %dma_start3A_424 = arith.constant 1 : i32
    %dma_start3A_425 = arith.constant 1 : i32
    %dma_start3A_426 = arith.constant 0 : i32
    %dma_start3A_427 = arith.constant 0 : i32
    %dma_start3A_428 = tpu.memref_slice %arg9[%dma_start3A_422, %dma_start3A_426, %dma_start3A_427] : memref<2x128x128xf32, #tpu.memory_space<vmem>> -> memref<1x128x128xf32, #tpu.memory_space<vmem>>
    %dma_start3A_429 = tpu.memref_squeeze %dma_start3A_428 : memref<1x128x128xf32, #tpu.memory_space<vmem>> -> memref<128x128xf32, #tpu.memory_space<vmem>>
    %dma_start3A_430 = arith.constant 0 : i32
    %dma_start3A_431 = tpu.memref_slice %arg8[%dma_start3A_423, %dma_start3A_424, %dma_start3A_430] : memref<2x8x128xi32, #tpu.memory_space<vmem>> -> memref<1x1x128xi32, #tpu.memory_space<vmem>>
    %dma_start3A_432 = tpu.memref_squeeze %dma_start3A_431 : memref<1x1x128xi32, #tpu.memory_space<vmem>> -> memref<128xi32, #tpu.memory_space<vmem>>
    %dma_start3A_433 = arith.constant 0 : i32
    %dma_start3A_434 = arith.constant 0 : i32
    %dma_start3A_435 = tpu.memref_slice %arg11[%dma_start3A_433, %dma_start3A_434] : memref<10240x128xf32, #tpu.memory_space<vmem_shared>> -> memref<10240x128xf32, #tpu.memory_space<vmem_shared>>
    %dma_start3A_436 = tpu.memref_slice %arg13[%dma_start3A_425] : memref<2x!tpu.dma_semaphore, #tpu.memory_space<semaphore_mem>> -> memref<1x!tpu.dma_semaphore, #tpu.memory_space<semaphore_mem>>
    %dma_start3A_437 = tpu.memref_squeeze %dma_start3A_436 : memref<1x!tpu.dma_semaphore, #tpu.memory_space<semaphore_mem>> -> memref<!tpu.dma_semaphore, #tpu.memory_space<semaphore_mem>>
    tpu.enqueue_indirect_dma source(%dma_start3A_429 : memref<128x128xf32, #tpu.memory_space<vmem>>) target(%dma_start3A_435 : memref<10240x128xf32, #tpu.memory_space<vmem_shared>>) offsets(%dma_start3A_432 : memref<128xi32, #tpu.memory_space<vmem>>) semaphore(%dma_start3A_437 : memref<!tpu.dma_semaphore, #tpu.memory_space<semaphore_mem>>) {add = true}
    %dma_wait3A_438 = arith.constant 1 : i32
    %dma_wait3A_439 = arith.constant 0 : i32
    %dma_wait3A_440 = arith.constant 0 : i32
    %dma_wait3A_441 = arith.constant 1 : i32
    %dma_wait3A_442 = arith.constant 0 : i32
    %dma_wait3A_443 = arith.constant 0 : i32
    %dma_wait3A_444 = tpu.memref_slice %arg9[%dma_wait3A_438, %dma_wait3A_442, %dma_wait3A_443] : memref<2x128x128xf32, #tpu.memory_space<vmem>> -> memref<1x128x128xf32, #tpu.memory_space<vmem>>
    %dma_wait3A_445 = tpu.memref_squeeze %dma_wait3A_444 : memref<1x128x128xf32, #tpu.memory_space<vmem>> -> memref<128x128xf32, #tpu.memory_space<vmem>>
    %dma_wait3A_446 = arith.constant 0 : i32
    %dma_wait3A_447 = tpu.memref_slice %arg8[%dma_wait3A_439, %dma_wait3A_440, %dma_wait3A_446] : memref<2x8x128xi32, #tpu.memory_space<vmem>> -> memref<1x1x128xi32, #tpu.memory_space<vmem>>
    %dma_wait3A_448 = tpu.memref_squeeze %dma_wait3A_447 : memref<1x1x128xi32, #tpu.memory_space<vmem>> -> memref<128xi32, #tpu.memory_space<vmem>>
    %dma_wait3A_449 = arith.constant 0 : i32
    %dma_wait3A_450 = arith.constant 0 : i32
    %dma_wait3A_451 = tpu.memref_slice %arg11[%dma_wait3A_449, %dma_wait3A_450] : memref<10240x128xf32, #tpu.memory_space<vmem_shared>> -> memref<10240x128xf32, #tpu.memory_space<vmem_shared>>
    %dma_wait3A_452 = tpu.memref_slice %arg13[%dma_wait3A_441] : memref<2x!tpu.dma_semaphore, #tpu.memory_space<semaphore_mem>> -> memref<1x!tpu.dma_semaphore, #tpu.memory_space<semaphore_mem>>
    %dma_wait3A_453 = tpu.memref_squeeze %dma_wait3A_452 : memref<1x!tpu.dma_semaphore, #tpu.memory_space<semaphore_mem>> -> memref<!tpu.dma_semaphore, #tpu.memory_space<semaphore_mem>>
    tpu.wait_indirect_dma semaphore(%dma_wait3A_453 : memref<!tpu.dma_semaphore, #tpu.memory_space<semaphore_mem>>) src(%dma_wait3A_445 : memref<128x128xf32, #tpu.memory_space<vmem>>) dst(%dma_wait3A_451 : memref<10240x128xf32, #tpu.memory_space<vmem_shared>>)
    %dma_start3A_454 = arith.constant 0 : i32
    %dma_start3A_455 = arith.constant 3 : i32
    %dma_start3A_456 = arith.constant 1 : i32
    %dma_start3A_457 = arith.constant 1 : i32
    %dma_start3A_458 = arith.constant 0 : i32
    %dma_start3A_459 = arith.constant 0 : i32
    %dma_start3A_460 = tpu.memref_slice %arg9[%dma_start3A_456, %dma_start3A_458, %dma_start3A_459] : memref<2x128x128xf32, #tpu.memory_space<vmem>> -> memref<1x128x128xf32, #tpu.memory_space<vmem>>
    %dma_start3A_461 = tpu.memref_squeeze %dma_start3A_460 : memref<1x128x128xf32, #tpu.memory_space<vmem>> -> memref<128x128xf32, #tpu.memory_space<vmem>>
    %dma_start3A_462 = arith.constant 0 : i32
    %dma_start3A_463 = tpu.memref_slice %arg7[%dma_start3A_454, %dma_start3A_455, %dma_start3A_462] : memref<2x8x128xi32, #tpu.memory_space<vmem>> -> memref<1x1x128xi32, #tpu.memory_space<vmem>>
    %dma_start3A_464 = tpu.memref_squeeze %dma_start3A_463 : memref<1x1x128xi32, #tpu.memory_space<vmem>> -> memref<128xi32, #tpu.memory_space<vmem>>
    %dma_start3A_465 = arith.constant 0 : i32
    %dma_start3A_466 = arith.constant 0 : i32
    %dma_start3A_467 = tpu.memref_slice %arg2[%dma_start3A_465, %dma_start3A_466] : memref<10000x128xf32, #tpu.memory_space<hbm>> -> memref<10000x128xf32, #tpu.memory_space<hbm>>
    %dma_start3A_468 = tpu.memref_slice %arg12[%dma_start3A_457] : memref<2x!tpu.dma_semaphore, #tpu.memory_space<semaphore_mem>> -> memref<1x!tpu.dma_semaphore, #tpu.memory_space<semaphore_mem>>
    %dma_start3A_469 = tpu.memref_squeeze %dma_start3A_468 : memref<1x!tpu.dma_semaphore, #tpu.memory_space<semaphore_mem>> -> memref<!tpu.dma_semaphore, #tpu.memory_space<semaphore_mem>>
    tpu.enqueue_indirect_dma source(%dma_start3A_467 : memref<10000x128xf32, #tpu.memory_space<hbm>>) target(%dma_start3A_461 : memref<128x128xf32, #tpu.memory_space<vmem>>) offsets(%dma_start3A_464 : memref<128xi32, #tpu.memory_space<vmem>>) semaphore(%dma_start3A_469 : memref<!tpu.dma_semaphore, #tpu.memory_space<semaphore_mem>>)
    %get3A_470 = arith.constant 0 : i32
    %get3A_471 = arith.constant 3 : i32
    %get3A_472 = arith.index_cast %get3A_470 : i32 to index
    %get3A_473 = arith.index_cast %get3A_471 : i32 to index
    %get3A_474 = arith.constant 0 : index
    %get3A_475 = tpu.vector_load %arg8[%get3A_472, %get3A_473, %get3A_474] {strides = array<i32>} : memref<2x8x128xi32, #tpu.memory_space<vmem>>, vector<16xi32>,
    tpu.vector_store_idx %arg10[%get3A_475], %broadcast_in_dim3A_29 {add = true} : memref<10240xf32, #tpu.memory_space<vmem>>[vector<16xi32>], vector<16xf32>,
    %get3A_476 = arith.constant 0 : i32
    %get3A_477 = arith.constant 3 : i32
    %get3A_478 = arith.index_cast %get3A_476 : i32 to index
    %get3A_479 = arith.index_cast %get3A_477 : i32 to index
    %get3A_480 = arith.constant 16 : index
    %get3A_481 = tpu.vector_load %arg8[%get3A_478, %get3A_479, %get3A_480] {strides = array<i32>} : memref<2x8x128xi32, #tpu.memory_space<vmem>>, vector<16xi32>,
    tpu.vector_store_idx %arg10[%get3A_481], %broadcast_in_dim3A_29 {add = true} : memref<10240xf32, #tpu.memory_space<vmem>>[vector<16xi32>], vector<16xf32>,
    %get3A_482 = arith.constant 0 : i32
    %get3A_483 = arith.constant 3 : i32
    %get3A_484 = arith.index_cast %get3A_482 : i32 to index
    %get3A_485 = arith.index_cast %get3A_483 : i32 to index
    %get3A_486 = arith.constant 32 : index
    %get3A_487 = tpu.vector_load %arg8[%get3A_484, %get3A_485, %get3A_486] {strides = array<i32>} : memref<2x8x128xi32, #tpu.memory_space<vmem>>, vector<16xi32>,
    tpu.vector_store_idx %arg10[%get3A_487], %broadcast_in_dim3A_29 {add = true} : memref<10240xf32, #tpu.memory_space<vmem>>[vector<16xi32>], vector<16xf32>,
    %get3A_488 = arith.constant 0 : i32
    %get3A_489 = arith.constant 3 : i32
    %get3A_490 = arith.index_cast %get3A_488 : i32 to index
    %get3A_491 = arith.index_cast %get3A_489 : i32 to index
    %get3A_492 = arith.constant 48 : index
    %get3A_493 = tpu.vector_load %arg8[%get3A_490, %get3A_491, %get3A_492] {strides = array<i32>} : memref<2x8x128xi32, #tpu.memory_space<vmem>>, vector<16xi32>,
    tpu.vector_store_idx %arg10[%get3A_493], %broadcast_in_dim3A_29 {add = true} : memref<10240xf32, #tpu.memory_space<vmem>>[vector<16xi32>], vector<16xf32>,
    %get3A_494 = arith.constant 0 : i32
    %get3A_495 = arith.constant 3 : i32
    %get3A_496 = arith.index_cast %get3A_494 : i32 to index
    %get3A_497 = arith.index_cast %get3A_495 : i32 to index
    %get3A_498 = arith.constant 64 : index
    %get3A_499 = tpu.vector_load %arg8[%get3A_496, %get3A_497, %get3A_498] {strides = array<i32>} : memref<2x8x128xi32, #tpu.memory_space<vmem>>, vector<16xi32>,
    tpu.vector_store_idx %arg10[%get3A_499], %broadcast_in_dim3A_29 {add = true} : memref<10240xf32, #tpu.memory_space<vmem>>[vector<16xi32>], vector<16xf32>,
    %get3A_500 = arith.constant 0 : i32
    %get3A_501 = arith.constant 3 : i32
    %get3A_502 = arith.index_cast %get3A_500 : i32 to index
    %get3A_503 = arith.index_cast %get3A_501 : i32 to index
    %get3A_504 = arith.constant 80 : index
    %get3A_505 = tpu.vector_load %arg8[%get3A_502, %get3A_503, %get3A_504] {strides = array<i32>} : memref<2x8x128xi32, #tpu.memory_space<vmem>>, vector<16xi32>,
    tpu.vector_store_idx %arg10[%get3A_505], %broadcast_in_dim3A_29 {add = true} : memref<10240xf32, #tpu.memory_space<vmem>>[vector<16xi32>], vector<16xf32>,
    %get3A_506 = arith.constant 0 : i32
    %get3A_507 = arith.constant 3 : i32
    %get3A_508 = arith.index_cast %get3A_506 : i32 to index
    %get3A_509 = arith.index_cast %get3A_507 : i32 to index
    %get3A_510 = arith.constant 96 : index
    %get3A_511 = tpu.vector_load %arg8[%get3A_508, %get3A_509, %get3A_510] {strides = array<i32>} : memref<2x8x128xi32, #tpu.memory_space<vmem>>, vector<16xi32>,
    tpu.vector_store_idx %arg10[%get3A_511], %broadcast_in_dim3A_29 {add = true} : memref<10240xf32, #tpu.memory_space<vmem>>[vector<16xi32>], vector<16xf32>,
    %get3A_512 = arith.constant 0 : i32
    %get3A_513 = arith.constant 3 : i32
    %get3A_514 = arith.index_cast %get3A_512 : i32 to index
    %get3A_515 = arith.index_cast %get3A_513 : i32 to index
    %get3A_516 = arith.constant 112 : index
    %get3A_517 = tpu.vector_load %arg8[%get3A_514, %get3A_515, %get3A_516] {strides = array<i32>} : memref<2x8x128xi32, #tpu.memory_space<vmem>>, vector<16xi32>,
    tpu.vector_store_idx %arg10[%get3A_517], %broadcast_in_dim3A_29 {add = true} : memref<10240xf32, #tpu.memory_space<vmem>>[vector<16xi32>], vector<16xf32>,
    %dma_wait3A_518 = arith.constant 0 : i32
    %dma_wait3A_519 = arith.constant 0 : i32
    %dma_wait3A_520 = arith.constant 0 : i32
    %dma_wait3A_521 = arith.constant 0 : i32
    %dma_wait3A_522 = arith.constant 0 : i32
    %dma_wait3A_523 = arith.constant 0 : i32
    %dma_wait3A_524 = tpu.memref_slice %arg9[%dma_wait3A_520, %dma_wait3A_522, %dma_wait3A_523] : memref<2x128x128xf32, #tpu.memory_space<vmem>> -> memref<1x128x128xf32, #tpu.memory_space<vmem>>
    %dma_wait3A_525 = tpu.memref_squeeze %dma_wait3A_524 : memref<1x128x128xf32, #tpu.memory_space<vmem>> -> memref<128x128xf32, #tpu.memory_space<vmem>>
    %dma_wait3A_526 = arith.constant 0 : i32
    %dma_wait3A_527 = tpu.memref_slice %arg7[%dma_wait3A_518, %dma_wait3A_519, %dma_wait3A_526] : memref<2x8x128xi32, #tpu.memory_space<vmem>> -> memref<1x1x128xi32, #tpu.memory_space<vmem>>
    %dma_wait3A_528 = tpu.memref_squeeze %dma_wait3A_527 : memref<1x1x128xi32, #tpu.memory_space<vmem>> -> memref<128xi32, #tpu.memory_space<vmem>>
    %dma_wait3A_529 = arith.constant 0 : i32
    %dma_wait3A_530 = arith.constant 0 : i32
    %dma_wait3A_531 = tpu.memref_slice %arg2[%dma_wait3A_529, %dma_wait3A_530] : memref<10000x128xf32, #tpu.memory_space<hbm>> -> memref<10000x128xf32, #tpu.memory_space<hbm>>
    %dma_wait3A_532 = tpu.memref_slice %arg12[%dma_wait3A_521] : memref<2x!tpu.dma_semaphore, #tpu.memory_space<semaphore_mem>> -> memref<1x!tpu.dma_semaphore, #tpu.memory_space<semaphore_mem>>
    %dma_wait3A_533 = tpu.memref_squeeze %dma_wait3A_532 : memref<1x!tpu.dma_semaphore, #tpu.memory_space<semaphore_mem>> -> memref<!tpu.dma_semaphore, #tpu.memory_space<semaphore_mem>>
    tpu.wait_indirect_dma semaphore(%dma_wait3A_533 : memref<!tpu.dma_semaphore, #tpu.memory_space<semaphore_mem>>) src(%dma_wait3A_531 : memref<10000x128xf32, #tpu.memory_space<hbm>>) dst(%dma_wait3A_525 : memref<128x128xf32, #tpu.memory_space<vmem>>)
    %dma_start3A_534 = arith.constant 0 : i32
    %dma_start3A_535 = arith.constant 0 : i32
    %dma_start3A_536 = arith.constant 2 : i32
    %dma_start3A_537 = arith.constant 0 : i32
    %dma_start3A_538 = arith.constant 0 : i32
    %dma_start3A_539 = arith.constant 0 : i32
    %dma_start3A_540 = tpu.memref_slice %arg9[%dma_start3A_534, %dma_start3A_538, %dma_start3A_539] : memref<2x128x128xf32, #tpu.memory_space<vmem>> -> memref<1x128x128xf32, #tpu.memory_space<vmem>>
    %dma_start3A_541 = tpu.memref_squeeze %dma_start3A_540 : memref<1x128x128xf32, #tpu.memory_space<vmem>> -> memref<128x128xf32, #tpu.memory_space<vmem>>
    %dma_start3A_542 = arith.constant 0 : i32
    %dma_start3A_543 = tpu.memref_slice %arg8[%dma_start3A_535, %dma_start3A_536, %dma_start3A_542] : memref<2x8x128xi32, #tpu.memory_space<vmem>> -> memref<1x1x128xi32, #tpu.memory_space<vmem>>
    %dma_start3A_544 = tpu.memref_squeeze %dma_start3A_543 : memref<1x1x128xi32, #tpu.memory_space<vmem>> -> memref<128xi32, #tpu.memory_space<vmem>>
    %dma_start3A_545 = arith.constant 0 : i32
    %dma_start3A_546 = arith.constant 0 : i32
    %dma_start3A_547 = tpu.memref_slice %arg11[%dma_start3A_545, %dma_start3A_546] : memref<10240x128xf32, #tpu.memory_space<vmem_shared>> -> memref<10240x128xf32, #tpu.memory_space<vmem_shared>>
    %dma_start3A_548 = tpu.memref_slice %arg13[%dma_start3A_537] : memref<2x!tpu.dma_semaphore, #tpu.memory_space<semaphore_mem>> -> memref<1x!tpu.dma_semaphore, #tpu.memory_space<semaphore_mem>>
    %dma_start3A_549 = tpu.memref_squeeze %dma_start3A_548 : memref<1x!tpu.dma_semaphore, #tpu.memory_space<semaphore_mem>> -> memref<!tpu.dma_semaphore, #tpu.memory_space<semaphore_mem>>
    tpu.enqueue_indirect_dma source(%dma_start3A_541 : memref<128x128xf32, #tpu.memory_space<vmem>>) target(%dma_start3A_547 : memref<10240x128xf32, #tpu.memory_space<vmem_shared>>) offsets(%dma_start3A_544 : memref<128xi32, #tpu.memory_space<vmem>>) semaphore(%dma_start3A_549 : memref<!tpu.dma_semaphore, #tpu.memory_space<semaphore_mem>>) {add = true}
    %dma_wait3A_550 = arith.constant 0 : i32
    %dma_wait3A_551 = arith.constant 0 : i32
    %dma_wait3A_552 = arith.constant 0 : i32
    %dma_wait3A_553 = arith.constant 0 : i32
    %dma_wait3A_554 = arith.constant 0 : i32
    %dma_wait3A_555 = arith.constant 0 : i32
    %dma_wait3A_556 = tpu.memref_slice %arg9[%dma_wait3A_550, %dma_wait3A_554, %dma_wait3A_555] : memref<2x128x128xf32, #tpu.memory_space<vmem>> -> memref<1x128x128xf32, #tpu.memory_space<vmem>>
    %dma_wait3A_557 = tpu.memref_squeeze %dma_wait3A_556 : memref<1x128x128xf32, #tpu.memory_space<vmem>> -> memref<128x128xf32, #tpu.memory_space<vmem>>
    %dma_wait3A_558 = arith.constant 0 : i32
    %dma_wait3A_559 = tpu.memref_slice %arg8[%dma_wait3A_551, %dma_wait3A_552, %dma_wait3A_558] : memref<2x8x128xi32, #tpu.memory_space<vmem>> -> memref<1x1x128xi32, #tpu.memory_space<vmem>>
    %dma_wait3A_560 = tpu.memref_squeeze %dma_wait3A_559 : memref<1x1x128xi32, #tpu.memory_space<vmem>> -> memref<128xi32, #tpu.memory_space<vmem>>
    %dma_wait3A_561 = arith.constant 0 : i32
    %dma_wait3A_562 = arith.constant 0 : i32
    %dma_wait3A_563 = tpu.memref_slice %arg11[%dma_wait3A_561, %dma_wait3A_562] : memref<10240x128xf32, #tpu.memory_space<vmem_shared>> -> memref<10240x128xf32, #tpu.memory_space<vmem_shared>>
    %dma_wait3A_564 = tpu.memref_slice %arg13[%dma_wait3A_553] : memref<2x!tpu.dma_semaphore, #tpu.memory_space<semaphore_mem>> -> memref<1x!tpu.dma_semaphore, #tpu.memory_space<semaphore_mem>>
    %dma_wait3A_565 = tpu.memref_squeeze %dma_wait3A_564 : memref<1x!tpu.dma_semaphore, #tpu.memory_space<semaphore_mem>> -> memref<!tpu.dma_semaphore, #tpu.memory_space<semaphore_mem>>
    tpu.wait_indirect_dma semaphore(%dma_wait3A_565 : memref<!tpu.dma_semaphore, #tpu.memory_space<semaphore_mem>>) src(%dma_wait3A_557 : memref<128x128xf32, #tpu.memory_space<vmem>>) dst(%dma_wait3A_563 : memref<10240x128xf32, #tpu.memory_space<vmem_shared>>)
    %dma_start3A_566 = arith.constant 0 : i32
    %dma_start3A_567 = arith.constant 4 : i32
    %dma_start3A_568 = arith.constant 0 : i32
    %dma_start3A_569 = arith.constant 0 : i32
    %dma_start3A_570 = arith.constant 0 : i32
    %dma_start3A_571 = arith.constant 0 : i32
    %dma_start3A_572 = tpu.memref_slice %arg9[%dma_start3A_568, %dma_start3A_570, %dma_start3A_571] : memref<2x128x128xf32, #tpu.memory_space<vmem>> -> memref<1x128x128xf32, #tpu.memory_space<vmem>>
    %dma_start3A_573 = tpu.memref_squeeze %dma_start3A_572 : memref<1x128x128xf32, #tpu.memory_space<vmem>> -> memref<128x128xf32, #tpu.memory_space<vmem>>
    %dma_start3A_574 = arith.constant 0 : i32
    %dma_start3A_575 = tpu.memref_slice %arg7[%dma_start3A_566, %dma_start3A_567, %dma_start3A_574] : memref<2x8x128xi32, #tpu.memory_space<vmem>> -> memref<1x1x128xi32, #tpu.memory_space<vmem>>
    %dma_start3A_576 = tpu.memref_squeeze %dma_start3A_575 : memref<1x1x128xi32, #tpu.memory_space<vmem>> -> memref<128xi32, #tpu.memory_space<vmem>>
    %dma_start3A_577 = arith.constant 0 : i32
    %dma_start3A_578 = arith.constant 0 : i32
    %dma_start3A_579 = tpu.memref_slice %arg2[%dma_start3A_577, %dma_start3A_578] : memref<10000x128xf32, #tpu.memory_space<hbm>> -> memref<10000x128xf32, #tpu.memory_space<hbm>>
    %dma_start3A_580 = tpu.memref_slice %arg12[%dma_start3A_569] : memref<2x!tpu.dma_semaphore, #tpu.memory_space<semaphore_mem>> -> memref<1x!tpu.dma_semaphore, #tpu.memory_space<semaphore_mem>>
    %dma_start3A_581 = tpu.memref_squeeze %dma_start3A_580 : memref<1x!tpu.dma_semaphore, #tpu.memory_space<semaphore_mem>> -> memref<!tpu.dma_semaphore, #tpu.memory_space<semaphore_mem>>
    tpu.enqueue_indirect_dma source(%dma_start3A_579 : memref<10000x128xf32, #tpu.memory_space<hbm>>) target(%dma_start3A_573 : memref<128x128xf32, #tpu.memory_space<vmem>>) offsets(%dma_start3A_576 : memref<128xi32, #tpu.memory_space<vmem>>) semaphore(%dma_start3A_581 : memref<!tpu.dma_semaphore, #tpu.memory_space<semaphore_mem>>)
    %get3A_582 = arith.constant 0 : i32
    %get3A_583 = arith.constant 4 : i32
    %get3A_584 = arith.index_cast %get3A_582 : i32 to index
    %get3A_585 = arith.index_cast %get3A_583 : i32 to index
    %get3A_586 = arith.constant 0 : index
    %get3A_587 = tpu.vector_load %arg8[%get3A_584, %get3A_585, %get3A_586] {strides = array<i32>} : memref<2x8x128xi32, #tpu.memory_space<vmem>>, vector<16xi32>,
    tpu.vector_store_idx %arg10[%get3A_587], %broadcast_in_dim3A_29 {add = true} : memref<10240xf32, #tpu.memory_space<vmem>>[vector<16xi32>], vector<16xf32>,
    %get3A_588 = arith.constant 0 : i32
    %get3A_589 = arith.constant 4 : i32
    %get3A_590 = arith.index_cast %get3A_588 : i32 to index
    %get3A_591 = arith.index_cast %get3A_589 : i32 to index
    %get3A_592 = arith.constant 16 : index
    %get3A_593 = tpu.vector_load %arg8[%get3A_590, %get3A_591, %get3A_592] {strides = array<i32>} : memref<2x8x128xi32, #tpu.memory_space<vmem>>, vector<16xi32>,
    tpu.vector_store_idx %arg10[%get3A_593], %broadcast_in_dim3A_29 {add = true} : memref<10240xf32, #tpu.memory_space<vmem>>[vector<16xi32>], vector<16xf32>,
    %get3A_594 = arith.constant 0 : i32
    %get3A_595 = arith.constant 4 : i32
    %get3A_596 = arith.index_cast %get3A_594 : i32 to index
    %get3A_597 = arith.index_cast %get3A_595 : i32 to index
    %get3A_598 = arith.constant 32 : index
    %get3A_599 = tpu.vector_load %arg8[%get3A_596, %get3A_597, %get3A_598] {strides = array<i32>} : memref<2x8x128xi32, #tpu.memory_space<vmem>>, vector<16xi32>,
    tpu.vector_store_idx %arg10[%get3A_599], %broadcast_in_dim3A_29 {add = true} : memref<10240xf32, #tpu.memory_space<vmem>>[vector<16xi32>], vector<16xf32>,
    %get3A_600 = arith.constant 0 : i32
    %get3A_601 = arith.constant 4 : i32
    %get3A_602 = arith.index_cast %get3A_600 : i32 to index
    %get3A_603 = arith.index_cast %get3A_601 : i32 to index
    %get3A_604 = arith.constant 48 : index
    %get3A_605 = tpu.vector_load %arg8[%get3A_602, %get3A_603, %get3A_604] {strides = array<i32>} : memref<2x8x128xi32, #tpu.memory_space<vmem>>, vector<16xi32>,
    tpu.vector_store_idx %arg10[%get3A_605], %broadcast_in_dim3A_29 {add = true} : memref<10240xf32, #tpu.memory_space<vmem>>[vector<16xi32>], vector<16xf32>,
    %get3A_606 = arith.constant 0 : i32
    %get3A_607 = arith.constant 4 : i32
    %get3A_608 = arith.index_cast %get3A_606 : i32 to index
    %get3A_609 = arith.index_cast %get3A_607 : i32 to index
    %get3A_610 = arith.constant 64 : index
    %get3A_611 = tpu.vector_load %arg8[%get3A_608, %get3A_609, %get3A_610] {strides = array<i32>} : memref<2x8x128xi32, #tpu.memory_space<vmem>>, vector<16xi32>,
    tpu.vector_store_idx %arg10[%get3A_611], %broadcast_in_dim3A_29 {add = true} : memref<10240xf32, #tpu.memory_space<vmem>>[vector<16xi32>], vector<16xf32>,
    %get3A_612 = arith.constant 0 : i32
    %get3A_613 = arith.constant 4 : i32
    %get3A_614 = arith.index_cast %get3A_612 : i32 to index
    %get3A_615 = arith.index_cast %get3A_613 : i32 to index
    %get3A_616 = arith.constant 80 : index
    %get3A_617 = tpu.vector_load %arg8[%get3A_614, %get3A_615, %get3A_616] {strides = array<i32>} : memref<2x8x128xi32, #tpu.memory_space<vmem>>, vector<16xi32>,
    tpu.vector_store_idx %arg10[%get3A_617], %broadcast_in_dim3A_29 {add = true} : memref<10240xf32, #tpu.memory_space<vmem>>[vector<16xi32>], vector<16xf32>,
    %get3A_618 = arith.constant 0 : i32
    %get3A_619 = arith.constant 4 : i32
    %get3A_620 = arith.index_cast %get3A_618 : i32 to index
    %get3A_621 = arith.index_cast %get3A_619 : i32 to index
    %get3A_622 = arith.constant 96 : index
    %get3A_623 = tpu.vector_load %arg8[%get3A_620, %get3A_621, %get3A_622] {strides = array<i32>} : memref<2x8x128xi32, #tpu.memory_space<vmem>>, vector<16xi32>,
    tpu.vector_store_idx %arg10[%get3A_623], %broadcast_in_dim3A_29 {add = true} : memref<10240xf32, #tpu.memory_space<vmem>>[vector<16xi32>], vector<16xf32>,
    %get3A_624 = arith.constant 0 : i32
    %get3A_625 = arith.constant 4 : i32
    %get3A_626 = arith.index_cast %get3A_624 : i32 to index
    %get3A_627 = arith.index_cast %get3A_625 : i32 to index
    %get3A_628 = arith.constant 112 : index
    %get3A_629 = tpu.vector_load %arg8[%get3A_626, %get3A_627, %get3A_628] {strides = array<i32>} : memref<2x8x128xi32, #tpu.memory_space<vmem>>, vector<16xi32>,
    tpu.vector_store_idx %arg10[%get3A_629], %broadcast_in_dim3A_29 {add = true} : memref<10240xf32, #tpu.memory_space<vmem>>[vector<16xi32>], vector<16xf32>,
    %dma_wait3A_630 = arith.constant 0 : i32
    %dma_wait3A_631 = arith.constant 0 : i32
    %dma_wait3A_632 = arith.constant 1 : i32
    %dma_wait3A_633 = arith.constant 1 : i32
    %dma_wait3A_634 = arith.constant 0 : i32
    %dma_wait3A_635 = arith.constant 0 : i32
    %dma_wait3A_636 = tpu.memref_slice %arg9[%dma_wait3A_632, %dma_wait3A_634, %dma_wait3A_635] : memref<2x128x128xf32, #tpu.memory_space<vmem>> -> memref<1x128x128xf32, #tpu.memory_space<vmem>>
    %dma_wait3A_637 = tpu.memref_squeeze %dma_wait3A_636 : memref<1x128x128xf32, #tpu.memory_space<vmem>> -> memref<128x128xf32, #tpu.memory_space<vmem>>
    %dma_wait3A_638 = arith.constant 0 : i32
    %dma_wait3A_639 = tpu.memref_slice %arg7[%dma_wait3A_630, %dma_wait3A_631, %dma_wait3A_638] : memref<2x8x128xi32, #tpu.memory_space<vmem>> -> memref<1x1x128xi32, #tpu.memory_space<vmem>>
    %dma_wait3A_640 = tpu.memref_squeeze %dma_wait3A_639 : memref<1x1x128xi32, #tpu.memory_space<vmem>> -> memref<128xi32, #tpu.memory_space<vmem>>
    %dma_wait3A_641 = arith.constant 0 : i32
    %dma_wait3A_642 = arith.constant 0 : i32
    %dma_wait3A_643 = tpu.memref_slice %arg2[%dma_wait3A_641, %dma_wait3A_642] : memref<10000x128xf32, #tpu.memory_space<hbm>> -> memref<10000x128xf32, #tpu.memory_space<hbm>>
    %dma_wait3A_644 = tpu.memref_slice %arg12[%dma_wait3A_633] : memref<2x!tpu.dma_semaphore, #tpu.memory_space<semaphore_mem>> -> memref<1x!tpu.dma_semaphore, #tpu.memory_space<semaphore_mem>>
    %dma_wait3A_645 = tpu.memref_squeeze %dma_wait3A_644 : memref<1x!tpu.dma_semaphore, #tpu.memory_space<semaphore_mem>> -> memref<!tpu.dma_semaphore, #tpu.memory_space<semaphore_mem>>
    tpu.wait_indirect_dma semaphore(%dma_wait3A_645 : memref<!tpu.dma_semaphore, #tpu.memory_space<semaphore_mem>>) src(%dma_wait3A_643 : memref<10000x128xf32, #tpu.memory_space<hbm>>) dst(%dma_wait3A_637 : memref<128x128xf32, #tpu.memory_space<vmem>>)
    %dma_start3A_646 = arith.constant 1 : i32
    %dma_start3A_647 = arith.constant 0 : i32
    %dma_start3A_648 = arith.constant 3 : i32
    %dma_start3A_649 = arith.constant 1 : i32
    %dma_start3A_650 = arith.constant 0 : i32
    %dma_start3A_651 = arith.constant 0 : i32
    %dma_start3A_652 = tpu.memref_slice %arg9[%dma_start3A_646, %dma_start3A_650, %dma_start3A_651] : memref<2x128x128xf32, #tpu.memory_space<vmem>> -> memref<1x128x128xf32, #tpu.memory_space<vmem>>
    %dma_start3A_653 = tpu.memref_squeeze %dma_start3A_652 : memref<1x128x128xf32, #tpu.memory_space<vmem>> -> memref<128x128xf32, #tpu.memory_space<vmem>>
    %dma_start3A_654 = arith.constant 0 : i32
    %dma_start3A_655 = tpu.memref_slice %arg8[%dma_start3A_647, %dma_start3A_648, %dma_start3A_654] : memref<2x8x128xi32, #tpu.memory_space<vmem>> -> memref<1x1x128xi32, #tpu.memory_space<vmem>>
    %dma_start3A_656 = tpu.memref_squeeze %dma_start3A_655 : memref<1x1x128xi32, #tpu.memory_space<vmem>> -> memref<128xi32, #tpu.memory_space<vmem>>
    %dma_start3A_657 = arith.constant 0 : i32
    %dma_start3A_658 = arith.constant 0 : i32
    %dma_start3A_659 = tpu.memref_slice %arg11[%dma_start3A_657, %dma_start3A_658] : memref<10240x128xf32, #tpu.memory_space<vmem_shared>> -> memref<10240x128xf32, #tpu.memory_space<vmem_shared>>
    %dma_start3A_660 = tpu.memref_slice %arg13[%dma_start3A_649] : memref<2x!tpu.dma_semaphore, #tpu.memory_space<semaphore_mem>> -> memref<1x!tpu.dma_semaphore, #tpu.memory_space<semaphore_mem>>
    %dma_start3A_661 = tpu.memref_squeeze %dma_start3A_660 : memref<1x!tpu.dma_semaphore, #tpu.memory_space<semaphore_mem>> -> memref<!tpu.dma_semaphore, #tpu.memory_space<semaphore_mem>>
    tpu.enqueue_indirect_dma source(%dma_start3A_653 : memref<128x128xf32, #tpu.memory_space<vmem>>) target(%dma_start3A_659 : memref<10240x128xf32, #tpu.memory_space<vmem_shared>>) offsets(%dma_start3A_656 : memref<128xi32, #tpu.memory_space<vmem>>) semaphore(%dma_start3A_661 : memref<!tpu.dma_semaphore, #tpu.memory_space<semaphore_mem>>) {add = true}
    %dma_wait3A_662 = arith.constant 1 : i32
    %dma_wait3A_663 = arith.constant 0 : i32
    %dma_wait3A_664 = arith.constant 0 : i32
    %dma_wait3A_665 = arith.constant 1 : i32
    %dma_wait3A_666 = arith.constant 0 : i32
    %dma_wait3A_667 = arith.constant 0 : i32
    %dma_wait3A_668 = tpu.memref_slice %arg9[%dma_wait3A_662, %dma_wait3A_666, %dma_wait3A_667] : memref<2x128x128xf32, #tpu.memory_space<vmem>> -> memref<1x128x128xf32, #tpu.memory_space<vmem>>
    %dma_wait3A_669 = tpu.memref_squeeze %dma_wait3A_668 : memref<1x128x128xf32, #tpu.memory_space<vmem>> -> memref<128x128xf32, #tpu.memory_space<vmem>>
    %dma_wait3A_670 = arith.constant 0 : i32
    %dma_wait3A_671 = tpu.memref_slice %arg8[%dma_wait3A_663, %dma_wait3A_664, %dma_wait3A_670] : memref<2x8x128xi32, #tpu.memory_space<vmem>> -> memref<1x1x128xi32, #tpu.memory_space<vmem>>
    %dma_wait3A_672 = tpu.memref_squeeze %dma_wait3A_671 : memref<1x1x128xi32, #tpu.memory_space<vmem>> -> memref<128xi32, #tpu.memory_space<vmem>>
    %dma_wait3A_673 = arith.constant 0 : i32
    %dma_wait3A_674 = arith.constant 0 : i32
    %dma_wait3A_675 = tpu.memref_slice %arg11[%dma_wait3A_673, %dma_wait3A_674] : memref<10240x128xf32, #tpu.memory_space<vmem_shared>> -> memref<10240x128xf32, #tpu.memory_space<vmem_shared>>
    %dma_wait3A_676 = tpu.memref_slice %arg13[%dma_wait3A_665] : memref<2x!tpu.dma_semaphore, #tpu.memory_space<semaphore_mem>> -> memref<1x!tpu.dma_semaphore, #tpu.memory_space<semaphore_mem>>
    %dma_wait3A_677 = tpu.memref_squeeze %dma_wait3A_676 : memref<1x!tpu.dma_semaphore, #tpu.memory_space<semaphore_mem>> -> memref<!tpu.dma_semaphore, #tpu.memory_space<semaphore_mem>>
    tpu.wait_indirect_dma semaphore(%dma_wait3A_677 : memref<!tpu.dma_semaphore, #tpu.memory_space<semaphore_mem>>) src(%dma_wait3A_669 : memref<128x128xf32, #tpu.memory_space<vmem>>) dst(%dma_wait3A_675 : memref<10240x128xf32, #tpu.memory_space<vmem_shared>>)
    %dma_start3A_678 = arith.constant 0 : i32
    %dma_start3A_679 = arith.constant 5 : i32
    %dma_start3A_680 = arith.constant 1 : i32
    %dma_start3A_681 = arith.constant 1 : i32
    %dma_start3A_682 = arith.constant 0 : i32
    %dma_start3A_683 = arith.constant 0 : i32
    %dma_start3A_684 = tpu.memref_slice %arg9[%dma_start3A_680, %dma_start3A_682, %dma_start3A_683] : memref<2x128x128xf32, #tpu.memory_space<vmem>> -> memref<1x128x128xf32, #tpu.memory_space<vmem>>
    %dma_start3A_685 = tpu.memref_squeeze %dma_start3A_684 : memref<1x128x128xf32, #tpu.memory_space<vmem>> -> memref<128x128xf32, #tpu.memory_space<vmem>>
    %dma_start3A_686 = arith.constant 0 : i32
    %dma_start3A_687 = tpu.memref_slice %arg7[%dma_start3A_678, %dma_start3A_679, %dma_start3A_686] : memref<2x8x128xi32, #tpu.memory_space<vmem>> -> memref<1x1x128xi32, #tpu.memory_space<vmem>>
    %dma_start3A_688 = tpu.memref_squeeze %dma_start3A_687 : memref<1x1x128xi32, #tpu.memory_space<vmem>> -> memref<128xi32, #tpu.memory_space<vmem>>
    %dma_start3A_689 = arith.constant 0 : i32
    %dma_start3A_690 = arith.constant 0 : i32
    %dma_start3A_691 = tpu.memref_slice %arg2[%dma_start3A_689, %dma_start3A_690] : memref<10000x128xf32, #tpu.memory_space<hbm>> -> memref<10000x128xf32, #tpu.memory_space<hbm>>
    %dma_start3A_692 = tpu.memref_slice %arg12[%dma_start3A_681] : memref<2x!tpu.dma_semaphore, #tpu.memory_space<semaphore_mem>> -> memref<1x!tpu.dma_semaphore, #tpu.memory_space<semaphore_mem>>
    %dma_start3A_693 = tpu.memref_squeeze %dma_start3A_692 : memref<1x!tpu.dma_semaphore, #tpu.memory_space<semaphore_mem>> -> memref<!tpu.dma_semaphore, #tpu.memory_space<semaphore_mem>>
    tpu.enqueue_indirect_dma source(%dma_start3A_691 : memref<10000x128xf32, #tpu.memory_space<hbm>>) target(%dma_start3A_685 : memref<128x128xf32, #tpu.memory_space<vmem>>) offsets(%dma_start3A_688 : memref<128xi32, #tpu.memory_space<vmem>>) semaphore(%dma_start3A_693 : memref<!tpu.dma_semaphore, #tpu.memory_space<semaphore_mem>>)
    %get3A_694 = arith.constant 0 : i32
    %get3A_695 = arith.constant 5 : i32
    %get3A_696 = arith.index_cast %get3A_694 : i32 to index
    %get3A_697 = arith.index_cast %get3A_695 : i32 to index
    %get3A_698 = arith.constant 0 : index
    %get3A_699 = tpu.vector_load %arg8[%get3A_696, %get3A_697, %get3A_698] {strides = array<i32>} : memref<2x8x128xi32, #tpu.memory_space<vmem>>, vector<16xi32>,
    tpu.vector_store_idx %arg10[%get3A_699], %broadcast_in_dim3A_29 {add = true} : memref<10240xf32, #tpu.memory_space<vmem>>[vector<16xi32>], vector<16xf32>,
    %get3A_700 = arith.constant 0 : i32
    %get3A_701 = arith.constant 5 : i32
    %get3A_702 = arith.index_cast %get3A_700 : i32 to index
    %get3A_703 = arith.index_cast %get3A_701 : i32 to index
    %get3A_704 = arith.constant 16 : index
    %get3A_705 = tpu.vector_load %arg8[%get3A_702, %get3A_703, %get3A_704] {strides = array<i32>} : memref<2x8x128xi32, #tpu.memory_space<vmem>>, vector<16xi32>,
    tpu.vector_store_idx %arg10[%get3A_705], %broadcast_in_dim3A_29 {add = true} : memref<10240xf32, #tpu.memory_space<vmem>>[vector<16xi32>], vector<16xf32>,
    %get3A_706 = arith.constant 0 : i32
    %get3A_707 = arith.constant 5 : i32
    %get3A_708 = arith.index_cast %get3A_706 : i32 to index
    %get3A_709 = arith.index_cast %get3A_707 : i32 to index
    %get3A_710 = arith.constant 32 : index
    %get3A_711 = tpu.vector_load %arg8[%get3A_708, %get3A_709, %get3A_710] {strides = array<i32>} : memref<2x8x128xi32, #tpu.memory_space<vmem>>, vector<16xi32>,
    tpu.vector_store_idx %arg10[%get3A_711], %broadcast_in_dim3A_29 {add = true} : memref<10240xf32, #tpu.memory_space<vmem>>[vector<16xi32>], vector<16xf32>,
    %get3A_712 = arith.constant 0 : i32
    %get3A_713 = arith.constant 5 : i32
    %get3A_714 = arith.index_cast %get3A_712 : i32 to index
    %get3A_715 = arith.index_cast %get3A_713 : i32 to index
    %get3A_716 = arith.constant 48 : index
    %get3A_717 = tpu.vector_load %arg8[%get3A_714, %get3A_715, %get3A_716] {strides = array<i32>} : memref<2x8x128xi32, #tpu.memory_space<vmem>>, vector<16xi32>,
    tpu.vector_store_idx %arg10[%get3A_717], %broadcast_in_dim3A_29 {add = true} : memref<10240xf32, #tpu.memory_space<vmem>>[vector<16xi32>], vector<16xf32>,
    %get3A_718 = arith.constant 0 : i32
    %get3A_719 = arith.constant 5 : i32
    %get3A_720 = arith.index_cast %get3A_718 : i32 to index
    %get3A_721 = arith.index_cast %get3A_719 : i32 to index
    %get3A_722 = arith.constant 64 : index
    %get3A_723 = tpu.vector_load %arg8[%get3A_720, %get3A_721, %get3A_722] {strides = array<i32>} : memref<2x8x128xi32, #tpu.memory_space<vmem>>, vector<16xi32>,
    tpu.vector_store_idx %arg10[%get3A_723], %broadcast_in_dim3A_29 {add = true} : memref<10240xf32, #tpu.memory_space<vmem>>[vector<16xi32>], vector<16xf32>,
    %get3A_724 = arith.constant 0 : i32
    %get3A_725 = arith.constant 5 : i32
    %get3A_726 = arith.index_cast %get3A_724 : i32 to index
    %get3A_727 = arith.index_cast %get3A_725 : i32 to index
    %get3A_728 = arith.constant 80 : index
    %get3A_729 = tpu.vector_load %arg8[%get3A_726, %get3A_727, %get3A_728] {strides = array<i32>} : memref<2x8x128xi32, #tpu.memory_space<vmem>>, vector<16xi32>,
    tpu.vector_store_idx %arg10[%get3A_729], %broadcast_in_dim3A_29 {add = true} : memref<10240xf32, #tpu.memory_space<vmem>>[vector<16xi32>], vector<16xf32>,
    %get3A_730 = arith.constant 0 : i32
    %get3A_731 = arith.constant 5 : i32
    %get3A_732 = arith.index_cast %get3A_730 : i32 to index
    %get3A_733 = arith.index_cast %get3A_731 : i32 to index
    %get3A_734 = arith.constant 96 : index
    %get3A_735 = tpu.vector_load %arg8[%get3A_732, %get3A_733, %get3A_734] {strides = array<i32>} : memref<2x8x128xi32, #tpu.memory_space<vmem>>, vector<16xi32>,
    tpu.vector_store_idx %arg10[%get3A_735], %broadcast_in_dim3A_29 {add = true} : memref<10240xf32, #tpu.memory_space<vmem>>[vector<16xi32>], vector<16xf32>,
    %get3A_736 = arith.constant 0 : i32
    %get3A_737 = arith.constant 5 : i32
    %get3A_738 = arith.index_cast %get3A_736 : i32 to index
    %get3A_739 = arith.index_cast %get3A_737 : i32 to index
    %get3A_740 = arith.constant 112 : index
    %get3A_741 = tpu.vector_load %arg8[%get3A_738, %get3A_739, %get3A_740] {strides = array<i32>} : memref<2x8x128xi32, #tpu.memory_space<vmem>>, vector<16xi32>,
    tpu.vector_store_idx %arg10[%get3A_741], %broadcast_in_dim3A_29 {add = true} : memref<10240xf32, #tpu.memory_space<vmem>>[vector<16xi32>], vector<16xf32>,
    %dma_wait3A_742 = arith.constant 0 : i32
    %dma_wait3A_743 = arith.constant 0 : i32
    %dma_wait3A_744 = arith.constant 0 : i32
    %dma_wait3A_745 = arith.constant 0 : i32
    %dma_wait3A_746 = arith.constant 0 : i32
    %dma_wait3A_747 = arith.constant 0 : i32
    %dma_wait3A_748 = tpu.memref_slice %arg9[%dma_wait3A_744, %dma_wait3A_746, %dma_wait3A_747] : memref<2x128x128xf32, #tpu.memory_space<vmem>> -> memref<1x128x128xf32, #tpu.memory_space<vmem>>
    %dma_wait3A_749 = tpu.memref_squeeze %dma_wait3A_748 : memref<1x128x128xf32, #tpu.memory_space<vmem>> -> memref<128x128xf32, #tpu.memory_space<vmem>>
    %dma_wait3A_750 = arith.constant 0 : i32
    %dma_wait3A_751 = tpu.memref_slice %arg7[%dma_wait3A_742, %dma_wait3A_743, %dma_wait3A_750] : memref<2x8x128xi32, #tpu.memory_space<vmem>> -> memref<1x1x128xi32, #tpu.memory_space<vmem>>
    %dma_wait3A_752 = tpu.memref_squeeze %dma_wait3A_751 : memref<1x1x128xi32, #tpu.memory_space<vmem>> -> memref<128xi32, #tpu.memory_space<vmem>>
    %dma_wait3A_753 = arith.constant 0 : i32
    %dma_wait3A_754 = arith.constant 0 : i32
    %dma_wait3A_755 = tpu.memref_slice %arg2[%dma_wait3A_753, %dma_wait3A_754] : memref<10000x128xf32, #tpu.memory_space<hbm>> -> memref<10000x128xf32, #tpu.memory_space<hbm>>
    %dma_wait3A_756 = tpu.memref_slice %arg12[%dma_wait3A_745] : memref<2x!tpu.dma_semaphore, #tpu.memory_space<semaphore_mem>> -> memref<1x!tpu.dma_semaphore, #tpu.memory_space<semaphore_mem>>
    %dma_wait3A_757 = tpu.memref_squeeze %dma_wait3A_756 : memref<1x!tpu.dma_semaphore, #tpu.memory_space<semaphore_mem>> -> memref<!tpu.dma_semaphore, #tpu.memory_space<semaphore_mem>>
    tpu.wait_indirect_dma semaphore(%dma_wait3A_757 : memref<!tpu.dma_semaphore, #tpu.memory_space<semaphore_mem>>) src(%dma_wait3A_755 : memref<10000x128xf32, #tpu.memory_space<hbm>>) dst(%dma_wait3A_749 : memref<128x128xf32, #tpu.memory_space<vmem>>)
    %dma_start3A_758 = arith.constant 0 : i32
    %dma_start3A_759 = arith.constant 0 : i32
    %dma_start3A_760 = arith.constant 4 : i32
    %dma_start3A_761 = arith.constant 0 : i32
    %dma_start3A_762 = arith.constant 0 : i32
    %dma_start3A_763 = arith.constant 0 : i32
    %dma_start3A_764 = tpu.memref_slice %arg9[%dma_start3A_758, %dma_start3A_762, %dma_start3A_763] : memref<2x128x128xf32, #tpu.memory_space<vmem>> -> memref<1x128x128xf32, #tpu.memory_space<vmem>>
    %dma_start3A_765 = tpu.memref_squeeze %dma_start3A_764 : memref<1x128x128xf32, #tpu.memory_space<vmem>> -> memref<128x128xf32, #tpu.memory_space<vmem>>
    %dma_start3A_766 = arith.constant 0 : i32
    %dma_start3A_767 = tpu.memref_slice %arg8[%dma_start3A_759, %dma_start3A_760, %dma_start3A_766] : memref<2x8x128xi32, #tpu.memory_space<vmem>> -> memref<1x1x128xi32, #tpu.memory_space<vmem>>
    %dma_start3A_768 = tpu.memref_squeeze %dma_start3A_767 : memref<1x1x128xi32, #tpu.memory_space<vmem>> -> memref<128xi32, #tpu.memory_space<vmem>>
    %dma_start3A_769 = arith.constant 0 : i32
    %dma_start3A_770 = arith.constant 0 : i32
    %dma_start3A_771 = tpu.memref_slice %arg11[%dma_start3A_769, %dma_start3A_770] : memref<10240x128xf32, #tpu.memory_space<vmem_shared>> -> memref<10240x128xf32, #tpu.memory_space<vmem_shared>>
    %dma_start3A_772 = tpu.memref_slice %arg13[%dma_start3A_761] : memref<2x!tpu.dma_semaphore, #tpu.memory_space<semaphore_mem>> -> memref<1x!tpu.dma_semaphore, #tpu.memory_space<semaphore_mem>>
    %dma_start3A_773 = tpu.memref_squeeze %dma_start3A_772 : memref<1x!tpu.dma_semaphore, #tpu.memory_space<semaphore_mem>> -> memref<!tpu.dma_semaphore, #tpu.memory_space<semaphore_mem>>
    tpu.enqueue_indirect_dma source(%dma_start3A_765 : memref<128x128xf32, #tpu.memory_space<vmem>>) target(%dma_start3A_771 : memref<10240x128xf32, #tpu.memory_space<vmem_shared>>) offsets(%dma_start3A_768 : memref<128xi32, #tpu.memory_space<vmem>>) semaphore(%dma_start3A_773 : memref<!tpu.dma_semaphore, #tpu.memory_space<semaphore_mem>>) {add = true}
    %dma_wait3A_774 = arith.constant 0 : i32
    %dma_wait3A_775 = arith.constant 0 : i32
    %dma_wait3A_776 = arith.constant 0 : i32
    %dma_wait3A_777 = arith.constant 0 : i32
    %dma_wait3A_778 = arith.constant 0 : i32
    %dma_wait3A_779 = arith.constant 0 : i32
    %dma_wait3A_780 = tpu.memref_slice %arg9[%dma_wait3A_774, %dma_wait3A_778, %dma_wait3A_779] : memref<2x128x128xf32, #tpu.memory_space<vmem>> -> memref<1x128x128xf32, #tpu.memory_space<vmem>>
    %dma_wait3A_781 = tpu.memref_squeeze %dma_wait3A_780 : memref<1x128x128xf32, #tpu.memory_space<vmem>> -> memref<128x128xf32, #tpu.memory_space<vmem>>
    %dma_wait3A_782 = arith.constant 0 : i32
    %dma_wait3A_783 = tpu.memref_slice %arg8[%dma_wait3A_775, %dma_wait3A_776, %dma_wait3A_782] : memref<2x8x128xi32, #tpu.memory_space<vmem>> -> memref<1x1x128xi32, #tpu.memory_space<vmem>>
    %dma_wait3A_784 = tpu.memref_squeeze %dma_wait3A_783 : memref<1x1x128xi32, #tpu.memory_space<vmem>> -> memref<128xi32, #tpu.memory_space<vmem>>
    %dma_wait3A_785 = arith.constant 0 : i32
    %dma_wait3A_786 = arith.constant 0 : i32
    %dma_wait3A_787 = tpu.memref_slice %arg11[%dma_wait3A_785, %dma_wait3A_786] : memref<10240x128xf32, #tpu.memory_space<vmem_shared>> -> memref<10240x128xf32, #tpu.memory_space<vmem_shared>>
    %dma_wait3A_788 = tpu.memref_slice %arg13[%dma_wait3A_777] : memref<2x!tpu.dma_semaphore, #tpu.memory_space<semaphore_mem>> -> memref<1x!tpu.dma_semaphore, #tpu.memory_space<semaphore_mem>>
    %dma_wait3A_789 = tpu.memref_squeeze %dma_wait3A_788 : memref<1x!tpu.dma_semaphore, #tpu.memory_space<semaphore_mem>> -> memref<!tpu.dma_semaphore, #tpu.memory_space<semaphore_mem>>
    tpu.wait_indirect_dma semaphore(%dma_wait3A_789 : memref<!tpu.dma_semaphore, #tpu.memory_space<semaphore_mem>>) src(%dma_wait3A_781 : memref<128x128xf32, #tpu.memory_space<vmem>>) dst(%dma_wait3A_787 : memref<10240x128xf32, #tpu.memory_space<vmem_shared>>)
    %dma_start3A_790 = arith.constant 0 : i32
    %dma_start3A_791 = arith.constant 6 : i32
    %dma_start3A_792 = arith.constant 0 : i32
    %dma_start3A_793 = arith.constant 0 : i32
    %dma_start3A_794 = arith.constant 0 : i32
    %dma_start3A_795 = arith.constant 0 : i32
    %dma_start3A_796 = tpu.memref_slice %arg9[%dma_start3A_792, %dma_start3A_794, %dma_start3A_795] : memref<2x128x128xf32, #tpu.memory_space<vmem>> -> memref<1x128x128xf32, #tpu.memory_space<vmem>>
    %dma_start3A_797 = tpu.memref_squeeze %dma_start3A_796 : memref<1x128x128xf32, #tpu.memory_space<vmem>> -> memref<128x128xf32, #tpu.memory_space<vmem>>
    %dma_start3A_798 = arith.constant 0 : i32
    %dma_start3A_799 = tpu.memref_slice %arg7[%dma_start3A_790, %dma_start3A_791, %dma_start3A_798] : memref<2x8x128xi32, #tpu.memory_space<vmem>> -> memref<1x1x128xi32, #tpu.memory_space<vmem>>
    %dma_start3A_800 = tpu.memref_squeeze %dma_start3A_799 : memref<1x1x128xi32, #tpu.memory_space<vmem>> -> memref<128xi32, #tpu.memory_space<vmem>>
    %dma_start3A_801 = arith.constant 0 : i32
    %dma_start3A_802 = arith.constant 0 : i32
    %dma_start3A_803 = tpu.memref_slice %arg2[%dma_start3A_801, %dma_start3A_802] : memref<10000x128xf32, #tpu.memory_space<hbm>> -> memref<10000x128xf32, #tpu.memory_space<hbm>>
    %dma_start3A_804 = tpu.memref_slice %arg12[%dma_start3A_793] : memref<2x!tpu.dma_semaphore, #tpu.memory_space<semaphore_mem>> -> memref<1x!tpu.dma_semaphore, #tpu.memory_space<semaphore_mem>>
    %dma_start3A_805 = tpu.memref_squeeze %dma_start3A_804 : memref<1x!tpu.dma_semaphore, #tpu.memory_space<semaphore_mem>> -> memref<!tpu.dma_semaphore, #tpu.memory_space<semaphore_mem>>
    tpu.enqueue_indirect_dma source(%dma_start3A_803 : memref<10000x128xf32, #tpu.memory_space<hbm>>) target(%dma_start3A_797 : memref<128x128xf32, #tpu.memory_space<vmem>>) offsets(%dma_start3A_800 : memref<128xi32, #tpu.memory_space<vmem>>) semaphore(%dma_start3A_805 : memref<!tpu.dma_semaphore, #tpu.memory_space<semaphore_mem>>)
    %get3A_806 = arith.constant 0 : i32
    %get3A_807 = arith.constant 6 : i32
    %get3A_808 = arith.index_cast %get3A_806 : i32 to index
    %get3A_809 = arith.index_cast %get3A_807 : i32 to index
    %get3A_810 = arith.constant 0 : index
    %get3A_811 = tpu.vector_load %arg8[%get3A_808, %get3A_809, %get3A_810] {strides = array<i32>} : memref<2x8x128xi32, #tpu.memory_space<vmem>>, vector<16xi32>,
    tpu.vector_store_idx %arg10[%get3A_811], %broadcast_in_dim3A_29 {add = true} : memref<10240xf32, #tpu.memory_space<vmem>>[vector<16xi32>], vector<16xf32>,
    %get3A_812 = arith.constant 0 : i32
    %get3A_813 = arith.constant 6 : i32
    %get3A_814 = arith.index_cast %get3A_812 : i32 to index
    %get3A_815 = arith.index_cast %get3A_813 : i32 to index
    %get3A_816 = arith.constant 16 : index
    %get3A_817 = tpu.vector_load %arg8[%get3A_814, %get3A_815, %get3A_816] {strides = array<i32>} : memref<2x8x128xi32, #tpu.memory_space<vmem>>, vector<16xi32>,
    tpu.vector_store_idx %arg10[%get3A_817], %broadcast_in_dim3A_29 {add = true} : memref<10240xf32, #tpu.memory_space<vmem>>[vector<16xi32>], vector<16xf32>,
    %get3A_818 = arith.constant 0 : i32
    %get3A_819 = arith.constant 6 : i32
    %get3A_820 = arith.index_cast %get3A_818 : i32 to index
    %get3A_821 = arith.index_cast %get3A_819 : i32 to index
    %get3A_822 = arith.constant 32 : index
    %get3A_823 = tpu.vector_load %arg8[%get3A_820, %get3A_821, %get3A_822] {strides = array<i32>} : memref<2x8x128xi32, #tpu.memory_space<vmem>>, vector<16xi32>,
    tpu.vector_store_idx %arg10[%get3A_823], %broadcast_in_dim3A_29 {add = true} : memref<10240xf32, #tpu.memory_space<vmem>>[vector<16xi32>], vector<16xf32>,
    %get3A_824 = arith.constant 0 : i32
    %get3A_825 = arith.constant 6 : i32
    %get3A_826 = arith.index_cast %get3A_824 : i32 to index
    %get3A_827 = arith.index_cast %get3A_825 : i32 to index
    %get3A_828 = arith.constant 48 : index
    %get3A_829 = tpu.vector_load %arg8[%get3A_826, %get3A_827, %get3A_828] {strides = array<i32>} : memref<2x8x128xi32, #tpu.memory_space<vmem>>, vector<16xi32>,
    tpu.vector_store_idx %arg10[%get3A_829], %broadcast_in_dim3A_29 {add = true} : memref<10240xf32, #tpu.memory_space<vmem>>[vector<16xi32>], vector<16xf32>,
    %get3A_830 = arith.constant 0 : i32
    %get3A_831 = arith.constant 6 : i32
    %get3A_832 = arith.index_cast %get3A_830 : i32 to index
    %get3A_833 = arith.index_cast %get3A_831 : i32 to index
    %get3A_834 = arith.constant 64 : index
    %get3A_835 = tpu.vector_load %arg8[%get3A_832, %get3A_833, %get3A_834] {strides = array<i32>} : memref<2x8x128xi32, #tpu.memory_space<vmem>>, vector<16xi32>,
    tpu.vector_store_idx %arg10[%get3A_835], %broadcast_in_dim3A_29 {add = true} : memref<10240xf32, #tpu.memory_space<vmem>>[vector<16xi32>], vector<16xf32>,
    %get3A_836 = arith.constant 0 : i32
    %get3A_837 = arith.constant 6 : i32
    %get3A_838 = arith.index_cast %get3A_836 : i32 to index
    %get3A_839 = arith.index_cast %get3A_837 : i32 to index
    %get3A_840 = arith.constant 80 : index
    %get3A_841 = tpu.vector_load %arg8[%get3A_838, %get3A_839, %get3A_840] {strides = array<i32>} : memref<2x8x128xi32, #tpu.memory_space<vmem>>, vector<16xi32>,
    tpu.vector_store_idx %arg10[%get3A_841], %broadcast_in_dim3A_29 {add = true} : memref<10240xf32, #tpu.memory_space<vmem>>[vector<16xi32>], vector<16xf32>,
    %get3A_842 = arith.constant 0 : i32
    %get3A_843 = arith.constant 6 : i32
    %get3A_844 = arith.index_cast %get3A_842 : i32 to index
    %get3A_845 = arith.index_cast %get3A_843 : i32 to index
    %get3A_846 = arith.constant 96 : index
    %get3A_847 = tpu.vector_load %arg8[%get3A_844, %get3A_845, %get3A_846] {strides = array<i32>} : memref<2x8x128xi32, #tpu.memory_space<vmem>>, vector<16xi32>,
    tpu.vector_store_idx %arg10[%get3A_847], %broadcast_in_dim3A_29 {add = true} : memref<10240xf32, #tpu.memory_space<vmem>>[vector<16xi32>], vector<16xf32>,
    %get3A_848 = arith.constant 0 : i32
    %get3A_849 = arith.constant 6 : i32
    %get3A_850 = arith.index_cast %get3A_848 : i32 to index
    %get3A_851 = arith.index_cast %get3A_849 : i32 to index
    %get3A_852 = arith.constant 112 : index
    %get3A_853 = tpu.vector_load %arg8[%get3A_850, %get3A_851, %get3A_852] {strides = array<i32>} : memref<2x8x128xi32, #tpu.memory_space<vmem>>, vector<16xi32>,
    tpu.vector_store_idx %arg10[%get3A_853], %broadcast_in_dim3A_29 {add = true} : memref<10240xf32, #tpu.memory_space<vmem>>[vector<16xi32>], vector<16xf32>,
    %dma_wait3A_854 = arith.constant 0 : i32
    %dma_wait3A_855 = arith.constant 0 : i32
    %dma_wait3A_856 = arith.constant 1 : i32
    %dma_wait3A_857 = arith.constant 1 : i32
    %dma_wait3A_858 = arith.constant 0 : i32
    %dma_wait3A_859 = arith.constant 0 : i32
    %dma_wait3A_860 = tpu.memref_slice %arg9[%dma_wait3A_856, %dma_wait3A_858, %dma_wait3A_859] : memref<2x128x128xf32, #tpu.memory_space<vmem>> -> memref<1x128x128xf32, #tpu.memory_space<vmem>>
    %dma_wait3A_861 = tpu.memref_squeeze %dma_wait3A_860 : memref<1x128x128xf32, #tpu.memory_space<vmem>> -> memref<128x128xf32, #tpu.memory_space<vmem>>
    %dma_wait3A_862 = arith.constant 0 : i32
    %dma_wait3A_863 = tpu.memref_slice %arg7[%dma_wait3A_854, %dma_wait3A_855, %dma_wait3A_862] : memref<2x8x128xi32, #tpu.memory_space<vmem>> -> memref<1x1x128xi32, #tpu.memory_space<vmem>>
    %dma_wait3A_864 = tpu.memref_squeeze %dma_wait3A_863 : memref<1x1x128xi32, #tpu.memory_space<vmem>> -> memref<128xi32, #tpu.memory_space<vmem>>
    %dma_wait3A_865 = arith.constant 0 : i32
    %dma_wait3A_866 = arith.constant 0 : i32
    %dma_wait3A_867 = tpu.memref_slice %arg2[%dma_wait3A_865, %dma_wait3A_866] : memref<10000x128xf32, #tpu.memory_space<hbm>> -> memref<10000x128xf32, #tpu.memory_space<hbm>>
    %dma_wait3A_868 = tpu.memref_slice %arg12[%dma_wait3A_857] : memref<2x!tpu.dma_semaphore, #tpu.memory_space<semaphore_mem>> -> memref<1x!tpu.dma_semaphore, #tpu.memory_space<semaphore_mem>>
    %dma_wait3A_869 = tpu.memref_squeeze %dma_wait3A_868 : memref<1x!tpu.dma_semaphore, #tpu.memory_space<semaphore_mem>> -> memref<!tpu.dma_semaphore, #tpu.memory_space<semaphore_mem>>
    tpu.wait_indirect_dma semaphore(%dma_wait3A_869 : memref<!tpu.dma_semaphore, #tpu.memory_space<semaphore_mem>>) src(%dma_wait3A_867 : memref<10000x128xf32, #tpu.memory_space<hbm>>) dst(%dma_wait3A_861 : memref<128x128xf32, #tpu.memory_space<vmem>>)
    %dma_start3A_870 = arith.constant 1 : i32
    %dma_start3A_871 = arith.constant 0 : i32
    %dma_start3A_872 = arith.constant 5 : i32
    %dma_start3A_873 = arith.constant 1 : i32
    %dma_start3A_874 = arith.constant 0 : i32
    %dma_start3A_875 = arith.constant 0 : i32
    %dma_start3A_876 = tpu.memref_slice %arg9[%dma_start3A_870, %dma_start3A_874, %dma_start3A_875] : memref<2x128x128xf32, #tpu.memory_space<vmem>> -> memref<1x128x128xf32, #tpu.memory_space<vmem>>
    %dma_start3A_877 = tpu.memref_squeeze %dma_start3A_876 : memref<1x128x128xf32, #tpu.memory_space<vmem>> -> memref<128x128xf32, #tpu.memory_space<vmem>>
    %dma_start3A_878 = arith.constant 0 : i32
    %dma_start3A_879 = tpu.memref_slice %arg8[%dma_start3A_871, %dma_start3A_872, %dma_start3A_878] : memref<2x8x128xi32, #tpu.memory_space<vmem>> -> memref<1x1x128xi32, #tpu.memory_space<vmem>>
    %dma_start3A_880 = tpu.memref_squeeze %dma_start3A_879 : memref<1x1x128xi32, #tpu.memory_space<vmem>> -> memref<128xi32, #tpu.memory_space<vmem>>
    %dma_start3A_881 = arith.constant 0 : i32
    %dma_start3A_882 = arith.constant 0 : i32
    %dma_start3A_883 = tpu.memref_slice %arg11[%dma_start3A_881, %dma_start3A_882] : memref<10240x128xf32, #tpu.memory_space<vmem_shared>> -> memref<10240x128xf32, #tpu.memory_space<vmem_shared>>
    %dma_start3A_884 = tpu.memref_slice %arg13[%dma_start3A_873] : memref<2x!tpu.dma_semaphore, #tpu.memory_space<semaphore_mem>> -> memref<1x!tpu.dma_semaphore, #tpu.memory_space<semaphore_mem>>
    %dma_start3A_885 = tpu.memref_squeeze %dma_start3A_884 : memref<1x!tpu.dma_semaphore, #tpu.memory_space<semaphore_mem>> -> memref<!tpu.dma_semaphore, #tpu.memory_space<semaphore_mem>>
    tpu.enqueue_indirect_dma source(%dma_start3A_877 : memref<128x128xf32, #tpu.memory_space<vmem>>) target(%dma_start3A_883 : memref<10240x128xf32, #tpu.memory_space<vmem_shared>>) offsets(%dma_start3A_880 : memref<128xi32, #tpu.memory_space<vmem>>) semaphore(%dma_start3A_885 : memref<!tpu.dma_semaphore, #tpu.memory_space<semaphore_mem>>) {add = true}
    %dma_wait3A_886 = arith.constant 1 : i32
    %dma_wait3A_887 = arith.constant 0 : i32
    %dma_wait3A_888 = arith.constant 0 : i32
    %dma_wait3A_889 = arith.constant 1 : i32
    %dma_wait3A_890 = arith.constant 0 : i32
    %dma_wait3A_891 = arith.constant 0 : i32
    %dma_wait3A_892 = tpu.memref_slice %arg9[%dma_wait3A_886, %dma_wait3A_890, %dma_wait3A_891] : memref<2x128x128xf32, #tpu.memory_space<vmem>> -> memref<1x128x128xf32, #tpu.memory_space<vmem>>
    %dma_wait3A_893 = tpu.memref_squeeze %dma_wait3A_892 : memref<1x128x128xf32, #tpu.memory_space<vmem>> -> memref<128x128xf32, #tpu.memory_space<vmem>>
    %dma_wait3A_894 = arith.constant 0 : i32
    %dma_wait3A_895 = tpu.memref_slice %arg8[%dma_wait3A_887, %dma_wait3A_888, %dma_wait3A_894] : memref<2x8x128xi32, #tpu.memory_space<vmem>> -> memref<1x1x128xi32, #tpu.memory_space<vmem>>
    %dma_wait3A_896 = tpu.memref_squeeze %dma_wait3A_895 : memref<1x1x128xi32, #tpu.memory_space<vmem>> -> memref<128xi32, #tpu.memory_space<vmem>>
    %dma_wait3A_897 = arith.constant 0 : i32
    %dma_wait3A_898 = arith.constant 0 : i32
    %dma_wait3A_899 = tpu.memref_slice %arg11[%dma_wait3A_897, %dma_wait3A_898] : memref<10240x128xf32, #tpu.memory_space<vmem_shared>> -> memref<10240x128xf32, #tpu.memory_space<vmem_shared>>
    %dma_wait3A_900 = tpu.memref_slice %arg13[%dma_wait3A_889] : memref<2x!tpu.dma_semaphore, #tpu.memory_space<semaphore_mem>> -> memref<1x!tpu.dma_semaphore, #tpu.memory_space<semaphore_mem>>
    %dma_wait3A_901 = tpu.memref_squeeze %dma_wait3A_900 : memref<1x!tpu.dma_semaphore, #tpu.memory_space<semaphore_mem>> -> memref<!tpu.dma_semaphore, #tpu.memory_space<semaphore_mem>>
    tpu.wait_indirect_dma semaphore(%dma_wait3A_901 : memref<!tpu.dma_semaphore, #tpu.memory_space<semaphore_mem>>) src(%dma_wait3A_893 : memref<128x128xf32, #tpu.memory_space<vmem>>) dst(%dma_wait3A_899 : memref<10240x128xf32, #tpu.memory_space<vmem_shared>>)
    %dma_start3A_902 = arith.constant 0 : i32
    %dma_start3A_903 = arith.constant 7 : i32
    %dma_start3A_904 = arith.constant 1 : i32
    %dma_start3A_905 = arith.constant 1 : i32
    %dma_start3A_906 = arith.constant 0 : i32
    %dma_start3A_907 = arith.constant 0 : i32
    %dma_start3A_908 = tpu.memref_slice %arg9[%dma_start3A_904, %dma_start3A_906, %dma_start3A_907] : memref<2x128x128xf32, #tpu.memory_space<vmem>> -> memref<1x128x128xf32, #tpu.memory_space<vmem>>
    %dma_start3A_909 = tpu.memref_squeeze %dma_start3A_908 : memref<1x128x128xf32, #tpu.memory_space<vmem>> -> memref<128x128xf32, #tpu.memory_space<vmem>>
    %dma_start3A_910 = arith.constant 0 : i32
    %dma_start3A_911 = tpu.memref_slice %arg7[%dma_start3A_902, %dma_start3A_903, %dma_start3A_910] : memref<2x8x128xi32, #tpu.memory_space<vmem>> -> memref<1x1x128xi32, #tpu.memory_space<vmem>>
    %dma_start3A_912 = tpu.memref_squeeze %dma_start3A_911 : memref<1x1x128xi32, #tpu.memory_space<vmem>> -> memref<128xi32, #tpu.memory_space<vmem>>
    %dma_start3A_913 = arith.constant 0 : i32
    %dma_start3A_914 = arith.constant 0 : i32
    %dma_start3A_915 = tpu.memref_slice %arg2[%dma_start3A_913, %dma_start3A_914] : memref<10000x128xf32, #tpu.memory_space<hbm>> -> memref<10000x128xf32, #tpu.memory_space<hbm>>
    %dma_start3A_916 = tpu.memref_slice %arg12[%dma_start3A_905] : memref<2x!tpu.dma_semaphore, #tpu.memory_space<semaphore_mem>> -> memref<1x!tpu.dma_semaphore, #tpu.memory_space<semaphore_mem>>
    %dma_start3A_917 = tpu.memref_squeeze %dma_start3A_916 : memref<1x!tpu.dma_semaphore, #tpu.memory_space<semaphore_mem>> -> memref<!tpu.dma_semaphore, #tpu.memory_space<semaphore_mem>>
    tpu.enqueue_indirect_dma source(%dma_start3A_915 : memref<10000x128xf32, #tpu.memory_space<hbm>>) target(%dma_start3A_909 : memref<128x128xf32, #tpu.memory_space<vmem>>) offsets(%dma_start3A_912 : memref<128xi32, #tpu.memory_space<vmem>>) semaphore(%dma_start3A_917 : memref<!tpu.dma_semaphore, #tpu.memory_space<semaphore_mem>>)
    %get3A_918 = arith.constant 0 : i32
    %get3A_919 = arith.constant 7 : i32
    %get3A_920 = arith.index_cast %get3A_918 : i32 to index
    %get3A_921 = arith.index_cast %get3A_919 : i32 to index
    %get3A_922 = arith.constant 0 : index
    %get3A_923 = tpu.vector_load %arg8[%get3A_920, %get3A_921, %get3A_922] {strides = array<i32>} : memref<2x8x128xi32, #tpu.memory_space<vmem>>, vector<16xi32>,
    tpu.vector_store_idx %arg10[%get3A_923], %broadcast_in_dim3A_29 {add = true} : memref<10240xf32, #tpu.memory_space<vmem>>[vector<16xi32>], vector<16xf32>,
    %get3A_924 = arith.constant 0 : i32
    %get3A_925 = arith.constant 7 : i32
    %get3A_926 = arith.index_cast %get3A_924 : i32 to index
    %get3A_927 = arith.index_cast %get3A_925 : i32 to index
    %get3A_928 = arith.constant 16 : index
    %get3A_929 = tpu.vector_load %arg8[%get3A_926, %get3A_927, %get3A_928] {strides = array<i32>} : memref<2x8x128xi32, #tpu.memory_space<vmem>>, vector<16xi32>,
    tpu.vector_store_idx %arg10[%get3A_929], %broadcast_in_dim3A_29 {add = true} : memref<10240xf32, #tpu.memory_space<vmem>>[vector<16xi32>], vector<16xf32>,
    %get3A_930 = arith.constant 0 : i32
    %get3A_931 = arith.constant 7 : i32
    %get3A_932 = arith.index_cast %get3A_930 : i32 to index
    %get3A_933 = arith.index_cast %get3A_931 : i32 to index
    %get3A_934 = arith.constant 32 : index
    %get3A_935 = tpu.vector_load %arg8[%get3A_932, %get3A_933, %get3A_934] {strides = array<i32>} : memref<2x8x128xi32, #tpu.memory_space<vmem>>, vector<16xi32>,
    tpu.vector_store_idx %arg10[%get3A_935], %broadcast_in_dim3A_29 {add = true} : memref<10240xf32, #tpu.memory_space<vmem>>[vector<16xi32>], vector<16xf32>,
    %get3A_936 = arith.constant 0 : i32
    %get3A_937 = arith.constant 7 : i32
    %get3A_938 = arith.index_cast %get3A_936 : i32 to index
    %get3A_939 = arith.index_cast %get3A_937 : i32 to index
    %get3A_940 = arith.constant 48 : index
    %get3A_941 = tpu.vector_load %arg8[%get3A_938, %get3A_939, %get3A_940] {strides = array<i32>} : memref<2x8x128xi32, #tpu.memory_space<vmem>>, vector<16xi32>,
    tpu.vector_store_idx %arg10[%get3A_941], %broadcast_in_dim3A_29 {add = true} : memref<10240xf32, #tpu.memory_space<vmem>>[vector<16xi32>], vector<16xf32>,
    %get3A_942 = arith.constant 0 : i32
    %get3A_943 = arith.constant 7 : i32
    %get3A_944 = arith.index_cast %get3A_942 : i32 to index
    %get3A_945 = arith.index_cast %get3A_943 : i32 to index
    %get3A_946 = arith.constant 64 : index
    %get3A_947 = tpu.vector_load %arg8[%get3A_944, %get3A_945, %get3A_946] {strides = array<i32>} : memref<2x8x128xi32, #tpu.memory_space<vmem>>, vector<16xi32>,
    tpu.vector_store_idx %arg10[%get3A_947], %broadcast_in_dim3A_29 {add = true} : memref<10240xf32, #tpu.memory_space<vmem>>[vector<16xi32>], vector<16xf32>,
    %get3A_948 = arith.constant 0 : i32
    %get3A_949 = arith.constant 7 : i32
    %get3A_950 = arith.index_cast %get3A_948 : i32 to index
    %get3A_951 = arith.index_cast %get3A_949 : i32 to index
    %get3A_952 = arith.constant 80 : index
    %get3A_953 = tpu.vector_load %arg8[%get3A_950, %get3A_951, %get3A_952] {strides = array<i32>} : memref<2x8x128xi32, #tpu.memory_space<vmem>>, vector<16xi32>,
    tpu.vector_store_idx %arg10[%get3A_953], %broadcast_in_dim3A_29 {add = true} : memref<10240xf32, #tpu.memory_space<vmem>>[vector<16xi32>], vector<16xf32>,
    %get3A_954 = arith.constant 0 : i32
    %get3A_955 = arith.constant 7 : i32
    %get3A_956 = arith.index_cast %get3A_954 : i32 to index
    %get3A_957 = arith.index_cast %get3A_955 : i32 to index
    %get3A_958 = arith.constant 96 : index
    %get3A_959 = tpu.vector_load %arg8[%get3A_956, %get3A_957, %get3A_958] {strides = array<i32>} : memref<2x8x128xi32, #tpu.memory_space<vmem>>, vector<16xi32>,
    tpu.vector_store_idx %arg10[%get3A_959], %broadcast_in_dim3A_29 {add = true} : memref<10240xf32, #tpu.memory_space<vmem>>[vector<16xi32>], vector<16xf32>,
    %get3A_960 = arith.constant 0 : i32
    %get3A_961 = arith.constant 7 : i32
    %get3A_962 = arith.index_cast %get3A_960 : i32 to index
    %get3A_963 = arith.index_cast %get3A_961 : i32 to index
    %get3A_964 = arith.constant 112 : index
    %get3A_965 = tpu.vector_load %arg8[%get3A_962, %get3A_963, %get3A_964] {strides = array<i32>} : memref<2x8x128xi32, #tpu.memory_space<vmem>>, vector<16xi32>,
    tpu.vector_store_idx %arg10[%get3A_965], %broadcast_in_dim3A_29 {add = true} : memref<10240xf32, #tpu.memory_space<vmem>>[vector<16xi32>], vector<16xf32>,
    %dma_wait3A_966 = arith.constant 0 : i32
    %dma_wait3A_967 = arith.constant 0 : i32
    %dma_wait3A_968 = arith.constant 0 : i32
    %dma_wait3A_969 = arith.constant 0 : i32
    %dma_wait3A_970 = arith.constant 0 : i32
    %dma_wait3A_971 = arith.constant 0 : i32
    %dma_wait3A_972 = tpu.memref_slice %arg9[%dma_wait3A_968, %dma_wait3A_970, %dma_wait3A_971] : memref<2x128x128xf32, #tpu.memory_space<vmem>> -> memref<1x128x128xf32, #tpu.memory_space<vmem>>
    %dma_wait3A_973 = tpu.memref_squeeze %dma_wait3A_972 : memref<1x128x128xf32, #tpu.memory_space<vmem>> -> memref<128x128xf32, #tpu.memory_space<vmem>>
    %dma_wait3A_974 = arith.constant 0 : i32
    %dma_wait3A_975 = tpu.memref_slice %arg7[%dma_wait3A_966, %dma_wait3A_967, %dma_wait3A_974] : memref<2x8x128xi32, #tpu.memory_space<vmem>> -> memref<1x1x128xi32, #tpu.memory_space<vmem>>
    %dma_wait3A_976 = tpu.memref_squeeze %dma_wait3A_975 : memref<1x1x128xi32, #tpu.memory_space<vmem>> -> memref<128xi32, #tpu.memory_space<vmem>>
    %dma_wait3A_977 = arith.constant 0 : i32
    %dma_wait3A_978 = arith.constant 0 : i32
    %dma_wait3A_979 = tpu.memref_slice %arg2[%dma_wait3A_977, %dma_wait3A_978] : memref<10000x128xf32, #tpu.memory_space<hbm>> -> memref<10000x128xf32, #tpu.memory_space<hbm>>
    %dma_wait3A_980 = tpu.memref_slice %arg12[%dma_wait3A_969] : memref<2x!tpu.dma_semaphore, #tpu.memory_space<semaphore_mem>> -> memref<1x!tpu.dma_semaphore, #tpu.memory_space<semaphore_mem>>
    %dma_wait3A_981 = tpu.memref_squeeze %dma_wait3A_980 : memref<1x!tpu.dma_semaphore, #tpu.memory_space<semaphore_mem>> -> memref<!tpu.dma_semaphore, #tpu.memory_space<semaphore_mem>>
    tpu.wait_indirect_dma semaphore(%dma_wait3A_981 : memref<!tpu.dma_semaphore, #tpu.memory_space<semaphore_mem>>) src(%dma_wait3A_979 : memref<10000x128xf32, #tpu.memory_space<hbm>>) dst(%dma_wait3A_973 : memref<128x128xf32, #tpu.memory_space<vmem>>)
    %dma_start3A_982 = arith.constant 0 : i32
    %dma_start3A_983 = arith.constant 0 : i32
    %dma_start3A_984 = arith.constant 6 : i32
    %dma_start3A_985 = arith.constant 0 : i32
    %dma_start3A_986 = arith.constant 0 : i32
    %dma_start3A_987 = arith.constant 0 : i32
    %dma_start3A_988 = tpu.memref_slice %arg9[%dma_start3A_982, %dma_start3A_986, %dma_start3A_987] : memref<2x128x128xf32, #tpu.memory_space<vmem>> -> memref<1x128x128xf32, #tpu.memory_space<vmem>>
    %dma_start3A_989 = tpu.memref_squeeze %dma_start3A_988 : memref<1x128x128xf32, #tpu.memory_space<vmem>> -> memref<128x128xf32, #tpu.memory_space<vmem>>
    %dma_start3A_990 = arith.constant 0 : i32
    %dma_start3A_991 = tpu.memref_slice %arg8[%dma_start3A_983, %dma_start3A_984, %dma_start3A_990] : memref<2x8x128xi32, #tpu.memory_space<vmem>> -> memref<1x1x128xi32, #tpu.memory_space<vmem>>
    %dma_start3A_992 = tpu.memref_squeeze %dma_start3A_991 : memref<1x1x128xi32, #tpu.memory_space<vmem>> -> memref<128xi32, #tpu.memory_space<vmem>>
    %dma_start3A_993 = arith.constant 0 : i32
    %dma_start3A_994 = arith.constant 0 : i32
    %dma_start3A_995 = tpu.memref_slice %arg11[%dma_start3A_993, %dma_start3A_994] : memref<10240x128xf32, #tpu.memory_space<vmem_shared>> -> memref<10240x128xf32, #tpu.memory_space<vmem_shared>>
    %dma_start3A_996 = tpu.memref_slice %arg13[%dma_start3A_985] : memref<2x!tpu.dma_semaphore, #tpu.memory_space<semaphore_mem>> -> memref<1x!tpu.dma_semaphore, #tpu.memory_space<semaphore_mem>>
    %dma_start3A_997 = tpu.memref_squeeze %dma_start3A_996 : memref<1x!tpu.dma_semaphore, #tpu.memory_space<semaphore_mem>> -> memref<!tpu.dma_semaphore, #tpu.memory_space<semaphore_mem>>
    tpu.enqueue_indirect_dma source(%dma_start3A_989 : memref<128x128xf32, #tpu.memory_space<vmem>>) target(%dma_start3A_995 : memref<10240x128xf32, #tpu.memory_space<vmem_shared>>) offsets(%dma_start3A_992 : memref<128xi32, #tpu.memory_space<vmem>>) semaphore(%dma_start3A_997 : memref<!tpu.dma_semaphore, #tpu.memory_space<semaphore_mem>>) {add = true}
    %while3A = arith.constant 0 : i32
    %while3A_998 = arith.constant 1 : i32
    %while3A_999 = arith.subi %select_n3A_19, %while3A_998 : i32
    %while3A_1000 = arith.addi %while3A_998, %while3A_999 : i32
    %while3A_1001 = arith.constant 1 : i32
    %while3A_1002 = arith.divsi %while3A_999, %while3A_1001 : i32
    %while3A_1003 = arith.muli %while3A_1002, %while3A_1001 : i32
    %while3A_1004 = arith.addi %while3A_998, %while3A_1003 : i32
    %while3A_1005 = arith.constant 1 : i32
    scf.for %while3A_1082 = %while3A_998 to %while3A_1004 step %while3A_1005  : i32 {
      %rem3A_1083 = arith.constant 2 : i32
      %rem3A_1084 = arith.remsi %while3A_1082, %rem3A_1083 : i32
      %sub3A_1085 = arith.constant 1 : i32
      %sub3A_1086 = arith.subi %sub3A_1085, %rem3A_1084 : i32
      %dma_wait3A_1087 = arith.constant 0 : i32
      %dma_wait3A_1088 = arith.constant 0 : i32
      %dma_wait3A_1089 = arith.constant 0 : i32
      %dma_wait3A_1090 = arith.constant 0 : i32
      %dma_wait3A_1091 = arith.constant 0 : i32
      %dma_wait3A_1092 = arith.constant 0 : i32
      %dma_wait3A_1093 = tpu.memref_slice %arg9[%dma_wait3A_1087, %dma_wait3A_1091, %dma_wait3A_1092] : memref<2x128x128xf32, #tpu.memory_space<vmem>> -> memref<1x128x128xf32, #tpu.memory_space<vmem>>
      %dma_wait3A_1094 = tpu.memref_squeeze %dma_wait3A_1093 : memref<1x128x128xf32, #tpu.memory_space<vmem>> -> memref<128x128xf32, #tpu.memory_space<vmem>>
      %dma_wait3A_1095 = arith.constant 0 : i32
      %dma_wait3A_1096 = tpu.memref_slice %arg8[%dma_wait3A_1088, %dma_wait3A_1089, %dma_wait3A_1095] : memref<2x8x128xi32, #tpu.memory_space<vmem>> -> memref<1x1x128xi32, #tpu.memory_space<vmem>>
      %dma_wait3A_1097 = tpu.memref_squeeze %dma_wait3A_1096 : memref<1x1x128xi32, #tpu.memory_space<vmem>> -> memref<128xi32, #tpu.memory_space<vmem>>
      %dma_wait3A_1098 = arith.constant 0 : i32
      %dma_wait3A_1099 = arith.constant 0 : i32
      %dma_wait3A_1100 = tpu.memref_slice %arg11[%dma_wait3A_1098, %dma_wait3A_1099] : memref<10240x128xf32, #tpu.memory_space<vmem_shared>> -> memref<10240x128xf32, #tpu.memory_space<vmem_shared>>
      %dma_wait3A_1101 = tpu.memref_slice %arg13[%dma_wait3A_1090] : memref<2x!tpu.dma_semaphore, #tpu.memory_space<semaphore_mem>> -> memref<1x!tpu.dma_semaphore, #tpu.memory_space<semaphore_mem>>
      %dma_wait3A_1102 = tpu.memref_squeeze %dma_wait3A_1101 : memref<1x!tpu.dma_semaphore, #tpu.memory_space<semaphore_mem>> -> memref<!tpu.dma_semaphore, #tpu.memory_space<semaphore_mem>>
      tpu.wait_indirect_dma semaphore(%dma_wait3A_1102 : memref<!tpu.dma_semaphore, #tpu.memory_space<semaphore_mem>>) src(%dma_wait3A_1094 : memref<128x128xf32, #tpu.memory_space<vmem>>) dst(%dma_wait3A_1100 : memref<10240x128xf32, #tpu.memory_space<vmem_shared>>)
      %dma_wait3A_1103 = arith.constant 0 : i32
      %dma_wait3A_1104 = arith.constant 0 : i32
      %dma_wait3A_1105 = tpu.memref_slice %arg7[%rem3A_1084, %dma_wait3A_1103, %dma_wait3A_1104] : memref<2x8x128xi32, #tpu.memory_space<vmem>> -> memref<1x8x128xi32, #tpu.memory_space<vmem>>
      %dma_wait3A_1106 = tpu.memref_squeeze %dma_wait3A_1105 : memref<1x8x128xi32, #tpu.memory_space<vmem>> -> memref<8x128xi32, #tpu.memory_space<vmem>>
      %dma_wait3A_1107 = arith.constant 0 : i32
      %dma_wait3A_1108 = arith.constant 0 : i32
      %dma_wait3A_1109 = tpu.memref_slice %arg3[%dma_wait3A_1107, %dma_wait3A_1108] : memref<2560x128xi32, #tpu.memory_space<hbm>> -> memref<8x128xi32, #tpu.memory_space<hbm>>
      %dma_wait3A_1110 = tpu.memref_slice %arg14[%rem3A_1084] : memref<2x!tpu.dma_semaphore, #tpu.memory_space<semaphore_mem>> -> memref<1x!tpu.dma_semaphore, #tpu.memory_space<semaphore_mem>>
      %dma_wait3A_1111 = tpu.memref_squeeze %dma_wait3A_1110 : memref<1x!tpu.dma_semaphore, #tpu.memory_space<semaphore_mem>> -> memref<!tpu.dma_semaphore, #tpu.memory_space<semaphore_mem>>
      %dma_wait3A_1112 = arith.constant 0 : i32
      %dma_wait3A_1113 = arith.constant 0 : i32
      %dma_wait3A_1114 = tpu.memref_slice %arg7[%rem3A_1084, %dma_wait3A_1112, %dma_wait3A_1113] : memref<2x8x128xi32, #tpu.memory_space<vmem>> -> memref<1x8x128xi32, #tpu.memory_space<vmem>>
      %dma_wait3A_1115 = tpu.memref_squeeze %dma_wait3A_1114 : memref<1x8x128xi32, #tpu.memory_space<vmem>> -> memref<8x128xi32, #tpu.memory_space<vmem>>
      %dma_wait3A_1116 = arith.constant 0 : i32
      %dma_wait3A_1117 = arith.constant 0 : i32
      %dma_wait3A_1118 = tpu.memref_slice %arg3[%dma_wait3A_1116, %dma_wait3A_1117] : memref<2560x128xi32, #tpu.memory_space<hbm>> -> memref<8x128xi32, #tpu.memory_space<hbm>>
      tpu.wait_dma2 semaphore(%dma_wait3A_1111 : memref<!tpu.dma_semaphore, #tpu.memory_space<semaphore_mem>>) src(%dma_wait3A_1118 : memref<8x128xi32, #tpu.memory_space<hbm>>) dst(%dma_wait3A_1115 : memref<8x128xi32, #tpu.memory_space<vmem>>)
      %dma_wait3A_1119 = arith.constant 0 : i32
      %dma_wait3A_1120 = arith.constant 0 : i32
      %dma_wait3A_1121 = tpu.memref_slice %arg8[%rem3A_1084, %dma_wait3A_1119, %dma_wait3A_1120] : memref<2x8x128xi32, #tpu.memory_space<vmem>> -> memref<1x8x128xi32, #tpu.memory_space<vmem>>
      %dma_wait3A_1122 = tpu.memref_squeeze %dma_wait3A_1121 : memref<1x8x128xi32, #tpu.memory_space<vmem>> -> memref<8x128xi32, #tpu.memory_space<vmem>>
      %dma_wait3A_1123 = arith.constant 0 : i32
      %dma_wait3A_1124 = arith.constant 0 : i32
      %dma_wait3A_1125 = tpu.memref_slice %arg4[%dma_wait3A_1123, %dma_wait3A_1124] : memref<2560x128xi32, #tpu.memory_space<hbm>> -> memref<8x128xi32, #tpu.memory_space<hbm>>
      %dma_wait3A_1126 = tpu.memref_slice %arg14[%rem3A_1084] : memref<2x!tpu.dma_semaphore, #tpu.memory_space<semaphore_mem>> -> memref<1x!tpu.dma_semaphore, #tpu.memory_space<semaphore_mem>>
      %dma_wait3A_1127 = tpu.memref_squeeze %dma_wait3A_1126 : memref<1x!tpu.dma_semaphore, #tpu.memory_space<semaphore_mem>> -> memref<!tpu.dma_semaphore, #tpu.memory_space<semaphore_mem>>
      %dma_wait3A_1128 = arith.constant 0 : i32
      %dma_wait3A_1129 = arith.constant 0 : i32
      %dma_wait3A_1130 = tpu.memref_slice %arg8[%rem3A_1084, %dma_wait3A_1128, %dma_wait3A_1129] : memref<2x8x128xi32, #tpu.memory_space<vmem>> -> memref<1x8x128xi32, #tpu.memory_space<vmem>>
      %dma_wait3A_1131 = tpu.memref_squeeze %dma_wait3A_1130 : memref<1x8x128xi32, #tpu.memory_space<vmem>> -> memref<8x128xi32, #tpu.memory_space<vmem>>
      %dma_wait3A_1132 = arith.constant 0 : i32
      %dma_wait3A_1133 = arith.constant 0 : i32
      %dma_wait3A_1134 = tpu.memref_slice %arg4[%dma_wait3A_1132, %dma_wait3A_1133] : memref<2560x128xi32, #tpu.memory_space<hbm>> -> memref<8x128xi32, #tpu.memory_space<hbm>>
      tpu.wait_dma2 semaphore(%dma_wait3A_1127 : memref<!tpu.dma_semaphore, #tpu.memory_space<semaphore_mem>>) src(%dma_wait3A_1134 : memref<8x128xi32, #tpu.memory_space<hbm>>) dst(%dma_wait3A_1131 : memref<8x128xi32, #tpu.memory_space<vmem>>)
      %dma_start3A_1135 = arith.constant 0 : i32
      %dma_start3A_1136 = arith.constant 0 : i32
      %dma_start3A_1137 = arith.constant 0 : i32
      %dma_start3A_1138 = arith.constant 0 : i32
      %dma_start3A_1139 = arith.constant 0 : i32
      %dma_start3A_1140 = tpu.memref_slice %arg9[%dma_start3A_1136, %dma_start3A_1138, %dma_start3A_1139] : memref<2x128x128xf32, #tpu.memory_space<vmem>> -> memref<1x128x128xf32, #tpu.memory_space<vmem>>
      %dma_start3A_1141 = tpu.memref_squeeze %dma_start3A_1140 : memref<1x128x128xf32, #tpu.memory_space<vmem>> -> memref<128x128xf32, #tpu.memory_space<vmem>>
      %dma_start3A_1142 = arith.constant 0 : i32
      %dma_start3A_1143 = tpu.memref_slice %arg7[%rem3A_1084, %dma_start3A_1135, %dma_start3A_1142] : memref<2x8x128xi32, #tpu.memory_space<vmem>> -> memref<1x1x128xi32, #tpu.memory_space<vmem>>
      %dma_start3A_1144 = tpu.memref_squeeze %dma_start3A_1143 : memref<1x1x128xi32, #tpu.memory_space<vmem>> -> memref<128xi32, #tpu.memory_space<vmem>>
      %dma_start3A_1145 = arith.constant 0 : i32
      %dma_start3A_1146 = arith.constant 0 : i32
      %dma_start3A_1147 = tpu.memref_slice %arg2[%dma_start3A_1145, %dma_start3A_1146] : memref<10000x128xf32, #tpu.memory_space<hbm>> -> memref<10000x128xf32, #tpu.memory_space<hbm>>
      %dma_start3A_1148 = tpu.memref_slice %arg12[%dma_start3A_1137] : memref<2x!tpu.dma_semaphore, #tpu.memory_space<semaphore_mem>> -> memref<1x!tpu.dma_semaphore, #tpu.memory_space<semaphore_mem>>
      %dma_start3A_1149 = tpu.memref_squeeze %dma_start3A_1148 : memref<1x!tpu.dma_semaphore, #tpu.memory_space<semaphore_mem>> -> memref<!tpu.dma_semaphore, #tpu.memory_space<semaphore_mem>>
      tpu.enqueue_indirect_dma source(%dma_start3A_1147 : memref<10000x128xf32, #tpu.memory_space<hbm>>) target(%dma_start3A_1141 : memref<128x128xf32, #tpu.memory_space<vmem>>) offsets(%dma_start3A_1144 : memref<128xi32, #tpu.memory_space<vmem>>) semaphore(%dma_start3A_1149 : memref<!tpu.dma_semaphore, #tpu.memory_space<semaphore_mem>>)
      %get3A_1150 = arith.constant 0 : i32
      %get3A_1151 = arith.index_cast %rem3A_1084 : i32 to index
      %get3A_1152 = arith.index_cast %get3A_1150 : i32 to index
      %get3A_1153 = arith.constant 0 : index
      %get3A_1154 = tpu.vector_load %arg8[%get3A_1151, %get3A_1152, %get3A_1153] {strides = array<i32>} : memref<2x8x128xi32, #tpu.memory_space<vmem>>, vector<16xi32>,
      tpu.vector_store_idx %arg10[%get3A_1154], %broadcast_in_dim3A_29 {add = true} : memref<10240xf32, #tpu.memory_space<vmem>>[vector<16xi32>], vector<16xf32>,
      %get3A_1155 = arith.constant 0 : i32
      %get3A_1156 = arith.index_cast %rem3A_1084 : i32 to index
      %get3A_1157 = arith.index_cast %get3A_1155 : i32 to index
      %get3A_1158 = arith.constant 16 : index
      %get3A_1159 = tpu.vector_load %arg8[%get3A_1156, %get3A_1157, %get3A_1158] {strides = array<i32>} : memref<2x8x128xi32, #tpu.memory_space<vmem>>, vector<16xi32>,
      tpu.vector_store_idx %arg10[%get3A_1159], %broadcast_in_dim3A_29 {add = true} : memref<10240xf32, #tpu.memory_space<vmem>>[vector<16xi32>], vector<16xf32>,
      %get3A_1160 = arith.constant 0 : i32
      %get3A_1161 = arith.index_cast %rem3A_1084 : i32 to index
      %get3A_1162 = arith.index_cast %get3A_1160 : i32 to index
      %get3A_1163 = arith.constant 32 : index
      %get3A_1164 = tpu.vector_load %arg8[%get3A_1161, %get3A_1162, %get3A_1163] {strides = array<i32>} : memref<2x8x128xi32, #tpu.memory_space<vmem>>, vector<16xi32>,
      tpu.vector_store_idx %arg10[%get3A_1164], %broadcast_in_dim3A_29 {add = true} : memref<10240xf32, #tpu.memory_space<vmem>>[vector<16xi32>], vector<16xf32>,
      %get3A_1165 = arith.constant 0 : i32
      %get3A_1166 = arith.index_cast %rem3A_1084 : i32 to index
      %get3A_1167 = arith.index_cast %get3A_1165 : i32 to index
      %get3A_1168 = arith.constant 48 : index
      %get3A_1169 = tpu.vector_load %arg8[%get3A_1166, %get3A_1167, %get3A_1168] {strides = array<i32>} : memref<2x8x128xi32, #tpu.memory_space<vmem>>, vector<16xi32>,
      tpu.vector_store_idx %arg10[%get3A_1169], %broadcast_in_dim3A_29 {add = true} : memref<10240xf32, #tpu.memory_space<vmem>>[vector<16xi32>], vector<16xf32>,
      %get3A_1170 = arith.constant 0 : i32
      %get3A_1171 = arith.index_cast %rem3A_1084 : i32 to index
      %get3A_1172 = arith.index_cast %get3A_1170 : i32 to index
      %get3A_1173 = arith.constant 64 : index
      %get3A_1174 = tpu.vector_load %arg8[%get3A_1171, %get3A_1172, %get3A_1173] {strides = array<i32>} : memref<2x8x128xi32, #tpu.memory_space<vmem>>, vector<16xi32>,
      tpu.vector_store_idx %arg10[%get3A_1174], %broadcast_in_dim3A_29 {add = true} : memref<10240xf32, #tpu.memory_space<vmem>>[vector<16xi32>], vector<16xf32>,
      %get3A_1175 = arith.constant 0 : i32
      %get3A_1176 = arith.index_cast %rem3A_1084 : i32 to index
      %get3A_1177 = arith.index_cast %get3A_1175 : i32 to index
      %get3A_1178 = arith.constant 80 : index
      %get3A_1179 = tpu.vector_load %arg8[%get3A_1176, %get3A_1177, %get3A_1178] {strides = array<i32>} : memref<2x8x128xi32, #tpu.memory_space<vmem>>, vector<16xi32>,
      tpu.vector_store_idx %arg10[%get3A_1179], %broadcast_in_dim3A_29 {add = true} : memref<10240xf32, #tpu.memory_space<vmem>>[vector<16xi32>], vector<16xf32>,
      %get3A_1180 = arith.constant 0 : i32
      %get3A_1181 = arith.index_cast %rem3A_1084 : i32 to index
      %get3A_1182 = arith.index_cast %get3A_1180 : i32 to index
      %get3A_1183 = arith.constant 96 : index
      %get3A_1184 = tpu.vector_load %arg8[%get3A_1181, %get3A_1182, %get3A_1183] {strides = array<i32>} : memref<2x8x128xi32, #tpu.memory_space<vmem>>, vector<16xi32>,
      tpu.vector_store_idx %arg10[%get3A_1184], %broadcast_in_dim3A_29 {add = true} : memref<10240xf32, #tpu.memory_space<vmem>>[vector<16xi32>], vector<16xf32>,
      %get3A_1185 = arith.constant 0 : i32
      %get3A_1186 = arith.index_cast %rem3A_1084 : i32 to index
      %get3A_1187 = arith.index_cast %get3A_1185 : i32 to index
      %get3A_1188 = arith.constant 112 : index
      %get3A_1189 = tpu.vector_load %arg8[%get3A_1186, %get3A_1187, %get3A_1188] {strides = array<i32>} : memref<2x8x128xi32, #tpu.memory_space<vmem>>, vector<16xi32>,
      tpu.vector_store_idx %arg10[%get3A_1189], %broadcast_in_dim3A_29 {add = true} : memref<10240xf32, #tpu.memory_space<vmem>>[vector<16xi32>], vector<16xf32>,
      %dma_wait3A_1190 = arith.constant 0 : i32
      %dma_wait3A_1191 = arith.constant 0 : i32
      %dma_wait3A_1192 = arith.constant 1 : i32
      %dma_wait3A_1193 = arith.constant 1 : i32
      %dma_wait3A_1194 = arith.constant 0 : i32
      %dma_wait3A_1195 = arith.constant 0 : i32
      %dma_wait3A_1196 = tpu.memref_slice %arg9[%dma_wait3A_1192, %dma_wait3A_1194, %dma_wait3A_1195] : memref<2x128x128xf32, #tpu.memory_space<vmem>> -> memref<1x128x128xf32, #tpu.memory_space<vmem>>
      %dma_wait3A_1197 = tpu.memref_squeeze %dma_wait3A_1196 : memref<1x128x128xf32, #tpu.memory_space<vmem>> -> memref<128x128xf32, #tpu.memory_space<vmem>>
      %dma_wait3A_1198 = arith.constant 0 : i32
      %dma_wait3A_1199 = tpu.memref_slice %arg7[%dma_wait3A_1190, %dma_wait3A_1191, %dma_wait3A_1198] : memref<2x8x128xi32, #tpu.memory_space<vmem>> -> memref<1x1x128xi32, #tpu.memory_space<vmem>>
      %dma_wait3A_1200 = tpu.memref_squeeze %dma_wait3A_1199 : memref<1x1x128xi32, #tpu.memory_space<vmem>> -> memref<128xi32, #tpu.memory_space<vmem>>
      %dma_wait3A_1201 = arith.constant 0 : i32
      %dma_wait3A_1202 = arith.constant 0 : i32
      %dma_wait3A_1203 = tpu.memref_slice %arg2[%dma_wait3A_1201, %dma_wait3A_1202] : memref<10000x128xf32, #tpu.memory_space<hbm>> -> memref<10000x128xf32, #tpu.memory_space<hbm>>
      %dma_wait3A_1204 = tpu.memref_slice %arg12[%dma_wait3A_1193] : memref<2x!tpu.dma_semaphore, #tpu.memory_space<semaphore_mem>> -> memref<1x!tpu.dma_semaphore, #tpu.memory_space<semaphore_mem>>
      %dma_wait3A_1205 = tpu.memref_squeeze %dma_wait3A_1204 : memref<1x!tpu.dma_semaphore, #tpu.memory_space<semaphore_mem>> -> memref<!tpu.dma_semaphore, #tpu.memory_space<semaphore_mem>>
      tpu.wait_indirect_dma semaphore(%dma_wait3A_1205 : memref<!tpu.dma_semaphore, #tpu.memory_space<semaphore_mem>>) src(%dma_wait3A_1203 : memref<10000x128xf32, #tpu.memory_space<hbm>>) dst(%dma_wait3A_1197 : memref<128x128xf32, #tpu.memory_space<vmem>>)
      %dma_start3A_1206 = arith.constant 1 : i32
      %dma_start3A_1207 = arith.constant 7 : i32
      %dma_start3A_1208 = arith.constant 1 : i32
      %dma_start3A_1209 = arith.constant 0 : i32
      %dma_start3A_1210 = arith.constant 0 : i32
      %dma_start3A_1211 = tpu.memref_slice %arg9[%dma_start3A_1206, %dma_start3A_1209, %dma_start3A_1210] : memref<2x128x128xf32, #tpu.memory_space<vmem>> -> memref<1x128x128xf32, #tpu.memory_space<vmem>>
      %dma_start3A_1212 = tpu.memref_squeeze %dma_start3A_1211 : memref<1x128x128xf32, #tpu.memory_space<vmem>> -> memref<128x128xf32, #tpu.memory_space<vmem>>
      %dma_start3A_1213 = arith.constant 0 : i32
      %dma_start3A_1214 = tpu.memref_slice %arg8[%sub3A_1086, %dma_start3A_1207, %dma_start3A_1213] : memref<2x8x128xi32, #tpu.memory_space<vmem>> -> memref<1x1x128xi32, #tpu.memory_space<vmem>>
      %dma_start3A_1215 = tpu.memref_squeeze %dma_start3A_1214 : memref<1x1x128xi32, #tpu.memory_space<vmem>> -> memref<128xi32, #tpu.memory_space<vmem>>
      %dma_start3A_1216 = arith.constant 0 : i32
      %dma_start3A_1217 = arith.constant 0 : i32
      %dma_start3A_1218 = tpu.memref_slice %arg11[%dma_start3A_1216, %dma_start3A_1217] : memref<10240x128xf32, #tpu.memory_space<vmem_shared>> -> memref<10240x128xf32, #tpu.memory_space<vmem_shared>>
      %dma_start3A_1219 = tpu.memref_slice %arg13[%dma_start3A_1208] : memref<2x!tpu.dma_semaphore, #tpu.memory_space<semaphore_mem>> -> memref<1x!tpu.dma_semaphore, #tpu.memory_space<semaphore_mem>>
      %dma_start3A_1220 = tpu.memref_squeeze %dma_start3A_1219 : memref<1x!tpu.dma_semaphore, #tpu.memory_space<semaphore_mem>> -> memref<!tpu.dma_semaphore, #tpu.memory_space<semaphore_mem>>
      tpu.enqueue_indirect_dma source(%dma_start3A_1212 : memref<128x128xf32, #tpu.memory_space<vmem>>) target(%dma_start3A_1218 : memref<10240x128xf32, #tpu.memory_space<vmem_shared>>) offsets(%dma_start3A_1215 : memref<128xi32, #tpu.memory_space<vmem>>) semaphore(%dma_start3A_1220 : memref<!tpu.dma_semaphore, #tpu.memory_space<semaphore_mem>>) {add = true}
      %dma_wait3A_1221 = arith.constant 1 : i32
      %dma_wait3A_1222 = arith.constant 0 : i32
      %dma_wait3A_1223 = arith.constant 0 : i32
      %dma_wait3A_1224 = arith.constant 1 : i32
      %dma_wait3A_1225 = arith.constant 0 : i32
      %dma_wait3A_1226 = arith.constant 0 : i32
      %dma_wait3A_1227 = tpu.memref_slice %arg9[%dma_wait3A_1221, %dma_wait3A_1225, %dma_wait3A_1226] : memref<2x128x128xf32, #tpu.memory_space<vmem>> -> memref<1x128x128xf32, #tpu.memory_space<vmem>>
      %dma_wait3A_1228 = tpu.memref_squeeze %dma_wait3A_1227 : memref<1x128x128xf32, #tpu.memory_space<vmem>> -> memref<128x128xf32, #tpu.memory_space<vmem>>
      %dma_wait3A_1229 = arith.constant 0 : i32
      %dma_wait3A_1230 = tpu.memref_slice %arg8[%dma_wait3A_1222, %dma_wait3A_1223, %dma_wait3A_1229] : memref<2x8x128xi32, #tpu.memory_space<vmem>> -> memref<1x1x128xi32, #tpu.memory_space<vmem>>
      %dma_wait3A_1231 = tpu.memref_squeeze %dma_wait3A_1230 : memref<1x1x128xi32, #tpu.memory_space<vmem>> -> memref<128xi32, #tpu.memory_space<vmem>>
      %dma_wait3A_1232 = arith.constant 0 : i32
      %dma_wait3A_1233 = arith.constant 0 : i32
      %dma_wait3A_1234 = tpu.memref_slice %arg11[%dma_wait3A_1232, %dma_wait3A_1233] : memref<10240x128xf32, #tpu.memory_space<vmem_shared>> -> memref<10240x128xf32, #tpu.memory_space<vmem_shared>>
      %dma_wait3A_1235 = tpu.memref_slice %arg13[%dma_wait3A_1224] : memref<2x!tpu.dma_semaphore, #tpu.memory_space<semaphore_mem>> -> memref<1x!tpu.dma_semaphore, #tpu.memory_space<semaphore_mem>>
      %dma_wait3A_1236 = tpu.memref_squeeze %dma_wait3A_1235 : memref<1x!tpu.dma_semaphore, #tpu.memory_space<semaphore_mem>> -> memref<!tpu.dma_semaphore, #tpu.memory_space<semaphore_mem>>
      tpu.wait_indirect_dma semaphore(%dma_wait3A_1236 : memref<!tpu.dma_semaphore, #tpu.memory_space<semaphore_mem>>) src(%dma_wait3A_1228 : memref<128x128xf32, #tpu.memory_space<vmem>>) dst(%dma_wait3A_1234 : memref<10240x128xf32, #tpu.memory_space<vmem_shared>>)
      %dma_start3A_1237 = arith.constant 1 : i32
      %dma_start3A_1238 = arith.constant 1 : i32
      %dma_start3A_1239 = arith.constant 1 : i32
      %dma_start3A_1240 = arith.constant 0 : i32
      %dma_start3A_1241 = arith.constant 0 : i32
      %dma_start3A_1242 = tpu.memref_slice %arg9[%dma_start3A_1238, %dma_start3A_1240, %dma_start3A_1241] : memref<2x128x128xf32, #tpu.memory_space<vmem>> -> memref<1x128x128xf32, #tpu.memory_space<vmem>>
      %dma_start3A_1243 = tpu.memref_squeeze %dma_start3A_1242 : memref<1x128x128xf32, #tpu.memory_space<vmem>> -> memref<128x128xf32, #tpu.memory_space<vmem>>
      %dma_start3A_1244 = arith.constant 0 : i32
      %dma_start3A_1245 = tpu.memref_slice %arg7[%rem3A_1084, %dma_start3A_1237, %dma_start3A_1244] : memref<2x8x128xi32, #tpu.memory_space<vmem>> -> memref<1x1x128xi32, #tpu.memory_space<vmem>>
      %dma_start3A_1246 = tpu.memref_squeeze %dma_start3A_1245 : memref<1x1x128xi32, #tpu.memory_space<vmem>> -> memref<128xi32, #tpu.memory_space<vmem>>
      %dma_start3A_1247 = arith.constant 0 : i32
      %dma_start3A_1248 = arith.constant 0 : i32
      %dma_start3A_1249 = tpu.memref_slice %arg2[%dma_start3A_1247, %dma_start3A_1248] : memref<10000x128xf32, #tpu.memory_space<hbm>> -> memref<10000x128xf32, #tpu.memory_space<hbm>>
      %dma_start3A_1250 = tpu.memref_slice %arg12[%dma_start3A_1239] : memref<2x!tpu.dma_semaphore, #tpu.memory_space<semaphore_mem>> -> memref<1x!tpu.dma_semaphore, #tpu.memory_space<semaphore_mem>>
      %dma_start3A_1251 = tpu.memref_squeeze %dma_start3A_1250 : memref<1x!tpu.dma_semaphore, #tpu.memory_space<semaphore_mem>> -> memref<!tpu.dma_semaphore, #tpu.memory_space<semaphore_mem>>
      tpu.enqueue_indirect_dma source(%dma_start3A_1249 : memref<10000x128xf32, #tpu.memory_space<hbm>>) target(%dma_start3A_1243 : memref<128x128xf32, #tpu.memory_space<vmem>>) offsets(%dma_start3A_1246 : memref<128xi32, #tpu.memory_space<vmem>>) semaphore(%dma_start3A_1251 : memref<!tpu.dma_semaphore, #tpu.memory_space<semaphore_mem>>)
      %get3A_1252 = arith.constant 1 : i32
      %get3A_1253 = arith.index_cast %rem3A_1084 : i32 to index
      %get3A_1254 = arith.index_cast %get3A_1252 : i32 to index
      %get3A_1255 = arith.constant 0 : index
      %get3A_1256 = tpu.vector_load %arg8[%get3A_1253, %get3A_1254, %get3A_1255] {strides = array<i32>} : memref<2x8x128xi32, #tpu.memory_space<vmem>>, vector<16xi32>,
      tpu.vector_store_idx %arg10[%get3A_1256], %broadcast_in_dim3A_29 {add = true} : memref<10240xf32, #tpu.memory_space<vmem>>[vector<16xi32>], vector<16xf32>,
      %get3A_1257 = arith.constant 1 : i32
      %get3A_1258 = arith.index_cast %rem3A_1084 : i32 to index
      %get3A_1259 = arith.index_cast %get3A_1257 : i32 to index
      %get3A_1260 = arith.constant 16 : index
      %get3A_1261 = tpu.vector_load %arg8[%get3A_1258, %get3A_1259, %get3A_1260] {strides = array<i32>} : memref<2x8x128xi32, #tpu.memory_space<vmem>>, vector<16xi32>,
      tpu.vector_store_idx %arg10[%get3A_1261], %broadcast_in_dim3A_29 {add = true} : memref<10240xf32, #tpu.memory_space<vmem>>[vector<16xi32>], vector<16xf32>,
      %get3A_1262 = arith.constant 1 : i32
      %get3A_1263 = arith.index_cast %rem3A_1084 : i32 to index
      %get3A_1264 = arith.index_cast %get3A_1262 : i32 to index
      %get3A_1265 = arith.constant 32 : index
      %get3A_1266 = tpu.vector_load %arg8[%get3A_1263, %get3A_1264, %get3A_1265] {strides = array<i32>} : memref<2x8x128xi32, #tpu.memory_space<vmem>>, vector<16xi32>,
      tpu.vector_store_idx %arg10[%get3A_1266], %broadcast_in_dim3A_29 {add = true} : memref<10240xf32, #tpu.memory_space<vmem>>[vector<16xi32>], vector<16xf32>,
      %get3A_1267 = arith.constant 1 : i32
      %get3A_1268 = arith.index_cast %rem3A_1084 : i32 to index
      %get3A_1269 = arith.index_cast %get3A_1267 : i32 to index
      %get3A_1270 = arith.constant 48 : index
      %get3A_1271 = tpu.vector_load %arg8[%get3A_1268, %get3A_1269, %get3A_1270] {strides = array<i32>} : memref<2x8x128xi32, #tpu.memory_space<vmem>>, vector<16xi32>,
      tpu.vector_store_idx %arg10[%get3A_1271], %broadcast_in_dim3A_29 {add = true} : memref<10240xf32, #tpu.memory_space<vmem>>[vector<16xi32>], vector<16xf32>,
      %get3A_1272 = arith.constant 1 : i32
      %get3A_1273 = arith.index_cast %rem3A_1084 : i32 to index
      %get3A_1274 = arith.index_cast %get3A_1272 : i32 to index
      %get3A_1275 = arith.constant 64 : index
      %get3A_1276 = tpu.vector_load %arg8[%get3A_1273, %get3A_1274, %get3A_1275] {strides = array<i32>} : memref<2x8x128xi32, #tpu.memory_space<vmem>>, vector<16xi32>,
      tpu.vector_store_idx %arg10[%get3A_1276], %broadcast_in_dim3A_29 {add = true} : memref<10240xf32, #tpu.memory_space<vmem>>[vector<16xi32>], vector<16xf32>,
      %get3A_1277 = arith.constant 1 : i32
      %get3A_1278 = arith.index_cast %rem3A_1084 : i32 to index
      %get3A_1279 = arith.index_cast %get3A_1277 : i32 to index
      %get3A_1280 = arith.constant 80 : index
      %get3A_1281 = tpu.vector_load %arg8[%get3A_1278, %get3A_1279, %get3A_1280] {strides = array<i32>} : memref<2x8x128xi32, #tpu.memory_space<vmem>>, vector<16xi32>,
      tpu.vector_store_idx %arg10[%get3A_1281], %broadcast_in_dim3A_29 {add = true} : memref<10240xf32, #tpu.memory_space<vmem>>[vector<16xi32>], vector<16xf32>,
      %get3A_1282 = arith.constant 1 : i32
      %get3A_1283 = arith.index_cast %rem3A_1084 : i32 to index
      %get3A_1284 = arith.index_cast %get3A_1282 : i32 to index
      %get3A_1285 = arith.constant 96 : index
      %get3A_1286 = tpu.vector_load %arg8[%get3A_1283, %get3A_1284, %get3A_1285] {strides = array<i32>} : memref<2x8x128xi32, #tpu.memory_space<vmem>>, vector<16xi32>,
      tpu.vector_store_idx %arg10[%get3A_1286], %broadcast_in_dim3A_29 {add = true} : memref<10240xf32, #tpu.memory_space<vmem>>[vector<16xi32>], vector<16xf32>,
      %get3A_1287 = arith.constant 1 : i32
      %get3A_1288 = arith.index_cast %rem3A_1084 : i32 to index
      %get3A_1289 = arith.index_cast %get3A_1287 : i32 to index
      %get3A_1290 = arith.constant 112 : index
      %get3A_1291 = tpu.vector_load %arg8[%get3A_1288, %get3A_1289, %get3A_1290] {strides = array<i32>} : memref<2x8x128xi32, #tpu.memory_space<vmem>>, vector<16xi32>,
      tpu.vector_store_idx %arg10[%get3A_1291], %broadcast_in_dim3A_29 {add = true} : memref<10240xf32, #tpu.memory_space<vmem>>[vector<16xi32>], vector<16xf32>,
      %dma_wait3A_1292 = arith.constant 0 : i32
      %dma_wait3A_1293 = arith.constant 0 : i32
      %dma_wait3A_1294 = arith.constant 0 : i32
      %dma_wait3A_1295 = arith.constant 0 : i32
      %dma_wait3A_1296 = arith.constant 0 : i32
      %dma_wait3A_1297 = arith.constant 0 : i32
      %dma_wait3A_1298 = tpu.memref_slice %arg9[%dma_wait3A_1294, %dma_wait3A_1296, %dma_wait3A_1297] : memref<2x128x128xf32, #tpu.memory_space<vmem>> -> memref<1x128x128xf32, #tpu.memory_space<vmem>>
      %dma_wait3A_1299 = tpu.memref_squeeze %dma_wait3A_1298 : memref<1x128x128xf32, #tpu.memory_space<vmem>> -> memref<128x128xf32, #tpu.memory_space<vmem>>
      %dma_wait3A_1300 = arith.constant 0 : i32
      %dma_wait3A_1301 = tpu.memref_slice %arg7[%dma_wait3A_1292, %dma_wait3A_1293, %dma_wait3A_1300] : memref<2x8x128xi32, #tpu.memory_space<vmem>> -> memref<1x1x128xi32, #tpu.memory_space<vmem>>
      %dma_wait3A_1302 = tpu.memref_squeeze %dma_wait3A_1301 : memref<1x1x128xi32, #tpu.memory_space<vmem>> -> memref<128xi32, #tpu.memory_space<vmem>>
      %dma_wait3A_1303 = arith.constant 0 : i32
      %dma_wait3A_1304 = arith.constant 0 : i32
      %dma_wait3A_1305 = tpu.memref_slice %arg2[%dma_wait3A_1303, %dma_wait3A_1304] : memref<10000x128xf32, #tpu.memory_space<hbm>> -> memref<10000x128xf32, #tpu.memory_space<hbm>>
      %dma_wait3A_1306 = tpu.memref_slice %arg12[%dma_wait3A_1295] : memref<2x!tpu.dma_semaphore, #tpu.memory_space<semaphore_mem>> -> memref<1x!tpu.dma_semaphore, #tpu.memory_space<semaphore_mem>>
      %dma_wait3A_1307 = tpu.memref_squeeze %dma_wait3A_1306 : memref<1x!tpu.dma_semaphore, #tpu.memory_space<semaphore_mem>> -> memref<!tpu.dma_semaphore, #tpu.memory_space<semaphore_mem>>
      tpu.wait_indirect_dma semaphore(%dma_wait3A_1307 : memref<!tpu.dma_semaphore, #tpu.memory_space<semaphore_mem>>) src(%dma_wait3A_1305 : memref<10000x128xf32, #tpu.memory_space<hbm>>) dst(%dma_wait3A_1299 : memref<128x128xf32, #tpu.memory_space<vmem>>)
      %dma_start3A_1308 = arith.constant 0 : i32
      %dma_start3A_1309 = arith.constant 0 : i32
      %dma_start3A_1310 = arith.constant 0 : i32
      %dma_start3A_1311 = arith.constant 0 : i32
      %dma_start3A_1312 = arith.constant 0 : i32
      %dma_start3A_1313 = tpu.memref_slice %arg9[%dma_start3A_1308, %dma_start3A_1311, %dma_start3A_1312] : memref<2x128x128xf32, #tpu.memory_space<vmem>> -> memref<1x128x128xf32, #tpu.memory_space<vmem>>
      %dma_start3A_1314 = tpu.memref_squeeze %dma_start3A_1313 : memref<1x128x128xf32, #tpu.memory_space<vmem>> -> memref<128x128xf32, #tpu.memory_space<vmem>>
      %dma_start3A_1315 = arith.constant 0 : i32
      %dma_start3A_1316 = tpu.memref_slice %arg8[%rem3A_1084, %dma_start3A_1309, %dma_start3A_1315] : memref<2x8x128xi32, #tpu.memory_space<vmem>> -> memref<1x1x128xi32, #tpu.memory_space<vmem>>
      %dma_start3A_1317 = tpu.memref_squeeze %dma_start3A_1316 : memref<1x1x128xi32, #tpu.memory_space<vmem>> -> memref<128xi32, #tpu.memory_space<vmem>>
      %dma_start3A_1318 = arith.constant 0 : i32
      %dma_start3A_1319 = arith.constant 0 : i32
      %dma_start3A_1320 = tpu.memref_slice %arg11[%dma_start3A_1318, %dma_start3A_1319] : memref<10240x128xf32, #tpu.memory_space<vmem_shared>> -> memref<10240x128xf32, #tpu.memory_space<vmem_shared>>
      %dma_start3A_1321 = tpu.memref_slice %arg13[%dma_start3A_1310] : memref<2x!tpu.dma_semaphore, #tpu.memory_space<semaphore_mem>> -> memref<1x!tpu.dma_semaphore, #tpu.memory_space<semaphore_mem>>
      %dma_start3A_1322 = tpu.memref_squeeze %dma_start3A_1321 : memref<1x!tpu.dma_semaphore, #tpu.memory_space<semaphore_mem>> -> memref<!tpu.dma_semaphore, #tpu.memory_space<semaphore_mem>>
      tpu.enqueue_indirect_dma source(%dma_start3A_1314 : memref<128x128xf32, #tpu.memory_space<vmem>>) target(%dma_start3A_1320 : memref<10240x128xf32, #tpu.memory_space<vmem_shared>>) offsets(%dma_start3A_1317 : memref<128xi32, #tpu.memory_space<vmem>>) semaphore(%dma_start3A_1322 : memref<!tpu.dma_semaphore, #tpu.memory_space<semaphore_mem>>) {add = true}
      %sub3A_1323 = arith.constant 1 : i32
      %sub3A_1324 = arith.subi %select_n3A_19, %sub3A_1323 : i32
      %lt3A = arith.cmpi slt, %while3A_1082, %sub3A_1324 : i32
      %convert_element_type3A_1325 = arith.extui %lt3A : i1 to i32
      %cond3A_1326 = arith.constant 0 : i32
      %cond3A_1327 = arith.cmpi ne, %convert_element_type3A_1325, %cond3A_1326 : i32
      scf.if %cond3A_1327 {
        %add3A_1940 = arith.constant 1 : i32
        %add3A_1941 = arith.addi %while3A_1082, %add3A_1940 : i32
        %mul3A_1942 = arith.constant 8 : i32
        %mul3A_1943 = arith.muli %add3A_1941, %mul3A_1942 : i32
        %add3A_1944 = arith.addi %select_n3A_26, %mul3A_1943 : i32
        %dma_start3A_1945 = arith.constant 0 : i32
        %dma_start3A_1946 = arith.constant 0 : i32
        %dma_start3A_1947 = tpu.memref_slice %arg7[%sub3A_1086, %dma_start3A_1945, %dma_start3A_1946] : memref<2x8x128xi32, #tpu.memory_space<vmem>> -> memref<1x8x128xi32, #tpu.memory_space<vmem>>
        %dma_start3A_1948 = tpu.memref_squeeze %dma_start3A_1947 : memref<1x8x128xi32, #tpu.memory_space<vmem>> -> memref<8x128xi32, #tpu.memory_space<vmem>>
        %dma_start3A_1949 = arith.constant 0 : i32
        %dma_start3A_1950 = tpu.memref_slice %arg3[%add3A_1944, %dma_start3A_1949] : memref<2560x128xi32, #tpu.memory_space<hbm>> -> memref<8x128xi32, #tpu.memory_space<hbm>>
        %dma_start3A_1951 = tpu.memref_slice %arg14[%sub3A_1086] : memref<2x!tpu.dma_semaphore, #tpu.memory_space<semaphore_mem>> -> memref<1x!tpu.dma_semaphore, #tpu.memory_space<semaphore_mem>>
        %dma_start3A_1952 = tpu.memref_squeeze %dma_start3A_1951 : memref<1x!tpu.dma_semaphore, #tpu.memory_space<semaphore_mem>> -> memref<!tpu.dma_semaphore, #tpu.memory_space<semaphore_mem>>
        %dma_start3A_1953 = arith.constant 0 : i32
        %dma_start3A_1954 = arith.constant 0 : i32
        %dma_start3A_1955 = tpu.memref_slice %arg7[%sub3A_1086, %dma_start3A_1953, %dma_start3A_1954] : memref<2x8x128xi32, #tpu.memory_space<vmem>> -> memref<1x8x128xi32, #tpu.memory_space<vmem>>
        %dma_start3A_1956 = tpu.memref_squeeze %dma_start3A_1955 : memref<1x8x128xi32, #tpu.memory_space<vmem>> -> memref<8x128xi32, #tpu.memory_space<vmem>>
        %dma_start3A_1957 = arith.constant 0 : i32
        %dma_start3A_1958 = tpu.memref_slice %arg3[%add3A_1944, %dma_start3A_1957] : memref<2560x128xi32, #tpu.memory_space<hbm>> -> memref<8x128xi32, #tpu.memory_space<hbm>>
        tpu.enqueue_dma source(%dma_start3A_1958 : memref<8x128xi32, #tpu.memory_space<hbm>>) target(%dma_start3A_1956 : memref<8x128xi32, #tpu.memory_space<vmem>>) target_semaphore(%dma_start3A_1952 : memref<!tpu.dma_semaphore, #tpu.memory_space<semaphore_mem>>)
        %dma_start3A_1959 = arith.constant 0 : i32
        %dma_start3A_1960 = arith.constant 0 : i32
        %dma_start3A_1961 = tpu.memref_slice %arg8[%sub3A_1086, %dma_start3A_1959, %dma_start3A_1960] : memref<2x8x128xi32, #tpu.memory_space<vmem>> -> memref<1x8x128xi32, #tpu.memory_space<vmem>>
        %dma_start3A_1962 = tpu.memref_squeeze %dma_start3A_1961 : memref<1x8x128xi32, #tpu.memory_space<vmem>> -> memref<8x128xi32, #tpu.memory_space<vmem>>
        %dma_start3A_1963 = arith.constant 0 : i32
        %dma_start3A_1964 = tpu.memref_slice %arg4[%add3A_1944, %dma_start3A_1963] : memref<2560x128xi32, #tpu.memory_space<hbm>> -> memref<8x128xi32, #tpu.memory_space<hbm>>
        %dma_start3A_1965 = tpu.memref_slice %arg14[%sub3A_1086] : memref<2x!tpu.dma_semaphore, #tpu.memory_space<semaphore_mem>> -> memref<1x!tpu.dma_semaphore, #tpu.memory_space<semaphore_mem>>
        %dma_start3A_1966 = tpu.memref_squeeze %dma_start3A_1965 : memref<1x!tpu.dma_semaphore, #tpu.memory_space<semaphore_mem>> -> memref<!tpu.dma_semaphore, #tpu.memory_space<semaphore_mem>>
        %dma_start3A_1967 = arith.constant 0 : i32
        %dma_start3A_1968 = arith.constant 0 : i32
        %dma_start3A_1969 = tpu.memref_slice %arg8[%sub3A_1086, %dma_start3A_1967, %dma_start3A_1968] : memref<2x8x128xi32, #tpu.memory_space<vmem>> -> memref<1x8x128xi32, #tpu.memory_space<vmem>>
        %dma_start3A_1970 = tpu.memref_squeeze %dma_start3A_1969 : memref<1x8x128xi32, #tpu.memory_space<vmem>> -> memref<8x128xi32, #tpu.memory_space<vmem>>
        %dma_start3A_1971 = arith.constant 0 : i32
        %dma_start3A_1972 = tpu.memref_slice %arg4[%add3A_1944, %dma_start3A_1971] : memref<2560x128xi32, #tpu.memory_space<hbm>> -> memref<8x128xi32, #tpu.memory_space<hbm>>
        tpu.enqueue_dma source(%dma_start3A_1972 : memref<8x128xi32, #tpu.memory_space<hbm>>) target(%dma_start3A_1970 : memref<8x128xi32, #tpu.memory_space<vmem>>) target_semaphore(%dma_start3A_1966 : memref<!tpu.dma_semaphore, #tpu.memory_space<semaphore_mem>>)
      } else {
      }
      %dma_wait3A_1328 = arith.constant 0 : i32
      %dma_wait3A_1329 = arith.constant 0 : i32
      %dma_wait3A_1330 = arith.constant 0 : i32
      %dma_wait3A_1331 = arith.constant 0 : i32
      %dma_wait3A_1332 = arith.constant 0 : i32
      %dma_wait3A_1333 = arith.constant 0 : i32
      %dma_wait3A_1334 = tpu.memref_slice %arg9[%dma_wait3A_1328, %dma_wait3A_1332, %dma_wait3A_1333] : memref<2x128x128xf32, #tpu.memory_space<vmem>> -> memref<1x128x128xf32, #tpu.memory_space<vmem>>
      %dma_wait3A_1335 = tpu.memref_squeeze %dma_wait3A_1334 : memref<1x128x128xf32, #tpu.memory_space<vmem>> -> memref<128x128xf32, #tpu.memory_space<vmem>>
      %dma_wait3A_1336 = arith.constant 0 : i32
      %dma_wait3A_1337 = tpu.memref_slice %arg8[%dma_wait3A_1329, %dma_wait3A_1330, %dma_wait3A_1336] : memref<2x8x128xi32, #tpu.memory_space<vmem>> -> memref<1x1x128xi32, #tpu.memory_space<vmem>>
      %dma_wait3A_1338 = tpu.memref_squeeze %dma_wait3A_1337 : memref<1x1x128xi32, #tpu.memory_space<vmem>> -> memref<128xi32, #tpu.memory_space<vmem>>
      %dma_wait3A_1339 = arith.constant 0 : i32
      %dma_wait3A_1340 = arith.constant 0 : i32
      %dma_wait3A_1341 = tpu.memref_slice %arg11[%dma_wait3A_1339, %dma_wait3A_1340] : memref<10240x128xf32, #tpu.memory_space<vmem_shared>> -> memref<10240x128xf32, #tpu.memory_space<vmem_shared>>
      %dma_wait3A_1342 = tpu.memref_slice %arg13[%dma_wait3A_1331] : memref<2x!tpu.dma_semaphore, #tpu.memory_space<semaphore_mem>> -> memref<1x!tpu.dma_semaphore, #tpu.memory_space<semaphore_mem>>
      %dma_wait3A_1343 = tpu.memref_squeeze %dma_wait3A_1342 : memref<1x!tpu.dma_semaphore, #tpu.memory_space<semaphore_mem>> -> memref<!tpu.dma_semaphore, #tpu.memory_space<semaphore_mem>>
      tpu.wait_indirect_dma semaphore(%dma_wait3A_1343 : memref<!tpu.dma_semaphore, #tpu.memory_space<semaphore_mem>>) src(%dma_wait3A_1335 : memref<128x128xf32, #tpu.memory_space<vmem>>) dst(%dma_wait3A_1341 : memref<10240x128xf32, #tpu.memory_space<vmem_shared>>)
      %dma_start3A_1344 = arith.constant 2 : i32
      %dma_start3A_1345 = arith.constant 0 : i32
      %dma_start3A_1346 = arith.constant 0 : i32
      %dma_start3A_1347 = arith.constant 0 : i32
      %dma_start3A_1348 = arith.constant 0 : i32
      %dma_start3A_1349 = tpu.memref_slice %arg9[%dma_start3A_1345, %dma_start3A_1347, %dma_start3A_1348] : memref<2x128x128xf32, #tpu.memory_space<vmem>> -> memref<1x128x128xf32, #tpu.memory_space<vmem>>
      %dma_start3A_1350 = tpu.memref_squeeze %dma_start3A_1349 : memref<1x128x128xf32, #tpu.memory_space<vmem>> -> memref<128x128xf32, #tpu.memory_space<vmem>>
      %dma_start3A_1351 = arith.constant 0 : i32
      %dma_start3A_1352 = tpu.memref_slice %arg7[%rem3A_1084, %dma_start3A_1344, %dma_start3A_1351] : memref<2x8x128xi32, #tpu.memory_space<vmem>> -> memref<1x1x128xi32, #tpu.memory_space<vmem>>
      %dma_start3A_1353 = tpu.memref_squeeze %dma_start3A_1352 : memref<1x1x128xi32, #tpu.memory_space<vmem>> -> memref<128xi32, #tpu.memory_space<vmem>>
      %dma_start3A_1354 = arith.constant 0 : i32
      %dma_start3A_1355 = arith.constant 0 : i32
      %dma_start3A_1356 = tpu.memref_slice %arg2[%dma_start3A_1354, %dma_start3A_1355] : memref<10000x128xf32, #tpu.memory_space<hbm>> -> memref<10000x128xf32, #tpu.memory_space<hbm>>
      %dma_start3A_1357 = tpu.memref_slice %arg12[%dma_start3A_1346] : memref<2x!tpu.dma_semaphore, #tpu.memory_space<semaphore_mem>> -> memref<1x!tpu.dma_semaphore, #tpu.memory_space<semaphore_mem>>
      %dma_start3A_1358 = tpu.memref_squeeze %dma_start3A_1357 : memref<1x!tpu.dma_semaphore, #tpu.memory_space<semaphore_mem>> -> memref<!tpu.dma_semaphore, #tpu.memory_space<semaphore_mem>>
      tpu.enqueue_indirect_dma source(%dma_start3A_1356 : memref<10000x128xf32, #tpu.memory_space<hbm>>) target(%dma_start3A_1350 : memref<128x128xf32, #tpu.memory_space<vmem>>) offsets(%dma_start3A_1353 : memref<128xi32, #tpu.memory_space<vmem>>) semaphore(%dma_start3A_1358 : memref<!tpu.dma_semaphore, #tpu.memory_space<semaphore_mem>>)
      %get3A_1359 = arith.constant 2 : i32
      %get3A_1360 = arith.index_cast %rem3A_1084 : i32 to index
      %get3A_1361 = arith.index_cast %get3A_1359 : i32 to index
      %get3A_1362 = arith.constant 0 : index
      %get3A_1363 = tpu.vector_load %arg8[%get3A_1360, %get3A_1361, %get3A_1362] {strides = array<i32>} : memref<2x8x128xi32, #tpu.memory_space<vmem>>, vector<16xi32>,
      tpu.vector_store_idx %arg10[%get3A_1363], %broadcast_in_dim3A_29 {add = true} : memref<10240xf32, #tpu.memory_space<vmem>>[vector<16xi32>], vector<16xf32>,
      %get3A_1364 = arith.constant 2 : i32
      %get3A_1365 = arith.index_cast %rem3A_1084 : i32 to index
      %get3A_1366 = arith.index_cast %get3A_1364 : i32 to index
      %get3A_1367 = arith.constant 16 : index
      %get3A_1368 = tpu.vector_load %arg8[%get3A_1365, %get3A_1366, %get3A_1367] {strides = array<i32>} : memref<2x8x128xi32, #tpu.memory_space<vmem>>, vector<16xi32>,
      tpu.vector_store_idx %arg10[%get3A_1368], %broadcast_in_dim3A_29 {add = true} : memref<10240xf32, #tpu.memory_space<vmem>>[vector<16xi32>], vector<16xf32>,
      %get3A_1369 = arith.constant 2 : i32
      %get3A_1370 = arith.index_cast %rem3A_1084 : i32 to index
      %get3A_1371 = arith.index_cast %get3A_1369 : i32 to index
      %get3A_1372 = arith.constant 32 : index
      %get3A_1373 = tpu.vector_load %arg8[%get3A_1370, %get3A_1371, %get3A_1372] {strides = array<i32>} : memref<2x8x128xi32, #tpu.memory_space<vmem>>, vector<16xi32>,
      tpu.vector_store_idx %arg10[%get3A_1373], %broadcast_in_dim3A_29 {add = true} : memref<10240xf32, #tpu.memory_space<vmem>>[vector<16xi32>], vector<16xf32>,
      %get3A_1374 = arith.constant 2 : i32
      %get3A_1375 = arith.index_cast %rem3A_1084 : i32 to index
      %get3A_1376 = arith.index_cast %get3A_1374 : i32 to index
      %get3A_1377 = arith.constant 48 : index
      %get3A_1378 = tpu.vector_load %arg8[%get3A_1375, %get3A_1376, %get3A_1377] {strides = array<i32>} : memref<2x8x128xi32, #tpu.memory_space<vmem>>, vector<16xi32>,
      tpu.vector_store_idx %arg10[%get3A_1378], %broadcast_in_dim3A_29 {add = true} : memref<10240xf32, #tpu.memory_space<vmem>>[vector<16xi32>], vector<16xf32>,
      %get3A_1379 = arith.constant 2 : i32
      %get3A_1380 = arith.index_cast %rem3A_1084 : i32 to index
      %get3A_1381 = arith.index_cast %get3A_1379 : i32 to index
      %get3A_1382 = arith.constant 64 : index
      %get3A_1383 = tpu.vector_load %arg8[%get3A_1380, %get3A_1381, %get3A_1382] {strides = array<i32>} : memref<2x8x128xi32, #tpu.memory_space<vmem>>, vector<16xi32>,
      tpu.vector_store_idx %arg10[%get3A_1383], %broadcast_in_dim3A_29 {add = true} : memref<10240xf32, #tpu.memory_space<vmem>>[vector<16xi32>], vector<16xf32>,
      %get3A_1384 = arith.constant 2 : i32
      %get3A_1385 = arith.index_cast %rem3A_1084 : i32 to index
      %get3A_1386 = arith.index_cast %get3A_1384 : i32 to index
      %get3A_1387 = arith.constant 80 : index
      %get3A_1388 = tpu.vector_load %arg8[%get3A_1385, %get3A_1386, %get3A_1387] {strides = array<i32>} : memref<2x8x128xi32, #tpu.memory_space<vmem>>, vector<16xi32>,
      tpu.vector_store_idx %arg10[%get3A_1388], %broadcast_in_dim3A_29 {add = true} : memref<10240xf32, #tpu.memory_space<vmem>>[vector<16xi32>], vector<16xf32>,
      %get3A_1389 = arith.constant 2 : i32
      %get3A_1390 = arith.index_cast %rem3A_1084 : i32 to index
      %get3A_1391 = arith.index_cast %get3A_1389 : i32 to index
      %get3A_1392 = arith.constant 96 : index
      %get3A_1393 = tpu.vector_load %arg8[%get3A_1390, %get3A_1391, %get3A_1392] {strides = array<i32>} : memref<2x8x128xi32, #tpu.memory_space<vmem>>, vector<16xi32>,
      tpu.vector_store_idx %arg10[%get3A_1393], %broadcast_in_dim3A_29 {add = true} : memref<10240xf32, #tpu.memory_space<vmem>>[vector<16xi32>], vector<16xf32>,
      %get3A_1394 = arith.constant 2 : i32
      %get3A_1395 = arith.index_cast %rem3A_1084 : i32 to index
      %get3A_1396 = arith.index_cast %get3A_1394 : i32 to index
      %get3A_1397 = arith.constant 112 : index
      %get3A_1398 = tpu.vector_load %arg8[%get3A_1395, %get3A_1396, %get3A_1397] {strides = array<i32>} : memref<2x8x128xi32, #tpu.memory_space<vmem>>, vector<16xi32>,
      tpu.vector_store_idx %arg10[%get3A_1398], %broadcast_in_dim3A_29 {add = true} : memref<10240xf32, #tpu.memory_space<vmem>>[vector<16xi32>], vector<16xf32>,
      %dma_wait3A_1399 = arith.constant 0 : i32
      %dma_wait3A_1400 = arith.constant 0 : i32
      %dma_wait3A_1401 = arith.constant 1 : i32
      %dma_wait3A_1402 = arith.constant 1 : i32
      %dma_wait3A_1403 = arith.constant 0 : i32
      %dma_wait3A_1404 = arith.constant 0 : i32
      %dma_wait3A_1405 = tpu.memref_slice %arg9[%dma_wait3A_1401, %dma_wait3A_1403, %dma_wait3A_1404] : memref<2x128x128xf32, #tpu.memory_space<vmem>> -> memref<1x128x128xf32, #tpu.memory_space<vmem>>
      %dma_wait3A_1406 = tpu.memref_squeeze %dma_wait3A_1405 : memref<1x128x128xf32, #tpu.memory_space<vmem>> -> memref<128x128xf32, #tpu.memory_space<vmem>>
      %dma_wait3A_1407 = arith.constant 0 : i32
      %dma_wait3A_1408 = tpu.memref_slice %arg7[%dma_wait3A_1399, %dma_wait3A_1400, %dma_wait3A_1407] : memref<2x8x128xi32, #tpu.memory_space<vmem>> -> memref<1x1x128xi32, #tpu.memory_space<vmem>>
      %dma_wait3A_1409 = tpu.memref_squeeze %dma_wait3A_1408 : memref<1x1x128xi32, #tpu.memory_space<vmem>> -> memref<128xi32, #tpu.memory_space<vmem>>
      %dma_wait3A_1410 = arith.constant 0 : i32
      %dma_wait3A_1411 = arith.constant 0 : i32
      %dma_wait3A_1412 = tpu.memref_slice %arg2[%dma_wait3A_1410, %dma_wait3A_1411] : memref<10000x128xf32, #tpu.memory_space<hbm>> -> memref<10000x128xf32, #tpu.memory_space<hbm>>
      %dma_wait3A_1413 = tpu.memref_slice %arg12[%dma_wait3A_1402] : memref<2x!tpu.dma_semaphore, #tpu.memory_space<semaphore_mem>> -> memref<1x!tpu.dma_semaphore, #tpu.memory_space<semaphore_mem>>
      %dma_wait3A_1414 = tpu.memref_squeeze %dma_wait3A_1413 : memref<1x!tpu.dma_semaphore, #tpu.memory_space<semaphore_mem>> -> memref<!tpu.dma_semaphore, #tpu.memory_space<semaphore_mem>>
      tpu.wait_indirect_dma semaphore(%dma_wait3A_1414 : memref<!tpu.dma_semaphore, #tpu.memory_space<semaphore_mem>>) src(%dma_wait3A_1412 : memref<10000x128xf32, #tpu.memory_space<hbm>>) dst(%dma_wait3A_1406 : memref<128x128xf32, #tpu.memory_space<vmem>>)
      %dma_start3A_1415 = arith.constant 1 : i32
      %dma_start3A_1416 = arith.constant 1 : i32
      %dma_start3A_1417 = arith.constant 1 : i32
      %dma_start3A_1418 = arith.constant 0 : i32
      %dma_start3A_1419 = arith.constant 0 : i32
      %dma_start3A_1420 = tpu.memref_slice %arg9[%dma_start3A_1415, %dma_start3A_1418, %dma_start3A_1419] : memref<2x128x128xf32, #tpu.memory_space<vmem>> -> memref<1x128x128xf32, #tpu.memory_space<vmem>>
      %dma_start3A_1421 = tpu.memref_squeeze %dma_start3A_1420 : memref<1x128x128xf32, #tpu.memory_space<vmem>> -> memref<128x128xf32, #tpu.memory_space<vmem>>
      %dma_start3A_1422 = arith.constant 0 : i32
      %dma_start3A_1423 = tpu.memref_slice %arg8[%rem3A_1084, %dma_start3A_1416, %dma_start3A_1422] : memref<2x8x128xi32, #tpu.memory_space<vmem>> -> memref<1x1x128xi32, #tpu.memory_space<vmem>>
      %dma_start3A_1424 = tpu.memref_squeeze %dma_start3A_1423 : memref<1x1x128xi32, #tpu.memory_space<vmem>> -> memref<128xi32, #tpu.memory_space<vmem>>
      %dma_start3A_1425 = arith.constant 0 : i32
      %dma_start3A_1426 = arith.constant 0 : i32
      %dma_start3A_1427 = tpu.memref_slice %arg11[%dma_start3A_1425, %dma_start3A_1426] : memref<10240x128xf32, #tpu.memory_space<vmem_shared>> -> memref<10240x128xf32, #tpu.memory_space<vmem_shared>>
      %dma_start3A_1428 = tpu.memref_slice %arg13[%dma_start3A_1417] : memref<2x!tpu.dma_semaphore, #tpu.memory_space<semaphore_mem>> -> memref<1x!tpu.dma_semaphore, #tpu.memory_space<semaphore_mem>>
      %dma_start3A_1429 = tpu.memref_squeeze %dma_start3A_1428 : memref<1x!tpu.dma_semaphore, #tpu.memory_space<semaphore_mem>> -> memref<!tpu.dma_semaphore, #tpu.memory_space<semaphore_mem>>
      tpu.enqueue_indirect_dma source(%dma_start3A_1421 : memref<128x128xf32, #tpu.memory_space<vmem>>) target(%dma_start3A_1427 : memref<10240x128xf32, #tpu.memory_space<vmem_shared>>) offsets(%dma_start3A_1424 : memref<128xi32, #tpu.memory_space<vmem>>) semaphore(%dma_start3A_1429 : memref<!tpu.dma_semaphore, #tpu.memory_space<semaphore_mem>>) {add = true}
      %dma_wait3A_1430 = arith.constant 1 : i32
      %dma_wait3A_1431 = arith.constant 0 : i32
      %dma_wait3A_1432 = arith.constant 0 : i32
      %dma_wait3A_1433 = arith.constant 1 : i32
      %dma_wait3A_1434 = arith.constant 0 : i32
      %dma_wait3A_1435 = arith.constant 0 : i32
      %dma_wait3A_1436 = tpu.memref_slice %arg9[%dma_wait3A_1430, %dma_wait3A_1434, %dma_wait3A_1435] : memref<2x128x128xf32, #tpu.memory_space<vmem>> -> memref<1x128x128xf32, #tpu.memory_space<vmem>>
      %dma_wait3A_1437 = tpu.memref_squeeze %dma_wait3A_1436 : memref<1x128x128xf32, #tpu.memory_space<vmem>> -> memref<128x128xf32, #tpu.memory_space<vmem>>
      %dma_wait3A_1438 = arith.constant 0 : i32
      %dma_wait3A_1439 = tpu.memref_slice %arg8[%dma_wait3A_1431, %dma_wait3A_1432, %dma_wait3A_1438] : memref<2x8x128xi32, #tpu.memory_space<vmem>> -> memref<1x1x128xi32, #tpu.memory_space<vmem>>
      %dma_wait3A_1440 = tpu.memref_squeeze %dma_wait3A_1439 : memref<1x1x128xi32, #tpu.memory_space<vmem>> -> memref<128xi32, #tpu.memory_space<vmem>>
      %dma_wait3A_1441 = arith.constant 0 : i32
      %dma_wait3A_1442 = arith.constant 0 : i32
      %dma_wait3A_1443 = tpu.memref_slice %arg11[%dma_wait3A_1441, %dma_wait3A_1442] : memref<10240x128xf32, #tpu.memory_space<vmem_shared>> -> memref<10240x128xf32, #tpu.memory_space<vmem_shared>>
      %dma_wait3A_1444 = tpu.memref_slice %arg13[%dma_wait3A_1433] : memref<2x!tpu.dma_semaphore, #tpu.memory_space<semaphore_mem>> -> memref<1x!tpu.dma_semaphore, #tpu.memory_space<semaphore_mem>>
      %dma_wait3A_1445 = tpu.memref_squeeze %dma_wait3A_1444 : memref<1x!tpu.dma_semaphore, #tpu.memory_space<semaphore_mem>> -> memref<!tpu.dma_semaphore, #tpu.memory_space<semaphore_mem>>
      tpu.wait_indirect_dma semaphore(%dma_wait3A_1445 : memref<!tpu.dma_semaphore, #tpu.memory_space<semaphore_mem>>) src(%dma_wait3A_1437 : memref<128x128xf32, #tpu.memory_space<vmem>>) dst(%dma_wait3A_1443 : memref<10240x128xf32, #tpu.memory_space<vmem_shared>>)
      %dma_start3A_1446 = arith.constant 3 : i32
      %dma_start3A_1447 = arith.constant 1 : i32
      %dma_start3A_1448 = arith.constant 1 : i32
      %dma_start3A_1449 = arith.constant 0 : i32
      %dma_start3A_1450 = arith.constant 0 : i32
      %dma_start3A_1451 = tpu.memref_slice %arg9[%dma_start3A_1447, %dma_start3A_1449, %dma_start3A_1450] : memref<2x128x128xf32, #tpu.memory_space<vmem>> -> memref<1x128x128xf32, #tpu.memory_space<vmem>>
      %dma_start3A_1452 = tpu.memref_squeeze %dma_start3A_1451 : memref<1x128x128xf32, #tpu.memory_space<vmem>> -> memref<128x128xf32, #tpu.memory_space<vmem>>
      %dma_start3A_1453 = arith.constant 0 : i32
      %dma_start3A_1454 = tpu.memref_slice %arg7[%rem3A_1084, %dma_start3A_1446, %dma_start3A_1453] : memref<2x8x128xi32, #tpu.memory_space<vmem>> -> memref<1x1x128xi32, #tpu.memory_space<vmem>>
      %dma_start3A_1455 = tpu.memref_squeeze %dma_start3A_1454 : memref<1x1x128xi32, #tpu.memory_space<vmem>> -> memref<128xi32, #tpu.memory_space<vmem>>
      %dma_start3A_1456 = arith.constant 0 : i32
      %dma_start3A_1457 = arith.constant 0 : i32
      %dma_start3A_1458 = tpu.memref_slice %arg2[%dma_start3A_1456, %dma_start3A_1457] : memref<10000x128xf32, #tpu.memory_space<hbm>> -> memref<10000x128xf32, #tpu.memory_space<hbm>>
      %dma_start3A_1459 = tpu.memref_slice %arg12[%dma_start3A_1448] : memref<2x!tpu.dma_semaphore, #tpu.memory_space<semaphore_mem>> -> memref<1x!tpu.dma_semaphore, #tpu.memory_space<semaphore_mem>>
      %dma_start3A_1460 = tpu.memref_squeeze %dma_start3A_1459 : memref<1x!tpu.dma_semaphore, #tpu.memory_space<semaphore_mem>> -> memref<!tpu.dma_semaphore, #tpu.memory_space<semaphore_mem>>
      tpu.enqueue_indirect_dma source(%dma_start3A_1458 : memref<10000x128xf32, #tpu.memory_space<hbm>>) target(%dma_start3A_1452 : memref<128x128xf32, #tpu.memory_space<vmem>>) offsets(%dma_start3A_1455 : memref<128xi32, #tpu.memory_space<vmem>>) semaphore(%dma_start3A_1460 : memref<!tpu.dma_semaphore, #tpu.memory_space<semaphore_mem>>)
      %get3A_1461 = arith.constant 3 : i32
      %get3A_1462 = arith.index_cast %rem3A_1084 : i32 to index
      %get3A_1463 = arith.index_cast %get3A_1461 : i32 to index
      %get3A_1464 = arith.constant 0 : index
      %get3A_1465 = tpu.vector_load %arg8[%get3A_1462, %get3A_1463, %get3A_1464] {strides = array<i32>} : memref<2x8x128xi32, #tpu.memory_space<vmem>>, vector<16xi32>,
      tpu.vector_store_idx %arg10[%get3A_1465], %broadcast_in_dim3A_29 {add = true} : memref<10240xf32, #tpu.memory_space<vmem>>[vector<16xi32>], vector<16xf32>,
      %get3A_1466 = arith.constant 3 : i32
      %get3A_1467 = arith.index_cast %rem3A_1084 : i32 to index
      %get3A_1468 = arith.index_cast %get3A_1466 : i32 to index
      %get3A_1469 = arith.constant 16 : index
      %get3A_1470 = tpu.vector_load %arg8[%get3A_1467, %get3A_1468, %get3A_1469] {strides = array<i32>} : memref<2x8x128xi32, #tpu.memory_space<vmem>>, vector<16xi32>,
      tpu.vector_store_idx %arg10[%get3A_1470], %broadcast_in_dim3A_29 {add = true} : memref<10240xf32, #tpu.memory_space<vmem>>[vector<16xi32>], vector<16xf32>,
      %get3A_1471 = arith.constant 3 : i32
      %get3A_1472 = arith.index_cast %rem3A_1084 : i32 to index
      %get3A_1473 = arith.index_cast %get3A_1471 : i32 to index
      %get3A_1474 = arith.constant 32 : index
      %get3A_1475 = tpu.vector_load %arg8[%get3A_1472, %get3A_1473, %get3A_1474] {strides = array<i32>} : memref<2x8x128xi32, #tpu.memory_space<vmem>>, vector<16xi32>,
      tpu.vector_store_idx %arg10[%get3A_1475], %broadcast_in_dim3A_29 {add = true} : memref<10240xf32, #tpu.memory_space<vmem>>[vector<16xi32>], vector<16xf32>,
      %get3A_1476 = arith.constant 3 : i32
      %get3A_1477 = arith.index_cast %rem3A_1084 : i32 to index
      %get3A_1478 = arith.index_cast %get3A_1476 : i32 to index
      %get3A_1479 = arith.constant 48 : index
      %get3A_1480 = tpu.vector_load %arg8[%get3A_1477, %get3A_1478, %get3A_1479] {strides = array<i32>} : memref<2x8x128xi32, #tpu.memory_space<vmem>>, vector<16xi32>,
      tpu.vector_store_idx %arg10[%get3A_1480], %broadcast_in_dim3A_29 {add = true} : memref<10240xf32, #tpu.memory_space<vmem>>[vector<16xi32>], vector<16xf32>,
      %get3A_1481 = arith.constant 3 : i32
      %get3A_1482 = arith.index_cast %rem3A_1084 : i32 to index
      %get3A_1483 = arith.index_cast %get3A_1481 : i32 to index
      %get3A_1484 = arith.constant 64 : index
      %get3A_1485 = tpu.vector_load %arg8[%get3A_1482, %get3A_1483, %get3A_1484] {strides = array<i32>} : memref<2x8x128xi32, #tpu.memory_space<vmem>>, vector<16xi32>,
      tpu.vector_store_idx %arg10[%get3A_1485], %broadcast_in_dim3A_29 {add = true} : memref<10240xf32, #tpu.memory_space<vmem>>[vector<16xi32>], vector<16xf32>,
      %get3A_1486 = arith.constant 3 : i32
      %get3A_1487 = arith.index_cast %rem3A_1084 : i32 to index
      %get3A_1488 = arith.index_cast %get3A_1486 : i32 to index
      %get3A_1489 = arith.constant 80 : index
      %get3A_1490 = tpu.vector_load %arg8[%get3A_1487, %get3A_1488, %get3A_1489] {strides = array<i32>} : memref<2x8x128xi32, #tpu.memory_space<vmem>>, vector<16xi32>,
      tpu.vector_store_idx %arg10[%get3A_1490], %broadcast_in_dim3A_29 {add = true} : memref<10240xf32, #tpu.memory_space<vmem>>[vector<16xi32>], vector<16xf32>,
      %get3A_1491 = arith.constant 3 : i32
      %get3A_1492 = arith.index_cast %rem3A_1084 : i32 to index
      %get3A_1493 = arith.index_cast %get3A_1491 : i32 to index
      %get3A_1494 = arith.constant 96 : index
      %get3A_1495 = tpu.vector_load %arg8[%get3A_1492, %get3A_1493, %get3A_1494] {strides = array<i32>} : memref<2x8x128xi32, #tpu.memory_space<vmem>>, vector<16xi32>,
      tpu.vector_store_idx %arg10[%get3A_1495], %broadcast_in_dim3A_29 {add = true} : memref<10240xf32, #tpu.memory_space<vmem>>[vector<16xi32>], vector<16xf32>,
      %get3A_1496 = arith.constant 3 : i32
      %get3A_1497 = arith.index_cast %rem3A_1084 : i32 to index
      %get3A_1498 = arith.index_cast %get3A_1496 : i32 to index
      %get3A_1499 = arith.constant 112 : index
      %get3A_1500 = tpu.vector_load %arg8[%get3A_1497, %get3A_1498, %get3A_1499] {strides = array<i32>} : memref<2x8x128xi32, #tpu.memory_space<vmem>>, vector<16xi32>,
      tpu.vector_store_idx %arg10[%get3A_1500], %broadcast_in_dim3A_29 {add = true} : memref<10240xf32, #tpu.memory_space<vmem>>[vector<16xi32>], vector<16xf32>,
      %dma_wait3A_1501 = arith.constant 0 : i32
      %dma_wait3A_1502 = arith.constant 0 : i32
      %dma_wait3A_1503 = arith.constant 0 : i32
      %dma_wait3A_1504 = arith.constant 0 : i32
      %dma_wait3A_1505 = arith.constant 0 : i32
      %dma_wait3A_1506 = arith.constant 0 : i32
      %dma_wait3A_1507 = tpu.memref_slice %arg9[%dma_wait3A_1503, %dma_wait3A_1505, %dma_wait3A_1506] : memref<2x128x128xf32, #tpu.memory_space<vmem>> -> memref<1x128x128xf32, #tpu.memory_space<vmem>>
      %dma_wait3A_1508 = tpu.memref_squeeze %dma_wait3A_1507 : memref<1x128x128xf32, #tpu.memory_space<vmem>> -> memref<128x128xf32, #tpu.memory_space<vmem>>
      %dma_wait3A_1509 = arith.constant 0 : i32
      %dma_wait3A_1510 = tpu.memref_slice %arg7[%dma_wait3A_1501, %dma_wait3A_1502, %dma_wait3A_1509] : memref<2x8x128xi32, #tpu.memory_space<vmem>> -> memref<1x1x128xi32, #tpu.memory_space<vmem>>
      %dma_wait3A_1511 = tpu.memref_squeeze %dma_wait3A_1510 : memref<1x1x128xi32, #tpu.memory_space<vmem>> -> memref<128xi32, #tpu.memory_space<vmem>>
      %dma_wait3A_1512 = arith.constant 0 : i32
      %dma_wait3A_1513 = arith.constant 0 : i32
      %dma_wait3A_1514 = tpu.memref_slice %arg2[%dma_wait3A_1512, %dma_wait3A_1513] : memref<10000x128xf32, #tpu.memory_space<hbm>> -> memref<10000x128xf32, #tpu.memory_space<hbm>>
      %dma_wait3A_1515 = tpu.memref_slice %arg12[%dma_wait3A_1504] : memref<2x!tpu.dma_semaphore, #tpu.memory_space<semaphore_mem>> -> memref<1x!tpu.dma_semaphore, #tpu.memory_space<semaphore_mem>>
      %dma_wait3A_1516 = tpu.memref_squeeze %dma_wait3A_1515 : memref<1x!tpu.dma_semaphore, #tpu.memory_space<semaphore_mem>> -> memref<!tpu.dma_semaphore, #tpu.memory_space<semaphore_mem>>
      tpu.wait_indirect_dma semaphore(%dma_wait3A_1516 : memref<!tpu.dma_semaphore, #tpu.memory_space<semaphore_mem>>) src(%dma_wait3A_1514 : memref<10000x128xf32, #tpu.memory_space<hbm>>) dst(%dma_wait3A_1508 : memref<128x128xf32, #tpu.memory_space<vmem>>)
      %dma_start3A_1517 = arith.constant 0 : i32
      %dma_start3A_1518 = arith.constant 2 : i32
      %dma_start3A_1519 = arith.constant 0 : i32
      %dma_start3A_1520 = arith.constant 0 : i32
      %dma_start3A_1521 = arith.constant 0 : i32
      %dma_start3A_1522 = tpu.memref_slice %arg9[%dma_start3A_1517, %dma_start3A_1520, %dma_start3A_1521] : memref<2x128x128xf32, #tpu.memory_space<vmem>> -> memref<1x128x128xf32, #tpu.memory_space<vmem>>
      %dma_start3A_1523 = tpu.memref_squeeze %dma_start3A_1522 : memref<1x128x128xf32, #tpu.memory_space<vmem>> -> memref<128x128xf32, #tpu.memory_space<vmem>>
      %dma_start3A_1524 = arith.constant 0 : i32
      %dma_start3A_1525 = tpu.memref_slice %arg8[%rem3A_1084, %dma_start3A_1518, %dma_start3A_1524] : memref<2x8x128xi32, #tpu.memory_space<vmem>> -> memref<1x1x128xi32, #tpu.memory_space<vmem>>
      %dma_start3A_1526 = tpu.memref_squeeze %dma_start3A_1525 : memref<1x1x128xi32, #tpu.memory_space<vmem>> -> memref<128xi32, #tpu.memory_space<vmem>>
      %dma_start3A_1527 = arith.constant 0 : i32
      %dma_start3A_1528 = arith.constant 0 : i32
      %dma_start3A_1529 = tpu.memref_slice %arg11[%dma_start3A_1527, %dma_start3A_1528] : memref<10240x128xf32, #tpu.memory_space<vmem_shared>> -> memref<10240x128xf32, #tpu.memory_space<vmem_shared>>
      %dma_start3A_1530 = tpu.memref_slice %arg13[%dma_start3A_1519] : memref<2x!tpu.dma_semaphore, #tpu.memory_space<semaphore_mem>> -> memref<1x!tpu.dma_semaphore, #tpu.memory_space<semaphore_mem>>
      %dma_start3A_1531 = tpu.memref_squeeze %dma_start3A_1530 : memref<1x!tpu.dma_semaphore, #tpu.memory_space<semaphore_mem>> -> memref<!tpu.dma_semaphore, #tpu.memory_space<semaphore_mem>>
      tpu.enqueue_indirect_dma source(%dma_start3A_1523 : memref<128x128xf32, #tpu.memory_space<vmem>>) target(%dma_start3A_1529 : memref<10240x128xf32, #tpu.memory_space<vmem_shared>>) offsets(%dma_start3A_1526 : memref<128xi32, #tpu.memory_space<vmem>>) semaphore(%dma_start3A_1531 : memref<!tpu.dma_semaphore, #tpu.memory_space<semaphore_mem>>) {add = true}
      %dma_wait3A_1532 = arith.constant 0 : i32
      %dma_wait3A_1533 = arith.constant 0 : i32
      %dma_wait3A_1534 = arith.constant 0 : i32
      %dma_wait3A_1535 = arith.constant 0 : i32
      %dma_wait3A_1536 = arith.constant 0 : i32
      %dma_wait3A_1537 = arith.constant 0 : i32
      %dma_wait3A_1538 = tpu.memref_slice %arg9[%dma_wait3A_1532, %dma_wait3A_1536, %dma_wait3A_1537] : memref<2x128x128xf32, #tpu.memory_space<vmem>> -> memref<1x128x128xf32, #tpu.memory_space<vmem>>
      %dma_wait3A_1539 = tpu.memref_squeeze %dma_wait3A_1538 : memref<1x128x128xf32, #tpu.memory_space<vmem>> -> memref<128x128xf32, #tpu.memory_space<vmem>>
      %dma_wait3A_1540 = arith.constant 0 : i32
      %dma_wait3A_1541 = tpu.memref_slice %arg8[%dma_wait3A_1533, %dma_wait3A_1534, %dma_wait3A_1540] : memref<2x8x128xi32, #tpu.memory_space<vmem>> -> memref<1x1x128xi32, #tpu.memory_space<vmem>>
      %dma_wait3A_1542 = tpu.memref_squeeze %dma_wait3A_1541 : memref<1x1x128xi32, #tpu.memory_space<vmem>> -> memref<128xi32, #tpu.memory_space<vmem>>
      %dma_wait3A_1543 = arith.constant 0 : i32
      %dma_wait3A_1544 = arith.constant 0 : i32
      %dma_wait3A_1545 = tpu.memref_slice %arg11[%dma_wait3A_1543, %dma_wait3A_1544] : memref<10240x128xf32, #tpu.memory_space<vmem_shared>> -> memref<10240x128xf32, #tpu.memory_space<vmem_shared>>
      %dma_wait3A_1546 = tpu.memref_slice %arg13[%dma_wait3A_1535] : memref<2x!tpu.dma_semaphore, #tpu.memory_space<semaphore_mem>> -> memref<1x!tpu.dma_semaphore, #tpu.memory_space<semaphore_mem>>
      %dma_wait3A_1547 = tpu.memref_squeeze %dma_wait3A_1546 : memref<1x!tpu.dma_semaphore, #tpu.memory_space<semaphore_mem>> -> memref<!tpu.dma_semaphore, #tpu.memory_space<semaphore_mem>>
      tpu.wait_indirect_dma semaphore(%dma_wait3A_1547 : memref<!tpu.dma_semaphore, #tpu.memory_space<semaphore_mem>>) src(%dma_wait3A_1539 : memref<128x128xf32, #tpu.memory_space<vmem>>) dst(%dma_wait3A_1545 : memref<10240x128xf32, #tpu.memory_space<vmem_shared>>)
      %dma_start3A_1548 = arith.constant 4 : i32
      %dma_start3A_1549 = arith.constant 0 : i32
      %dma_start3A_1550 = arith.constant 0 : i32
      %dma_start3A_1551 = arith.constant 0 : i32
      %dma_start3A_1552 = arith.constant 0 : i32
      %dma_start3A_1553 = tpu.memref_slice %arg9[%dma_start3A_1549, %dma_start3A_1551, %dma_start3A_1552] : memref<2x128x128xf32, #tpu.memory_space<vmem>> -> memref<1x128x128xf32, #tpu.memory_space<vmem>>
      %dma_start3A_1554 = tpu.memref_squeeze %dma_start3A_1553 : memref<1x128x128xf32, #tpu.memory_space<vmem>> -> memref<128x128xf32, #tpu.memory_space<vmem>>
      %dma_start3A_1555 = arith.constant 0 : i32
      %dma_start3A_1556 = tpu.memref_slice %arg7[%rem3A_1084, %dma_start3A_1548, %dma_start3A_1555] : memref<2x8x128xi32, #tpu.memory_space<vmem>> -> memref<1x1x128xi32, #tpu.memory_space<vmem>>
      %dma_start3A_1557 = tpu.memref_squeeze %dma_start3A_1556 : memref<1x1x128xi32, #tpu.memory_space<vmem>> -> memref<128xi32, #tpu.memory_space<vmem>>
      %dma_start3A_1558 = arith.constant 0 : i32
      %dma_start3A_1559 = arith.constant 0 : i32
      %dma_start3A_1560 = tpu.memref_slice %arg2[%dma_start3A_1558, %dma_start3A_1559] : memref<10000x128xf32, #tpu.memory_space<hbm>> -> memref<10000x128xf32, #tpu.memory_space<hbm>>
      %dma_start3A_1561 = tpu.memref_slice %arg12[%dma_start3A_1550] : memref<2x!tpu.dma_semaphore, #tpu.memory_space<semaphore_mem>> -> memref<1x!tpu.dma_semaphore, #tpu.memory_space<semaphore_mem>>
      %dma_start3A_1562 = tpu.memref_squeeze %dma_start3A_1561 : memref<1x!tpu.dma_semaphore, #tpu.memory_space<semaphore_mem>> -> memref<!tpu.dma_semaphore, #tpu.memory_space<semaphore_mem>>
      tpu.enqueue_indirect_dma source(%dma_start3A_1560 : memref<10000x128xf32, #tpu.memory_space<hbm>>) target(%dma_start3A_1554 : memref<128x128xf32, #tpu.memory_space<vmem>>) offsets(%dma_start3A_1557 : memref<128xi32, #tpu.memory_space<vmem>>) semaphore(%dma_start3A_1562 : memref<!tpu.dma_semaphore, #tpu.memory_space<semaphore_mem>>)
      %get3A_1563 = arith.constant 4 : i32
      %get3A_1564 = arith.index_cast %rem3A_1084 : i32 to index
      %get3A_1565 = arith.index_cast %get3A_1563 : i32 to index
      %get3A_1566 = arith.constant 0 : index
      %get3A_1567 = tpu.vector_load %arg8[%get3A_1564, %get3A_1565, %get3A_1566] {strides = array<i32>} : memref<2x8x128xi32, #tpu.memory_space<vmem>>, vector<16xi32>,
      tpu.vector_store_idx %arg10[%get3A_1567], %broadcast_in_dim3A_29 {add = true} : memref<10240xf32, #tpu.memory_space<vmem>>[vector<16xi32>], vector<16xf32>,
      %get3A_1568 = arith.constant 4 : i32
      %get3A_1569 = arith.index_cast %rem3A_1084 : i32 to index
      %get3A_1570 = arith.index_cast %get3A_1568 : i32 to index
      %get3A_1571 = arith.constant 16 : index
      %get3A_1572 = tpu.vector_load %arg8[%get3A_1569, %get3A_1570, %get3A_1571] {strides = array<i32>} : memref<2x8x128xi32, #tpu.memory_space<vmem>>, vector<16xi32>,
      tpu.vector_store_idx %arg10[%get3A_1572], %broadcast_in_dim3A_29 {add = true} : memref<10240xf32, #tpu.memory_space<vmem>>[vector<16xi32>], vector<16xf32>,
      %get3A_1573 = arith.constant 4 : i32
      %get3A_1574 = arith.index_cast %rem3A_1084 : i32 to index
      %get3A_1575 = arith.index_cast %get3A_1573 : i32 to index
      %get3A_1576 = arith.constant 32 : index
      %get3A_1577 = tpu.vector_load %arg8[%get3A_1574, %get3A_1575, %get3A_1576] {strides = array<i32>} : memref<2x8x128xi32, #tpu.memory_space<vmem>>, vector<16xi32>,
      tpu.vector_store_idx %arg10[%get3A_1577], %broadcast_in_dim3A_29 {add = true} : memref<10240xf32, #tpu.memory_space<vmem>>[vector<16xi32>], vector<16xf32>,
      %get3A_1578 = arith.constant 4 : i32
      %get3A_1579 = arith.index_cast %rem3A_1084 : i32 to index
      %get3A_1580 = arith.index_cast %get3A_1578 : i32 to index
      %get3A_1581 = arith.constant 48 : index
      %get3A_1582 = tpu.vector_load %arg8[%get3A_1579, %get3A_1580, %get3A_1581] {strides = array<i32>} : memref<2x8x128xi32, #tpu.memory_space<vmem>>, vector<16xi32>,
      tpu.vector_store_idx %arg10[%get3A_1582], %broadcast_in_dim3A_29 {add = true} : memref<10240xf32, #tpu.memory_space<vmem>>[vector<16xi32>], vector<16xf32>,
      %get3A_1583 = arith.constant 4 : i32
      %get3A_1584 = arith.index_cast %rem3A_1084 : i32 to index
      %get3A_1585 = arith.index_cast %get3A_1583 : i32 to index
      %get3A_1586 = arith.constant 64 : index
      %get3A_1587 = tpu.vector_load %arg8[%get3A_1584, %get3A_1585, %get3A_1586] {strides = array<i32>} : memref<2x8x128xi32, #tpu.memory_space<vmem>>, vector<16xi32>,
      tpu.vector_store_idx %arg10[%get3A_1587], %broadcast_in_dim3A_29 {add = true} : memref<10240xf32, #tpu.memory_space<vmem>>[vector<16xi32>], vector<16xf32>,
      %get3A_1588 = arith.constant 4 : i32
      %get3A_1589 = arith.index_cast %rem3A_1084 : i32 to index
      %get3A_1590 = arith.index_cast %get3A_1588 : i32 to index
      %get3A_1591 = arith.constant 80 : index
      %get3A_1592 = tpu.vector_load %arg8[%get3A_1589, %get3A_1590, %get3A_1591] {strides = array<i32>} : memref<2x8x128xi32, #tpu.memory_space<vmem>>, vector<16xi32>,
      tpu.vector_store_idx %arg10[%get3A_1592], %broadcast_in_dim3A_29 {add = true} : memref<10240xf32, #tpu.memory_space<vmem>>[vector<16xi32>], vector<16xf32>,
      %get3A_1593 = arith.constant 4 : i32
      %get3A_1594 = arith.index_cast %rem3A_1084 : i32 to index
      %get3A_1595 = arith.index_cast %get3A_1593 : i32 to index
      %get3A_1596 = arith.constant 96 : index
      %get3A_1597 = tpu.vector_load %arg8[%get3A_1594, %get3A_1595, %get3A_1596] {strides = array<i32>} : memref<2x8x128xi32, #tpu.memory_space<vmem>>, vector<16xi32>,
      tpu.vector_store_idx %arg10[%get3A_1597], %broadcast_in_dim3A_29 {add = true} : memref<10240xf32, #tpu.memory_space<vmem>>[vector<16xi32>], vector<16xf32>,
      %get3A_1598 = arith.constant 4 : i32
      %get3A_1599 = arith.index_cast %rem3A_1084 : i32 to index
      %get3A_1600 = arith.index_cast %get3A_1598 : i32 to index
      %get3A_1601 = arith.constant 112 : index
      %get3A_1602 = tpu.vector_load %arg8[%get3A_1599, %get3A_1600, %get3A_1601] {strides = array<i32>} : memref<2x8x128xi32, #tpu.memory_space<vmem>>, vector<16xi32>,
      tpu.vector_store_idx %arg10[%get3A_1602], %broadcast_in_dim3A_29 {add = true} : memref<10240xf32, #tpu.memory_space<vmem>>[vector<16xi32>], vector<16xf32>,
      %dma_wait3A_1603 = arith.constant 0 : i32
      %dma_wait3A_1604 = arith.constant 0 : i32
      %dma_wait3A_1605 = arith.constant 1 : i32
      %dma_wait3A_1606 = arith.constant 1 : i32
      %dma_wait3A_1607 = arith.constant 0 : i32
      %dma_wait3A_1608 = arith.constant 0 : i32
      %dma_wait3A_1609 = tpu.memref_slice %arg9[%dma_wait3A_1605, %dma_wait3A_1607, %dma_wait3A_1608] : memref<2x128x128xf32, #tpu.memory_space<vmem>> -> memref<1x128x128xf32, #tpu.memory_space<vmem>>
      %dma_wait3A_1610 = tpu.memref_squeeze %dma_wait3A_1609 : memref<1x128x128xf32, #tpu.memory_space<vmem>> -> memref<128x128xf32, #tpu.memory_space<vmem>>
      %dma_wait3A_1611 = arith.constant 0 : i32
      %dma_wait3A_1612 = tpu.memref_slice %arg7[%dma_wait3A_1603, %dma_wait3A_1604, %dma_wait3A_1611] : memref<2x8x128xi32, #tpu.memory_space<vmem>> -> memref<1x1x128xi32, #tpu.memory_space<vmem>>
      %dma_wait3A_1613 = tpu.memref_squeeze %dma_wait3A_1612 : memref<1x1x128xi32, #tpu.memory_space<vmem>> -> memref<128xi32, #tpu.memory_space<vmem>>
      %dma_wait3A_1614 = arith.constant 0 : i32
      %dma_wait3A_1615 = arith.constant 0 : i32
      %dma_wait3A_1616 = tpu.memref_slice %arg2[%dma_wait3A_1614, %dma_wait3A_1615] : memref<10000x128xf32, #tpu.memory_space<hbm>> -> memref<10000x128xf32, #tpu.memory_space<hbm>>
      %dma_wait3A_1617 = tpu.memref_slice %arg12[%dma_wait3A_1606] : memref<2x!tpu.dma_semaphore, #tpu.memory_space<semaphore_mem>> -> memref<1x!tpu.dma_semaphore, #tpu.memory_space<semaphore_mem>>
      %dma_wait3A_1618 = tpu.memref_squeeze %dma_wait3A_1617 : memref<1x!tpu.dma_semaphore, #tpu.memory_space<semaphore_mem>> -> memref<!tpu.dma_semaphore, #tpu.memory_space<semaphore_mem>>
      tpu.wait_indirect_dma semaphore(%dma_wait3A_1618 : memref<!tpu.dma_semaphore, #tpu.memory_space<semaphore_mem>>) src(%dma_wait3A_1616 : memref<10000x128xf32, #tpu.memory_space<hbm>>) dst(%dma_wait3A_1610 : memref<128x128xf32, #tpu.memory_space<vmem>>)
      %dma_start3A_1619 = arith.constant 1 : i32
      %dma_start3A_1620 = arith.constant 3 : i32
      %dma_start3A_1621 = arith.constant 1 : i32
      %dma_start3A_1622 = arith.constant 0 : i32
      %dma_start3A_1623 = arith.constant 0 : i32
      %dma_start3A_1624 = tpu.memref_slice %arg9[%dma_start3A_1619, %dma_start3A_1622, %dma_start3A_1623] : memref<2x128x128xf32, #tpu.memory_space<vmem>> -> memref<1x128x128xf32, #tpu.memory_space<vmem>>
      %dma_start3A_1625 = tpu.memref_squeeze %dma_start3A_1624 : memref<1x128x128xf32, #tpu.memory_space<vmem>> -> memref<128x128xf32, #tpu.memory_space<vmem>>
      %dma_start3A_1626 = arith.constant 0 : i32
      %dma_start3A_1627 = tpu.memref_slice %arg8[%rem3A_1084, %dma_start3A_1620, %dma_start3A_1626] : memref<2x8x128xi32, #tpu.memory_space<vmem>> -> memref<1x1x128xi32, #tpu.memory_space<vmem>>
      %dma_start3A_1628 = tpu.memref_squeeze %dma_start3A_1627 : memref<1x1x128xi32, #tpu.memory_space<vmem>> -> memref<128xi32, #tpu.memory_space<vmem>>
      %dma_start3A_1629 = arith.constant 0 : i32
      %dma_start3A_1630 = arith.constant 0 : i32
      %dma_start3A_1631 = tpu.memref_slice %arg11[%dma_start3A_1629, %dma_start3A_1630] : memref<10240x128xf32, #tpu.memory_space<vmem_shared>> -> memref<10240x128xf32, #tpu.memory_space<vmem_shared>>
      %dma_start3A_1632 = tpu.memref_slice %arg13[%dma_start3A_1621] : memref<2x!tpu.dma_semaphore, #tpu.memory_space<semaphore_mem>> -> memref<1x!tpu.dma_semaphore, #tpu.memory_space<semaphore_mem>>
      %dma_start3A_1633 = tpu.memref_squeeze %dma_start3A_1632 : memref<1x!tpu.dma_semaphore, #tpu.memory_space<semaphore_mem>> -> memref<!tpu.dma_semaphore, #tpu.memory_space<semaphore_mem>>
      tpu.enqueue_indirect_dma source(%dma_start3A_1625 : memref<128x128xf32, #tpu.memory_space<vmem>>) target(%dma_start3A_1631 : memref<10240x128xf32, #tpu.memory_space<vmem_shared>>) offsets(%dma_start3A_1628 : memref<128xi32, #tpu.memory_space<vmem>>) semaphore(%dma_start3A_1633 : memref<!tpu.dma_semaphore, #tpu.memory_space<semaphore_mem>>) {add = true}
      %dma_wait3A_1634 = arith.constant 1 : i32
      %dma_wait3A_1635 = arith.constant 0 : i32
      %dma_wait3A_1636 = arith.constant 0 : i32
      %dma_wait3A_1637 = arith.constant 1 : i32
      %dma_wait3A_1638 = arith.constant 0 : i32
      %dma_wait3A_1639 = arith.constant 0 : i32
      %dma_wait3A_1640 = tpu.memref_slice %arg9[%dma_wait3A_1634, %dma_wait3A_1638, %dma_wait3A_1639] : memref<2x128x128xf32, #tpu.memory_space<vmem>> -> memref<1x128x128xf32, #tpu.memory_space<vmem>>
      %dma_wait3A_1641 = tpu.memref_squeeze %dma_wait3A_1640 : memref<1x128x128xf32, #tpu.memory_space<vmem>> -> memref<128x128xf32, #tpu.memory_space<vmem>>
      %dma_wait3A_1642 = arith.constant 0 : i32
      %dma_wait3A_1643 = tpu.memref_slice %arg8[%dma_wait3A_1635, %dma_wait3A_1636, %dma_wait3A_1642] : memref<2x8x128xi32, #tpu.memory_space<vmem>> -> memref<1x1x128xi32, #tpu.memory_space<vmem>>
      %dma_wait3A_1644 = tpu.memref_squeeze %dma_wait3A_1643 : memref<1x1x128xi32, #tpu.memory_space<vmem>> -> memref<128xi32, #tpu.memory_space<vmem>>
      %dma_wait3A_1645 = arith.constant 0 : i32
      %dma_wait3A_1646 = arith.constant 0 : i32
      %dma_wait3A_1647 = tpu.memref_slice %arg11[%dma_wait3A_1645, %dma_wait3A_1646] : memref<10240x128xf32, #tpu.memory_space<vmem_shared>> -> memref<10240x128xf32, #tpu.memory_space<vmem_shared>>
      %dma_wait3A_1648 = tpu.memref_slice %arg13[%dma_wait3A_1637] : memref<2x!tpu.dma_semaphore, #tpu.memory_space<semaphore_mem>> -> memref<1x!tpu.dma_semaphore, #tpu.memory_space<semaphore_mem>>
      %dma_wait3A_1649 = tpu.memref_squeeze %dma_wait3A_1648 : memref<1x!tpu.dma_semaphore, #tpu.memory_space<semaphore_mem>> -> memref<!tpu.dma_semaphore, #tpu.memory_space<semaphore_mem>>
      tpu.wait_indirect_dma semaphore(%dma_wait3A_1649 : memref<!tpu.dma_semaphore, #tpu.memory_space<semaphore_mem>>) src(%dma_wait3A_1641 : memref<128x128xf32, #tpu.memory_space<vmem>>) dst(%dma_wait3A_1647 : memref<10240x128xf32, #tpu.memory_space<vmem_shared>>)
      %dma_start3A_1650 = arith.constant 5 : i32
      %dma_start3A_1651 = arith.constant 1 : i32
      %dma_start3A_1652 = arith.constant 1 : i32
      %dma_start3A_1653 = arith.constant 0 : i32
      %dma_start3A_1654 = arith.constant 0 : i32
      %dma_start3A_1655 = tpu.memref_slice %arg9[%dma_start3A_1651, %dma_start3A_1653, %dma_start3A_1654] : memref<2x128x128xf32, #tpu.memory_space<vmem>> -> memref<1x128x128xf32, #tpu.memory_space<vmem>>
      %dma_start3A_1656 = tpu.memref_squeeze %dma_start3A_1655 : memref<1x128x128xf32, #tpu.memory_space<vmem>> -> memref<128x128xf32, #tpu.memory_space<vmem>>
      %dma_start3A_1657 = arith.constant 0 : i32
      %dma_start3A_1658 = tpu.memref_slice %arg7[%rem3A_1084, %dma_start3A_1650, %dma_start3A_1657] : memref<2x8x128xi32, #tpu.memory_space<vmem>> -> memref<1x1x128xi32, #tpu.memory_space<vmem>>
      %dma_start3A_1659 = tpu.memref_squeeze %dma_start3A_1658 : memref<1x1x128xi32, #tpu.memory_space<vmem>> -> memref<128xi32, #tpu.memory_space<vmem>>
      %dma_start3A_1660 = arith.constant 0 : i32
      %dma_start3A_1661 = arith.constant 0 : i32
      %dma_start3A_1662 = tpu.memref_slice %arg2[%dma_start3A_1660, %dma_start3A_1661] : memref<10000x128xf32, #tpu.memory_space<hbm>> -> memref<10000x128xf32, #tpu.memory_space<hbm>>
      %dma_start3A_1663 = tpu.memref_slice %arg12[%dma_start3A_1652] : memref<2x!tpu.dma_semaphore, #tpu.memory_space<semaphore_mem>> -> memref<1x!tpu.dma_semaphore, #tpu.memory_space<semaphore_mem>>
      %dma_start3A_1664 = tpu.memref_squeeze %dma_start3A_1663 : memref<1x!tpu.dma_semaphore, #tpu.memory_space<semaphore_mem>> -> memref<!tpu.dma_semaphore, #tpu.memory_space<semaphore_mem>>
      tpu.enqueue_indirect_dma source(%dma_start3A_1662 : memref<10000x128xf32, #tpu.memory_space<hbm>>) target(%dma_start3A_1656 : memref<128x128xf32, #tpu.memory_space<vmem>>) offsets(%dma_start3A_1659 : memref<128xi32, #tpu.memory_space<vmem>>) semaphore(%dma_start3A_1664 : memref<!tpu.dma_semaphore, #tpu.memory_space<semaphore_mem>>)
      %get3A_1665 = arith.constant 5 : i32
      %get3A_1666 = arith.index_cast %rem3A_1084 : i32 to index
      %get3A_1667 = arith.index_cast %get3A_1665 : i32 to index
      %get3A_1668 = arith.constant 0 : index
      %get3A_1669 = tpu.vector_load %arg8[%get3A_1666, %get3A_1667, %get3A_1668] {strides = array<i32>} : memref<2x8x128xi32, #tpu.memory_space<vmem>>, vector<16xi32>,
      tpu.vector_store_idx %arg10[%get3A_1669], %broadcast_in_dim3A_29 {add = true} : memref<10240xf32, #tpu.memory_space<vmem>>[vector<16xi32>], vector<16xf32>,
      %get3A_1670 = arith.constant 5 : i32
      %get3A_1671 = arith.index_cast %rem3A_1084 : i32 to index
      %get3A_1672 = arith.index_cast %get3A_1670 : i32 to index
      %get3A_1673 = arith.constant 16 : index
      %get3A_1674 = tpu.vector_load %arg8[%get3A_1671, %get3A_1672, %get3A_1673] {strides = array<i32>} : memref<2x8x128xi32, #tpu.memory_space<vmem>>, vector<16xi32>,
      tpu.vector_store_idx %arg10[%get3A_1674], %broadcast_in_dim3A_29 {add = true} : memref<10240xf32, #tpu.memory_space<vmem>>[vector<16xi32>], vector<16xf32>,
      %get3A_1675 = arith.constant 5 : i32
      %get3A_1676 = arith.index_cast %rem3A_1084 : i32 to index
      %get3A_1677 = arith.index_cast %get3A_1675 : i32 to index
      %get3A_1678 = arith.constant 32 : index
      %get3A_1679 = tpu.vector_load %arg8[%get3A_1676, %get3A_1677, %get3A_1678] {strides = array<i32>} : memref<2x8x128xi32, #tpu.memory_space<vmem>>, vector<16xi32>,
      tpu.vector_store_idx %arg10[%get3A_1679], %broadcast_in_dim3A_29 {add = true} : memref<10240xf32, #tpu.memory_space<vmem>>[vector<16xi32>], vector<16xf32>,
      %get3A_1680 = arith.constant 5 : i32
      %get3A_1681 = arith.index_cast %rem3A_1084 : i32 to index
      %get3A_1682 = arith.index_cast %get3A_1680 : i32 to index
      %get3A_1683 = arith.constant 48 : index
      %get3A_1684 = tpu.vector_load %arg8[%get3A_1681, %get3A_1682, %get3A_1683] {strides = array<i32>} : memref<2x8x128xi32, #tpu.memory_space<vmem>>, vector<16xi32>,
      tpu.vector_store_idx %arg10[%get3A_1684], %broadcast_in_dim3A_29 {add = true} : memref<10240xf32, #tpu.memory_space<vmem>>[vector<16xi32>], vector<16xf32>,
      %get3A_1685 = arith.constant 5 : i32
      %get3A_1686 = arith.index_cast %rem3A_1084 : i32 to index
      %get3A_1687 = arith.index_cast %get3A_1685 : i32 to index
      %get3A_1688 = arith.constant 64 : index
      %get3A_1689 = tpu.vector_load %arg8[%get3A_1686, %get3A_1687, %get3A_1688] {strides = array<i32>} : memref<2x8x128xi32, #tpu.memory_space<vmem>>, vector<16xi32>,
      tpu.vector_store_idx %arg10[%get3A_1689], %broadcast_in_dim3A_29 {add = true} : memref<10240xf32, #tpu.memory_space<vmem>>[vector<16xi32>], vector<16xf32>,
      %get3A_1690 = arith.constant 5 : i32
      %get3A_1691 = arith.index_cast %rem3A_1084 : i32 to index
      %get3A_1692 = arith.index_cast %get3A_1690 : i32 to index
      %get3A_1693 = arith.constant 80 : index
      %get3A_1694 = tpu.vector_load %arg8[%get3A_1691, %get3A_1692, %get3A_1693] {strides = array<i32>} : memref<2x8x128xi32, #tpu.memory_space<vmem>>, vector<16xi32>,
      tpu.vector_store_idx %arg10[%get3A_1694], %broadcast_in_dim3A_29 {add = true} : memref<10240xf32, #tpu.memory_space<vmem>>[vector<16xi32>], vector<16xf32>,
      %get3A_1695 = arith.constant 5 : i32
      %get3A_1696 = arith.index_cast %rem3A_1084 : i32 to index
      %get3A_1697 = arith.index_cast %get3A_1695 : i32 to index
      %get3A_1698 = arith.constant 96 : index
      %get3A_1699 = tpu.vector_load %arg8[%get3A_1696, %get3A_1697, %get3A_1698] {strides = array<i32>} : memref<2x8x128xi32, #tpu.memory_space<vmem>>, vector<16xi32>,
      tpu.vector_store_idx %arg10[%get3A_1699], %broadcast_in_dim3A_29 {add = true} : memref<10240xf32, #tpu.memory_space<vmem>>[vector<16xi32>], vector<16xf32>,
      %get3A_1700 = arith.constant 5 : i32
      %get3A_1701 = arith.index_cast %rem3A_1084 : i32 to index
      %get3A_1702 = arith.index_cast %get3A_1700 : i32 to index
      %get3A_1703 = arith.constant 112 : index
      %get3A_1704 = tpu.vector_load %arg8[%get3A_1701, %get3A_1702, %get3A_1703] {strides = array<i32>} : memref<2x8x128xi32, #tpu.memory_space<vmem>>, vector<16xi32>,
      tpu.vector_store_idx %arg10[%get3A_1704], %broadcast_in_dim3A_29 {add = true} : memref<10240xf32, #tpu.memory_space<vmem>>[vector<16xi32>], vector<16xf32>,
      %dma_wait3A_1705 = arith.constant 0 : i32
      %dma_wait3A_1706 = arith.constant 0 : i32
      %dma_wait3A_1707 = arith.constant 0 : i32
      %dma_wait3A_1708 = arith.constant 0 : i32
      %dma_wait3A_1709 = arith.constant 0 : i32
      %dma_wait3A_1710 = arith.constant 0 : i32
      %dma_wait3A_1711 = tpu.memref_slice %arg9[%dma_wait3A_1707, %dma_wait3A_1709, %dma_wait3A_1710] : memref<2x128x128xf32, #tpu.memory_space<vmem>> -> memref<1x128x128xf32, #tpu.memory_space<vmem>>
      %dma_wait3A_1712 = tpu.memref_squeeze %dma_wait3A_1711 : memref<1x128x128xf32, #tpu.memory_space<vmem>> -> memref<128x128xf32, #tpu.memory_space<vmem>>
      %dma_wait3A_1713 = arith.constant 0 : i32
      %dma_wait3A_1714 = tpu.memref_slice %arg7[%dma_wait3A_1705, %dma_wait3A_1706, %dma_wait3A_1713] : memref<2x8x128xi32, #tpu.memory_space<vmem>> -> memref<1x1x128xi32, #tpu.memory_space<vmem>>
      %dma_wait3A_1715 = tpu.memref_squeeze %dma_wait3A_1714 : memref<1x1x128xi32, #tpu.memory_space<vmem>> -> memref<128xi32, #tpu.memory_space<vmem>>
      %dma_wait3A_1716 = arith.constant 0 : i32
      %dma_wait3A_1717 = arith.constant 0 : i32
      %dma_wait3A_1718 = tpu.memref_slice %arg2[%dma_wait3A_1716, %dma_wait3A_1717] : memref<10000x128xf32, #tpu.memory_space<hbm>> -> memref<10000x128xf32, #tpu.memory_space<hbm>>
      %dma_wait3A_1719 = tpu.memref_slice %arg12[%dma_wait3A_1708] : memref<2x!tpu.dma_semaphore, #tpu.memory_space<semaphore_mem>> -> memref<1x!tpu.dma_semaphore, #tpu.memory_space<semaphore_mem>>
      %dma_wait3A_1720 = tpu.memref_squeeze %dma_wait3A_1719 : memref<1x!tpu.dma_semaphore, #tpu.memory_space<semaphore_mem>> -> memref<!tpu.dma_semaphore, #tpu.memory_space<semaphore_mem>>
      tpu.wait_indirect_dma semaphore(%dma_wait3A_1720 : memref<!tpu.dma_semaphore, #tpu.memory_space<semaphore_mem>>) src(%dma_wait3A_1718 : memref<10000x128xf32, #tpu.memory_space<hbm>>) dst(%dma_wait3A_1712 : memref<128x128xf32, #tpu.memory_space<vmem>>)
      %dma_start3A_1721 = arith.constant 0 : i32
      %dma_start3A_1722 = arith.constant 4 : i32
      %dma_start3A_1723 = arith.constant 0 : i32
      %dma_start3A_1724 = arith.constant 0 : i32
      %dma_start3A_1725 = arith.constant 0 : i32
      %dma_start3A_1726 = tpu.memref_slice %arg9[%dma_start3A_1721, %dma_start3A_1724, %dma_start3A_1725] : memref<2x128x128xf32, #tpu.memory_space<vmem>> -> memref<1x128x128xf32, #tpu.memory_space<vmem>>
      %dma_start3A_1727 = tpu.memref_squeeze %dma_start3A_1726 : memref<1x128x128xf32, #tpu.memory_space<vmem>> -> memref<128x128xf32, #tpu.memory_space<vmem>>
      %dma_start3A_1728 = arith.constant 0 : i32
      %dma_start3A_1729 = tpu.memref_slice %arg8[%rem3A_1084, %dma_start3A_1722, %dma_start3A_1728] : memref<2x8x128xi32, #tpu.memory_space<vmem>> -> memref<1x1x128xi32, #tpu.memory_space<vmem>>
      %dma_start3A_1730 = tpu.memref_squeeze %dma_start3A_1729 : memref<1x1x128xi32, #tpu.memory_space<vmem>> -> memref<128xi32, #tpu.memory_space<vmem>>
      %dma_start3A_1731 = arith.constant 0 : i32
      %dma_start3A_1732 = arith.constant 0 : i32
      %dma_start3A_1733 = tpu.memref_slice %arg11[%dma_start3A_1731, %dma_start3A_1732] : memref<10240x128xf32, #tpu.memory_space<vmem_shared>> -> memref<10240x128xf32, #tpu.memory_space<vmem_shared>>
      %dma_start3A_1734 = tpu.memref_slice %arg13[%dma_start3A_1723] : memref<2x!tpu.dma_semaphore, #tpu.memory_space<semaphore_mem>> -> memref<1x!tpu.dma_semaphore, #tpu.memory_space<semaphore_mem>>
      %dma_start3A_1735 = tpu.memref_squeeze %dma_start3A_1734 : memref<1x!tpu.dma_semaphore, #tpu.memory_space<semaphore_mem>> -> memref<!tpu.dma_semaphore, #tpu.memory_space<semaphore_mem>>
      tpu.enqueue_indirect_dma source(%dma_start3A_1727 : memref<128x128xf32, #tpu.memory_space<vmem>>) target(%dma_start3A_1733 : memref<10240x128xf32, #tpu.memory_space<vmem_shared>>) offsets(%dma_start3A_1730 : memref<128xi32, #tpu.memory_space<vmem>>) semaphore(%dma_start3A_1735 : memref<!tpu.dma_semaphore, #tpu.memory_space<semaphore_mem>>) {add = true}
      %dma_wait3A_1736 = arith.constant 0 : i32
      %dma_wait3A_1737 = arith.constant 0 : i32
      %dma_wait3A_1738 = arith.constant 0 : i32
      %dma_wait3A_1739 = arith.constant 0 : i32
      %dma_wait3A_1740 = arith.constant 0 : i32
      %dma_wait3A_1741 = arith.constant 0 : i32
      %dma_wait3A_1742 = tpu.memref_slice %arg9[%dma_wait3A_1736, %dma_wait3A_1740, %dma_wait3A_1741] : memref<2x128x128xf32, #tpu.memory_space<vmem>> -> memref<1x128x128xf32, #tpu.memory_space<vmem>>
      %dma_wait3A_1743 = tpu.memref_squeeze %dma_wait3A_1742 : memref<1x128x128xf32, #tpu.memory_space<vmem>> -> memref<128x128xf32, #tpu.memory_space<vmem>>
      %dma_wait3A_1744 = arith.constant 0 : i32
      %dma_wait3A_1745 = tpu.memref_slice %arg8[%dma_wait3A_1737, %dma_wait3A_1738, %dma_wait3A_1744] : memref<2x8x128xi32, #tpu.memory_space<vmem>> -> memref<1x1x128xi32, #tpu.memory_space<vmem>>
      %dma_wait3A_1746 = tpu.memref_squeeze %dma_wait3A_1745 : memref<1x1x128xi32, #tpu.memory_space<vmem>> -> memref<128xi32, #tpu.memory_space<vmem>>
      %dma_wait3A_1747 = arith.constant 0 : i32
      %dma_wait3A_1748 = arith.constant 0 : i32
      %dma_wait3A_1749 = tpu.memref_slice %arg11[%dma_wait3A_1747, %dma_wait3A_1748] : memref<10240x128xf32, #tpu.memory_space<vmem_shared>> -> memref<10240x128xf32, #tpu.memory_space<vmem_shared>>
      %dma_wait3A_1750 = tpu.memref_slice %arg13[%dma_wait3A_1739] : memref<2x!tpu.dma_semaphore, #tpu.memory_space<semaphore_mem>> -> memref<1x!tpu.dma_semaphore, #tpu.memory_space<semaphore_mem>>
      %dma_wait3A_1751 = tpu.memref_squeeze %dma_wait3A_1750 : memref<1x!tpu.dma_semaphore, #tpu.memory_space<semaphore_mem>> -> memref<!tpu.dma_semaphore, #tpu.memory_space<semaphore_mem>>
      tpu.wait_indirect_dma semaphore(%dma_wait3A_1751 : memref<!tpu.dma_semaphore, #tpu.memory_space<semaphore_mem>>) src(%dma_wait3A_1743 : memref<128x128xf32, #tpu.memory_space<vmem>>) dst(%dma_wait3A_1749 : memref<10240x128xf32, #tpu.memory_space<vmem_shared>>)
      %dma_start3A_1752 = arith.constant 6 : i32
      %dma_start3A_1753 = arith.constant 0 : i32
      %dma_start3A_1754 = arith.constant 0 : i32
      %dma_start3A_1755 = arith.constant 0 : i32
      %dma_start3A_1756 = arith.constant 0 : i32
      %dma_start3A_1757 = tpu.memref_slice %arg9[%dma_start3A_1753, %dma_start3A_1755, %dma_start3A_1756] : memref<2x128x128xf32, #tpu.memory_space<vmem>> -> memref<1x128x128xf32, #tpu.memory_space<vmem>>
      %dma_start3A_1758 = tpu.memref_squeeze %dma_start3A_1757 : memref<1x128x128xf32, #tpu.memory_space<vmem>> -> memref<128x128xf32, #tpu.memory_space<vmem>>
      %dma_start3A_1759 = arith.constant 0 : i32
      %dma_start3A_1760 = tpu.memref_slice %arg7[%rem3A_1084, %dma_start3A_1752, %dma_start3A_1759] : memref<2x8x128xi32, #tpu.memory_space<vmem>> -> memref<1x1x128xi32, #tpu.memory_space<vmem>>
      %dma_start3A_1761 = tpu.memref_squeeze %dma_start3A_1760 : memref<1x1x128xi32, #tpu.memory_space<vmem>> -> memref<128xi32, #tpu.memory_space<vmem>>
      %dma_start3A_1762 = arith.constant 0 : i32
      %dma_start3A_1763 = arith.constant 0 : i32
      %dma_start3A_1764 = tpu.memref_slice %arg2[%dma_start3A_1762, %dma_start3A_1763] : memref<10000x128xf32, #tpu.memory_space<hbm>> -> memref<10000x128xf32, #tpu.memory_space<hbm>>
      %dma_start3A_1765 = tpu.memref_slice %arg12[%dma_start3A_1754] : memref<2x!tpu.dma_semaphore, #tpu.memory_space<semaphore_mem>> -> memref<1x!tpu.dma_semaphore, #tpu.memory_space<semaphore_mem>>
      %dma_start3A_1766 = tpu.memref_squeeze %dma_start3A_1765 : memref<1x!tpu.dma_semaphore, #tpu.memory_space<semaphore_mem>> -> memref<!tpu.dma_semaphore, #tpu.memory_space<semaphore_mem>>
      tpu.enqueue_indirect_dma source(%dma_start3A_1764 : memref<10000x128xf32, #tpu.memory_space<hbm>>) target(%dma_start3A_1758 : memref<128x128xf32, #tpu.memory_space<vmem>>) offsets(%dma_start3A_1761 : memref<128xi32, #tpu.memory_space<vmem>>) semaphore(%dma_start3A_1766 : memref<!tpu.dma_semaphore, #tpu.memory_space<semaphore_mem>>)
      %get3A_1767 = arith.constant 6 : i32
      %get3A_1768 = arith.index_cast %rem3A_1084 : i32 to index
      %get3A_1769 = arith.index_cast %get3A_1767 : i32 to index
      %get3A_1770 = arith.constant 0 : index
      %get3A_1771 = tpu.vector_load %arg8[%get3A_1768, %get3A_1769, %get3A_1770] {strides = array<i32>} : memref<2x8x128xi32, #tpu.memory_space<vmem>>, vector<16xi32>,
      tpu.vector_store_idx %arg10[%get3A_1771], %broadcast_in_dim3A_29 {add = true} : memref<10240xf32, #tpu.memory_space<vmem>>[vector<16xi32>], vector<16xf32>,
      %get3A_1772 = arith.constant 6 : i32
      %get3A_1773 = arith.index_cast %rem3A_1084 : i32 to index
      %get3A_1774 = arith.index_cast %get3A_1772 : i32 to index
      %get3A_1775 = arith.constant 16 : index
      %get3A_1776 = tpu.vector_load %arg8[%get3A_1773, %get3A_1774, %get3A_1775] {strides = array<i32>} : memref<2x8x128xi32, #tpu.memory_space<vmem>>, vector<16xi32>,
      tpu.vector_store_idx %arg10[%get3A_1776], %broadcast_in_dim3A_29 {add = true} : memref<10240xf32, #tpu.memory_space<vmem>>[vector<16xi32>], vector<16xf32>,
      %get3A_1777 = arith.constant 6 : i32
      %get3A_1778 = arith.index_cast %rem3A_1084 : i32 to index
      %get3A_1779 = arith.index_cast %get3A_1777 : i32 to index
      %get3A_1780 = arith.constant 32 : index
      %get3A_1781 = tpu.vector_load %arg8[%get3A_1778, %get3A_1779, %get3A_1780] {strides = array<i32>} : memref<2x8x128xi32, #tpu.memory_space<vmem>>, vector<16xi32>,
      tpu.vector_store_idx %arg10[%get3A_1781], %broadcast_in_dim3A_29 {add = true} : memref<10240xf32, #tpu.memory_space<vmem>>[vector<16xi32>], vector<16xf32>,
      %get3A_1782 = arith.constant 6 : i32
      %get3A_1783 = arith.index_cast %rem3A_1084 : i32 to index
      %get3A_1784 = arith.index_cast %get3A_1782 : i32 to index
      %get3A_1785 = arith.constant 48 : index
      %get3A_1786 = tpu.vector_load %arg8[%get3A_1783, %get3A_1784, %get3A_1785] {strides = array<i32>} : memref<2x8x128xi32, #tpu.memory_space<vmem>>, vector<16xi32>,
      tpu.vector_store_idx %arg10[%get3A_1786], %broadcast_in_dim3A_29 {add = true} : memref<10240xf32, #tpu.memory_space<vmem>>[vector<16xi32>], vector<16xf32>,
      %get3A_1787 = arith.constant 6 : i32
      %get3A_1788 = arith.index_cast %rem3A_1084 : i32 to index
      %get3A_1789 = arith.index_cast %get3A_1787 : i32 to index
      %get3A_1790 = arith.constant 64 : index
      %get3A_1791 = tpu.vector_load %arg8[%get3A_1788, %get3A_1789, %get3A_1790] {strides = array<i32>} : memref<2x8x128xi32, #tpu.memory_space<vmem>>, vector<16xi32>,
      tpu.vector_store_idx %arg10[%get3A_1791], %broadcast_in_dim3A_29 {add = true} : memref<10240xf32, #tpu.memory_space<vmem>>[vector<16xi32>], vector<16xf32>,
      %get3A_1792 = arith.constant 6 : i32
      %get3A_1793 = arith.index_cast %rem3A_1084 : i32 to index
      %get3A_1794 = arith.index_cast %get3A_1792 : i32 to index
      %get3A_1795 = arith.constant 80 : index
      %get3A_1796 = tpu.vector_load %arg8[%get3A_1793, %get3A_1794, %get3A_1795] {strides = array<i32>} : memref<2x8x128xi32, #tpu.memory_space<vmem>>, vector<16xi32>,
      tpu.vector_store_idx %arg10[%get3A_1796], %broadcast_in_dim3A_29 {add = true} : memref<10240xf32, #tpu.memory_space<vmem>>[vector<16xi32>], vector<16xf32>,
      %get3A_1797 = arith.constant 6 : i32
      %get3A_1798 = arith.index_cast %rem3A_1084 : i32 to index
      %get3A_1799 = arith.index_cast %get3A_1797 : i32 to index
      %get3A_1800 = arith.constant 96 : index
      %get3A_1801 = tpu.vector_load %arg8[%get3A_1798, %get3A_1799, %get3A_1800] {strides = array<i32>} : memref<2x8x128xi32, #tpu.memory_space<vmem>>, vector<16xi32>,
      tpu.vector_store_idx %arg10[%get3A_1801], %broadcast_in_dim3A_29 {add = true} : memref<10240xf32, #tpu.memory_space<vmem>>[vector<16xi32>], vector<16xf32>,
      %get3A_1802 = arith.constant 6 : i32
      %get3A_1803 = arith.index_cast %rem3A_1084 : i32 to index
      %get3A_1804 = arith.index_cast %get3A_1802 : i32 to index
      %get3A_1805 = arith.constant 112 : index
      %get3A_1806 = tpu.vector_load %arg8[%get3A_1803, %get3A_1804, %get3A_1805] {strides = array<i32>} : memref<2x8x128xi32, #tpu.memory_space<vmem>>, vector<16xi32>,
      tpu.vector_store_idx %arg10[%get3A_1806], %broadcast_in_dim3A_29 {add = true} : memref<10240xf32, #tpu.memory_space<vmem>>[vector<16xi32>], vector<16xf32>,
      %dma_wait3A_1807 = arith.constant 0 : i32
      %dma_wait3A_1808 = arith.constant 0 : i32
      %dma_wait3A_1809 = arith.constant 1 : i32
      %dma_wait3A_1810 = arith.constant 1 : i32
      %dma_wait3A_1811 = arith.constant 0 : i32
      %dma_wait3A_1812 = arith.constant 0 : i32
      %dma_wait3A_1813 = tpu.memref_slice %arg9[%dma_wait3A_1809, %dma_wait3A_1811, %dma_wait3A_1812] : memref<2x128x128xf32, #tpu.memory_space<vmem>> -> memref<1x128x128xf32, #tpu.memory_space<vmem>>
      %dma_wait3A_1814 = tpu.memref_squeeze %dma_wait3A_1813 : memref<1x128x128xf32, #tpu.memory_space<vmem>> -> memref<128x128xf32, #tpu.memory_space<vmem>>
      %dma_wait3A_1815 = arith.constant 0 : i32
      %dma_wait3A_1816 = tpu.memref_slice %arg7[%dma_wait3A_1807, %dma_wait3A_1808, %dma_wait3A_1815] : memref<2x8x128xi32, #tpu.memory_space<vmem>> -> memref<1x1x128xi32, #tpu.memory_space<vmem>>
      %dma_wait3A_1817 = tpu.memref_squeeze %dma_wait3A_1816 : memref<1x1x128xi32, #tpu.memory_space<vmem>> -> memref<128xi32, #tpu.memory_space<vmem>>
      %dma_wait3A_1818 = arith.constant 0 : i32
      %dma_wait3A_1819 = arith.constant 0 : i32
      %dma_wait3A_1820 = tpu.memref_slice %arg2[%dma_wait3A_1818, %dma_wait3A_1819] : memref<10000x128xf32, #tpu.memory_space<hbm>> -> memref<10000x128xf32, #tpu.memory_space<hbm>>
      %dma_wait3A_1821 = tpu.memref_slice %arg12[%dma_wait3A_1810] : memref<2x!tpu.dma_semaphore, #tpu.memory_space<semaphore_mem>> -> memref<1x!tpu.dma_semaphore, #tpu.memory_space<semaphore_mem>>
      %dma_wait3A_1822 = tpu.memref_squeeze %dma_wait3A_1821 : memref<1x!tpu.dma_semaphore, #tpu.memory_space<semaphore_mem>> -> memref<!tpu.dma_semaphore, #tpu.memory_space<semaphore_mem>>
      tpu.wait_indirect_dma semaphore(%dma_wait3A_1822 : memref<!tpu.dma_semaphore, #tpu.memory_space<semaphore_mem>>) src(%dma_wait3A_1820 : memref<10000x128xf32, #tpu.memory_space<hbm>>) dst(%dma_wait3A_1814 : memref<128x128xf32, #tpu.memory_space<vmem>>)
      %dma_start3A_1823 = arith.constant 1 : i32
      %dma_start3A_1824 = arith.constant 5 : i32
      %dma_start3A_1825 = arith.constant 1 : i32
      %dma_start3A_1826 = arith.constant 0 : i32
      %dma_start3A_1827 = arith.constant 0 : i32
      %dma_start3A_1828 = tpu.memref_slice %arg9[%dma_start3A_1823, %dma_start3A_1826, %dma_start3A_1827] : memref<2x128x128xf32, #tpu.memory_space<vmem>> -> memref<1x128x128xf32, #tpu.memory_space<vmem>>
      %dma_start3A_1829 = tpu.memref_squeeze %dma_start3A_1828 : memref<1x128x128xf32, #tpu.memory_space<vmem>> -> memref<128x128xf32, #tpu.memory_space<vmem>>
      %dma_start3A_1830 = arith.constant 0 : i32
      %dma_start3A_1831 = tpu.memref_slice %arg8[%rem3A_1084, %dma_start3A_1824, %dma_start3A_1830] : memref<2x8x128xi32, #tpu.memory_space<vmem>> -> memref<1x1x128xi32, #tpu.memory_space<vmem>>
      %dma_start3A_1832 = tpu.memref_squeeze %dma_start3A_1831 : memref<1x1x128xi32, #tpu.memory_space<vmem>> -> memref<128xi32, #tpu.memory_space<vmem>>
      %dma_start3A_1833 = arith.constant 0 : i32
      %dma_start3A_1834 = arith.constant 0 : i32
      %dma_start3A_1835 = tpu.memref_slice %arg11[%dma_start3A_1833, %dma_start3A_1834] : memref<10240x128xf32, #tpu.memory_space<vmem_shared>> -> memref<10240x128xf32, #tpu.memory_space<vmem_shared>>
      %dma_start3A_1836 = tpu.memref_slice %arg13[%dma_start3A_1825] : memref<2x!tpu.dma_semaphore, #tpu.memory_space<semaphore_mem>> -> memref<1x!tpu.dma_semaphore, #tpu.memory_space<semaphore_mem>>
      %dma_start3A_1837 = tpu.memref_squeeze %dma_start3A_1836 : memref<1x!tpu.dma_semaphore, #tpu.memory_space<semaphore_mem>> -> memref<!tpu.dma_semaphore, #tpu.memory_space<semaphore_mem>>
      tpu.enqueue_indirect_dma source(%dma_start3A_1829 : memref<128x128xf32, #tpu.memory_space<vmem>>) target(%dma_start3A_1835 : memref<10240x128xf32, #tpu.memory_space<vmem_shared>>) offsets(%dma_start3A_1832 : memref<128xi32, #tpu.memory_space<vmem>>) semaphore(%dma_start3A_1837 : memref<!tpu.dma_semaphore, #tpu.memory_space<semaphore_mem>>) {add = true}
      %dma_wait3A_1838 = arith.constant 1 : i32
      %dma_wait3A_1839 = arith.constant 0 : i32
      %dma_wait3A_1840 = arith.constant 0 : i32
      %dma_wait3A_1841 = arith.constant 1 : i32
      %dma_wait3A_1842 = arith.constant 0 : i32
      %dma_wait3A_1843 = arith.constant 0 : i32
      %dma_wait3A_1844 = tpu.memref_slice %arg9[%dma_wait3A_1838, %dma_wait3A_1842, %dma_wait3A_1843] : memref<2x128x128xf32, #tpu.memory_space<vmem>> -> memref<1x128x128xf32, #tpu.memory_space<vmem>>
      %dma_wait3A_1845 = tpu.memref_squeeze %dma_wait3A_1844 : memref<1x128x128xf32, #tpu.memory_space<vmem>> -> memref<128x128xf32, #tpu.memory_space<vmem>>
      %dma_wait3A_1846 = arith.constant 0 : i32
      %dma_wait3A_1847 = tpu.memref_slice %arg8[%dma_wait3A_1839, %dma_wait3A_1840, %dma_wait3A_1846] : memref<2x8x128xi32, #tpu.memory_space<vmem>> -> memref<1x1x128xi32, #tpu.memory_space<vmem>>
      %dma_wait3A_1848 = tpu.memref_squeeze %dma_wait3A_1847 : memref<1x1x128xi32, #tpu.memory_space<vmem>> -> memref<128xi32, #tpu.memory_space<vmem>>
      %dma_wait3A_1849 = arith.constant 0 : i32
      %dma_wait3A_1850 = arith.constant 0 : i32
      %dma_wait3A_1851 = tpu.memref_slice %arg11[%dma_wait3A_1849, %dma_wait3A_1850] : memref<10240x128xf32, #tpu.memory_space<vmem_shared>> -> memref<10240x128xf32, #tpu.memory_space<vmem_shared>>
      %dma_wait3A_1852 = tpu.memref_slice %arg13[%dma_wait3A_1841] : memref<2x!tpu.dma_semaphore, #tpu.memory_space<semaphore_mem>> -> memref<1x!tpu.dma_semaphore, #tpu.memory_space<semaphore_mem>>
      %dma_wait3A_1853 = tpu.memref_squeeze %dma_wait3A_1852 : memref<1x!tpu.dma_semaphore, #tpu.memory_space<semaphore_mem>> -> memref<!tpu.dma_semaphore, #tpu.memory_space<semaphore_mem>>
      tpu.wait_indirect_dma semaphore(%dma_wait3A_1853 : memref<!tpu.dma_semaphore, #tpu.memory_space<semaphore_mem>>) src(%dma_wait3A_1845 : memref<128x128xf32, #tpu.memory_space<vmem>>) dst(%dma_wait3A_1851 : memref<10240x128xf32, #tpu.memory_space<vmem_shared>>)
      %dma_start3A_1854 = arith.constant 7 : i32
      %dma_start3A_1855 = arith.constant 1 : i32
      %dma_start3A_1856 = arith.constant 1 : i32
      %dma_start3A_1857 = arith.constant 0 : i32
      %dma_start3A_1858 = arith.constant 0 : i32
      %dma_start3A_1859 = tpu.memref_slice %arg9[%dma_start3A_1855, %dma_start3A_1857, %dma_start3A_1858] : memref<2x128x128xf32, #tpu.memory_space<vmem>> -> memref<1x128x128xf32, #tpu.memory_space<vmem>>
      %dma_start3A_1860 = tpu.memref_squeeze %dma_start3A_1859 : memref<1x128x128xf32, #tpu.memory_space<vmem>> -> memref<128x128xf32, #tpu.memory_space<vmem>>
      %dma_start3A_1861 = arith.constant 0 : i32
      %dma_start3A_1862 = tpu.memref_slice %arg7[%rem3A_1084, %dma_start3A_1854, %dma_start3A_1861] : memref<2x8x128xi32, #tpu.memory_space<vmem>> -> memref<1x1x128xi32, #tpu.memory_space<vmem>>
      %dma_start3A_1863 = tpu.memref_squeeze %dma_start3A_1862 : memref<1x1x128xi32, #tpu.memory_space<vmem>> -> memref<128xi32, #tpu.memory_space<vmem>>
      %dma_start3A_1864 = arith.constant 0 : i32
      %dma_start3A_1865 = arith.constant 0 : i32
      %dma_start3A_1866 = tpu.memref_slice %arg2[%dma_start3A_1864, %dma_start3A_1865] : memref<10000x128xf32, #tpu.memory_space<hbm>> -> memref<10000x128xf32, #tpu.memory_space<hbm>>
      %dma_start3A_1867 = tpu.memref_slice %arg12[%dma_start3A_1856] : memref<2x!tpu.dma_semaphore, #tpu.memory_space<semaphore_mem>> -> memref<1x!tpu.dma_semaphore, #tpu.memory_space<semaphore_mem>>
      %dma_start3A_1868 = tpu.memref_squeeze %dma_start3A_1867 : memref<1x!tpu.dma_semaphore, #tpu.memory_space<semaphore_mem>> -> memref<!tpu.dma_semaphore, #tpu.memory_space<semaphore_mem>>
      tpu.enqueue_indirect_dma source(%dma_start3A_1866 : memref<10000x128xf32, #tpu.memory_space<hbm>>) target(%dma_start3A_1860 : memref<128x128xf32, #tpu.memory_space<vmem>>) offsets(%dma_start3A_1863 : memref<128xi32, #tpu.memory_space<vmem>>) semaphore(%dma_start3A_1868 : memref<!tpu.dma_semaphore, #tpu.memory_space<semaphore_mem>>)
      %get3A_1869 = arith.constant 7 : i32
      %get3A_1870 = arith.index_cast %rem3A_1084 : i32 to index
      %get3A_1871 = arith.index_cast %get3A_1869 : i32 to index
      %get3A_1872 = arith.constant 0 : index
      %get3A_1873 = tpu.vector_load %arg8[%get3A_1870, %get3A_1871, %get3A_1872] {strides = array<i32>} : memref<2x8x128xi32, #tpu.memory_space<vmem>>, vector<16xi32>,
      tpu.vector_store_idx %arg10[%get3A_1873], %broadcast_in_dim3A_29 {add = true} : memref<10240xf32, #tpu.memory_space<vmem>>[vector<16xi32>], vector<16xf32>,
      %get3A_1874 = arith.constant 7 : i32
      %get3A_1875 = arith.index_cast %rem3A_1084 : i32 to index
      %get3A_1876 = arith.index_cast %get3A_1874 : i32 to index
      %get3A_1877 = arith.constant 16 : index
      %get3A_1878 = tpu.vector_load %arg8[%get3A_1875, %get3A_1876, %get3A_1877] {strides = array<i32>} : memref<2x8x128xi32, #tpu.memory_space<vmem>>, vector<16xi32>,
      tpu.vector_store_idx %arg10[%get3A_1878], %broadcast_in_dim3A_29 {add = true} : memref<10240xf32, #tpu.memory_space<vmem>>[vector<16xi32>], vector<16xf32>,
      %get3A_1879 = arith.constant 7 : i32
      %get3A_1880 = arith.index_cast %rem3A_1084 : i32 to index
      %get3A_1881 = arith.index_cast %get3A_1879 : i32 to index
      %get3A_1882 = arith.constant 32 : index
      %get3A_1883 = tpu.vector_load %arg8[%get3A_1880, %get3A_1881, %get3A_1882] {strides = array<i32>} : memref<2x8x128xi32, #tpu.memory_space<vmem>>, vector<16xi32>,
      tpu.vector_store_idx %arg10[%get3A_1883], %broadcast_in_dim3A_29 {add = true} : memref<10240xf32, #tpu.memory_space<vmem>>[vector<16xi32>], vector<16xf32>,
      %get3A_1884 = arith.constant 7 : i32
      %get3A_1885 = arith.index_cast %rem3A_1084 : i32 to index
      %get3A_1886 = arith.index_cast %get3A_1884 : i32 to index
      %get3A_1887 = arith.constant 48 : index
      %get3A_1888 = tpu.vector_load %arg8[%get3A_1885, %get3A_1886, %get3A_1887] {strides = array<i32>} : memref<2x8x128xi32, #tpu.memory_space<vmem>>, vector<16xi32>,
      tpu.vector_store_idx %arg10[%get3A_1888], %broadcast_in_dim3A_29 {add = true} : memref<10240xf32, #tpu.memory_space<vmem>>[vector<16xi32>], vector<16xf32>,
      %get3A_1889 = arith.constant 7 : i32
      %get3A_1890 = arith.index_cast %rem3A_1084 : i32 to index
      %get3A_1891 = arith.index_cast %get3A_1889 : i32 to index
      %get3A_1892 = arith.constant 64 : index
      %get3A_1893 = tpu.vector_load %arg8[%get3A_1890, %get3A_1891, %get3A_1892] {strides = array<i32>} : memref<2x8x128xi32, #tpu.memory_space<vmem>>, vector<16xi32>,
      tpu.vector_store_idx %arg10[%get3A_1893], %broadcast_in_dim3A_29 {add = true} : memref<10240xf32, #tpu.memory_space<vmem>>[vector<16xi32>], vector<16xf32>,
      %get3A_1894 = arith.constant 7 : i32
      %get3A_1895 = arith.index_cast %rem3A_1084 : i32 to index
      %get3A_1896 = arith.index_cast %get3A_1894 : i32 to index
      %get3A_1897 = arith.constant 80 : index
      %get3A_1898 = tpu.vector_load %arg8[%get3A_1895, %get3A_1896, %get3A_1897] {strides = array<i32>} : memref<2x8x128xi32, #tpu.memory_space<vmem>>, vector<16xi32>,
      tpu.vector_store_idx %arg10[%get3A_1898], %broadcast_in_dim3A_29 {add = true} : memref<10240xf32, #tpu.memory_space<vmem>>[vector<16xi32>], vector<16xf32>,
      %get3A_1899 = arith.constant 7 : i32
      %get3A_1900 = arith.index_cast %rem3A_1084 : i32 to index
      %get3A_1901 = arith.index_cast %get3A_1899 : i32 to index
      %get3A_1902 = arith.constant 96 : index
      %get3A_1903 = tpu.vector_load %arg8[%get3A_1900, %get3A_1901, %get3A_1902] {strides = array<i32>} : memref<2x8x128xi32, #tpu.memory_space<vmem>>, vector<16xi32>,
      tpu.vector_store_idx %arg10[%get3A_1903], %broadcast_in_dim3A_29 {add = true} : memref<10240xf32, #tpu.memory_space<vmem>>[vector<16xi32>], vector<16xf32>,
      %get3A_1904 = arith.constant 7 : i32
      %get3A_1905 = arith.index_cast %rem3A_1084 : i32 to index
      %get3A_1906 = arith.index_cast %get3A_1904 : i32 to index
      %get3A_1907 = arith.constant 112 : index
      %get3A_1908 = tpu.vector_load %arg8[%get3A_1905, %get3A_1906, %get3A_1907] {strides = array<i32>} : memref<2x8x128xi32, #tpu.memory_space<vmem>>, vector<16xi32>,
      tpu.vector_store_idx %arg10[%get3A_1908], %broadcast_in_dim3A_29 {add = true} : memref<10240xf32, #tpu.memory_space<vmem>>[vector<16xi32>], vector<16xf32>,
      %dma_wait3A_1909 = arith.constant 0 : i32
      %dma_wait3A_1910 = arith.constant 0 : i32
      %dma_wait3A_1911 = arith.constant 0 : i32
      %dma_wait3A_1912 = arith.constant 0 : i32
      %dma_wait3A_1913 = arith.constant 0 : i32
      %dma_wait3A_1914 = arith.constant 0 : i32
      %dma_wait3A_1915 = tpu.memref_slice %arg9[%dma_wait3A_1911, %dma_wait3A_1913, %dma_wait3A_1914] : memref<2x128x128xf32, #tpu.memory_space<vmem>> -> memref<1x128x128xf32, #tpu.memory_space<vmem>>
      %dma_wait3A_1916 = tpu.memref_squeeze %dma_wait3A_1915 : memref<1x128x128xf32, #tpu.memory_space<vmem>> -> memref<128x128xf32, #tpu.memory_space<vmem>>
      %dma_wait3A_1917 = arith.constant 0 : i32
      %dma_wait3A_1918 = tpu.memref_slice %arg7[%dma_wait3A_1909, %dma_wait3A_1910, %dma_wait3A_1917] : memref<2x8x128xi32, #tpu.memory_space<vmem>> -> memref<1x1x128xi32, #tpu.memory_space<vmem>>
      %dma_wait3A_1919 = tpu.memref_squeeze %dma_wait3A_1918 : memref<1x1x128xi32, #tpu.memory_space<vmem>> -> memref<128xi32, #tpu.memory_space<vmem>>
      %dma_wait3A_1920 = arith.constant 0 : i32
      %dma_wait3A_1921 = arith.constant 0 : i32
      %dma_wait3A_1922 = tpu.memref_slice %arg2[%dma_wait3A_1920, %dma_wait3A_1921] : memref<10000x128xf32, #tpu.memory_space<hbm>> -> memref<10000x128xf32, #tpu.memory_space<hbm>>
      %dma_wait3A_1923 = tpu.memref_slice %arg12[%dma_wait3A_1912] : memref<2x!tpu.dma_semaphore, #tpu.memory_space<semaphore_mem>> -> memref<1x!tpu.dma_semaphore, #tpu.memory_space<semaphore_mem>>
      %dma_wait3A_1924 = tpu.memref_squeeze %dma_wait3A_1923 : memref<1x!tpu.dma_semaphore, #tpu.memory_space<semaphore_mem>> -> memref<!tpu.dma_semaphore, #tpu.memory_space<semaphore_mem>>
      tpu.wait_indirect_dma semaphore(%dma_wait3A_1924 : memref<!tpu.dma_semaphore, #tpu.memory_space<semaphore_mem>>) src(%dma_wait3A_1922 : memref<10000x128xf32, #tpu.memory_space<hbm>>) dst(%dma_wait3A_1916 : memref<128x128xf32, #tpu.memory_space<vmem>>)
      %dma_start3A_1925 = arith.constant 0 : i32
      %dma_start3A_1926 = arith.constant 6 : i32
      %dma_start3A_1927 = arith.constant 0 : i32
      %dma_start3A_1928 = arith.constant 0 : i32
      %dma_start3A_1929 = arith.constant 0 : i32
      %dma_start3A_1930 = tpu.memref_slice %arg9[%dma_start3A_1925, %dma_start3A_1928, %dma_start3A_1929] : memref<2x128x128xf32, #tpu.memory_space<vmem>> -> memref<1x128x128xf32, #tpu.memory_space<vmem>>
      %dma_start3A_1931 = tpu.memref_squeeze %dma_start3A_1930 : memref<1x128x128xf32, #tpu.memory_space<vmem>> -> memref<128x128xf32, #tpu.memory_space<vmem>>
      %dma_start3A_1932 = arith.constant 0 : i32
      %dma_start3A_1933 = tpu.memref_slice %arg8[%rem3A_1084, %dma_start3A_1926, %dma_start3A_1932] : memref<2x8x128xi32, #tpu.memory_space<vmem>> -> memref<1x1x128xi32, #tpu.memory_space<vmem>>
      %dma_start3A_1934 = tpu.memref_squeeze %dma_start3A_1933 : memref<1x1x128xi32, #tpu.memory_space<vmem>> -> memref<128xi32, #tpu.memory_space<vmem>>
      %dma_start3A_1935 = arith.constant 0 : i32
      %dma_start3A_1936 = arith.constant 0 : i32
      %dma_start3A_1937 = tpu.memref_slice %arg11[%dma_start3A_1935, %dma_start3A_1936] : memref<10240x128xf32, #tpu.memory_space<vmem_shared>> -> memref<10240x128xf32, #tpu.memory_space<vmem_shared>>
      %dma_start3A_1938 = tpu.memref_slice %arg13[%dma_start3A_1927] : memref<2x!tpu.dma_semaphore, #tpu.memory_space<semaphore_mem>> -> memref<1x!tpu.dma_semaphore, #tpu.memory_space<semaphore_mem>>
      %dma_start3A_1939 = tpu.memref_squeeze %dma_start3A_1938 : memref<1x!tpu.dma_semaphore, #tpu.memory_space<semaphore_mem>> -> memref<!tpu.dma_semaphore, #tpu.memory_space<semaphore_mem>>
      tpu.enqueue_indirect_dma source(%dma_start3A_1931 : memref<128x128xf32, #tpu.memory_space<vmem>>) target(%dma_start3A_1937 : memref<10240x128xf32, #tpu.memory_space<vmem_shared>>) offsets(%dma_start3A_1934 : memref<128xi32, #tpu.memory_space<vmem>>) semaphore(%dma_start3A_1939 : memref<!tpu.dma_semaphore, #tpu.memory_space<semaphore_mem>>) {add = true}
    }
    %while3A_1006 = arith.constant 1 : i32
    scf.for %while3A_1082 = %while3A_1004 to %while3A_1000 step %while3A_1006  : i32 {
      %rem3A_1083 = arith.constant 2 : i32
      %rem3A_1084 = arith.remsi %while3A_1082, %rem3A_1083 : i32
      %sub3A_1085 = arith.constant 1 : i32
      %sub3A_1086 = arith.subi %sub3A_1085, %rem3A_1084 : i32
      %dma_wait3A_1087 = arith.constant 0 : i32
      %dma_wait3A_1088 = arith.constant 0 : i32
      %dma_wait3A_1089 = arith.constant 0 : i32
      %dma_wait3A_1090 = arith.constant 0 : i32
      %dma_wait3A_1091 = arith.constant 0 : i32
      %dma_wait3A_1092 = arith.constant 0 : i32
      %dma_wait3A_1093 = tpu.memref_slice %arg9[%dma_wait3A_1087, %dma_wait3A_1091, %dma_wait3A_1092] : memref<2x128x128xf32, #tpu.memory_space<vmem>> -> memref<1x128x128xf32, #tpu.memory_space<vmem>>
      %dma_wait3A_1094 = tpu.memref_squeeze %dma_wait3A_1093 : memref<1x128x128xf32, #tpu.memory_space<vmem>> -> memref<128x128xf32, #tpu.memory_space<vmem>>
      %dma_wait3A_1095 = arith.constant 0 : i32
      %dma_wait3A_1096 = tpu.memref_slice %arg8[%dma_wait3A_1088, %dma_wait3A_1089, %dma_wait3A_1095] : memref<2x8x128xi32, #tpu.memory_space<vmem>> -> memref<1x1x128xi32, #tpu.memory_space<vmem>>
      %dma_wait3A_1097 = tpu.memref_squeeze %dma_wait3A_1096 : memref<1x1x128xi32, #tpu.memory_space<vmem>> -> memref<128xi32, #tpu.memory_space<vmem>>
      %dma_wait3A_1098 = arith.constant 0 : i32
      %dma_wait3A_1099 = arith.constant 0 : i32
      %dma_wait3A_1100 = tpu.memref_slice %arg11[%dma_wait3A_1098, %dma_wait3A_1099] : memref<10240x128xf32, #tpu.memory_space<vmem_shared>> -> memref<10240x128xf32, #tpu.memory_space<vmem_shared>>
      %dma_wait3A_1101 = tpu.memref_slice %arg13[%dma_wait3A_1090] : memref<2x!tpu.dma_semaphore, #tpu.memory_space<semaphore_mem>> -> memref<1x!tpu.dma_semaphore, #tpu.memory_space<semaphore_mem>>
      %dma_wait3A_1102 = tpu.memref_squeeze %dma_wait3A_1101 : memref<1x!tpu.dma_semaphore, #tpu.memory_space<semaphore_mem>> -> memref<!tpu.dma_semaphore, #tpu.memory_space<semaphore_mem>>
      tpu.wait_indirect_dma semaphore(%dma_wait3A_1102 : memref<!tpu.dma_semaphore, #tpu.memory_space<semaphore_mem>>) src(%dma_wait3A_1094 : memref<128x128xf32, #tpu.memory_space<vmem>>) dst(%dma_wait3A_1100 : memref<10240x128xf32, #tpu.memory_space<vmem_shared>>)
      %dma_wait3A_1103 = arith.constant 0 : i32
      %dma_wait3A_1104 = arith.constant 0 : i32
      %dma_wait3A_1105 = tpu.memref_slice %arg7[%rem3A_1084, %dma_wait3A_1103, %dma_wait3A_1104] : memref<2x8x128xi32, #tpu.memory_space<vmem>> -> memref<1x8x128xi32, #tpu.memory_space<vmem>>
      %dma_wait3A_1106 = tpu.memref_squeeze %dma_wait3A_1105 : memref<1x8x128xi32, #tpu.memory_space<vmem>> -> memref<8x128xi32, #tpu.memory_space<vmem>>
      %dma_wait3A_1107 = arith.constant 0 : i32
      %dma_wait3A_1108 = arith.constant 0 : i32
      %dma_wait3A_1109 = tpu.memref_slice %arg3[%dma_wait3A_1107, %dma_wait3A_1108] : memref<2560x128xi32, #tpu.memory_space<hbm>> -> memref<8x128xi32, #tpu.memory_space<hbm>>
      %dma_wait3A_1110 = tpu.memref_slice %arg14[%rem3A_1084] : memref<2x!tpu.dma_semaphore, #tpu.memory_space<semaphore_mem>> -> memref<1x!tpu.dma_semaphore, #tpu.memory_space<semaphore_mem>>
      %dma_wait3A_1111 = tpu.memref_squeeze %dma_wait3A_1110 : memref<1x!tpu.dma_semaphore, #tpu.memory_space<semaphore_mem>> -> memref<!tpu.dma_semaphore, #tpu.memory_space<semaphore_mem>>
      %dma_wait3A_1112 = arith.constant 0 : i32
      %dma_wait3A_1113 = arith.constant 0 : i32
      %dma_wait3A_1114 = tpu.memref_slice %arg7[%rem3A_1084, %dma_wait3A_1112, %dma_wait3A_1113] : memref<2x8x128xi32, #tpu.memory_space<vmem>> -> memref<1x8x128xi32, #tpu.memory_space<vmem>>
      %dma_wait3A_1115 = tpu.memref_squeeze %dma_wait3A_1114 : memref<1x8x128xi32, #tpu.memory_space<vmem>> -> memref<8x128xi32, #tpu.memory_space<vmem>>
      %dma_wait3A_1116 = arith.constant 0 : i32
      %dma_wait3A_1117 = arith.constant 0 : i32
      %dma_wait3A_1118 = tpu.memref_slice %arg3[%dma_wait3A_1116, %dma_wait3A_1117] : memref<2560x128xi32, #tpu.memory_space<hbm>> -> memref<8x128xi32, #tpu.memory_space<hbm>>
      tpu.wait_dma2 semaphore(%dma_wait3A_1111 : memref<!tpu.dma_semaphore, #tpu.memory_space<semaphore_mem>>) src(%dma_wait3A_1118 : memref<8x128xi32, #tpu.memory_space<hbm>>) dst(%dma_wait3A_1115 : memref<8x128xi32, #tpu.memory_space<vmem>>)
      %dma_wait3A_1119 = arith.constant 0 : i32
      %dma_wait3A_1120 = arith.constant 0 : i32
      %dma_wait3A_1121 = tpu.memref_slice %arg8[%rem3A_1084, %dma_wait3A_1119, %dma_wait3A_1120] : memref<2x8x128xi32, #tpu.memory_space<vmem>> -> memref<1x8x128xi32, #tpu.memory_space<vmem>>
      %dma_wait3A_1122 = tpu.memref_squeeze %dma_wait3A_1121 : memref<1x8x128xi32, #tpu.memory_space<vmem>> -> memref<8x128xi32, #tpu.memory_space<vmem>>
      %dma_wait3A_1123 = arith.constant 0 : i32
      %dma_wait3A_1124 = arith.constant 0 : i32
      %dma_wait3A_1125 = tpu.memref_slice %arg4[%dma_wait3A_1123, %dma_wait3A_1124] : memref<2560x128xi32, #tpu.memory_space<hbm>> -> memref<8x128xi32, #tpu.memory_space<hbm>>
      %dma_wait3A_1126 = tpu.memref_slice %arg14[%rem3A_1084] : memref<2x!tpu.dma_semaphore, #tpu.memory_space<semaphore_mem>> -> memref<1x!tpu.dma_semaphore, #tpu.memory_space<semaphore_mem>>
      %dma_wait3A_1127 = tpu.memref_squeeze %dma_wait3A_1126 : memref<1x!tpu.dma_semaphore, #tpu.memory_space<semaphore_mem>> -> memref<!tpu.dma_semaphore, #tpu.memory_space<semaphore_mem>>
      %dma_wait3A_1128 = arith.constant 0 : i32
      %dma_wait3A_1129 = arith.constant 0 : i32
      %dma_wait3A_1130 = tpu.memref_slice %arg8[%rem3A_1084, %dma_wait3A_1128, %dma_wait3A_1129] : memref<2x8x128xi32, #tpu.memory_space<vmem>> -> memref<1x8x128xi32, #tpu.memory_space<vmem>>
      %dma_wait3A_1131 = tpu.memref_squeeze %dma_wait3A_1130 : memref<1x8x128xi32, #tpu.memory_space<vmem>> -> memref<8x128xi32, #tpu.memory_space<vmem>>
      %dma_wait3A_1132 = arith.constant 0 : i32
      %dma_wait3A_1133 = arith.constant 0 : i32
      %dma_wait3A_1134 = tpu.memref_slice %arg4[%dma_wait3A_1132, %dma_wait3A_1133] : memref<2560x128xi32, #tpu.memory_space<hbm>> -> memref<8x128xi32, #tpu.memory_space<hbm>>
      tpu.wait_dma2 semaphore(%dma_wait3A_1127 : memref<!tpu.dma_semaphore, #tpu.memory_space<semaphore_mem>>) src(%dma_wait3A_1134 : memref<8x128xi32, #tpu.memory_space<hbm>>) dst(%dma_wait3A_1131 : memref<8x128xi32, #tpu.memory_space<vmem>>)
      %dma_start3A_1135 = arith.constant 0 : i32
      %dma_start3A_1136 = arith.constant 0 : i32
      %dma_start3A_1137 = arith.constant 0 : i32
      %dma_start3A_1138 = arith.constant 0 : i32
      %dma_start3A_1139 = arith.constant 0 : i32
      %dma_start3A_1140 = tpu.memref_slice %arg9[%dma_start3A_1136, %dma_start3A_1138, %dma_start3A_1139] : memref<2x128x128xf32, #tpu.memory_space<vmem>> -> memref<1x128x128xf32, #tpu.memory_space<vmem>>
      %dma_start3A_1141 = tpu.memref_squeeze %dma_start3A_1140 : memref<1x128x128xf32, #tpu.memory_space<vmem>> -> memref<128x128xf32, #tpu.memory_space<vmem>>
      %dma_start3A_1142 = arith.constant 0 : i32
      %dma_start3A_1143 = tpu.memref_slice %arg7[%rem3A_1084, %dma_start3A_1135, %dma_start3A_1142] : memref<2x8x128xi32, #tpu.memory_space<vmem>> -> memref<1x1x128xi32, #tpu.memory_space<vmem>>
      %dma_start3A_1144 = tpu.memref_squeeze %dma_start3A_1143 : memref<1x1x128xi32, #tpu.memory_space<vmem>> -> memref<128xi32, #tpu.memory_space<vmem>>
      %dma_start3A_1145 = arith.constant 0 : i32
      %dma_start3A_1146 = arith.constant 0 : i32
      %dma_start3A_1147 = tpu.memref_slice %arg2[%dma_start3A_1145, %dma_start3A_1146] : memref<10000x128xf32, #tpu.memory_space<hbm>> -> memref<10000x128xf32, #tpu.memory_space<hbm>>
      %dma_start3A_1148 = tpu.memref_slice %arg12[%dma_start3A_1137] : memref<2x!tpu.dma_semaphore, #tpu.memory_space<semaphore_mem>> -> memref<1x!tpu.dma_semaphore, #tpu.memory_space<semaphore_mem>>
      %dma_start3A_1149 = tpu.memref_squeeze %dma_start3A_1148 : memref<1x!tpu.dma_semaphore, #tpu.memory_space<semaphore_mem>> -> memref<!tpu.dma_semaphore, #tpu.memory_space<semaphore_mem>>
      tpu.enqueue_indirect_dma source(%dma_start3A_1147 : memref<10000x128xf32, #tpu.memory_space<hbm>>) target(%dma_start3A_1141 : memref<128x128xf32, #tpu.memory_space<vmem>>) offsets(%dma_start3A_1144 : memref<128xi32, #tpu.memory_space<vmem>>) semaphore(%dma_start3A_1149 : memref<!tpu.dma_semaphore, #tpu.memory_space<semaphore_mem>>)
      %get3A_1150 = arith.constant 0 : i32
      %get3A_1151 = arith.index_cast %rem3A_1084 : i32 to index
      %get3A_1152 = arith.index_cast %get3A_1150 : i32 to index
      %get3A_1153 = arith.constant 0 : index
      %get3A_1154 = tpu.vector_load %arg8[%get3A_1151, %get3A_1152, %get3A_1153] {strides = array<i32>} : memref<2x8x128xi32, #tpu.memory_space<vmem>>, vector<16xi32>,
      tpu.vector_store_idx %arg10[%get3A_1154], %broadcast_in_dim3A_29 {add = true} : memref<10240xf32, #tpu.memory_space<vmem>>[vector<16xi32>], vector<16xf32>,
      %get3A_1155 = arith.constant 0 : i32
      %get3A_1156 = arith.index_cast %rem3A_1084 : i32 to index
      %get3A_1157 = arith.index_cast %get3A_1155 : i32 to index
      %get3A_1158 = arith.constant 16 : index
      %get3A_1159 = tpu.vector_load %arg8[%get3A_1156, %get3A_1157, %get3A_1158] {strides = array<i32>} : memref<2x8x128xi32, #tpu.memory_space<vmem>>, vector<16xi32>,
      tpu.vector_store_idx %arg10[%get3A_1159], %broadcast_in_dim3A_29 {add = true} : memref<10240xf32, #tpu.memory_space<vmem>>[vector<16xi32>], vector<16xf32>,
      %get3A_1160 = arith.constant 0 : i32
      %get3A_1161 = arith.index_cast %rem3A_1084 : i32 to index
      %get3A_1162 = arith.index_cast %get3A_1160 : i32 to index
      %get3A_1163 = arith.constant 32 : index
      %get3A_1164 = tpu.vector_load %arg8[%get3A_1161, %get3A_1162, %get3A_1163] {strides = array<i32>} : memref<2x8x128xi32, #tpu.memory_space<vmem>>, vector<16xi32>,
      tpu.vector_store_idx %arg10[%get3A_1164], %broadcast_in_dim3A_29 {add = true} : memref<10240xf32, #tpu.memory_space<vmem>>[vector<16xi32>], vector<16xf32>,
      %get3A_1165 = arith.constant 0 : i32
      %get3A_1166 = arith.index_cast %rem3A_1084 : i32 to index
      %get3A_1167 = arith.index_cast %get3A_1165 : i32 to index
      %get3A_1168 = arith.constant 48 : index
      %get3A_1169 = tpu.vector_load %arg8[%get3A_1166, %get3A_1167, %get3A_1168] {strides = array<i32>} : memref<2x8x128xi32, #tpu.memory_space<vmem>>, vector<16xi32>,
      tpu.vector_store_idx %arg10[%get3A_1169], %broadcast_in_dim3A_29 {add = true} : memref<10240xf32, #tpu.memory_space<vmem>>[vector<16xi32>], vector<16xf32>,
      %get3A_1170 = arith.constant 0 : i32
      %get3A_1171 = arith.index_cast %rem3A_1084 : i32 to index
      %get3A_1172 = arith.index_cast %get3A_1170 : i32 to index
      %get3A_1173 = arith.constant 64 : index
      %get3A_1174 = tpu.vector_load %arg8[%get3A_1171, %get3A_1172, %get3A_1173] {strides = array<i32>} : memref<2x8x128xi32, #tpu.memory_space<vmem>>, vector<16xi32>,
      tpu.vector_store_idx %arg10[%get3A_1174], %broadcast_in_dim3A_29 {add = true} : memref<10240xf32, #tpu.memory_space<vmem>>[vector<16xi32>], vector<16xf32>,
      %get3A_1175 = arith.constant 0 : i32
      %get3A_1176 = arith.index_cast %rem3A_1084 : i32 to index
      %get3A_1177 = arith.index_cast %get3A_1175 : i32 to index
      %get3A_1178 = arith.constant 80 : index
      %get3A_1179 = tpu.vector_load %arg8[%get3A_1176, %get3A_1177, %get3A_1178] {strides = array<i32>} : memref<2x8x128xi32, #tpu.memory_space<vmem>>, vector<16xi32>,
      tpu.vector_store_idx %arg10[%get3A_1179], %broadcast_in_dim3A_29 {add = true} : memref<10240xf32, #tpu.memory_space<vmem>>[vector<16xi32>], vector<16xf32>,
      %get3A_1180 = arith.constant 0 : i32
      %get3A_1181 = arith.index_cast %rem3A_1084 : i32 to index
      %get3A_1182 = arith.index_cast %get3A_1180 : i32 to index
      %get3A_1183 = arith.constant 96 : index
      %get3A_1184 = tpu.vector_load %arg8[%get3A_1181, %get3A_1182, %get3A_1183] {strides = array<i32>} : memref<2x8x128xi32, #tpu.memory_space<vmem>>, vector<16xi32>,
      tpu.vector_store_idx %arg10[%get3A_1184], %broadcast_in_dim3A_29 {add = true} : memref<10240xf32, #tpu.memory_space<vmem>>[vector<16xi32>], vector<16xf32>,
      %get3A_1185 = arith.constant 0 : i32
      %get3A_1186 = arith.index_cast %rem3A_1084 : i32 to index
      %get3A_1187 = arith.index_cast %get3A_1185 : i32 to index
      %get3A_1188 = arith.constant 112 : index
      %get3A_1189 = tpu.vector_load %arg8[%get3A_1186, %get3A_1187, %get3A_1188] {strides = array<i32>} : memref<2x8x128xi32, #tpu.memory_space<vmem>>, vector<16xi32>,
      tpu.vector_store_idx %arg10[%get3A_1189], %broadcast_in_dim3A_29 {add = true} : memref<10240xf32, #tpu.memory_space<vmem>>[vector<16xi32>], vector<16xf32>,
      %dma_wait3A_1190 = arith.constant 0 : i32
      %dma_wait3A_1191 = arith.constant 0 : i32
      %dma_wait3A_1192 = arith.constant 1 : i32
      %dma_wait3A_1193 = arith.constant 1 : i32
      %dma_wait3A_1194 = arith.constant 0 : i32
      %dma_wait3A_1195 = arith.constant 0 : i32
      %dma_wait3A_1196 = tpu.memref_slice %arg9[%dma_wait3A_1192, %dma_wait3A_1194, %dma_wait3A_1195] : memref<2x128x128xf32, #tpu.memory_space<vmem>> -> memref<1x128x128xf32, #tpu.memory_space<vmem>>
      %dma_wait3A_1197 = tpu.memref_squeeze %dma_wait3A_1196 : memref<1x128x128xf32, #tpu.memory_space<vmem>> -> memref<128x128xf32, #tpu.memory_space<vmem>>
      %dma_wait3A_1198 = arith.constant 0 : i32
      %dma_wait3A_1199 = tpu.memref_slice %arg7[%dma_wait3A_1190, %dma_wait3A_1191, %dma_wait3A_1198] : memref<2x8x128xi32, #tpu.memory_space<vmem>> -> memref<1x1x128xi32, #tpu.memory_space<vmem>>
      %dma_wait3A_1200 = tpu.memref_squeeze %dma_wait3A_1199 : memref<1x1x128xi32, #tpu.memory_space<vmem>> -> memref<128xi32, #tpu.memory_space<vmem>>
      %dma_wait3A_1201 = arith.constant 0 : i32
      %dma_wait3A_1202 = arith.constant 0 : i32
      %dma_wait3A_1203 = tpu.memref_slice %arg2[%dma_wait3A_1201, %dma_wait3A_1202] : memref<10000x128xf32, #tpu.memory_space<hbm>> -> memref<10000x128xf32, #tpu.memory_space<hbm>>
      %dma_wait3A_1204 = tpu.memref_slice %arg12[%dma_wait3A_1193] : memref<2x!tpu.dma_semaphore, #tpu.memory_space<semaphore_mem>> -> memref<1x!tpu.dma_semaphore, #tpu.memory_space<semaphore_mem>>
      %dma_wait3A_1205 = tpu.memref_squeeze %dma_wait3A_1204 : memref<1x!tpu.dma_semaphore, #tpu.memory_space<semaphore_mem>> -> memref<!tpu.dma_semaphore, #tpu.memory_space<semaphore_mem>>
      tpu.wait_indirect_dma semaphore(%dma_wait3A_1205 : memref<!tpu.dma_semaphore, #tpu.memory_space<semaphore_mem>>) src(%dma_wait3A_1203 : memref<10000x128xf32, #tpu.memory_space<hbm>>) dst(%dma_wait3A_1197 : memref<128x128xf32, #tpu.memory_space<vmem>>)
      %dma_start3A_1206 = arith.constant 1 : i32
      %dma_start3A_1207 = arith.constant 7 : i32
      %dma_start3A_1208 = arith.constant 1 : i32
      %dma_start3A_1209 = arith.constant 0 : i32
      %dma_start3A_1210 = arith.constant 0 : i32
      %dma_start3A_1211 = tpu.memref_slice %arg9[%dma_start3A_1206, %dma_start3A_1209, %dma_start3A_1210] : memref<2x128x128xf32, #tpu.memory_space<vmem>> -> memref<1x128x128xf32, #tpu.memory_space<vmem>>
      %dma_start3A_1212 = tpu.memref_squeeze %dma_start3A_1211 : memref<1x128x128xf32, #tpu.memory_space<vmem>> -> memref<128x128xf32, #tpu.memory_space<vmem>>
      %dma_start3A_1213 = arith.constant 0 : i32
      %dma_start3A_1214 = tpu.memref_slice %arg8[%sub3A_1086, %dma_start3A_1207, %dma_start3A_1213] : memref<2x8x128xi32, #tpu.memory_space<vmem>> -> memref<1x1x128xi32, #tpu.memory_space<vmem>>
      %dma_start3A_1215 = tpu.memref_squeeze %dma_start3A_1214 : memref<1x1x128xi32, #tpu.memory_space<vmem>> -> memref<128xi32, #tpu.memory_space<vmem>>
      %dma_start3A_1216 = arith.constant 0 : i32
      %dma_start3A_1217 = arith.constant 0 : i32
      %dma_start3A_1218 = tpu.memref_slice %arg11[%dma_start3A_1216, %dma_start3A_1217] : memref<10240x128xf32, #tpu.memory_space<vmem_shared>> -> memref<10240x128xf32, #tpu.memory_space<vmem_shared>>
      %dma_start3A_1219 = tpu.memref_slice %arg13[%dma_start3A_1208] : memref<2x!tpu.dma_semaphore, #tpu.memory_space<semaphore_mem>> -> memref<1x!tpu.dma_semaphore, #tpu.memory_space<semaphore_mem>>
      %dma_start3A_1220 = tpu.memref_squeeze %dma_start3A_1219 : memref<1x!tpu.dma_semaphore, #tpu.memory_space<semaphore_mem>> -> memref<!tpu.dma_semaphore, #tpu.memory_space<semaphore_mem>>
      tpu.enqueue_indirect_dma source(%dma_start3A_1212 : memref<128x128xf32, #tpu.memory_space<vmem>>) target(%dma_start3A_1218 : memref<10240x128xf32, #tpu.memory_space<vmem_shared>>) offsets(%dma_start3A_1215 : memref<128xi32, #tpu.memory_space<vmem>>) semaphore(%dma_start3A_1220 : memref<!tpu.dma_semaphore, #tpu.memory_space<semaphore_mem>>) {add = true}
      %dma_wait3A_1221 = arith.constant 1 : i32
      %dma_wait3A_1222 = arith.constant 0 : i32
      %dma_wait3A_1223 = arith.constant 0 : i32
      %dma_wait3A_1224 = arith.constant 1 : i32
      %dma_wait3A_1225 = arith.constant 0 : i32
      %dma_wait3A_1226 = arith.constant 0 : i32
      %dma_wait3A_1227 = tpu.memref_slice %arg9[%dma_wait3A_1221, %dma_wait3A_1225, %dma_wait3A_1226] : memref<2x128x128xf32, #tpu.memory_space<vmem>> -> memref<1x128x128xf32, #tpu.memory_space<vmem>>
      %dma_wait3A_1228 = tpu.memref_squeeze %dma_wait3A_1227 : memref<1x128x128xf32, #tpu.memory_space<vmem>> -> memref<128x128xf32, #tpu.memory_space<vmem>>
      %dma_wait3A_1229 = arith.constant 0 : i32
      %dma_wait3A_1230 = tpu.memref_slice %arg8[%dma_wait3A_1222, %dma_wait3A_1223, %dma_wait3A_1229] : memref<2x8x128xi32, #tpu.memory_space<vmem>> -> memref<1x1x128xi32, #tpu.memory_space<vmem>>
      %dma_wait3A_1231 = tpu.memref_squeeze %dma_wait3A_1230 : memref<1x1x128xi32, #tpu.memory_space<vmem>> -> memref<128xi32, #tpu.memory_space<vmem>>
      %dma_wait3A_1232 = arith.constant 0 : i32
      %dma_wait3A_1233 = arith.constant 0 : i32
      %dma_wait3A_1234 = tpu.memref_slice %arg11[%dma_wait3A_1232, %dma_wait3A_1233] : memref<10240x128xf32, #tpu.memory_space<vmem_shared>> -> memref<10240x128xf32, #tpu.memory_space<vmem_shared>>
      %dma_wait3A_1235 = tpu.memref_slice %arg13[%dma_wait3A_1224] : memref<2x!tpu.dma_semaphore, #tpu.memory_space<semaphore_mem>> -> memref<1x!tpu.dma_semaphore, #tpu.memory_space<semaphore_mem>>
      %dma_wait3A_1236 = tpu.memref_squeeze %dma_wait3A_1235 : memref<1x!tpu.dma_semaphore, #tpu.memory_space<semaphore_mem>> -> memref<!tpu.dma_semaphore, #tpu.memory_space<semaphore_mem>>
      tpu.wait_indirect_dma semaphore(%dma_wait3A_1236 : memref<!tpu.dma_semaphore, #tpu.memory_space<semaphore_mem>>) src(%dma_wait3A_1228 : memref<128x128xf32, #tpu.memory_space<vmem>>) dst(%dma_wait3A_1234 : memref<10240x128xf32, #tpu.memory_space<vmem_shared>>)
      %dma_start3A_1237 = arith.constant 1 : i32
      %dma_start3A_1238 = arith.constant 1 : i32
      %dma_start3A_1239 = arith.constant 1 : i32
      %dma_start3A_1240 = arith.constant 0 : i32
      %dma_start3A_1241 = arith.constant 0 : i32
      %dma_start3A_1242 = tpu.memref_slice %arg9[%dma_start3A_1238, %dma_start3A_1240, %dma_start3A_1241] : memref<2x128x128xf32, #tpu.memory_space<vmem>> -> memref<1x128x128xf32, #tpu.memory_space<vmem>>
      %dma_start3A_1243 = tpu.memref_squeeze %dma_start3A_1242 : memref<1x128x128xf32, #tpu.memory_space<vmem>> -> memref<128x128xf32, #tpu.memory_space<vmem>>
      %dma_start3A_1244 = arith.constant 0 : i32
      %dma_start3A_1245 = tpu.memref_slice %arg7[%rem3A_1084, %dma_start3A_1237, %dma_start3A_1244] : memref<2x8x128xi32, #tpu.memory_space<vmem>> -> memref<1x1x128xi32, #tpu.memory_space<vmem>>
      %dma_start3A_1246 = tpu.memref_squeeze %dma_start3A_1245 : memref<1x1x128xi32, #tpu.memory_space<vmem>> -> memref<128xi32, #tpu.memory_space<vmem>>
      %dma_start3A_1247 = arith.constant 0 : i32
      %dma_start3A_1248 = arith.constant 0 : i32
      %dma_start3A_1249 = tpu.memref_slice %arg2[%dma_start3A_1247, %dma_start3A_1248] : memref<10000x128xf32, #tpu.memory_space<hbm>> -> memref<10000x128xf32, #tpu.memory_space<hbm>>
      %dma_start3A_1250 = tpu.memref_slice %arg12[%dma_start3A_1239] : memref<2x!tpu.dma_semaphore, #tpu.memory_space<semaphore_mem>> -> memref<1x!tpu.dma_semaphore, #tpu.memory_space<semaphore_mem>>
      %dma_start3A_1251 = tpu.memref_squeeze %dma_start3A_1250 : memref<1x!tpu.dma_semaphore, #tpu.memory_space<semaphore_mem>> -> memref<!tpu.dma_semaphore, #tpu.memory_space<semaphore_mem>>
      tpu.enqueue_indirect_dma source(%dma_start3A_1249 : memref<10000x128xf32, #tpu.memory_space<hbm>>) target(%dma_start3A_1243 : memref<128x128xf32, #tpu.memory_space<vmem>>) offsets(%dma_start3A_1246 : memref<128xi32, #tpu.memory_space<vmem>>) semaphore(%dma_start3A_1251 : memref<!tpu.dma_semaphore, #tpu.memory_space<semaphore_mem>>)
      %get3A_1252 = arith.constant 1 : i32
      %get3A_1253 = arith.index_cast %rem3A_1084 : i32 to index
      %get3A_1254 = arith.index_cast %get3A_1252 : i32 to index
      %get3A_1255 = arith.constant 0 : index
      %get3A_1256 = tpu.vector_load %arg8[%get3A_1253, %get3A_1254, %get3A_1255] {strides = array<i32>} : memref<2x8x128xi32, #tpu.memory_space<vmem>>, vector<16xi32>,
      tpu.vector_store_idx %arg10[%get3A_1256], %broadcast_in_dim3A_29 {add = true} : memref<10240xf32, #tpu.memory_space<vmem>>[vector<16xi32>], vector<16xf32>,
      %get3A_1257 = arith.constant 1 : i32
      %get3A_1258 = arith.index_cast %rem3A_1084 : i32 to index
      %get3A_1259 = arith.index_cast %get3A_1257 : i32 to index
      %get3A_1260 = arith.constant 16 : index
      %get3A_1261 = tpu.vector_load %arg8[%get3A_1258, %get3A_1259, %get3A_1260] {strides = array<i32>} : memref<2x8x128xi32, #tpu.memory_space<vmem>>, vector<16xi32>,
      tpu.vector_store_idx %arg10[%get3A_1261], %broadcast_in_dim3A_29 {add = true} : memref<10240xf32, #tpu.memory_space<vmem>>[vector<16xi32>], vector<16xf32>,
      %get3A_1262 = arith.constant 1 : i32
      %get3A_1263 = arith.index_cast %rem3A_1084 : i32 to index
      %get3A_1264 = arith.index_cast %get3A_1262 : i32 to index
      %get3A_1265 = arith.constant 32 : index
      %get3A_1266 = tpu.vector_load %arg8[%get3A_1263, %get3A_1264, %get3A_1265] {strides = array<i32>} : memref<2x8x128xi32, #tpu.memory_space<vmem>>, vector<16xi32>,
      tpu.vector_store_idx %arg10[%get3A_1266], %broadcast_in_dim3A_29 {add = true} : memref<10240xf32, #tpu.memory_space<vmem>>[vector<16xi32>], vector<16xf32>,
      %get3A_1267 = arith.constant 1 : i32
      %get3A_1268 = arith.index_cast %rem3A_1084 : i32 to index
      %get3A_1269 = arith.index_cast %get3A_1267 : i32 to index
      %get3A_1270 = arith.constant 48 : index
      %get3A_1271 = tpu.vector_load %arg8[%get3A_1268, %get3A_1269, %get3A_1270] {strides = array<i32>} : memref<2x8x128xi32, #tpu.memory_space<vmem>>, vector<16xi32>,
      tpu.vector_store_idx %arg10[%get3A_1271], %broadcast_in_dim3A_29 {add = true} : memref<10240xf32, #tpu.memory_space<vmem>>[vector<16xi32>], vector<16xf32>,
      %get3A_1272 = arith.constant 1 : i32
      %get3A_1273 = arith.index_cast %rem3A_1084 : i32 to index
      %get3A_1274 = arith.index_cast %get3A_1272 : i32 to index
      %get3A_1275 = arith.constant 64 : index
      %get3A_1276 = tpu.vector_load %arg8[%get3A_1273, %get3A_1274, %get3A_1275] {strides = array<i32>} : memref<2x8x128xi32, #tpu.memory_space<vmem>>, vector<16xi32>,
      tpu.vector_store_idx %arg10[%get3A_1276], %broadcast_in_dim3A_29 {add = true} : memref<10240xf32, #tpu.memory_space<vmem>>[vector<16xi32>], vector<16xf32>,
      %get3A_1277 = arith.constant 1 : i32
      %get3A_1278 = arith.index_cast %rem3A_1084 : i32 to index
      %get3A_1279 = arith.index_cast %get3A_1277 : i32 to index
      %get3A_1280 = arith.constant 80 : index
      %get3A_1281 = tpu.vector_load %arg8[%get3A_1278, %get3A_1279, %get3A_1280] {strides = array<i32>} : memref<2x8x128xi32, #tpu.memory_space<vmem>>, vector<16xi32>,
      tpu.vector_store_idx %arg10[%get3A_1281], %broadcast_in_dim3A_29 {add = true} : memref<10240xf32, #tpu.memory_space<vmem>>[vector<16xi32>], vector<16xf32>,
      %get3A_1282 = arith.constant 1 : i32
      %get3A_1283 = arith.index_cast %rem3A_1084 : i32 to index
      %get3A_1284 = arith.index_cast %get3A_1282 : i32 to index
      %get3A_1285 = arith.constant 96 : index
      %get3A_1286 = tpu.vector_load %arg8[%get3A_1283, %get3A_1284, %get3A_1285] {strides = array<i32>} : memref<2x8x128xi32, #tpu.memory_space<vmem>>, vector<16xi32>,
      tpu.vector_store_idx %arg10[%get3A_1286], %broadcast_in_dim3A_29 {add = true} : memref<10240xf32, #tpu.memory_space<vmem>>[vector<16xi32>], vector<16xf32>,
      %get3A_1287 = arith.constant 1 : i32
      %get3A_1288 = arith.index_cast %rem3A_1084 : i32 to index
      %get3A_1289 = arith.index_cast %get3A_1287 : i32 to index
      %get3A_1290 = arith.constant 112 : index
      %get3A_1291 = tpu.vector_load %arg8[%get3A_1288, %get3A_1289, %get3A_1290] {strides = array<i32>} : memref<2x8x128xi32, #tpu.memory_space<vmem>>, vector<16xi32>,
      tpu.vector_store_idx %arg10[%get3A_1291], %broadcast_in_dim3A_29 {add = true} : memref<10240xf32, #tpu.memory_space<vmem>>[vector<16xi32>], vector<16xf32>,
      %dma_wait3A_1292 = arith.constant 0 : i32
      %dma_wait3A_1293 = arith.constant 0 : i32
      %dma_wait3A_1294 = arith.constant 0 : i32
      %dma_wait3A_1295 = arith.constant 0 : i32
      %dma_wait3A_1296 = arith.constant 0 : i32
      %dma_wait3A_1297 = arith.constant 0 : i32
      %dma_wait3A_1298 = tpu.memref_slice %arg9[%dma_wait3A_1294, %dma_wait3A_1296, %dma_wait3A_1297] : memref<2x128x128xf32, #tpu.memory_space<vmem>> -> memref<1x128x128xf32, #tpu.memory_space<vmem>>
      %dma_wait3A_1299 = tpu.memref_squeeze %dma_wait3A_1298 : memref<1x128x128xf32, #tpu.memory_space<vmem>> -> memref<128x128xf32, #tpu.memory_space<vmem>>
      %dma_wait3A_1300 = arith.constant 0 : i32
      %dma_wait3A_1301 = tpu.memref_slice %arg7[%dma_wait3A_1292, %dma_wait3A_1293, %dma_wait3A_1300] : memref<2x8x128xi32, #tpu.memory_space<vmem>> -> memref<1x1x128xi32, #tpu.memory_space<vmem>>
      %dma_wait3A_1302 = tpu.memref_squeeze %dma_wait3A_1301 : memref<1x1x128xi32, #tpu.memory_space<vmem>> -> memref<128xi32, #tpu.memory_space<vmem>>
      %dma_wait3A_1303 = arith.constant 0 : i32
      %dma_wait3A_1304 = arith.constant 0 : i32
      %dma_wait3A_1305 = tpu.memref_slice %arg2[%dma_wait3A_1303, %dma_wait3A_1304] : memref<10000x128xf32, #tpu.memory_space<hbm>> -> memref<10000x128xf32, #tpu.memory_space<hbm>>
      %dma_wait3A_1306 = tpu.memref_slice %arg12[%dma_wait3A_1295] : memref<2x!tpu.dma_semaphore, #tpu.memory_space<semaphore_mem>> -> memref<1x!tpu.dma_semaphore, #tpu.memory_space<semaphore_mem>>
      %dma_wait3A_1307 = tpu.memref_squeeze %dma_wait3A_1306 : memref<1x!tpu.dma_semaphore, #tpu.memory_space<semaphore_mem>> -> memref<!tpu.dma_semaphore, #tpu.memory_space<semaphore_mem>>
      tpu.wait_indirect_dma semaphore(%dma_wait3A_1307 : memref<!tpu.dma_semaphore, #tpu.memory_space<semaphore_mem>>) src(%dma_wait3A_1305 : memref<10000x128xf32, #tpu.memory_space<hbm>>) dst(%dma_wait3A_1299 : memref<128x128xf32, #tpu.memory_space<vmem>>)
      %dma_start3A_1308 = arith.constant 0 : i32
      %dma_start3A_1309 = arith.constant 0 : i32
      %dma_start3A_1310 = arith.constant 0 : i32
      %dma_start3A_1311 = arith.constant 0 : i32
      %dma_start3A_1312 = arith.constant 0 : i32
      %dma_start3A_1313 = tpu.memref_slice %arg9[%dma_start3A_1308, %dma_start3A_1311, %dma_start3A_1312] : memref<2x128x128xf32, #tpu.memory_space<vmem>> -> memref<1x128x128xf32, #tpu.memory_space<vmem>>
      %dma_start3A_1314 = tpu.memref_squeeze %dma_start3A_1313 : memref<1x128x128xf32, #tpu.memory_space<vmem>> -> memref<128x128xf32, #tpu.memory_space<vmem>>
      %dma_start3A_1315 = arith.constant 0 : i32
      %dma_start3A_1316 = tpu.memref_slice %arg8[%rem3A_1084, %dma_start3A_1309, %dma_start3A_1315] : memref<2x8x128xi32, #tpu.memory_space<vmem>> -> memref<1x1x128xi32, #tpu.memory_space<vmem>>
      %dma_start3A_1317 = tpu.memref_squeeze %dma_start3A_1316 : memref<1x1x128xi32, #tpu.memory_space<vmem>> -> memref<128xi32, #tpu.memory_space<vmem>>
      %dma_start3A_1318 = arith.constant 0 : i32
      %dma_start3A_1319 = arith.constant 0 : i32
      %dma_start3A_1320 = tpu.memref_slice %arg11[%dma_start3A_1318, %dma_start3A_1319] : memref<10240x128xf32, #tpu.memory_space<vmem_shared>> -> memref<10240x128xf32, #tpu.memory_space<vmem_shared>>
      %dma_start3A_1321 = tpu.memref_slice %arg13[%dma_start3A_1310] : memref<2x!tpu.dma_semaphore, #tpu.memory_space<semaphore_mem>> -> memref<1x!tpu.dma_semaphore, #tpu.memory_space<semaphore_mem>>
      %dma_start3A_1322 = tpu.memref_squeeze %dma_start3A_1321 : memref<1x!tpu.dma_semaphore, #tpu.memory_space<semaphore_mem>> -> memref<!tpu.dma_semaphore, #tpu.memory_space<semaphore_mem>>
      tpu.enqueue_indirect_dma source(%dma_start3A_1314 : memref<128x128xf32, #tpu.memory_space<vmem>>) target(%dma_start3A_1320 : memref<10240x128xf32, #tpu.memory_space<vmem_shared>>) offsets(%dma_start3A_1317 : memref<128xi32, #tpu.memory_space<vmem>>) semaphore(%dma_start3A_1322 : memref<!tpu.dma_semaphore, #tpu.memory_space<semaphore_mem>>) {add = true}
      %sub3A_1323 = arith.constant 1 : i32
      %sub3A_1324 = arith.subi %select_n3A_19, %sub3A_1323 : i32
      %lt3A = arith.cmpi slt, %while3A_1082, %sub3A_1324 : i32
      %convert_element_type3A_1325 = arith.extui %lt3A : i1 to i32
      %cond3A_1326 = arith.constant 0 : i32
      %cond3A_1327 = arith.cmpi ne, %convert_element_type3A_1325, %cond3A_1326 : i32
      scf.if %cond3A_1327 {
        %add3A_1940 = arith.constant 1 : i32
        %add3A_1941 = arith.addi %while3A_1082, %add3A_1940 : i32
        %mul3A_1942 = arith.constant 8 : i32
        %mul3A_1943 = arith.muli %add3A_1941, %mul3A_1942 : i32
        %add3A_1944 = arith.addi %select_n3A_26, %mul3A_1943 : i32
        %dma_start3A_1945 = arith.constant 0 : i32
        %dma_start3A_1946 = arith.constant 0 : i32
        %dma_start3A_1947 = tpu.memref_slice %arg7[%sub3A_1086, %dma_start3A_1945, %dma_start3A_1946] : memref<2x8x128xi32, #tpu.memory_space<vmem>> -> memref<1x8x128xi32, #tpu.memory_space<vmem>>
        %dma_start3A_1948 = tpu.memref_squeeze %dma_start3A_1947 : memref<1x8x128xi32, #tpu.memory_space<vmem>> -> memref<8x128xi32, #tpu.memory_space<vmem>>
        %dma_start3A_1949 = arith.constant 0 : i32
        %dma_start3A_1950 = tpu.memref_slice %arg3[%add3A_1944, %dma_start3A_1949] : memref<2560x128xi32, #tpu.memory_space<hbm>> -> memref<8x128xi32, #tpu.memory_space<hbm>>
        %dma_start3A_1951 = tpu.memref_slice %arg14[%sub3A_1086] : memref<2x!tpu.dma_semaphore, #tpu.memory_space<semaphore_mem>> -> memref<1x!tpu.dma_semaphore, #tpu.memory_space<semaphore_mem>>
        %dma_start3A_1952 = tpu.memref_squeeze %dma_start3A_1951 : memref<1x!tpu.dma_semaphore, #tpu.memory_space<semaphore_mem>> -> memref<!tpu.dma_semaphore, #tpu.memory_space<semaphore_mem>>
        %dma_start3A_1953 = arith.constant 0 : i32
        %dma_start3A_1954 = arith.constant 0 : i32
        %dma_start3A_1955 = tpu.memref_slice %arg7[%sub3A_1086, %dma_start3A_1953, %dma_start3A_1954] : memref<2x8x128xi32, #tpu.memory_space<vmem>> -> memref<1x8x128xi32, #tpu.memory_space<vmem>>
        %dma_start3A_1956 = tpu.memref_squeeze %dma_start3A_1955 : memref<1x8x128xi32, #tpu.memory_space<vmem>> -> memref<8x128xi32, #tpu.memory_space<vmem>>
        %dma_start3A_1957 = arith.constant 0 : i32
        %dma_start3A_1958 = tpu.memref_slice %arg3[%add3A_1944, %dma_start3A_1957] : memref<2560x128xi32, #tpu.memory_space<hbm>> -> memref<8x128xi32, #tpu.memory_space<hbm>>
        tpu.enqueue_dma source(%dma_start3A_1958 : memref<8x128xi32, #tpu.memory_space<hbm>>) target(%dma_start3A_1956 : memref<8x128xi32, #tpu.memory_space<vmem>>) target_semaphore(%dma_start3A_1952 : memref<!tpu.dma_semaphore, #tpu.memory_space<semaphore_mem>>)
        %dma_start3A_1959 = arith.constant 0 : i32
        %dma_start3A_1960 = arith.constant 0 : i32
        %dma_start3A_1961 = tpu.memref_slice %arg8[%sub3A_1086, %dma_start3A_1959, %dma_start3A_1960] : memref<2x8x128xi32, #tpu.memory_space<vmem>> -> memref<1x8x128xi32, #tpu.memory_space<vmem>>
        %dma_start3A_1962 = tpu.memref_squeeze %dma_start3A_1961 : memref<1x8x128xi32, #tpu.memory_space<vmem>> -> memref<8x128xi32, #tpu.memory_space<vmem>>
        %dma_start3A_1963 = arith.constant 0 : i32
        %dma_start3A_1964 = tpu.memref_slice %arg4[%add3A_1944, %dma_start3A_1963] : memref<2560x128xi32, #tpu.memory_space<hbm>> -> memref<8x128xi32, #tpu.memory_space<hbm>>
        %dma_start3A_1965 = tpu.memref_slice %arg14[%sub3A_1086] : memref<2x!tpu.dma_semaphore, #tpu.memory_space<semaphore_mem>> -> memref<1x!tpu.dma_semaphore, #tpu.memory_space<semaphore_mem>>
        %dma_start3A_1966 = tpu.memref_squeeze %dma_start3A_1965 : memref<1x!tpu.dma_semaphore, #tpu.memory_space<semaphore_mem>> -> memref<!tpu.dma_semaphore, #tpu.memory_space<semaphore_mem>>
        %dma_start3A_1967 = arith.constant 0 : i32
        %dma_start3A_1968 = arith.constant 0 : i32
        %dma_start3A_1969 = tpu.memref_slice %arg8[%sub3A_1086, %dma_start3A_1967, %dma_start3A_1968] : memref<2x8x128xi32, #tpu.memory_space<vmem>> -> memref<1x8x128xi32, #tpu.memory_space<vmem>>
        %dma_start3A_1970 = tpu.memref_squeeze %dma_start3A_1969 : memref<1x8x128xi32, #tpu.memory_space<vmem>> -> memref<8x128xi32, #tpu.memory_space<vmem>>
        %dma_start3A_1971 = arith.constant 0 : i32
        %dma_start3A_1972 = tpu.memref_slice %arg4[%add3A_1944, %dma_start3A_1971] : memref<2560x128xi32, #tpu.memory_space<hbm>> -> memref<8x128xi32, #tpu.memory_space<hbm>>
        tpu.enqueue_dma source(%dma_start3A_1972 : memref<8x128xi32, #tpu.memory_space<hbm>>) target(%dma_start3A_1970 : memref<8x128xi32, #tpu.memory_space<vmem>>) target_semaphore(%dma_start3A_1966 : memref<!tpu.dma_semaphore, #tpu.memory_space<semaphore_mem>>)
      } else {
      }
      %dma_wait3A_1328 = arith.constant 0 : i32
      %dma_wait3A_1329 = arith.constant 0 : i32
      %dma_wait3A_1330 = arith.constant 0 : i32
      %dma_wait3A_1331 = arith.constant 0 : i32
      %dma_wait3A_1332 = arith.constant 0 : i32
      %dma_wait3A_1333 = arith.constant 0 : i32
      %dma_wait3A_1334 = tpu.memref_slice %arg9[%dma_wait3A_1328, %dma_wait3A_1332, %dma_wait3A_1333] : memref<2x128x128xf32, #tpu.memory_space<vmem>> -> memref<1x128x128xf32, #tpu.memory_space<vmem>>
      %dma_wait3A_1335 = tpu.memref_squeeze %dma_wait3A_1334 : memref<1x128x128xf32, #tpu.memory_space<vmem>> -> memref<128x128xf32, #tpu.memory_space<vmem>>
      %dma_wait3A_1336 = arith.constant 0 : i32
      %dma_wait3A_1337 = tpu.memref_slice %arg8[%dma_wait3A_1329, %dma_wait3A_1330, %dma_wait3A_1336] : memref<2x8x128xi32, #tpu.memory_space<vmem>> -> memref<1x1x128xi32, #tpu.memory_space<vmem>>
      %dma_wait3A_1338 = tpu.memref_squeeze %dma_wait3A_1337 : memref<1x1x128xi32, #tpu.memory_space<vmem>> -> memref<128xi32, #tpu.memory_space<vmem>>
      %dma_wait3A_1339 = arith.constant 0 : i32
      %dma_wait3A_1340 = arith.constant 0 : i32
      %dma_wait3A_1341 = tpu.memref_slice %arg11[%dma_wait3A_1339, %dma_wait3A_1340] : memref<10240x128xf32, #tpu.memory_space<vmem_shared>> -> memref<10240x128xf32, #tpu.memory_space<vmem_shared>>
      %dma_wait3A_1342 = tpu.memref_slice %arg13[%dma_wait3A_1331] : memref<2x!tpu.dma_semaphore, #tpu.memory_space<semaphore_mem>> -> memref<1x!tpu.dma_semaphore, #tpu.memory_space<semaphore_mem>>
      %dma_wait3A_1343 = tpu.memref_squeeze %dma_wait3A_1342 : memref<1x!tpu.dma_semaphore, #tpu.memory_space<semaphore_mem>> -> memref<!tpu.dma_semaphore, #tpu.memory_space<semaphore_mem>>
      tpu.wait_indirect_dma semaphore(%dma_wait3A_1343 : memref<!tpu.dma_semaphore, #tpu.memory_space<semaphore_mem>>) src(%dma_wait3A_1335 : memref<128x128xf32, #tpu.memory_space<vmem>>) dst(%dma_wait3A_1341 : memref<10240x128xf32, #tpu.memory_space<vmem_shared>>)
      %dma_start3A_1344 = arith.constant 2 : i32
      %dma_start3A_1345 = arith.constant 0 : i32
      %dma_start3A_1346 = arith.constant 0 : i32
      %dma_start3A_1347 = arith.constant 0 : i32
      %dma_start3A_1348 = arith.constant 0 : i32
      %dma_start3A_1349 = tpu.memref_slice %arg9[%dma_start3A_1345, %dma_start3A_1347, %dma_start3A_1348] : memref<2x128x128xf32, #tpu.memory_space<vmem>> -> memref<1x128x128xf32, #tpu.memory_space<vmem>>
      %dma_start3A_1350 = tpu.memref_squeeze %dma_start3A_1349 : memref<1x128x128xf32, #tpu.memory_space<vmem>> -> memref<128x128xf32, #tpu.memory_space<vmem>>
      %dma_start3A_1351 = arith.constant 0 : i32
      %dma_start3A_1352 = tpu.memref_slice %arg7[%rem3A_1084, %dma_start3A_1344, %dma_start3A_1351] : memref<2x8x128xi32, #tpu.memory_space<vmem>> -> memref<1x1x128xi32, #tpu.memory_space<vmem>>
      %dma_start3A_1353 = tpu.memref_squeeze %dma_start3A_1352 : memref<1x1x128xi32, #tpu.memory_space<vmem>> -> memref<128xi32, #tpu.memory_space<vmem>>
      %dma_start3A_1354 = arith.constant 0 : i32
      %dma_start3A_1355 = arith.constant 0 : i32
      %dma_start3A_1356 = tpu.memref_slice %arg2[%dma_start3A_1354, %dma_start3A_1355] : memref<10000x128xf32, #tpu.memory_space<hbm>> -> memref<10000x128xf32, #tpu.memory_space<hbm>>
      %dma_start3A_1357 = tpu.memref_slice %arg12[%dma_start3A_1346] : memref<2x!tpu.dma_semaphore, #tpu.memory_space<semaphore_mem>> -> memref<1x!tpu.dma_semaphore, #tpu.memory_space<semaphore_mem>>
      %dma_start3A_1358 = tpu.memref_squeeze %dma_start3A_1357 : memref<1x!tpu.dma_semaphore, #tpu.memory_space<semaphore_mem>> -> memref<!tpu.dma_semaphore, #tpu.memory_space<semaphore_mem>>
      tpu.enqueue_indirect_dma source(%dma_start3A_1356 : memref<10000x128xf32, #tpu.memory_space<hbm>>) target(%dma_start3A_1350 : memref<128x128xf32, #tpu.memory_space<vmem>>) offsets(%dma_start3A_1353 : memref<128xi32, #tpu.memory_space<vmem>>) semaphore(%dma_start3A_1358 : memref<!tpu.dma_semaphore, #tpu.memory_space<semaphore_mem>>)
      %get3A_1359 = arith.constant 2 : i32
      %get3A_1360 = arith.index_cast %rem3A_1084 : i32 to index
      %get3A_1361 = arith.index_cast %get3A_1359 : i32 to index
      %get3A_1362 = arith.constant 0 : index
      %get3A_1363 = tpu.vector_load %arg8[%get3A_1360, %get3A_1361, %get3A_1362] {strides = array<i32>} : memref<2x8x128xi32, #tpu.memory_space<vmem>>, vector<16xi32>,
      tpu.vector_store_idx %arg10[%get3A_1363], %broadcast_in_dim3A_29 {add = true} : memref<10240xf32, #tpu.memory_space<vmem>>[vector<16xi32>], vector<16xf32>,
      %get3A_1364 = arith.constant 2 : i32
      %get3A_1365 = arith.index_cast %rem3A_1084 : i32 to index
      %get3A_1366 = arith.index_cast %get3A_1364 : i32 to index
      %get3A_1367 = arith.constant 16 : index
      %get3A_1368 = tpu.vector_load %arg8[%get3A_1365, %get3A_1366, %get3A_1367] {strides = array<i32>} : memref<2x8x128xi32, #tpu.memory_space<vmem>>, vector<16xi32>,
      tpu.vector_store_idx %arg10[%get3A_1368], %broadcast_in_dim3A_29 {add = true} : memref<10240xf32, #tpu.memory_space<vmem>>[vector<16xi32>], vector<16xf32>,
      %get3A_1369 = arith.constant 2 : i32
      %get3A_1370 = arith.index_cast %rem3A_1084 : i32 to index
      %get3A_1371 = arith.index_cast %get3A_1369 : i32 to index
      %get3A_1372 = arith.constant 32 : index
      %get3A_1373 = tpu.vector_load %arg8[%get3A_1370, %get3A_1371, %get3A_1372] {strides = array<i32>} : memref<2x8x128xi32, #tpu.memory_space<vmem>>, vector<16xi32>,
      tpu.vector_store_idx %arg10[%get3A_1373], %broadcast_in_dim3A_29 {add = true} : memref<10240xf32, #tpu.memory_space<vmem>>[vector<16xi32>], vector<16xf32>,
      %get3A_1374 = arith.constant 2 : i32
      %get3A_1375 = arith.index_cast %rem3A_1084 : i32 to index
      %get3A_1376 = arith.index_cast %get3A_1374 : i32 to index
      %get3A_1377 = arith.constant 48 : index
      %get3A_1378 = tpu.vector_load %arg8[%get3A_1375, %get3A_1376, %get3A_1377] {strides = array<i32>} : memref<2x8x128xi32, #tpu.memory_space<vmem>>, vector<16xi32>,
      tpu.vector_store_idx %arg10[%get3A_1378], %broadcast_in_dim3A_29 {add = true} : memref<10240xf32, #tpu.memory_space<vmem>>[vector<16xi32>], vector<16xf32>,
      %get3A_1379 = arith.constant 2 : i32
      %get3A_1380 = arith.index_cast %rem3A_1084 : i32 to index
      %get3A_1381 = arith.index_cast %get3A_1379 : i32 to index
      %get3A_1382 = arith.constant 64 : index
      %get3A_1383 = tpu.vector_load %arg8[%get3A_1380, %get3A_1381, %get3A_1382] {strides = array<i32>} : memref<2x8x128xi32, #tpu.memory_space<vmem>>, vector<16xi32>,
      tpu.vector_store_idx %arg10[%get3A_1383], %broadcast_in_dim3A_29 {add = true} : memref<10240xf32, #tpu.memory_space<vmem>>[vector<16xi32>], vector<16xf32>,
      %get3A_1384 = arith.constant 2 : i32
      %get3A_1385 = arith.index_cast %rem3A_1084 : i32 to index
      %get3A_1386 = arith.index_cast %get3A_1384 : i32 to index
      %get3A_1387 = arith.constant 80 : index
      %get3A_1388 = tpu.vector_load %arg8[%get3A_1385, %get3A_1386, %get3A_1387] {strides = array<i32>} : memref<2x8x128xi32, #tpu.memory_space<vmem>>, vector<16xi32>,
      tpu.vector_store_idx %arg10[%get3A_1388], %broadcast_in_dim3A_29 {add = true} : memref<10240xf32, #tpu.memory_space<vmem>>[vector<16xi32>], vector<16xf32>,
      %get3A_1389 = arith.constant 2 : i32
      %get3A_1390 = arith.index_cast %rem3A_1084 : i32 to index
      %get3A_1391 = arith.index_cast %get3A_1389 : i32 to index
      %get3A_1392 = arith.constant 96 : index
      %get3A_1393 = tpu.vector_load %arg8[%get3A_1390, %get3A_1391, %get3A_1392] {strides = array<i32>} : memref<2x8x128xi32, #tpu.memory_space<vmem>>, vector<16xi32>,
      tpu.vector_store_idx %arg10[%get3A_1393], %broadcast_in_dim3A_29 {add = true} : memref<10240xf32, #tpu.memory_space<vmem>>[vector<16xi32>], vector<16xf32>,
      %get3A_1394 = arith.constant 2 : i32
      %get3A_1395 = arith.index_cast %rem3A_1084 : i32 to index
      %get3A_1396 = arith.index_cast %get3A_1394 : i32 to index
      %get3A_1397 = arith.constant 112 : index
      %get3A_1398 = tpu.vector_load %arg8[%get3A_1395, %get3A_1396, %get3A_1397] {strides = array<i32>} : memref<2x8x128xi32, #tpu.memory_space<vmem>>, vector<16xi32>,
      tpu.vector_store_idx %arg10[%get3A_1398], %broadcast_in_dim3A_29 {add = true} : memref<10240xf32, #tpu.memory_space<vmem>>[vector<16xi32>], vector<16xf32>,
      %dma_wait3A_1399 = arith.constant 0 : i32
      %dma_wait3A_1400 = arith.constant 0 : i32
      %dma_wait3A_1401 = arith.constant 1 : i32
      %dma_wait3A_1402 = arith.constant 1 : i32
      %dma_wait3A_1403 = arith.constant 0 : i32
      %dma_wait3A_1404 = arith.constant 0 : i32
      %dma_wait3A_1405 = tpu.memref_slice %arg9[%dma_wait3A_1401, %dma_wait3A_1403, %dma_wait3A_1404] : memref<2x128x128xf32, #tpu.memory_space<vmem>> -> memref<1x128x128xf32, #tpu.memory_space<vmem>>
      %dma_wait3A_1406 = tpu.memref_squeeze %dma_wait3A_1405 : memref<1x128x128xf32, #tpu.memory_space<vmem>> -> memref<128x128xf32, #tpu.memory_space<vmem>>
      %dma_wait3A_1407 = arith.constant 0 : i32
      %dma_wait3A_1408 = tpu.memref_slice %arg7[%dma_wait3A_1399, %dma_wait3A_1400, %dma_wait3A_1407] : memref<2x8x128xi32, #tpu.memory_space<vmem>> -> memref<1x1x128xi32, #tpu.memory_space<vmem>>
      %dma_wait3A_1409 = tpu.memref_squeeze %dma_wait3A_1408 : memref<1x1x128xi32, #tpu.memory_space<vmem>> -> memref<128xi32, #tpu.memory_space<vmem>>
      %dma_wait3A_1410 = arith.constant 0 : i32
      %dma_wait3A_1411 = arith.constant 0 : i32
      %dma_wait3A_1412 = tpu.memref_slice %arg2[%dma_wait3A_1410, %dma_wait3A_1411] : memref<10000x128xf32, #tpu.memory_space<hbm>> -> memref<10000x128xf32, #tpu.memory_space<hbm>>
      %dma_wait3A_1413 = tpu.memref_slice %arg12[%dma_wait3A_1402] : memref<2x!tpu.dma_semaphore, #tpu.memory_space<semaphore_mem>> -> memref<1x!tpu.dma_semaphore, #tpu.memory_space<semaphore_mem>>
      %dma_wait3A_1414 = tpu.memref_squeeze %dma_wait3A_1413 : memref<1x!tpu.dma_semaphore, #tpu.memory_space<semaphore_mem>> -> memref<!tpu.dma_semaphore, #tpu.memory_space<semaphore_mem>>
      tpu.wait_indirect_dma semaphore(%dma_wait3A_1414 : memref<!tpu.dma_semaphore, #tpu.memory_space<semaphore_mem>>) src(%dma_wait3A_1412 : memref<10000x128xf32, #tpu.memory_space<hbm>>) dst(%dma_wait3A_1406 : memref<128x128xf32, #tpu.memory_space<vmem>>)
      %dma_start3A_1415 = arith.constant 1 : i32
      %dma_start3A_1416 = arith.constant 1 : i32
      %dma_start3A_1417 = arith.constant 1 : i32
      %dma_start3A_1418 = arith.constant 0 : i32
      %dma_start3A_1419 = arith.constant 0 : i32
      %dma_start3A_1420 = tpu.memref_slice %arg9[%dma_start3A_1415, %dma_start3A_1418, %dma_start3A_1419] : memref<2x128x128xf32, #tpu.memory_space<vmem>> -> memref<1x128x128xf32, #tpu.memory_space<vmem>>
      %dma_start3A_1421 = tpu.memref_squeeze %dma_start3A_1420 : memref<1x128x128xf32, #tpu.memory_space<vmem>> -> memref<128x128xf32, #tpu.memory_space<vmem>>
      %dma_start3A_1422 = arith.constant 0 : i32
      %dma_start3A_1423 = tpu.memref_slice %arg8[%rem3A_1084, %dma_start3A_1416, %dma_start3A_1422] : memref<2x8x128xi32, #tpu.memory_space<vmem>> -> memref<1x1x128xi32, #tpu.memory_space<vmem>>
      %dma_start3A_1424 = tpu.memref_squeeze %dma_start3A_1423 : memref<1x1x128xi32, #tpu.memory_space<vmem>> -> memref<128xi32, #tpu.memory_space<vmem>>
      %dma_start3A_1425 = arith.constant 0 : i32
      %dma_start3A_1426 = arith.constant 0 : i32
      %dma_start3A_1427 = tpu.memref_slice %arg11[%dma_start3A_1425, %dma_start3A_1426] : memref<10240x128xf32, #tpu.memory_space<vmem_shared>> -> memref<10240x128xf32, #tpu.memory_space<vmem_shared>>
      %dma_start3A_1428 = tpu.memref_slice %arg13[%dma_start3A_1417] : memref<2x!tpu.dma_semaphore, #tpu.memory_space<semaphore_mem>> -> memref<1x!tpu.dma_semaphore, #tpu.memory_space<semaphore_mem>>
      %dma_start3A_1429 = tpu.memref_squeeze %dma_start3A_1428 : memref<1x!tpu.dma_semaphore, #tpu.memory_space<semaphore_mem>> -> memref<!tpu.dma_semaphore, #tpu.memory_space<semaphore_mem>>
      tpu.enqueue_indirect_dma source(%dma_start3A_1421 : memref<128x128xf32, #tpu.memory_space<vmem>>) target(%dma_start3A_1427 : memref<10240x128xf32, #tpu.memory_space<vmem_shared>>) offsets(%dma_start3A_1424 : memref<128xi32, #tpu.memory_space<vmem>>) semaphore(%dma_start3A_1429 : memref<!tpu.dma_semaphore, #tpu.memory_space<semaphore_mem>>) {add = true}
      %dma_wait3A_1430 = arith.constant 1 : i32
      %dma_wait3A_1431 = arith.constant 0 : i32
      %dma_wait3A_1432 = arith.constant 0 : i32
      %dma_wait3A_1433 = arith.constant 1 : i32
      %dma_wait3A_1434 = arith.constant 0 : i32
      %dma_wait3A_1435 = arith.constant 0 : i32
      %dma_wait3A_1436 = tpu.memref_slice %arg9[%dma_wait3A_1430, %dma_wait3A_1434, %dma_wait3A_1435] : memref<2x128x128xf32, #tpu.memory_space<vmem>> -> memref<1x128x128xf32, #tpu.memory_space<vmem>>
      %dma_wait3A_1437 = tpu.memref_squeeze %dma_wait3A_1436 : memref<1x128x128xf32, #tpu.memory_space<vmem>> -> memref<128x128xf32, #tpu.memory_space<vmem>>
      %dma_wait3A_1438 = arith.constant 0 : i32
      %dma_wait3A_1439 = tpu.memref_slice %arg8[%dma_wait3A_1431, %dma_wait3A_1432, %dma_wait3A_1438] : memref<2x8x128xi32, #tpu.memory_space<vmem>> -> memref<1x1x128xi32, #tpu.memory_space<vmem>>
      %dma_wait3A_1440 = tpu.memref_squeeze %dma_wait3A_1439 : memref<1x1x128xi32, #tpu.memory_space<vmem>> -> memref<128xi32, #tpu.memory_space<vmem>>
      %dma_wait3A_1441 = arith.constant 0 : i32
      %dma_wait3A_1442 = arith.constant 0 : i32
      %dma_wait3A_1443 = tpu.memref_slice %arg11[%dma_wait3A_1441, %dma_wait3A_1442] : memref<10240x128xf32, #tpu.memory_space<vmem_shared>> -> memref<10240x128xf32, #tpu.memory_space<vmem_shared>>
      %dma_wait3A_1444 = tpu.memref_slice %arg13[%dma_wait3A_1433] : memref<2x!tpu.dma_semaphore, #tpu.memory_space<semaphore_mem>> -> memref<1x!tpu.dma_semaphore, #tpu.memory_space<semaphore_mem>>
      %dma_wait3A_1445 = tpu.memref_squeeze %dma_wait3A_1444 : memref<1x!tpu.dma_semaphore, #tpu.memory_space<semaphore_mem>> -> memref<!tpu.dma_semaphore, #tpu.memory_space<semaphore_mem>>
      tpu.wait_indirect_dma semaphore(%dma_wait3A_1445 : memref<!tpu.dma_semaphore, #tpu.memory_space<semaphore_mem>>) src(%dma_wait3A_1437 : memref<128x128xf32, #tpu.memory_space<vmem>>) dst(%dma_wait3A_1443 : memref<10240x128xf32, #tpu.memory_space<vmem_shared>>)
      %dma_start3A_1446 = arith.constant 3 : i32
      %dma_start3A_1447 = arith.constant 1 : i32
      %dma_start3A_1448 = arith.constant 1 : i32
      %dma_start3A_1449 = arith.constant 0 : i32
      %dma_start3A_1450 = arith.constant 0 : i32
      %dma_start3A_1451 = tpu.memref_slice %arg9[%dma_start3A_1447, %dma_start3A_1449, %dma_start3A_1450] : memref<2x128x128xf32, #tpu.memory_space<vmem>> -> memref<1x128x128xf32, #tpu.memory_space<vmem>>
      %dma_start3A_1452 = tpu.memref_squeeze %dma_start3A_1451 : memref<1x128x128xf32, #tpu.memory_space<vmem>> -> memref<128x128xf32, #tpu.memory_space<vmem>>
      %dma_start3A_1453 = arith.constant 0 : i32
      %dma_start3A_1454 = tpu.memref_slice %arg7[%rem3A_1084, %dma_start3A_1446, %dma_start3A_1453] : memref<2x8x128xi32, #tpu.memory_space<vmem>> -> memref<1x1x128xi32, #tpu.memory_space<vmem>>
      %dma_start3A_1455 = tpu.memref_squeeze %dma_start3A_1454 : memref<1x1x128xi32, #tpu.memory_space<vmem>> -> memref<128xi32, #tpu.memory_space<vmem>>
      %dma_start3A_1456 = arith.constant 0 : i32
      %dma_start3A_1457 = arith.constant 0 : i32
      %dma_start3A_1458 = tpu.memref_slice %arg2[%dma_start3A_1456, %dma_start3A_1457] : memref<10000x128xf32, #tpu.memory_space<hbm>> -> memref<10000x128xf32, #tpu.memory_space<hbm>>
      %dma_start3A_1459 = tpu.memref_slice %arg12[%dma_start3A_1448] : memref<2x!tpu.dma_semaphore, #tpu.memory_space<semaphore_mem>> -> memref<1x!tpu.dma_semaphore, #tpu.memory_space<semaphore_mem>>
      %dma_start3A_1460 = tpu.memref_squeeze %dma_start3A_1459 : memref<1x!tpu.dma_semaphore, #tpu.memory_space<semaphore_mem>> -> memref<!tpu.dma_semaphore, #tpu.memory_space<semaphore_mem>>
      tpu.enqueue_indirect_dma source(%dma_start3A_1458 : memref<10000x128xf32, #tpu.memory_space<hbm>>) target(%dma_start3A_1452 : memref<128x128xf32, #tpu.memory_space<vmem>>) offsets(%dma_start3A_1455 : memref<128xi32, #tpu.memory_space<vmem>>) semaphore(%dma_start3A_1460 : memref<!tpu.dma_semaphore, #tpu.memory_space<semaphore_mem>>)
      %get3A_1461 = arith.constant 3 : i32
      %get3A_1462 = arith.index_cast %rem3A_1084 : i32 to index
      %get3A_1463 = arith.index_cast %get3A_1461 : i32 to index
      %get3A_1464 = arith.constant 0 : index
      %get3A_1465 = tpu.vector_load %arg8[%get3A_1462, %get3A_1463, %get3A_1464] {strides = array<i32>} : memref<2x8x128xi32, #tpu.memory_space<vmem>>, vector<16xi32>,
      tpu.vector_store_idx %arg10[%get3A_1465], %broadcast_in_dim3A_29 {add = true} : memref<10240xf32, #tpu.memory_space<vmem>>[vector<16xi32>], vector<16xf32>,
      %get3A_1466 = arith.constant 3 : i32
      %get3A_1467 = arith.index_cast %rem3A_1084 : i32 to index
      %get3A_1468 = arith.index_cast %get3A_1466 : i32 to index
      %get3A_1469 = arith.constant 16 : index
      %get3A_1470 = tpu.vector_load %arg8[%get3A_1467, %get3A_1468, %get3A_1469] {strides = array<i32>} : memref<2x8x128xi32, #tpu.memory_space<vmem>>, vector<16xi32>,
      tpu.vector_store_idx %arg10[%get3A_1470], %broadcast_in_dim3A_29 {add = true} : memref<10240xf32, #tpu.memory_space<vmem>>[vector<16xi32>], vector<16xf32>,
      %get3A_1471 = arith.constant 3 : i32
      %get3A_1472 = arith.index_cast %rem3A_1084 : i32 to index
      %get3A_1473 = arith.index_cast %get3A_1471 : i32 to index
      %get3A_1474 = arith.constant 32 : index
      %get3A_1475 = tpu.vector_load %arg8[%get3A_1472, %get3A_1473, %get3A_1474] {strides = array<i32>} : memref<2x8x128xi32, #tpu.memory_space<vmem>>, vector<16xi32>,
      tpu.vector_store_idx %arg10[%get3A_1475], %broadcast_in_dim3A_29 {add = true} : memref<10240xf32, #tpu.memory_space<vmem>>[vector<16xi32>], vector<16xf32>,
      %get3A_1476 = arith.constant 3 : i32
      %get3A_1477 = arith.index_cast %rem3A_1084 : i32 to index
      %get3A_1478 = arith.index_cast %get3A_1476 : i32 to index
      %get3A_1479 = arith.constant 48 : index
      %get3A_1480 = tpu.vector_load %arg8[%get3A_1477, %get3A_1478, %get3A_1479] {strides = array<i32>} : memref<2x8x128xi32, #tpu.memory_space<vmem>>, vector<16xi32>,
      tpu.vector_store_idx %arg10[%get3A_1480], %broadcast_in_dim3A_29 {add = true} : memref<10240xf32, #tpu.memory_space<vmem>>[vector<16xi32>], vector<16xf32>,
      %get3A_1481 = arith.constant 3 : i32
      %get3A_1482 = arith.index_cast %rem3A_1084 : i32 to index
      %get3A_1483 = arith.index_cast %get3A_1481 : i32 to index
      %get3A_1484 = arith.constant 64 : index
      %get3A_1485 = tpu.vector_load %arg8[%get3A_1482, %get3A_1483, %get3A_1484] {strides = array<i32>} : memref<2x8x128xi32, #tpu.memory_space<vmem>>, vector<16xi32>,
      tpu.vector_store_idx %arg10[%get3A_1485], %broadcast_in_dim3A_29 {add = true} : memref<10240xf32, #tpu.memory_space<vmem>>[vector<16xi32>], vector<16xf32>,
      %get3A_1486 = arith.constant 3 : i32
      %get3A_1487 = arith.index_cast %rem3A_1084 : i32 to index
      %get3A_1488 = arith.index_cast %get3A_1486 : i32 to index
      %get3A_1489 = arith.constant 80 : index
      %get3A_1490 = tpu.vector_load %arg8[%get3A_1487, %get3A_1488, %get3A_1489] {strides = array<i32>} : memref<2x8x128xi32, #tpu.memory_space<vmem>>, vector<16xi32>,
      tpu.vector_store_idx %arg10[%get3A_1490], %broadcast_in_dim3A_29 {add = true} : memref<10240xf32, #tpu.memory_space<vmem>>[vector<16xi32>], vector<16xf32>,
      %get3A_1491 = arith.constant 3 : i32
      %get3A_1492 = arith.index_cast %rem3A_1084 : i32 to index
      %get3A_1493 = arith.index_cast %get3A_1491 : i32 to index
      %get3A_1494 = arith.constant 96 : index
      %get3A_1495 = tpu.vector_load %arg8[%get3A_1492, %get3A_1493, %get3A_1494] {strides = array<i32>} : memref<2x8x128xi32, #tpu.memory_space<vmem>>, vector<16xi32>,
      tpu.vector_store_idx %arg10[%get3A_1495], %broadcast_in_dim3A_29 {add = true} : memref<10240xf32, #tpu.memory_space<vmem>>[vector<16xi32>], vector<16xf32>,
      %get3A_1496 = arith.constant 3 : i32
      %get3A_1497 = arith.index_cast %rem3A_1084 : i32 to index
      %get3A_1498 = arith.index_cast %get3A_1496 : i32 to index
      %get3A_1499 = arith.constant 112 : index
      %get3A_1500 = tpu.vector_load %arg8[%get3A_1497, %get3A_1498, %get3A_1499] {strides = array<i32>} : memref<2x8x128xi32, #tpu.memory_space<vmem>>, vector<16xi32>,
      tpu.vector_store_idx %arg10[%get3A_1500], %broadcast_in_dim3A_29 {add = true} : memref<10240xf32, #tpu.memory_space<vmem>>[vector<16xi32>], vector<16xf32>,
      %dma_wait3A_1501 = arith.constant 0 : i32
      %dma_wait3A_1502 = arith.constant 0 : i32
      %dma_wait3A_1503 = arith.constant 0 : i32
      %dma_wait3A_1504 = arith.constant 0 : i32
      %dma_wait3A_1505 = arith.constant 0 : i32
      %dma_wait3A_1506 = arith.constant 0 : i32
      %dma_wait3A_1507 = tpu.memref_slice %arg9[%dma_wait3A_1503, %dma_wait3A_1505, %dma_wait3A_1506] : memref<2x128x128xf32, #tpu.memory_space<vmem>> -> memref<1x128x128xf32, #tpu.memory_space<vmem>>
      %dma_wait3A_1508 = tpu.memref_squeeze %dma_wait3A_1507 : memref<1x128x128xf32, #tpu.memory_space<vmem>> -> memref<128x128xf32, #tpu.memory_space<vmem>>
      %dma_wait3A_1509 = arith.constant 0 : i32
      %dma_wait3A_1510 = tpu.memref_slice %arg7[%dma_wait3A_1501, %dma_wait3A_1502, %dma_wait3A_1509] : memref<2x8x128xi32, #tpu.memory_space<vmem>> -> memref<1x1x128xi32, #tpu.memory_space<vmem>>
      %dma_wait3A_1511 = tpu.memref_squeeze %dma_wait3A_1510 : memref<1x1x128xi32, #tpu.memory_space<vmem>> -> memref<128xi32, #tpu.memory_space<vmem>>
      %dma_wait3A_1512 = arith.constant 0 : i32
      %dma_wait3A_1513 = arith.constant 0 : i32
      %dma_wait3A_1514 = tpu.memref_slice %arg2[%dma_wait3A_1512, %dma_wait3A_1513] : memref<10000x128xf32, #tpu.memory_space<hbm>> -> memref<10000x128xf32, #tpu.memory_space<hbm>>
      %dma_wait3A_1515 = tpu.memref_slice %arg12[%dma_wait3A_1504] : memref<2x!tpu.dma_semaphore, #tpu.memory_space<semaphore_mem>> -> memref<1x!tpu.dma_semaphore, #tpu.memory_space<semaphore_mem>>
      %dma_wait3A_1516 = tpu.memref_squeeze %dma_wait3A_1515 : memref<1x!tpu.dma_semaphore, #tpu.memory_space<semaphore_mem>> -> memref<!tpu.dma_semaphore, #tpu.memory_space<semaphore_mem>>
      tpu.wait_indirect_dma semaphore(%dma_wait3A_1516 : memref<!tpu.dma_semaphore, #tpu.memory_space<semaphore_mem>>) src(%dma_wait3A_1514 : memref<10000x128xf32, #tpu.memory_space<hbm>>) dst(%dma_wait3A_1508 : memref<128x128xf32, #tpu.memory_space<vmem>>)
      %dma_start3A_1517 = arith.constant 0 : i32
      %dma_start3A_1518 = arith.constant 2 : i32
      %dma_start3A_1519 = arith.constant 0 : i32
      %dma_start3A_1520 = arith.constant 0 : i32
      %dma_start3A_1521 = arith.constant 0 : i32
      %dma_start3A_1522 = tpu.memref_slice %arg9[%dma_start3A_1517, %dma_start3A_1520, %dma_start3A_1521] : memref<2x128x128xf32, #tpu.memory_space<vmem>> -> memref<1x128x128xf32, #tpu.memory_space<vmem>>
      %dma_start3A_1523 = tpu.memref_squeeze %dma_start3A_1522 : memref<1x128x128xf32, #tpu.memory_space<vmem>> -> memref<128x128xf32, #tpu.memory_space<vmem>>
      %dma_start3A_1524 = arith.constant 0 : i32
      %dma_start3A_1525 = tpu.memref_slice %arg8[%rem3A_1084, %dma_start3A_1518, %dma_start3A_1524] : memref<2x8x128xi32, #tpu.memory_space<vmem>> -> memref<1x1x128xi32, #tpu.memory_space<vmem>>
      %dma_start3A_1526 = tpu.memref_squeeze %dma_start3A_1525 : memref<1x1x128xi32, #tpu.memory_space<vmem>> -> memref<128xi32, #tpu.memory_space<vmem>>
      %dma_start3A_1527 = arith.constant 0 : i32
      %dma_start3A_1528 = arith.constant 0 : i32
      %dma_start3A_1529 = tpu.memref_slice %arg11[%dma_start3A_1527, %dma_start3A_1528] : memref<10240x128xf32, #tpu.memory_space<vmem_shared>> -> memref<10240x128xf32, #tpu.memory_space<vmem_shared>>
      %dma_start3A_1530 = tpu.memref_slice %arg13[%dma_start3A_1519] : memref<2x!tpu.dma_semaphore, #tpu.memory_space<semaphore_mem>> -> memref<1x!tpu.dma_semaphore, #tpu.memory_space<semaphore_mem>>
      %dma_start3A_1531 = tpu.memref_squeeze %dma_start3A_1530 : memref<1x!tpu.dma_semaphore, #tpu.memory_space<semaphore_mem>> -> memref<!tpu.dma_semaphore, #tpu.memory_space<semaphore_mem>>
      tpu.enqueue_indirect_dma source(%dma_start3A_1523 : memref<128x128xf32, #tpu.memory_space<vmem>>) target(%dma_start3A_1529 : memref<10240x128xf32, #tpu.memory_space<vmem_shared>>) offsets(%dma_start3A_1526 : memref<128xi32, #tpu.memory_space<vmem>>) semaphore(%dma_start3A_1531 : memref<!tpu.dma_semaphore, #tpu.memory_space<semaphore_mem>>) {add = true}
      %dma_wait3A_1532 = arith.constant 0 : i32
      %dma_wait3A_1533 = arith.constant 0 : i32
      %dma_wait3A_1534 = arith.constant 0 : i32
      %dma_wait3A_1535 = arith.constant 0 : i32
      %dma_wait3A_1536 = arith.constant 0 : i32
      %dma_wait3A_1537 = arith.constant 0 : i32
      %dma_wait3A_1538 = tpu.memref_slice %arg9[%dma_wait3A_1532, %dma_wait3A_1536, %dma_wait3A_1537] : memref<2x128x128xf32, #tpu.memory_space<vmem>> -> memref<1x128x128xf32, #tpu.memory_space<vmem>>
      %dma_wait3A_1539 = tpu.memref_squeeze %dma_wait3A_1538 : memref<1x128x128xf32, #tpu.memory_space<vmem>> -> memref<128x128xf32, #tpu.memory_space<vmem>>
      %dma_wait3A_1540 = arith.constant 0 : i32
      %dma_wait3A_1541 = tpu.memref_slice %arg8[%dma_wait3A_1533, %dma_wait3A_1534, %dma_wait3A_1540] : memref<2x8x128xi32, #tpu.memory_space<vmem>> -> memref<1x1x128xi32, #tpu.memory_space<vmem>>
      %dma_wait3A_1542 = tpu.memref_squeeze %dma_wait3A_1541 : memref<1x1x128xi32, #tpu.memory_space<vmem>> -> memref<128xi32, #tpu.memory_space<vmem>>
      %dma_wait3A_1543 = arith.constant 0 : i32
      %dma_wait3A_1544 = arith.constant 0 : i32
      %dma_wait3A_1545 = tpu.memref_slice %arg11[%dma_wait3A_1543, %dma_wait3A_1544] : memref<10240x128xf32, #tpu.memory_space<vmem_shared>> -> memref<10240x128xf32, #tpu.memory_space<vmem_shared>>
      %dma_wait3A_1546 = tpu.memref_slice %arg13[%dma_wait3A_1535] : memref<2x!tpu.dma_semaphore, #tpu.memory_space<semaphore_mem>> -> memref<1x!tpu.dma_semaphore, #tpu.memory_space<semaphore_mem>>
      %dma_wait3A_1547 = tpu.memref_squeeze %dma_wait3A_1546 : memref<1x!tpu.dma_semaphore, #tpu.memory_space<semaphore_mem>> -> memref<!tpu.dma_semaphore, #tpu.memory_space<semaphore_mem>>
      tpu.wait_indirect_dma semaphore(%dma_wait3A_1547 : memref<!tpu.dma_semaphore, #tpu.memory_space<semaphore_mem>>) src(%dma_wait3A_1539 : memref<128x128xf32, #tpu.memory_space<vmem>>) dst(%dma_wait3A_1545 : memref<10240x128xf32, #tpu.memory_space<vmem_shared>>)
      %dma_start3A_1548 = arith.constant 4 : i32
      %dma_start3A_1549 = arith.constant 0 : i32
      %dma_start3A_1550 = arith.constant 0 : i32
      %dma_start3A_1551 = arith.constant 0 : i32
      %dma_start3A_1552 = arith.constant 0 : i32
      %dma_start3A_1553 = tpu.memref_slice %arg9[%dma_start3A_1549, %dma_start3A_1551, %dma_start3A_1552] : memref<2x128x128xf32, #tpu.memory_space<vmem>> -> memref<1x128x128xf32, #tpu.memory_space<vmem>>
      %dma_start3A_1554 = tpu.memref_squeeze %dma_start3A_1553 : memref<1x128x128xf32, #tpu.memory_space<vmem>> -> memref<128x128xf32, #tpu.memory_space<vmem>>
      %dma_start3A_1555 = arith.constant 0 : i32
      %dma_start3A_1556 = tpu.memref_slice %arg7[%rem3A_1084, %dma_start3A_1548, %dma_start3A_1555] : memref<2x8x128xi32, #tpu.memory_space<vmem>> -> memref<1x1x128xi32, #tpu.memory_space<vmem>>
      %dma_start3A_1557 = tpu.memref_squeeze %dma_start3A_1556 : memref<1x1x128xi32, #tpu.memory_space<vmem>> -> memref<128xi32, #tpu.memory_space<vmem>>
      %dma_start3A_1558 = arith.constant 0 : i32
      %dma_start3A_1559 = arith.constant 0 : i32
      %dma_start3A_1560 = tpu.memref_slice %arg2[%dma_start3A_1558, %dma_start3A_1559] : memref<10000x128xf32, #tpu.memory_space<hbm>> -> memref<10000x128xf32, #tpu.memory_space<hbm>>
      %dma_start3A_1561 = tpu.memref_slice %arg12[%dma_start3A_1550] : memref<2x!tpu.dma_semaphore, #tpu.memory_space<semaphore_mem>> -> memref<1x!tpu.dma_semaphore, #tpu.memory_space<semaphore_mem>>
      %dma_start3A_1562 = tpu.memref_squeeze %dma_start3A_1561 : memref<1x!tpu.dma_semaphore, #tpu.memory_space<semaphore_mem>> -> memref<!tpu.dma_semaphore, #tpu.memory_space<semaphore_mem>>
      tpu.enqueue_indirect_dma source(%dma_start3A_1560 : memref<10000x128xf32, #tpu.memory_space<hbm>>) target(%dma_start3A_1554 : memref<128x128xf32, #tpu.memory_space<vmem>>) offsets(%dma_start3A_1557 : memref<128xi32, #tpu.memory_space<vmem>>) semaphore(%dma_start3A_1562 : memref<!tpu.dma_semaphore, #tpu.memory_space<semaphore_mem>>)
      %get3A_1563 = arith.constant 4 : i32
      %get3A_1564 = arith.index_cast %rem3A_1084 : i32 to index
      %get3A_1565 = arith.index_cast %get3A_1563 : i32 to index
      %get3A_1566 = arith.constant 0 : index
      %get3A_1567 = tpu.vector_load %arg8[%get3A_1564, %get3A_1565, %get3A_1566] {strides = array<i32>} : memref<2x8x128xi32, #tpu.memory_space<vmem>>, vector<16xi32>,
      tpu.vector_store_idx %arg10[%get3A_1567], %broadcast_in_dim3A_29 {add = true} : memref<10240xf32, #tpu.memory_space<vmem>>[vector<16xi32>], vector<16xf32>,
      %get3A_1568 = arith.constant 4 : i32
      %get3A_1569 = arith.index_cast %rem3A_1084 : i32 to index
      %get3A_1570 = arith.index_cast %get3A_1568 : i32 to index
      %get3A_1571 = arith.constant 16 : index
      %get3A_1572 = tpu.vector_load %arg8[%get3A_1569, %get3A_1570, %get3A_1571] {strides = array<i32>} : memref<2x8x128xi32, #tpu.memory_space<vmem>>, vector<16xi32>,
      tpu.vector_store_idx %arg10[%get3A_1572], %broadcast_in_dim3A_29 {add = true} : memref<10240xf32, #tpu.memory_space<vmem>>[vector<16xi32>], vector<16xf32>,
      %get3A_1573 = arith.constant 4 : i32
      %get3A_1574 = arith.index_cast %rem3A_1084 : i32 to index
      %get3A_1575 = arith.index_cast %get3A_1573 : i32 to index
      %get3A_1576 = arith.constant 32 : index
      %get3A_1577 = tpu.vector_load %arg8[%get3A_1574, %get3A_1575, %get3A_1576] {strides = array<i32>} : memref<2x8x128xi32, #tpu.memory_space<vmem>>, vector<16xi32>,
      tpu.vector_store_idx %arg10[%get3A_1577], %broadcast_in_dim3A_29 {add = true} : memref<10240xf32, #tpu.memory_space<vmem>>[vector<16xi32>], vector<16xf32>,
      %get3A_1578 = arith.constant 4 : i32
      %get3A_1579 = arith.index_cast %rem3A_1084 : i32 to index
      %get3A_1580 = arith.index_cast %get3A_1578 : i32 to index
      %get3A_1581 = arith.constant 48 : index
      %get3A_1582 = tpu.vector_load %arg8[%get3A_1579, %get3A_1580, %get3A_1581] {strides = array<i32>} : memref<2x8x128xi32, #tpu.memory_space<vmem>>, vector<16xi32>,
      tpu.vector_store_idx %arg10[%get3A_1582], %broadcast_in_dim3A_29 {add = true} : memref<10240xf32, #tpu.memory_space<vmem>>[vector<16xi32>], vector<16xf32>,
      %get3A_1583 = arith.constant 4 : i32
      %get3A_1584 = arith.index_cast %rem3A_1084 : i32 to index
      %get3A_1585 = arith.index_cast %get3A_1583 : i32 to index
      %get3A_1586 = arith.constant 64 : index
      %get3A_1587 = tpu.vector_load %arg8[%get3A_1584, %get3A_1585, %get3A_1586] {strides = array<i32>} : memref<2x8x128xi32, #tpu.memory_space<vmem>>, vector<16xi32>,
      tpu.vector_store_idx %arg10[%get3A_1587], %broadcast_in_dim3A_29 {add = true} : memref<10240xf32, #tpu.memory_space<vmem>>[vector<16xi32>], vector<16xf32>,
      %get3A_1588 = arith.constant 4 : i32
      %get3A_1589 = arith.index_cast %rem3A_1084 : i32 to index
      %get3A_1590 = arith.index_cast %get3A_1588 : i32 to index
      %get3A_1591 = arith.constant 80 : index
      %get3A_1592 = tpu.vector_load %arg8[%get3A_1589, %get3A_1590, %get3A_1591] {strides = array<i32>} : memref<2x8x128xi32, #tpu.memory_space<vmem>>, vector<16xi32>,
      tpu.vector_store_idx %arg10[%get3A_1592], %broadcast_in_dim3A_29 {add = true} : memref<10240xf32, #tpu.memory_space<vmem>>[vector<16xi32>], vector<16xf32>,
      %get3A_1593 = arith.constant 4 : i32
      %get3A_1594 = arith.index_cast %rem3A_1084 : i32 to index
      %get3A_1595 = arith.index_cast %get3A_1593 : i32 to index
      %get3A_1596 = arith.constant 96 : index
      %get3A_1597 = tpu.vector_load %arg8[%get3A_1594, %get3A_1595, %get3A_1596] {strides = array<i32>} : memref<2x8x128xi32, #tpu.memory_space<vmem>>, vector<16xi32>,
      tpu.vector_store_idx %arg10[%get3A_1597], %broadcast_in_dim3A_29 {add = true} : memref<10240xf32, #tpu.memory_space<vmem>>[vector<16xi32>], vector<16xf32>,
      %get3A_1598 = arith.constant 4 : i32
      %get3A_1599 = arith.index_cast %rem3A_1084 : i32 to index
      %get3A_1600 = arith.index_cast %get3A_1598 : i32 to index
      %get3A_1601 = arith.constant 112 : index
      %get3A_1602 = tpu.vector_load %arg8[%get3A_1599, %get3A_1600, %get3A_1601] {strides = array<i32>} : memref<2x8x128xi32, #tpu.memory_space<vmem>>, vector<16xi32>,
      tpu.vector_store_idx %arg10[%get3A_1602], %broadcast_in_dim3A_29 {add = true} : memref<10240xf32, #tpu.memory_space<vmem>>[vector<16xi32>], vector<16xf32>,
      %dma_wait3A_1603 = arith.constant 0 : i32
      %dma_wait3A_1604 = arith.constant 0 : i32
      %dma_wait3A_1605 = arith.constant 1 : i32
      %dma_wait3A_1606 = arith.constant 1 : i32
      %dma_wait3A_1607 = arith.constant 0 : i32
      %dma_wait3A_1608 = arith.constant 0 : i32
      %dma_wait3A_1609 = tpu.memref_slice %arg9[%dma_wait3A_1605, %dma_wait3A_1607, %dma_wait3A_1608] : memref<2x128x128xf32, #tpu.memory_space<vmem>> -> memref<1x128x128xf32, #tpu.memory_space<vmem>>
      %dma_wait3A_1610 = tpu.memref_squeeze %dma_wait3A_1609 : memref<1x128x128xf32, #tpu.memory_space<vmem>> -> memref<128x128xf32, #tpu.memory_space<vmem>>
      %dma_wait3A_1611 = arith.constant 0 : i32
      %dma_wait3A_1612 = tpu.memref_slice %arg7[%dma_wait3A_1603, %dma_wait3A_1604, %dma_wait3A_1611] : memref<2x8x128xi32, #tpu.memory_space<vmem>> -> memref<1x1x128xi32, #tpu.memory_space<vmem>>
      %dma_wait3A_1613 = tpu.memref_squeeze %dma_wait3A_1612 : memref<1x1x128xi32, #tpu.memory_space<vmem>> -> memref<128xi32, #tpu.memory_space<vmem>>
      %dma_wait3A_1614 = arith.constant 0 : i32
      %dma_wait3A_1615 = arith.constant 0 : i32
      %dma_wait3A_1616 = tpu.memref_slice %arg2[%dma_wait3A_1614, %dma_wait3A_1615] : memref<10000x128xf32, #tpu.memory_space<hbm>> -> memref<10000x128xf32, #tpu.memory_space<hbm>>
      %dma_wait3A_1617 = tpu.memref_slice %arg12[%dma_wait3A_1606] : memref<2x!tpu.dma_semaphore, #tpu.memory_space<semaphore_mem>> -> memref<1x!tpu.dma_semaphore, #tpu.memory_space<semaphore_mem>>
      %dma_wait3A_1618 = tpu.memref_squeeze %dma_wait3A_1617 : memref<1x!tpu.dma_semaphore, #tpu.memory_space<semaphore_mem>> -> memref<!tpu.dma_semaphore, #tpu.memory_space<semaphore_mem>>
      tpu.wait_indirect_dma semaphore(%dma_wait3A_1618 : memref<!tpu.dma_semaphore, #tpu.memory_space<semaphore_mem>>) src(%dma_wait3A_1616 : memref<10000x128xf32, #tpu.memory_space<hbm>>) dst(%dma_wait3A_1610 : memref<128x128xf32, #tpu.memory_space<vmem>>)
      %dma_start3A_1619 = arith.constant 1 : i32
      %dma_start3A_1620 = arith.constant 3 : i32
      %dma_start3A_1621 = arith.constant 1 : i32
      %dma_start3A_1622 = arith.constant 0 : i32
      %dma_start3A_1623 = arith.constant 0 : i32
      %dma_start3A_1624 = tpu.memref_slice %arg9[%dma_start3A_1619, %dma_start3A_1622, %dma_start3A_1623] : memref<2x128x128xf32, #tpu.memory_space<vmem>> -> memref<1x128x128xf32, #tpu.memory_space<vmem>>
      %dma_start3A_1625 = tpu.memref_squeeze %dma_start3A_1624 : memref<1x128x128xf32, #tpu.memory_space<vmem>> -> memref<128x128xf32, #tpu.memory_space<vmem>>
      %dma_start3A_1626 = arith.constant 0 : i32
      %dma_start3A_1627 = tpu.memref_slice %arg8[%rem3A_1084, %dma_start3A_1620, %dma_start3A_1626] : memref<2x8x128xi32, #tpu.memory_space<vmem>> -> memref<1x1x128xi32, #tpu.memory_space<vmem>>
      %dma_start3A_1628 = tpu.memref_squeeze %dma_start3A_1627 : memref<1x1x128xi32, #tpu.memory_space<vmem>> -> memref<128xi32, #tpu.memory_space<vmem>>
      %dma_start3A_1629 = arith.constant 0 : i32
      %dma_start3A_1630 = arith.constant 0 : i32
      %dma_start3A_1631 = tpu.memref_slice %arg11[%dma_start3A_1629, %dma_start3A_1630] : memref<10240x128xf32, #tpu.memory_space<vmem_shared>> -> memref<10240x128xf32, #tpu.memory_space<vmem_shared>>
      %dma_start3A_1632 = tpu.memref_slice %arg13[%dma_start3A_1621] : memref<2x!tpu.dma_semaphore, #tpu.memory_space<semaphore_mem>> -> memref<1x!tpu.dma_semaphore, #tpu.memory_space<semaphore_mem>>
      %dma_start3A_1633 = tpu.memref_squeeze %dma_start3A_1632 : memref<1x!tpu.dma_semaphore, #tpu.memory_space<semaphore_mem>> -> memref<!tpu.dma_semaphore, #tpu.memory_space<semaphore_mem>>
      tpu.enqueue_indirect_dma source(%dma_start3A_1625 : memref<128x128xf32, #tpu.memory_space<vmem>>) target(%dma_start3A_1631 : memref<10240x128xf32, #tpu.memory_space<vmem_shared>>) offsets(%dma_start3A_1628 : memref<128xi32, #tpu.memory_space<vmem>>) semaphore(%dma_start3A_1633 : memref<!tpu.dma_semaphore, #tpu.memory_space<semaphore_mem>>) {add = true}
      %dma_wait3A_1634 = arith.constant 1 : i32
      %dma_wait3A_1635 = arith.constant 0 : i32
      %dma_wait3A_1636 = arith.constant 0 : i32
      %dma_wait3A_1637 = arith.constant 1 : i32
      %dma_wait3A_1638 = arith.constant 0 : i32
      %dma_wait3A_1639 = arith.constant 0 : i32
      %dma_wait3A_1640 = tpu.memref_slice %arg9[%dma_wait3A_1634, %dma_wait3A_1638, %dma_wait3A_1639] : memref<2x128x128xf32, #tpu.memory_space<vmem>> -> memref<1x128x128xf32, #tpu.memory_space<vmem>>
      %dma_wait3A_1641 = tpu.memref_squeeze %dma_wait3A_1640 : memref<1x128x128xf32, #tpu.memory_space<vmem>> -> memref<128x128xf32, #tpu.memory_space<vmem>>
      %dma_wait3A_1642 = arith.constant 0 : i32
      %dma_wait3A_1643 = tpu.memref_slice %arg8[%dma_wait3A_1635, %dma_wait3A_1636, %dma_wait3A_1642] : memref<2x8x128xi32, #tpu.memory_space<vmem>> -> memref<1x1x128xi32, #tpu.memory_space<vmem>>
      %dma_wait3A_1644 = tpu.memref_squeeze %dma_wait3A_1643 : memref<1x1x128xi32, #tpu.memory_space<vmem>> -> memref<128xi32, #tpu.memory_space<vmem>>
      %dma_wait3A_1645 = arith.constant 0 : i32
      %dma_wait3A_1646 = arith.constant 0 : i32
      %dma_wait3A_1647 = tpu.memref_slice %arg11[%dma_wait3A_1645, %dma_wait3A_1646] : memref<10240x128xf32, #tpu.memory_space<vmem_shared>> -> memref<10240x128xf32, #tpu.memory_space<vmem_shared>>
      %dma_wait3A_1648 = tpu.memref_slice %arg13[%dma_wait3A_1637] : memref<2x!tpu.dma_semaphore, #tpu.memory_space<semaphore_mem>> -> memref<1x!tpu.dma_semaphore, #tpu.memory_space<semaphore_mem>>
      %dma_wait3A_1649 = tpu.memref_squeeze %dma_wait3A_1648 : memref<1x!tpu.dma_semaphore, #tpu.memory_space<semaphore_mem>> -> memref<!tpu.dma_semaphore, #tpu.memory_space<semaphore_mem>>
      tpu.wait_indirect_dma semaphore(%dma_wait3A_1649 : memref<!tpu.dma_semaphore, #tpu.memory_space<semaphore_mem>>) src(%dma_wait3A_1641 : memref<128x128xf32, #tpu.memory_space<vmem>>) dst(%dma_wait3A_1647 : memref<10240x128xf32, #tpu.memory_space<vmem_shared>>)
      %dma_start3A_1650 = arith.constant 5 : i32
      %dma_start3A_1651 = arith.constant 1 : i32
      %dma_start3A_1652 = arith.constant 1 : i32
      %dma_start3A_1653 = arith.constant 0 : i32
      %dma_start3A_1654 = arith.constant 0 : i32
      %dma_start3A_1655 = tpu.memref_slice %arg9[%dma_start3A_1651, %dma_start3A_1653, %dma_start3A_1654] : memref<2x128x128xf32, #tpu.memory_space<vmem>> -> memref<1x128x128xf32, #tpu.memory_space<vmem>>
      %dma_start3A_1656 = tpu.memref_squeeze %dma_start3A_1655 : memref<1x128x128xf32, #tpu.memory_space<vmem>> -> memref<128x128xf32, #tpu.memory_space<vmem>>
      %dma_start3A_1657 = arith.constant 0 : i32
      %dma_start3A_1658 = tpu.memref_slice %arg7[%rem3A_1084, %dma_start3A_1650, %dma_start3A_1657] : memref<2x8x128xi32, #tpu.memory_space<vmem>> -> memref<1x1x128xi32, #tpu.memory_space<vmem>>
      %dma_start3A_1659 = tpu.memref_squeeze %dma_start3A_1658 : memref<1x1x128xi32, #tpu.memory_space<vmem>> -> memref<128xi32, #tpu.memory_space<vmem>>
      %dma_start3A_1660 = arith.constant 0 : i32
      %dma_start3A_1661 = arith.constant 0 : i32
      %dma_start3A_1662 = tpu.memref_slice %arg2[%dma_start3A_1660, %dma_start3A_1661] : memref<10000x128xf32, #tpu.memory_space<hbm>> -> memref<10000x128xf32, #tpu.memory_space<hbm>>
      %dma_start3A_1663 = tpu.memref_slice %arg12[%dma_start3A_1652] : memref<2x!tpu.dma_semaphore, #tpu.memory_space<semaphore_mem>> -> memref<1x!tpu.dma_semaphore, #tpu.memory_space<semaphore_mem>>
      %dma_start3A_1664 = tpu.memref_squeeze %dma_start3A_1663 : memref<1x!tpu.dma_semaphore, #tpu.memory_space<semaphore_mem>> -> memref<!tpu.dma_semaphore, #tpu.memory_space<semaphore_mem>>
      tpu.enqueue_indirect_dma source(%dma_start3A_1662 : memref<10000x128xf32, #tpu.memory_space<hbm>>) target(%dma_start3A_1656 : memref<128x128xf32, #tpu.memory_space<vmem>>) offsets(%dma_start3A_1659 : memref<128xi32, #tpu.memory_space<vmem>>) semaphore(%dma_start3A_1664 : memref<!tpu.dma_semaphore, #tpu.memory_space<semaphore_mem>>)
      %get3A_1665 = arith.constant 5 : i32
      %get3A_1666 = arith.index_cast %rem3A_1084 : i32 to index
      %get3A_1667 = arith.index_cast %get3A_1665 : i32 to index
      %get3A_1668 = arith.constant 0 : index
      %get3A_1669 = tpu.vector_load %arg8[%get3A_1666, %get3A_1667, %get3A_1668] {strides = array<i32>} : memref<2x8x128xi32, #tpu.memory_space<vmem>>, vector<16xi32>,
      tpu.vector_store_idx %arg10[%get3A_1669], %broadcast_in_dim3A_29 {add = true} : memref<10240xf32, #tpu.memory_space<vmem>>[vector<16xi32>], vector<16xf32>,
      %get3A_1670 = arith.constant 5 : i32
      %get3A_1671 = arith.index_cast %rem3A_1084 : i32 to index
      %get3A_1672 = arith.index_cast %get3A_1670 : i32 to index
      %get3A_1673 = arith.constant 16 : index
      %get3A_1674 = tpu.vector_load %arg8[%get3A_1671, %get3A_1672, %get3A_1673] {strides = array<i32>} : memref<2x8x128xi32, #tpu.memory_space<vmem>>, vector<16xi32>,
      tpu.vector_store_idx %arg10[%get3A_1674], %broadcast_in_dim3A_29 {add = true} : memref<10240xf32, #tpu.memory_space<vmem>>[vector<16xi32>], vector<16xf32>,
      %get3A_1675 = arith.constant 5 : i32
      %get3A_1676 = arith.index_cast %rem3A_1084 : i32 to index
      %get3A_1677 = arith.index_cast %get3A_1675 : i32 to index
      %get3A_1678 = arith.constant 32 : index
      %get3A_1679 = tpu.vector_load %arg8[%get3A_1676, %get3A_1677, %get3A_1678] {strides = array<i32>} : memref<2x8x128xi32, #tpu.memory_space<vmem>>, vector<16xi32>,
      tpu.vector_store_idx %arg10[%get3A_1679], %broadcast_in_dim3A_29 {add = true} : memref<10240xf32, #tpu.memory_space<vmem>>[vector<16xi32>], vector<16xf32>,
      %get3A_1680 = arith.constant 5 : i32
      %get3A_1681 = arith.index_cast %rem3A_1084 : i32 to index
      %get3A_1682 = arith.index_cast %get3A_1680 : i32 to index
      %get3A_1683 = arith.constant 48 : index
      %get3A_1684 = tpu.vector_load %arg8[%get3A_1681, %get3A_1682, %get3A_1683] {strides = array<i32>} : memref<2x8x128xi32, #tpu.memory_space<vmem>>, vector<16xi32>,
      tpu.vector_store_idx %arg10[%get3A_1684], %broadcast_in_dim3A_29 {add = true} : memref<10240xf32, #tpu.memory_space<vmem>>[vector<16xi32>], vector<16xf32>,
      %get3A_1685 = arith.constant 5 : i32
      %get3A_1686 = arith.index_cast %rem3A_1084 : i32 to index
      %get3A_1687 = arith.index_cast %get3A_1685 : i32 to index
      %get3A_1688 = arith.constant 64 : index
      %get3A_1689 = tpu.vector_load %arg8[%get3A_1686, %get3A_1687, %get3A_1688] {strides = array<i32>} : memref<2x8x128xi32, #tpu.memory_space<vmem>>, vector<16xi32>,
      tpu.vector_store_idx %arg10[%get3A_1689], %broadcast_in_dim3A_29 {add = true} : memref<10240xf32, #tpu.memory_space<vmem>>[vector<16xi32>], vector<16xf32>,
      %get3A_1690 = arith.constant 5 : i32
      %get3A_1691 = arith.index_cast %rem3A_1084 : i32 to index
      %get3A_1692 = arith.index_cast %get3A_1690 : i32 to index
      %get3A_1693 = arith.constant 80 : index
      %get3A_1694 = tpu.vector_load %arg8[%get3A_1691, %get3A_1692, %get3A_1693] {strides = array<i32>} : memref<2x8x128xi32, #tpu.memory_space<vmem>>, vector<16xi32>,
      tpu.vector_store_idx %arg10[%get3A_1694], %broadcast_in_dim3A_29 {add = true} : memref<10240xf32, #tpu.memory_space<vmem>>[vector<16xi32>], vector<16xf32>,
      %get3A_1695 = arith.constant 5 : i32
      %get3A_1696 = arith.index_cast %rem3A_1084 : i32 to index
      %get3A_1697 = arith.index_cast %get3A_1695 : i32 to index
      %get3A_1698 = arith.constant 96 : index
      %get3A_1699 = tpu.vector_load %arg8[%get3A_1696, %get3A_1697, %get3A_1698] {strides = array<i32>} : memref<2x8x128xi32, #tpu.memory_space<vmem>>, vector<16xi32>,
      tpu.vector_store_idx %arg10[%get3A_1699], %broadcast_in_dim3A_29 {add = true} : memref<10240xf32, #tpu.memory_space<vmem>>[vector<16xi32>], vector<16xf32>,
      %get3A_1700 = arith.constant 5 : i32
      %get3A_1701 = arith.index_cast %rem3A_1084 : i32 to index
      %get3A_1702 = arith.index_cast %get3A_1700 : i32 to index
      %get3A_1703 = arith.constant 112 : index
      %get3A_1704 = tpu.vector_load %arg8[%get3A_1701, %get3A_1702, %get3A_1703] {strides = array<i32>} : memref<2x8x128xi32, #tpu.memory_space<vmem>>, vector<16xi32>,
      tpu.vector_store_idx %arg10[%get3A_1704], %broadcast_in_dim3A_29 {add = true} : memref<10240xf32, #tpu.memory_space<vmem>>[vector<16xi32>], vector<16xf32>,
      %dma_wait3A_1705 = arith.constant 0 : i32
      %dma_wait3A_1706 = arith.constant 0 : i32
      %dma_wait3A_1707 = arith.constant 0 : i32
      %dma_wait3A_1708 = arith.constant 0 : i32
      %dma_wait3A_1709 = arith.constant 0 : i32
      %dma_wait3A_1710 = arith.constant 0 : i32
      %dma_wait3A_1711 = tpu.memref_slice %arg9[%dma_wait3A_1707, %dma_wait3A_1709, %dma_wait3A_1710] : memref<2x128x128xf32, #tpu.memory_space<vmem>> -> memref<1x128x128xf32, #tpu.memory_space<vmem>>
      %dma_wait3A_1712 = tpu.memref_squeeze %dma_wait3A_1711 : memref<1x128x128xf32, #tpu.memory_space<vmem>> -> memref<128x128xf32, #tpu.memory_space<vmem>>
      %dma_wait3A_1713 = arith.constant 0 : i32
      %dma_wait3A_1714 = tpu.memref_slice %arg7[%dma_wait3A_1705, %dma_wait3A_1706, %dma_wait3A_1713] : memref<2x8x128xi32, #tpu.memory_space<vmem>> -> memref<1x1x128xi32, #tpu.memory_space<vmem>>
      %dma_wait3A_1715 = tpu.memref_squeeze %dma_wait3A_1714 : memref<1x1x128xi32, #tpu.memory_space<vmem>> -> memref<128xi32, #tpu.memory_space<vmem>>
      %dma_wait3A_1716 = arith.constant 0 : i32
      %dma_wait3A_1717 = arith.constant 0 : i32
      %dma_wait3A_1718 = tpu.memref_slice %arg2[%dma_wait3A_1716, %dma_wait3A_1717] : memref<10000x128xf32, #tpu.memory_space<hbm>> -> memref<10000x128xf32, #tpu.memory_space<hbm>>
      %dma_wait3A_1719 = tpu.memref_slice %arg12[%dma_wait3A_1708] : memref<2x!tpu.dma_semaphore, #tpu.memory_space<semaphore_mem>> -> memref<1x!tpu.dma_semaphore, #tpu.memory_space<semaphore_mem>>
      %dma_wait3A_1720 = tpu.memref_squeeze %dma_wait3A_1719 : memref<1x!tpu.dma_semaphore, #tpu.memory_space<semaphore_mem>> -> memref<!tpu.dma_semaphore, #tpu.memory_space<semaphore_mem>>
      tpu.wait_indirect_dma semaphore(%dma_wait3A_1720 : memref<!tpu.dma_semaphore, #tpu.memory_space<semaphore_mem>>) src(%dma_wait3A_1718 : memref<10000x128xf32, #tpu.memory_space<hbm>>) dst(%dma_wait3A_1712 : memref<128x128xf32, #tpu.memory_space<vmem>>)
      %dma_start3A_1721 = arith.constant 0 : i32
      %dma_start3A_1722 = arith.constant 4 : i32
      %dma_start3A_1723 = arith.constant 0 : i32
      %dma_start3A_1724 = arith.constant 0 : i32
      %dma_start3A_1725 = arith.constant 0 : i32
      %dma_start3A_1726 = tpu.memref_slice %arg9[%dma_start3A_1721, %dma_start3A_1724, %dma_start3A_1725] : memref<2x128x128xf32, #tpu.memory_space<vmem>> -> memref<1x128x128xf32, #tpu.memory_space<vmem>>
      %dma_start3A_1727 = tpu.memref_squeeze %dma_start3A_1726 : memref<1x128x128xf32, #tpu.memory_space<vmem>> -> memref<128x128xf32, #tpu.memory_space<vmem>>
      %dma_start3A_1728 = arith.constant 0 : i32
      %dma_start3A_1729 = tpu.memref_slice %arg8[%rem3A_1084, %dma_start3A_1722, %dma_start3A_1728] : memref<2x8x128xi32, #tpu.memory_space<vmem>> -> memref<1x1x128xi32, #tpu.memory_space<vmem>>
      %dma_start3A_1730 = tpu.memref_squeeze %dma_start3A_1729 : memref<1x1x128xi32, #tpu.memory_space<vmem>> -> memref<128xi32, #tpu.memory_space<vmem>>
      %dma_start3A_1731 = arith.constant 0 : i32
      %dma_start3A_1732 = arith.constant 0 : i32
      %dma_start3A_1733 = tpu.memref_slice %arg11[%dma_start3A_1731, %dma_start3A_1732] : memref<10240x128xf32, #tpu.memory_space<vmem_shared>> -> memref<10240x128xf32, #tpu.memory_space<vmem_shared>>
      %dma_start3A_1734 = tpu.memref_slice %arg13[%dma_start3A_1723] : memref<2x!tpu.dma_semaphore, #tpu.memory_space<semaphore_mem>> -> memref<1x!tpu.dma_semaphore, #tpu.memory_space<semaphore_mem>>
      %dma_start3A_1735 = tpu.memref_squeeze %dma_start3A_1734 : memref<1x!tpu.dma_semaphore, #tpu.memory_space<semaphore_mem>> -> memref<!tpu.dma_semaphore, #tpu.memory_space<semaphore_mem>>
      tpu.enqueue_indirect_dma source(%dma_start3A_1727 : memref<128x128xf32, #tpu.memory_space<vmem>>) target(%dma_start3A_1733 : memref<10240x128xf32, #tpu.memory_space<vmem_shared>>) offsets(%dma_start3A_1730 : memref<128xi32, #tpu.memory_space<vmem>>) semaphore(%dma_start3A_1735 : memref<!tpu.dma_semaphore, #tpu.memory_space<semaphore_mem>>) {add = true}
      %dma_wait3A_1736 = arith.constant 0 : i32
      %dma_wait3A_1737 = arith.constant 0 : i32
      %dma_wait3A_1738 = arith.constant 0 : i32
      %dma_wait3A_1739 = arith.constant 0 : i32
      %dma_wait3A_1740 = arith.constant 0 : i32
      %dma_wait3A_1741 = arith.constant 0 : i32
      %dma_wait3A_1742 = tpu.memref_slice %arg9[%dma_wait3A_1736, %dma_wait3A_1740, %dma_wait3A_1741] : memref<2x128x128xf32, #tpu.memory_space<vmem>> -> memref<1x128x128xf32, #tpu.memory_space<vmem>>
      %dma_wait3A_1743 = tpu.memref_squeeze %dma_wait3A_1742 : memref<1x128x128xf32, #tpu.memory_space<vmem>> -> memref<128x128xf32, #tpu.memory_space<vmem>>
      %dma_wait3A_1744 = arith.constant 0 : i32
      %dma_wait3A_1745 = tpu.memref_slice %arg8[%dma_wait3A_1737, %dma_wait3A_1738, %dma_wait3A_1744] : memref<2x8x128xi32, #tpu.memory_space<vmem>> -> memref<1x1x128xi32, #tpu.memory_space<vmem>>
      %dma_wait3A_1746 = tpu.memref_squeeze %dma_wait3A_1745 : memref<1x1x128xi32, #tpu.memory_space<vmem>> -> memref<128xi32, #tpu.memory_space<vmem>>
      %dma_wait3A_1747 = arith.constant 0 : i32
      %dma_wait3A_1748 = arith.constant 0 : i32
      %dma_wait3A_1749 = tpu.memref_slice %arg11[%dma_wait3A_1747, %dma_wait3A_1748] : memref<10240x128xf32, #tpu.memory_space<vmem_shared>> -> memref<10240x128xf32, #tpu.memory_space<vmem_shared>>
      %dma_wait3A_1750 = tpu.memref_slice %arg13[%dma_wait3A_1739] : memref<2x!tpu.dma_semaphore, #tpu.memory_space<semaphore_mem>> -> memref<1x!tpu.dma_semaphore, #tpu.memory_space<semaphore_mem>>
      %dma_wait3A_1751 = tpu.memref_squeeze %dma_wait3A_1750 : memref<1x!tpu.dma_semaphore, #tpu.memory_space<semaphore_mem>> -> memref<!tpu.dma_semaphore, #tpu.memory_space<semaphore_mem>>
      tpu.wait_indirect_dma semaphore(%dma_wait3A_1751 : memref<!tpu.dma_semaphore, #tpu.memory_space<semaphore_mem>>) src(%dma_wait3A_1743 : memref<128x128xf32, #tpu.memory_space<vmem>>) dst(%dma_wait3A_1749 : memref<10240x128xf32, #tpu.memory_space<vmem_shared>>)
      %dma_start3A_1752 = arith.constant 6 : i32
      %dma_start3A_1753 = arith.constant 0 : i32
      %dma_start3A_1754 = arith.constant 0 : i32
      %dma_start3A_1755 = arith.constant 0 : i32
      %dma_start3A_1756 = arith.constant 0 : i32
      %dma_start3A_1757 = tpu.memref_slice %arg9[%dma_start3A_1753, %dma_start3A_1755, %dma_start3A_1756] : memref<2x128x128xf32, #tpu.memory_space<vmem>> -> memref<1x128x128xf32, #tpu.memory_space<vmem>>
      %dma_start3A_1758 = tpu.memref_squeeze %dma_start3A_1757 : memref<1x128x128xf32, #tpu.memory_space<vmem>> -> memref<128x128xf32, #tpu.memory_space<vmem>>
      %dma_start3A_1759 = arith.constant 0 : i32
      %dma_start3A_1760 = tpu.memref_slice %arg7[%rem3A_1084, %dma_start3A_1752, %dma_start3A_1759] : memref<2x8x128xi32, #tpu.memory_space<vmem>> -> memref<1x1x128xi32, #tpu.memory_space<vmem>>
      %dma_start3A_1761 = tpu.memref_squeeze %dma_start3A_1760 : memref<1x1x128xi32, #tpu.memory_space<vmem>> -> memref<128xi32, #tpu.memory_space<vmem>>
      %dma_start3A_1762 = arith.constant 0 : i32
      %dma_start3A_1763 = arith.constant 0 : i32
      %dma_start3A_1764 = tpu.memref_slice %arg2[%dma_start3A_1762, %dma_start3A_1763] : memref<10000x128xf32, #tpu.memory_space<hbm>> -> memref<10000x128xf32, #tpu.memory_space<hbm>>
      %dma_start3A_1765 = tpu.memref_slice %arg12[%dma_start3A_1754] : memref<2x!tpu.dma_semaphore, #tpu.memory_space<semaphore_mem>> -> memref<1x!tpu.dma_semaphore, #tpu.memory_space<semaphore_mem>>
      %dma_start3A_1766 = tpu.memref_squeeze %dma_start3A_1765 : memref<1x!tpu.dma_semaphore, #tpu.memory_space<semaphore_mem>> -> memref<!tpu.dma_semaphore, #tpu.memory_space<semaphore_mem>>
      tpu.enqueue_indirect_dma source(%dma_start3A_1764 : memref<10000x128xf32, #tpu.memory_space<hbm>>) target(%dma_start3A_1758 : memref<128x128xf32, #tpu.memory_space<vmem>>) offsets(%dma_start3A_1761 : memref<128xi32, #tpu.memory_space<vmem>>) semaphore(%dma_start3A_1766 : memref<!tpu.dma_semaphore, #tpu.memory_space<semaphore_mem>>)
      %get3A_1767 = arith.constant 6 : i32
      %get3A_1768 = arith.index_cast %rem3A_1084 : i32 to index
      %get3A_1769 = arith.index_cast %get3A_1767 : i32 to index
      %get3A_1770 = arith.constant 0 : index
      %get3A_1771 = tpu.vector_load %arg8[%get3A_1768, %get3A_1769, %get3A_1770] {strides = array<i32>} : memref<2x8x128xi32, #tpu.memory_space<vmem>>, vector<16xi32>,
      tpu.vector_store_idx %arg10[%get3A_1771], %broadcast_in_dim3A_29 {add = true} : memref<10240xf32, #tpu.memory_space<vmem>>[vector<16xi32>], vector<16xf32>,
      %get3A_1772 = arith.constant 6 : i32
      %get3A_1773 = arith.index_cast %rem3A_1084 : i32 to index
      %get3A_1774 = arith.index_cast %get3A_1772 : i32 to index
      %get3A_1775 = arith.constant 16 : index
      %get3A_1776 = tpu.vector_load %arg8[%get3A_1773, %get3A_1774, %get3A_1775] {strides = array<i32>} : memref<2x8x128xi32, #tpu.memory_space<vmem>>, vector<16xi32>,
      tpu.vector_store_idx %arg10[%get3A_1776], %broadcast_in_dim3A_29 {add = true} : memref<10240xf32, #tpu.memory_space<vmem>>[vector<16xi32>], vector<16xf32>,
      %get3A_1777 = arith.constant 6 : i32
      %get3A_1778 = arith.index_cast %rem3A_1084 : i32 to index
      %get3A_1779 = arith.index_cast %get3A_1777 : i32 to index
      %get3A_1780 = arith.constant 32 : index
      %get3A_1781 = tpu.vector_load %arg8[%get3A_1778, %get3A_1779, %get3A_1780] {strides = array<i32>} : memref<2x8x128xi32, #tpu.memory_space<vmem>>, vector<16xi32>,
      tpu.vector_store_idx %arg10[%get3A_1781], %broadcast_in_dim3A_29 {add = true} : memref<10240xf32, #tpu.memory_space<vmem>>[vector<16xi32>], vector<16xf32>,
      %get3A_1782 = arith.constant 6 : i32
      %get3A_1783 = arith.index_cast %rem3A_1084 : i32 to index
      %get3A_1784 = arith.index_cast %get3A_1782 : i32 to index
      %get3A_1785 = arith.constant 48 : index
      %get3A_1786 = tpu.vector_load %arg8[%get3A_1783, %get3A_1784, %get3A_1785] {strides = array<i32>} : memref<2x8x128xi32, #tpu.memory_space<vmem>>, vector<16xi32>,
      tpu.vector_store_idx %arg10[%get3A_1786], %broadcast_in_dim3A_29 {add = true} : memref<10240xf32, #tpu.memory_space<vmem>>[vector<16xi32>], vector<16xf32>,
      %get3A_1787 = arith.constant 6 : i32
      %get3A_1788 = arith.index_cast %rem3A_1084 : i32 to index
      %get3A_1789 = arith.index_cast %get3A_1787 : i32 to index
      %get3A_1790 = arith.constant 64 : index
      %get3A_1791 = tpu.vector_load %arg8[%get3A_1788, %get3A_1789, %get3A_1790] {strides = array<i32>} : memref<2x8x128xi32, #tpu.memory_space<vmem>>, vector<16xi32>,
      tpu.vector_store_idx %arg10[%get3A_1791], %broadcast_in_dim3A_29 {add = true} : memref<10240xf32, #tpu.memory_space<vmem>>[vector<16xi32>], vector<16xf32>,
      %get3A_1792 = arith.constant 6 : i32
      %get3A_1793 = arith.index_cast %rem3A_1084 : i32 to index
      %get3A_1794 = arith.index_cast %get3A_1792 : i32 to index
      %get3A_1795 = arith.constant 80 : index
      %get3A_1796 = tpu.vector_load %arg8[%get3A_1793, %get3A_1794, %get3A_1795] {strides = array<i32>} : memref<2x8x128xi32, #tpu.memory_space<vmem>>, vector<16xi32>,
      tpu.vector_store_idx %arg10[%get3A_1796], %broadcast_in_dim3A_29 {add = true} : memref<10240xf32, #tpu.memory_space<vmem>>[vector<16xi32>], vector<16xf32>,
      %get3A_1797 = arith.constant 6 : i32
      %get3A_1798 = arith.index_cast %rem3A_1084 : i32 to index
      %get3A_1799 = arith.index_cast %get3A_1797 : i32 to index
      %get3A_1800 = arith.constant 96 : index
      %get3A_1801 = tpu.vector_load %arg8[%get3A_1798, %get3A_1799, %get3A_1800] {strides = array<i32>} : memref<2x8x128xi32, #tpu.memory_space<vmem>>, vector<16xi32>,
      tpu.vector_store_idx %arg10[%get3A_1801], %broadcast_in_dim3A_29 {add = true} : memref<10240xf32, #tpu.memory_space<vmem>>[vector<16xi32>], vector<16xf32>,
      %get3A_1802 = arith.constant 6 : i32
      %get3A_1803 = arith.index_cast %rem3A_1084 : i32 to index
      %get3A_1804 = arith.index_cast %get3A_1802 : i32 to index
      %get3A_1805 = arith.constant 112 : index
      %get3A_1806 = tpu.vector_load %arg8[%get3A_1803, %get3A_1804, %get3A_1805] {strides = array<i32>} : memref<2x8x128xi32, #tpu.memory_space<vmem>>, vector<16xi32>,
      tpu.vector_store_idx %arg10[%get3A_1806], %broadcast_in_dim3A_29 {add = true} : memref<10240xf32, #tpu.memory_space<vmem>>[vector<16xi32>], vector<16xf32>,
      %dma_wait3A_1807 = arith.constant 0 : i32
      %dma_wait3A_1808 = arith.constant 0 : i32
      %dma_wait3A_1809 = arith.constant 1 : i32
      %dma_wait3A_1810 = arith.constant 1 : i32
      %dma_wait3A_1811 = arith.constant 0 : i32
      %dma_wait3A_1812 = arith.constant 0 : i32
      %dma_wait3A_1813 = tpu.memref_slice %arg9[%dma_wait3A_1809, %dma_wait3A_1811, %dma_wait3A_1812] : memref<2x128x128xf32, #tpu.memory_space<vmem>> -> memref<1x128x128xf32, #tpu.memory_space<vmem>>
      %dma_wait3A_1814 = tpu.memref_squeeze %dma_wait3A_1813 : memref<1x128x128xf32, #tpu.memory_space<vmem>> -> memref<128x128xf32, #tpu.memory_space<vmem>>
      %dma_wait3A_1815 = arith.constant 0 : i32
      %dma_wait3A_1816 = tpu.memref_slice %arg7[%dma_wait3A_1807, %dma_wait3A_1808, %dma_wait3A_1815] : memref<2x8x128xi32, #tpu.memory_space<vmem>> -> memref<1x1x128xi32, #tpu.memory_space<vmem>>
      %dma_wait3A_1817 = tpu.memref_squeeze %dma_wait3A_1816 : memref<1x1x128xi32, #tpu.memory_space<vmem>> -> memref<128xi32, #tpu.memory_space<vmem>>
      %dma_wait3A_1818 = arith.constant 0 : i32
      %dma_wait3A_1819 = arith.constant 0 : i32
      %dma_wait3A_1820 = tpu.memref_slice %arg2[%dma_wait3A_1818, %dma_wait3A_1819] : memref<10000x128xf32, #tpu.memory_space<hbm>> -> memref<10000x128xf32, #tpu.memory_space<hbm>>
      %dma_wait3A_1821 = tpu.memref_slice %arg12[%dma_wait3A_1810] : memref<2x!tpu.dma_semaphore, #tpu.memory_space<semaphore_mem>> -> memref<1x!tpu.dma_semaphore, #tpu.memory_space<semaphore_mem>>
      %dma_wait3A_1822 = tpu.memref_squeeze %dma_wait3A_1821 : memref<1x!tpu.dma_semaphore, #tpu.memory_space<semaphore_mem>> -> memref<!tpu.dma_semaphore, #tpu.memory_space<semaphore_mem>>
      tpu.wait_indirect_dma semaphore(%dma_wait3A_1822 : memref<!tpu.dma_semaphore, #tpu.memory_space<semaphore_mem>>) src(%dma_wait3A_1820 : memref<10000x128xf32, #tpu.memory_space<hbm>>) dst(%dma_wait3A_1814 : memref<128x128xf32, #tpu.memory_space<vmem>>)
      %dma_start3A_1823 = arith.constant 1 : i32
      %dma_start3A_1824 = arith.constant 5 : i32
      %dma_start3A_1825 = arith.constant 1 : i32
      %dma_start3A_1826 = arith.constant 0 : i32
      %dma_start3A_1827 = arith.constant 0 : i32
      %dma_start3A_1828 = tpu.memref_slice %arg9[%dma_start3A_1823, %dma_start3A_1826, %dma_start3A_1827] : memref<2x128x128xf32, #tpu.memory_space<vmem>> -> memref<1x128x128xf32, #tpu.memory_space<vmem>>
      %dma_start3A_1829 = tpu.memref_squeeze %dma_start3A_1828 : memref<1x128x128xf32, #tpu.memory_space<vmem>> -> memref<128x128xf32, #tpu.memory_space<vmem>>
      %dma_start3A_1830 = arith.constant 0 : i32
      %dma_start3A_1831 = tpu.memref_slice %arg8[%rem3A_1084, %dma_start3A_1824, %dma_start3A_1830] : memref<2x8x128xi32, #tpu.memory_space<vmem>> -> memref<1x1x128xi32, #tpu.memory_space<vmem>>
      %dma_start3A_1832 = tpu.memref_squeeze %dma_start3A_1831 : memref<1x1x128xi32, #tpu.memory_space<vmem>> -> memref<128xi32, #tpu.memory_space<vmem>>
      %dma_start3A_1833 = arith.constant 0 : i32
      %dma_start3A_1834 = arith.constant 0 : i32
      %dma_start3A_1835 = tpu.memref_slice %arg11[%dma_start3A_1833, %dma_start3A_1834] : memref<10240x128xf32, #tpu.memory_space<vmem_shared>> -> memref<10240x128xf32, #tpu.memory_space<vmem_shared>>
      %dma_start3A_1836 = tpu.memref_slice %arg13[%dma_start3A_1825] : memref<2x!tpu.dma_semaphore, #tpu.memory_space<semaphore_mem>> -> memref<1x!tpu.dma_semaphore, #tpu.memory_space<semaphore_mem>>
      %dma_start3A_1837 = tpu.memref_squeeze %dma_start3A_1836 : memref<1x!tpu.dma_semaphore, #tpu.memory_space<semaphore_mem>> -> memref<!tpu.dma_semaphore, #tpu.memory_space<semaphore_mem>>
      tpu.enqueue_indirect_dma source(%dma_start3A_1829 : memref<128x128xf32, #tpu.memory_space<vmem>>) target(%dma_start3A_1835 : memref<10240x128xf32, #tpu.memory_space<vmem_shared>>) offsets(%dma_start3A_1832 : memref<128xi32, #tpu.memory_space<vmem>>) semaphore(%dma_start3A_1837 : memref<!tpu.dma_semaphore, #tpu.memory_space<semaphore_mem>>) {add = true}
      %dma_wait3A_1838 = arith.constant 1 : i32
      %dma_wait3A_1839 = arith.constant 0 : i32
      %dma_wait3A_1840 = arith.constant 0 : i32
      %dma_wait3A_1841 = arith.constant 1 : i32
      %dma_wait3A_1842 = arith.constant 0 : i32
      %dma_wait3A_1843 = arith.constant 0 : i32
      %dma_wait3A_1844 = tpu.memref_slice %arg9[%dma_wait3A_1838, %dma_wait3A_1842, %dma_wait3A_1843] : memref<2x128x128xf32, #tpu.memory_space<vmem>> -> memref<1x128x128xf32, #tpu.memory_space<vmem>>
      %dma_wait3A_1845 = tpu.memref_squeeze %dma_wait3A_1844 : memref<1x128x128xf32, #tpu.memory_space<vmem>> -> memref<128x128xf32, #tpu.memory_space<vmem>>
      %dma_wait3A_1846 = arith.constant 0 : i32
      %dma_wait3A_1847 = tpu.memref_slice %arg8[%dma_wait3A_1839, %dma_wait3A_1840, %dma_wait3A_1846] : memref<2x8x128xi32, #tpu.memory_space<vmem>> -> memref<1x1x128xi32, #tpu.memory_space<vmem>>
      %dma_wait3A_1848 = tpu.memref_squeeze %dma_wait3A_1847 : memref<1x1x128xi32, #tpu.memory_space<vmem>> -> memref<128xi32, #tpu.memory_space<vmem>>
      %dma_wait3A_1849 = arith.constant 0 : i32
      %dma_wait3A_1850 = arith.constant 0 : i32
      %dma_wait3A_1851 = tpu.memref_slice %arg11[%dma_wait3A_1849, %dma_wait3A_1850] : memref<10240x128xf32, #tpu.memory_space<vmem_shared>> -> memref<10240x128xf32, #tpu.memory_space<vmem_shared>>
      %dma_wait3A_1852 = tpu.memref_slice %arg13[%dma_wait3A_1841] : memref<2x!tpu.dma_semaphore, #tpu.memory_space<semaphore_mem>> -> memref<1x!tpu.dma_semaphore, #tpu.memory_space<semaphore_mem>>
      %dma_wait3A_1853 = tpu.memref_squeeze %dma_wait3A_1852 : memref<1x!tpu.dma_semaphore, #tpu.memory_space<semaphore_mem>> -> memref<!tpu.dma_semaphore, #tpu.memory_space<semaphore_mem>>
      tpu.wait_indirect_dma semaphore(%dma_wait3A_1853 : memref<!tpu.dma_semaphore, #tpu.memory_space<semaphore_mem>>) src(%dma_wait3A_1845 : memref<128x128xf32, #tpu.memory_space<vmem>>) dst(%dma_wait3A_1851 : memref<10240x128xf32, #tpu.memory_space<vmem_shared>>)
      %dma_start3A_1854 = arith.constant 7 : i32
      %dma_start3A_1855 = arith.constant 1 : i32
      %dma_start3A_1856 = arith.constant 1 : i32
      %dma_start3A_1857 = arith.constant 0 : i32
      %dma_start3A_1858 = arith.constant 0 : i32
      %dma_start3A_1859 = tpu.memref_slice %arg9[%dma_start3A_1855, %dma_start3A_1857, %dma_start3A_1858] : memref<2x128x128xf32, #tpu.memory_space<vmem>> -> memref<1x128x128xf32, #tpu.memory_space<vmem>>
      %dma_start3A_1860 = tpu.memref_squeeze %dma_start3A_1859 : memref<1x128x128xf32, #tpu.memory_space<vmem>> -> memref<128x128xf32, #tpu.memory_space<vmem>>
      %dma_start3A_1861 = arith.constant 0 : i32
      %dma_start3A_1862 = tpu.memref_slice %arg7[%rem3A_1084, %dma_start3A_1854, %dma_start3A_1861] : memref<2x8x128xi32, #tpu.memory_space<vmem>> -> memref<1x1x128xi32, #tpu.memory_space<vmem>>
      %dma_start3A_1863 = tpu.memref_squeeze %dma_start3A_1862 : memref<1x1x128xi32, #tpu.memory_space<vmem>> -> memref<128xi32, #tpu.memory_space<vmem>>
      %dma_start3A_1864 = arith.constant 0 : i32
      %dma_start3A_1865 = arith.constant 0 : i32
      %dma_start3A_1866 = tpu.memref_slice %arg2[%dma_start3A_1864, %dma_start3A_1865] : memref<10000x128xf32, #tpu.memory_space<hbm>> -> memref<10000x128xf32, #tpu.memory_space<hbm>>
      %dma_start3A_1867 = tpu.memref_slice %arg12[%dma_start3A_1856] : memref<2x!tpu.dma_semaphore, #tpu.memory_space<semaphore_mem>> -> memref<1x!tpu.dma_semaphore, #tpu.memory_space<semaphore_mem>>
      %dma_start3A_1868 = tpu.memref_squeeze %dma_start3A_1867 : memref<1x!tpu.dma_semaphore, #tpu.memory_space<semaphore_mem>> -> memref<!tpu.dma_semaphore, #tpu.memory_space<semaphore_mem>>
      tpu.enqueue_indirect_dma source(%dma_start3A_1866 : memref<10000x128xf32, #tpu.memory_space<hbm>>) target(%dma_start3A_1860 : memref<128x128xf32, #tpu.memory_space<vmem>>) offsets(%dma_start3A_1863 : memref<128xi32, #tpu.memory_space<vmem>>) semaphore(%dma_start3A_1868 : memref<!tpu.dma_semaphore, #tpu.memory_space<semaphore_mem>>)
      %get3A_1869 = arith.constant 7 : i32
      %get3A_1870 = arith.index_cast %rem3A_1084 : i32 to index
      %get3A_1871 = arith.index_cast %get3A_1869 : i32 to index
      %get3A_1872 = arith.constant 0 : index
      %get3A_1873 = tpu.vector_load %arg8[%get3A_1870, %get3A_1871, %get3A_1872] {strides = array<i32>} : memref<2x8x128xi32, #tpu.memory_space<vmem>>, vector<16xi32>,
      tpu.vector_store_idx %arg10[%get3A_1873], %broadcast_in_dim3A_29 {add = true} : memref<10240xf32, #tpu.memory_space<vmem>>[vector<16xi32>], vector<16xf32>,
      %get3A_1874 = arith.constant 7 : i32
      %get3A_1875 = arith.index_cast %rem3A_1084 : i32 to index
      %get3A_1876 = arith.index_cast %get3A_1874 : i32 to index
      %get3A_1877 = arith.constant 16 : index
      %get3A_1878 = tpu.vector_load %arg8[%get3A_1875, %get3A_1876, %get3A_1877] {strides = array<i32>} : memref<2x8x128xi32, #tpu.memory_space<vmem>>, vector<16xi32>,
      tpu.vector_store_idx %arg10[%get3A_1878], %broadcast_in_dim3A_29 {add = true} : memref<10240xf32, #tpu.memory_space<vmem>>[vector<16xi32>], vector<16xf32>,
      %get3A_1879 = arith.constant 7 : i32
      %get3A_1880 = arith.index_cast %rem3A_1084 : i32 to index
      %get3A_1881 = arith.index_cast %get3A_1879 : i32 to index
      %get3A_1882 = arith.constant 32 : index
      %get3A_1883 = tpu.vector_load %arg8[%get3A_1880, %get3A_1881, %get3A_1882] {strides = array<i32>} : memref<2x8x128xi32, #tpu.memory_space<vmem>>, vector<16xi32>,
      tpu.vector_store_idx %arg10[%get3A_1883], %broadcast_in_dim3A_29 {add = true} : memref<10240xf32, #tpu.memory_space<vmem>>[vector<16xi32>], vector<16xf32>,
      %get3A_1884 = arith.constant 7 : i32
      %get3A_1885 = arith.index_cast %rem3A_1084 : i32 to index
      %get3A_1886 = arith.index_cast %get3A_1884 : i32 to index
      %get3A_1887 = arith.constant 48 : index
      %get3A_1888 = tpu.vector_load %arg8[%get3A_1885, %get3A_1886, %get3A_1887] {strides = array<i32>} : memref<2x8x128xi32, #tpu.memory_space<vmem>>, vector<16xi32>,
      tpu.vector_store_idx %arg10[%get3A_1888], %broadcast_in_dim3A_29 {add = true} : memref<10240xf32, #tpu.memory_space<vmem>>[vector<16xi32>], vector<16xf32>,
      %get3A_1889 = arith.constant 7 : i32
      %get3A_1890 = arith.index_cast %rem3A_1084 : i32 to index
      %get3A_1891 = arith.index_cast %get3A_1889 : i32 to index
      %get3A_1892 = arith.constant 64 : index
      %get3A_1893 = tpu.vector_load %arg8[%get3A_1890, %get3A_1891, %get3A_1892] {strides = array<i32>} : memref<2x8x128xi32, #tpu.memory_space<vmem>>, vector<16xi32>,
      tpu.vector_store_idx %arg10[%get3A_1893], %broadcast_in_dim3A_29 {add = true} : memref<10240xf32, #tpu.memory_space<vmem>>[vector<16xi32>], vector<16xf32>,
      %get3A_1894 = arith.constant 7 : i32
      %get3A_1895 = arith.index_cast %rem3A_1084 : i32 to index
      %get3A_1896 = arith.index_cast %get3A_1894 : i32 to index
      %get3A_1897 = arith.constant 80 : index
      %get3A_1898 = tpu.vector_load %arg8[%get3A_1895, %get3A_1896, %get3A_1897] {strides = array<i32>} : memref<2x8x128xi32, #tpu.memory_space<vmem>>, vector<16xi32>,
      tpu.vector_store_idx %arg10[%get3A_1898], %broadcast_in_dim3A_29 {add = true} : memref<10240xf32, #tpu.memory_space<vmem>>[vector<16xi32>], vector<16xf32>,
      %get3A_1899 = arith.constant 7 : i32
      %get3A_1900 = arith.index_cast %rem3A_1084 : i32 to index
      %get3A_1901 = arith.index_cast %get3A_1899 : i32 to index
      %get3A_1902 = arith.constant 96 : index
      %get3A_1903 = tpu.vector_load %arg8[%get3A_1900, %get3A_1901, %get3A_1902] {strides = array<i32>} : memref<2x8x128xi32, #tpu.memory_space<vmem>>, vector<16xi32>,
      tpu.vector_store_idx %arg10[%get3A_1903], %broadcast_in_dim3A_29 {add = true} : memref<10240xf32, #tpu.memory_space<vmem>>[vector<16xi32>], vector<16xf32>,
      %get3A_1904 = arith.constant 7 : i32
      %get3A_1905 = arith.index_cast %rem3A_1084 : i32 to index
      %get3A_1906 = arith.index_cast %get3A_1904 : i32 to index
      %get3A_1907 = arith.constant 112 : index
      %get3A_1908 = tpu.vector_load %arg8[%get3A_1905, %get3A_1906, %get3A_1907] {strides = array<i32>} : memref<2x8x128xi32, #tpu.memory_space<vmem>>, vector<16xi32>,
      tpu.vector_store_idx %arg10[%get3A_1908], %broadcast_in_dim3A_29 {add = true} : memref<10240xf32, #tpu.memory_space<vmem>>[vector<16xi32>], vector<16xf32>,
      %dma_wait3A_1909 = arith.constant 0 : i32
      %dma_wait3A_1910 = arith.constant 0 : i32
      %dma_wait3A_1911 = arith.constant 0 : i32
      %dma_wait3A_1912 = arith.constant 0 : i32
      %dma_wait3A_1913 = arith.constant 0 : i32
      %dma_wait3A_1914 = arith.constant 0 : i32
      %dma_wait3A_1915 = tpu.memref_slice %arg9[%dma_wait3A_1911, %dma_wait3A_1913, %dma_wait3A_1914] : memref<2x128x128xf32, #tpu.memory_space<vmem>> -> memref<1x128x128xf32, #tpu.memory_space<vmem>>
      %dma_wait3A_1916 = tpu.memref_squeeze %dma_wait3A_1915 : memref<1x128x128xf32, #tpu.memory_space<vmem>> -> memref<128x128xf32, #tpu.memory_space<vmem>>
      %dma_wait3A_1917 = arith.constant 0 : i32
      %dma_wait3A_1918 = tpu.memref_slice %arg7[%dma_wait3A_1909, %dma_wait3A_1910, %dma_wait3A_1917] : memref<2x8x128xi32, #tpu.memory_space<vmem>> -> memref<1x1x128xi32, #tpu.memory_space<vmem>>
      %dma_wait3A_1919 = tpu.memref_squeeze %dma_wait3A_1918 : memref<1x1x128xi32, #tpu.memory_space<vmem>> -> memref<128xi32, #tpu.memory_space<vmem>>
      %dma_wait3A_1920 = arith.constant 0 : i32
      %dma_wait3A_1921 = arith.constant 0 : i32
      %dma_wait3A_1922 = tpu.memref_slice %arg2[%dma_wait3A_1920, %dma_wait3A_1921] : memref<10000x128xf32, #tpu.memory_space<hbm>> -> memref<10000x128xf32, #tpu.memory_space<hbm>>
      %dma_wait3A_1923 = tpu.memref_slice %arg12[%dma_wait3A_1912] : memref<2x!tpu.dma_semaphore, #tpu.memory_space<semaphore_mem>> -> memref<1x!tpu.dma_semaphore, #tpu.memory_space<semaphore_mem>>
      %dma_wait3A_1924 = tpu.memref_squeeze %dma_wait3A_1923 : memref<1x!tpu.dma_semaphore, #tpu.memory_space<semaphore_mem>> -> memref<!tpu.dma_semaphore, #tpu.memory_space<semaphore_mem>>
      tpu.wait_indirect_dma semaphore(%dma_wait3A_1924 : memref<!tpu.dma_semaphore, #tpu.memory_space<semaphore_mem>>) src(%dma_wait3A_1922 : memref<10000x128xf32, #tpu.memory_space<hbm>>) dst(%dma_wait3A_1916 : memref<128x128xf32, #tpu.memory_space<vmem>>)
      %dma_start3A_1925 = arith.constant 0 : i32
      %dma_start3A_1926 = arith.constant 6 : i32
      %dma_start3A_1927 = arith.constant 0 : i32
      %dma_start3A_1928 = arith.constant 0 : i32
      %dma_start3A_1929 = arith.constant 0 : i32
      %dma_start3A_1930 = tpu.memref_slice %arg9[%dma_start3A_1925, %dma_start3A_1928, %dma_start3A_1929] : memref<2x128x128xf32, #tpu.memory_space<vmem>> -> memref<1x128x128xf32, #tpu.memory_space<vmem>>
      %dma_start3A_1931 = tpu.memref_squeeze %dma_start3A_1930 : memref<1x128x128xf32, #tpu.memory_space<vmem>> -> memref<128x128xf32, #tpu.memory_space<vmem>>
      %dma_start3A_1932 = arith.constant 0 : i32
      %dma_start3A_1933 = tpu.memref_slice %arg8[%rem3A_1084, %dma_start3A_1926, %dma_start3A_1932] : memref<2x8x128xi32, #tpu.memory_space<vmem>> -> memref<1x1x128xi32, #tpu.memory_space<vmem>>
      %dma_start3A_1934 = tpu.memref_squeeze %dma_start3A_1933 : memref<1x1x128xi32, #tpu.memory_space<vmem>> -> memref<128xi32, #tpu.memory_space<vmem>>
      %dma_start3A_1935 = arith.constant 0 : i32
      %dma_start3A_1936 = arith.constant 0 : i32
      %dma_start3A_1937 = tpu.memref_slice %arg11[%dma_start3A_1935, %dma_start3A_1936] : memref<10240x128xf32, #tpu.memory_space<vmem_shared>> -> memref<10240x128xf32, #tpu.memory_space<vmem_shared>>
      %dma_start3A_1938 = tpu.memref_slice %arg13[%dma_start3A_1927] : memref<2x!tpu.dma_semaphore, #tpu.memory_space<semaphore_mem>> -> memref<1x!tpu.dma_semaphore, #tpu.memory_space<semaphore_mem>>
      %dma_start3A_1939 = tpu.memref_squeeze %dma_start3A_1938 : memref<1x!tpu.dma_semaphore, #tpu.memory_space<semaphore_mem>> -> memref<!tpu.dma_semaphore, #tpu.memory_space<semaphore_mem>>
      tpu.enqueue_indirect_dma source(%dma_start3A_1931 : memref<128x128xf32, #tpu.memory_space<vmem>>) target(%dma_start3A_1937 : memref<10240x128xf32, #tpu.memory_space<vmem_shared>>) offsets(%dma_start3A_1934 : memref<128xi32, #tpu.memory_space<vmem>>) semaphore(%dma_start3A_1939 : memref<!tpu.dma_semaphore, #tpu.memory_space<semaphore_mem>>) {add = true}
    }
    %sub3A_1007 = arith.constant 1 : i32
    %sub3A_1008 = arith.subi %select_n3A_19, %sub3A_1007 : i32
    %rem3A_1009 = arith.constant 2 : i32
    %rem3A_1010 = arith.remsi %sub3A_1008, %rem3A_1009 : i32
    %dma_wait3A_1011 = arith.constant 0 : i32
    %dma_wait3A_1012 = arith.constant 0 : i32
    %dma_wait3A_1013 = arith.constant 1 : i32
    %dma_wait3A_1014 = arith.constant 1 : i32
    %dma_wait3A_1015 = arith.constant 0 : i32
    %dma_wait3A_1016 = arith.constant 0 : i32
    %dma_wait3A_1017 = tpu.memref_slice %arg9[%dma_wait3A_1013, %dma_wait3A_1015, %dma_wait3A_1016] : memref<2x128x128xf32, #tpu.memory_space<vmem>> -> memref<1x128x128xf32, #tpu.memory_space<vmem>>
    %dma_wait3A_1018 = tpu.memref_squeeze %dma_wait3A_1017 : memref<1x128x128xf32, #tpu.memory_space<vmem>> -> memref<128x128xf32, #tpu.memory_space<vmem>>
    %dma_wait3A_1019 = arith.constant 0 : i32
    %dma_wait3A_1020 = tpu.memref_slice %arg7[%dma_wait3A_1011, %dma_wait3A_1012, %dma_wait3A_1019] : memref<2x8x128xi32, #tpu.memory_space<vmem>> -> memref<1x1x128xi32, #tpu.memory_space<vmem>>
    %dma_wait3A_1021 = tpu.memref_squeeze %dma_wait3A_1020 : memref<1x1x128xi32, #tpu.memory_space<vmem>> -> memref<128xi32, #tpu.memory_space<vmem>>
    %dma_wait3A_1022 = arith.constant 0 : i32
    %dma_wait3A_1023 = arith.constant 0 : i32
    %dma_wait3A_1024 = tpu.memref_slice %arg2[%dma_wait3A_1022, %dma_wait3A_1023] : memref<10000x128xf32, #tpu.memory_space<hbm>> -> memref<10000x128xf32, #tpu.memory_space<hbm>>
    %dma_wait3A_1025 = tpu.memref_slice %arg12[%dma_wait3A_1014] : memref<2x!tpu.dma_semaphore, #tpu.memory_space<semaphore_mem>> -> memref<1x!tpu.dma_semaphore, #tpu.memory_space<semaphore_mem>>
    %dma_wait3A_1026 = tpu.memref_squeeze %dma_wait3A_1025 : memref<1x!tpu.dma_semaphore, #tpu.memory_space<semaphore_mem>> -> memref<!tpu.dma_semaphore, #tpu.memory_space<semaphore_mem>>
    tpu.wait_indirect_dma semaphore(%dma_wait3A_1026 : memref<!tpu.dma_semaphore, #tpu.memory_space<semaphore_mem>>) src(%dma_wait3A_1024 : memref<10000x128xf32, #tpu.memory_space<hbm>>) dst(%dma_wait3A_1018 : memref<128x128xf32, #tpu.memory_space<vmem>>)
    %dma_start3A_1027 = arith.constant 1 : i32
    %dma_start3A_1028 = arith.constant 7 : i32
    %dma_start3A_1029 = arith.constant 1 : i32
    %dma_start3A_1030 = arith.constant 0 : i32
    %dma_start3A_1031 = arith.constant 0 : i32
    %dma_start3A_1032 = tpu.memref_slice %arg9[%dma_start3A_1027, %dma_start3A_1030, %dma_start3A_1031] : memref<2x128x128xf32, #tpu.memory_space<vmem>> -> memref<1x128x128xf32, #tpu.memory_space<vmem>>
    %dma_start3A_1033 = tpu.memref_squeeze %dma_start3A_1032 : memref<1x128x128xf32, #tpu.memory_space<vmem>> -> memref<128x128xf32, #tpu.memory_space<vmem>>
    %dma_start3A_1034 = arith.constant 0 : i32
    %dma_start3A_1035 = tpu.memref_slice %arg8[%rem3A_1010, %dma_start3A_1028, %dma_start3A_1034] : memref<2x8x128xi32, #tpu.memory_space<vmem>> -> memref<1x1x128xi32, #tpu.memory_space<vmem>>
    %dma_start3A_1036 = tpu.memref_squeeze %dma_start3A_1035 : memref<1x1x128xi32, #tpu.memory_space<vmem>> -> memref<128xi32, #tpu.memory_space<vmem>>
    %dma_start3A_1037 = arith.constant 0 : i32
    %dma_start3A_1038 = arith.constant 0 : i32
    %dma_start3A_1039 = tpu.memref_slice %arg11[%dma_start3A_1037, %dma_start3A_1038] : memref<10240x128xf32, #tpu.memory_space<vmem_shared>> -> memref<10240x128xf32, #tpu.memory_space<vmem_shared>>
    %dma_start3A_1040 = tpu.memref_slice %arg13[%dma_start3A_1029] : memref<2x!tpu.dma_semaphore, #tpu.memory_space<semaphore_mem>> -> memref<1x!tpu.dma_semaphore, #tpu.memory_space<semaphore_mem>>
    %dma_start3A_1041 = tpu.memref_squeeze %dma_start3A_1040 : memref<1x!tpu.dma_semaphore, #tpu.memory_space<semaphore_mem>> -> memref<!tpu.dma_semaphore, #tpu.memory_space<semaphore_mem>>
    tpu.enqueue_indirect_dma source(%dma_start3A_1033 : memref<128x128xf32, #tpu.memory_space<vmem>>) target(%dma_start3A_1039 : memref<10240x128xf32, #tpu.memory_space<vmem_shared>>) offsets(%dma_start3A_1036 : memref<128xi32, #tpu.memory_space<vmem>>) semaphore(%dma_start3A_1041 : memref<!tpu.dma_semaphore, #tpu.memory_space<semaphore_mem>>) {add = true}
    %dma_wait3A_1042 = arith.constant 0 : i32
    %dma_wait3A_1043 = arith.constant 0 : i32
    %dma_wait3A_1044 = arith.constant 0 : i32
    %dma_wait3A_1045 = arith.constant 0 : i32
    %dma_wait3A_1046 = arith.constant 0 : i32
    %dma_wait3A_1047 = arith.constant 0 : i32
    %dma_wait3A_1048 = tpu.memref_slice %arg9[%dma_wait3A_1042, %dma_wait3A_1046, %dma_wait3A_1047] : memref<2x128x128xf32, #tpu.memory_space<vmem>> -> memref<1x128x128xf32, #tpu.memory_space<vmem>>
    %dma_wait3A_1049 = tpu.memref_squeeze %dma_wait3A_1048 : memref<1x128x128xf32, #tpu.memory_space<vmem>> -> memref<128x128xf32, #tpu.memory_space<vmem>>
    %dma_wait3A_1050 = arith.constant 0 : i32
    %dma_wait3A_1051 = tpu.memref_slice %arg8[%dma_wait3A_1043, %dma_wait3A_1044, %dma_wait3A_1050] : memref<2x8x128xi32, #tpu.memory_space<vmem>> -> memref<1x1x128xi32, #tpu.memory_space<vmem>>
    %dma_wait3A_1052 = tpu.memref_squeeze %dma_wait3A_1051 : memref<1x1x128xi32, #tpu.memory_space<vmem>> -> memref<128xi32, #tpu.memory_space<vmem>>
    %dma_wait3A_1053 = arith.constant 0 : i32
    %dma_wait3A_1054 = arith.constant 0 : i32
    %dma_wait3A_1055 = tpu.memref_slice %arg11[%dma_wait3A_1053, %dma_wait3A_1054] : memref<10240x128xf32, #tpu.memory_space<vmem_shared>> -> memref<10240x128xf32, #tpu.memory_space<vmem_shared>>
    %dma_wait3A_1056 = tpu.memref_slice %arg13[%dma_wait3A_1045] : memref<2x!tpu.dma_semaphore, #tpu.memory_space<semaphore_mem>> -> memref<1x!tpu.dma_semaphore, #tpu.memory_space<semaphore_mem>>
    %dma_wait3A_1057 = tpu.memref_squeeze %dma_wait3A_1056 : memref<1x!tpu.dma_semaphore, #tpu.memory_space<semaphore_mem>> -> memref<!tpu.dma_semaphore, #tpu.memory_space<semaphore_mem>>
    tpu.wait_indirect_dma semaphore(%dma_wait3A_1057 : memref<!tpu.dma_semaphore, #tpu.memory_space<semaphore_mem>>) src(%dma_wait3A_1049 : memref<128x128xf32, #tpu.memory_space<vmem>>) dst(%dma_wait3A_1055 : memref<10240x128xf32, #tpu.memory_space<vmem_shared>>)
    %dma_wait3A_1058 = arith.constant 1 : i32
    %dma_wait3A_1059 = arith.constant 0 : i32
    %dma_wait3A_1060 = arith.constant 0 : i32
    %dma_wait3A_1061 = arith.constant 1 : i32
    %dma_wait3A_1062 = arith.constant 0 : i32
    %dma_wait3A_1063 = arith.constant 0 : i32
    %dma_wait3A_1064 = tpu.memref_slice %arg9[%dma_wait3A_1058, %dma_wait3A_1062, %dma_wait3A_1063] : memref<2x128x128xf32, #tpu.memory_space<vmem>> -> memref<1x128x128xf32, #tpu.memory_space<vmem>>
    %dma_wait3A_1065 = tpu.memref_squeeze %dma_wait3A_1064 : memref<1x128x128xf32, #tpu.memory_space<vmem>> -> memref<128x128xf32, #tpu.memory_space<vmem>>
    %dma_wait3A_1066 = arith.constant 0 : i32
    %dma_wait3A_1067 = tpu.memref_slice %arg8[%dma_wait3A_1059, %dma_wait3A_1060, %dma_wait3A_1066] : memref<2x8x128xi32, #tpu.memory_space<vmem>> -> memref<1x1x128xi32, #tpu.memory_space<vmem>>
    %dma_wait3A_1068 = tpu.memref_squeeze %dma_wait3A_1067 : memref<1x1x128xi32, #tpu.memory_space<vmem>> -> memref<128xi32, #tpu.memory_space<vmem>>
    %dma_wait3A_1069 = arith.constant 0 : i32
    %dma_wait3A_1070 = arith.constant 0 : i32
    %dma_wait3A_1071 = tpu.memref_slice %arg11[%dma_wait3A_1069, %dma_wait3A_1070] : memref<10240x128xf32, #tpu.memory_space<vmem_shared>> -> memref<10240x128xf32, #tpu.memory_space<vmem_shared>>
    %dma_wait3A_1072 = tpu.memref_slice %arg13[%dma_wait3A_1061] : memref<2x!tpu.dma_semaphore, #tpu.memory_space<semaphore_mem>> -> memref<1x!tpu.dma_semaphore, #tpu.memory_space<semaphore_mem>>
    %dma_wait3A_1073 = tpu.memref_squeeze %dma_wait3A_1072 : memref<1x!tpu.dma_semaphore, #tpu.memory_space<semaphore_mem>> -> memref<!tpu.dma_semaphore, #tpu.memory_space<semaphore_mem>>
    tpu.wait_indirect_dma semaphore(%dma_wait3A_1073 : memref<!tpu.dma_semaphore, #tpu.memory_space<semaphore_mem>>) src(%dma_wait3A_1065 : memref<128x128xf32, #tpu.memory_space<vmem>>) dst(%dma_wait3A_1071 : memref<10240x128xf32, #tpu.memory_space<vmem_shared>>)
    "tpu.region"() ({
      %run_scoped3A_1082 = tpu.sem_alloc : memref<!tpu.dma_semaphore, #tpu.memory_space<semaphore_mem>>
      %dma_start3A_1083 = arith.constant 0 : i32
      %dma_start3A_1084 = tpu.memref_slice %arg6[%arg0, %arg1, %dma_start3A_1083] : memref<2x16x10240xf32, #tpu.memory_space<hbm>> -> memref<1x1x10240xf32, #tpu.memory_space<hbm>>
      %dma_start3A_1085 = tpu.memref_squeeze %dma_start3A_1084 : memref<1x1x10240xf32, #tpu.memory_space<hbm>> -> memref<10240xf32, #tpu.memory_space<hbm>>
      %dma_start3A_1086 = arith.constant 0 : i32
      %dma_start3A_1087 = tpu.memref_slice %arg6[%arg0, %arg1, %dma_start3A_1086] : memref<2x16x10240xf32, #tpu.memory_space<hbm>> -> memref<1x1x10240xf32, #tpu.memory_space<hbm>>
      %dma_start3A_1088 = tpu.memref_squeeze %dma_start3A_1087 : memref<1x1x10240xf32, #tpu.memory_space<hbm>> -> memref<10240xf32, #tpu.memory_space<hbm>>
      tpu.enqueue_dma source(%arg10 : memref<10240xf32, #tpu.memory_space<vmem>>) target(%dma_start3A_1088 : memref<10240xf32, #tpu.memory_space<hbm>>) target_semaphore(%run_scoped3A_1082 : memref<!tpu.dma_semaphore, #tpu.memory_space<semaphore_mem>>)
      %dma_wait3A_1089 = arith.constant 0 : i32
      %dma_wait3A_1090 = tpu.memref_slice %arg6[%arg0, %arg1, %dma_wait3A_1089] : memref<2x16x10240xf32, #tpu.memory_space<hbm>> -> memref<1x1x10240xf32, #tpu.memory_space<hbm>>
      %dma_wait3A_1091 = tpu.memref_squeeze %dma_wait3A_1090 : memref<1x1x10240xf32, #tpu.memory_space<hbm>> -> memref<10240xf32, #tpu.memory_space<hbm>>
      %dma_wait3A_1092 = arith.constant 0 : i32
      %dma_wait3A_1093 = tpu.memref_slice %arg6[%arg0, %arg1, %dma_wait3A_1092] : memref<2x16x10240xf32, #tpu.memory_space<hbm>> -> memref<1x1x10240xf32, #tpu.memory_space<hbm>>
      %dma_wait3A_1094 = tpu.memref_squeeze %dma_wait3A_1093 : memref<1x1x10240xf32, #tpu.memory_space<hbm>> -> memref<10240xf32, #tpu.memory_space<hbm>>
      tpu.wait_dma2 semaphore(%run_scoped3A_1082 : memref<!tpu.dma_semaphore, #tpu.memory_space<semaphore_mem>>) src(%arg10 : memref<10240xf32, #tpu.memory_space<vmem>>) dst(%dma_wait3A_1094 : memref<10240xf32, #tpu.memory_space<hbm>>)
      tpu.yield
    }) : () -> ()
    %barrier3A_1074 = arith.constant 0 : index
    tpu.barrier barrier_id(%barrier3A_1074)
    %mul3A_1075 = arith.constant 624 : i32
    %mul3A_1076 = arith.muli %arg1, %mul3A_1075 : i32
    %mul3A_1077 = arith.constant 624 : i32
    %mul3A_1078 = arith.muli %arg1, %mul3A_1077 : i32
    "tpu.region"() ({
      %run_scoped3A_1082 = tpu.sem_alloc : memref<!tpu.dma_semaphore, #tpu.memory_space<semaphore_mem>>
      %dma_start3A_1083 = arith.constant 0 : i32
      %dma_start3A_1084 = tpu.memref_slice %arg5[%arg0, %mul3A_1078, %dma_start3A_1083] : memref<2x10000x128xf32, #tpu.memory_space<hbm>> -> memref<1x624x128xf32, #tpu.memory_space<hbm>>
      %dma_start3A_1085 = tpu.memref_squeeze %dma_start3A_1084 : memref<1x624x128xf32, #tpu.memory_space<hbm>> -> memref<624x128xf32, #tpu.memory_space<hbm>>
      %dma_start3A_1086 = arith.constant 0 : i32
      %dma_start3A_1087 = tpu.memref_slice %arg11[%mul3A_1076, %dma_start3A_1086] : memref<10240x128xf32, #tpu.memory_space<vmem_shared>> -> memref<624x128xf32, #tpu.memory_space<vmem_shared>>
      tpu.enqueue_dma source(%dma_start3A_1087 : memref<624x128xf32, #tpu.memory_space<vmem_shared>>) target(%dma_start3A_1085 : memref<624x128xf32, #tpu.memory_space<hbm>>) target_semaphore(%run_scoped3A_1082 : memref<!tpu.dma_semaphore, #tpu.memory_space<semaphore_mem>>)
      %dma_wait3A_1088 = arith.constant 0 : i32
      %dma_wait3A_1089 = tpu.memref_slice %arg5[%arg0, %mul3A_1078, %dma_wait3A_1088] : memref<2x10000x128xf32, #tpu.memory_space<hbm>> -> memref<1x624x128xf32, #tpu.memory_space<hbm>>
      %dma_wait3A_1090 = tpu.memref_squeeze %dma_wait3A_1089 : memref<1x624x128xf32, #tpu.memory_space<hbm>> -> memref<624x128xf32, #tpu.memory_space<hbm>>
      %dma_wait3A_1091 = arith.constant 0 : i32
      %dma_wait3A_1092 = tpu.memref_slice %arg11[%mul3A_1076, %dma_wait3A_1091] : memref<10240x128xf32, #tpu.memory_space<vmem_shared>> -> memref<624x128xf32, #tpu.memory_space<vmem_shared>>
      tpu.wait_dma2 semaphore(%run_scoped3A_1082 : memref<!tpu.dma_semaphore, #tpu.memory_space<semaphore_mem>>) src(%dma_wait3A_1092 : memref<624x128xf32, #tpu.memory_space<vmem_shared>>) dst(%dma_wait3A_1090 : memref<624x128xf32, #tpu.memory_space<hbm>>)
      tpu.yield
    }) : () -> ()
    %eq3A_1079 = arith.constant 0 : i32
    %eq3A_1080 = arith.cmpi eq, %arg1, %eq3A_1079 : i32
    %convert_element_type3A = arith.extui %eq3A_1080 : i1 to i32
    %cond3A = arith.constant 0 : i32
    %cond3A_1081 = arith.cmpi ne, %convert_element_type3A, %cond3A : i32
    scf.if %cond3A_1081 {
      "tpu.region"() ({
        %run_scoped3A_1082 = tpu.sem_alloc : memref<!tpu.dma_semaphore, #tpu.memory_space<semaphore_mem>>
        %dma_start3A_1083 = arith.constant 9984 : i32
        %dma_start3A_1084 = arith.constant 0 : i32
        %dma_start3A_1085 = tpu.memref_slice %arg5[%arg0, %dma_start3A_1083, %dma_start3A_1084] : memref<2x10000x128xf32, #tpu.memory_space<hbm>> -> memref<1x16x128xf32, #tpu.memory_space<hbm>>
        %dma_start3A_1086 = tpu.memref_squeeze %dma_start3A_1085 : memref<1x16x128xf32, #tpu.memory_space<hbm>> -> memref<16x128xf32, #tpu.memory_space<hbm>>
        %dma_start3A_1087 = arith.constant 9984 : i32
        %dma_start3A_1088 = arith.constant 0 : i32
        %dma_start3A_1089 = tpu.memref_slice %arg11[%dma_start3A_1087, %dma_start3A_1088] : memref<10240x128xf32, #tpu.memory_space<vmem_shared>> -> memref<16x128xf32, #tpu.memory_space<vmem_shared>>
        tpu.enqueue_dma source(%dma_start3A_1089 : memref<16x128xf32, #tpu.memory_space<vmem_shared>>) target(%dma_start3A_1086 : memref<16x128xf32, #tpu.memory_space<hbm>>) target_semaphore(%run_scoped3A_1082 : memref<!tpu.dma_semaphore, #tpu.memory_space<semaphore_mem>>)
        %dma_wait3A_1090 = arith.constant 9984 : i32
        %dma_wait3A_1091 = arith.constant 0 : i32
        %dma_wait3A_1092 = tpu.memref_slice %arg5[%arg0, %dma_wait3A_1090, %dma_wait3A_1091] : memref<2x10000x128xf32, #tpu.memory_space<hbm>> -> memref<1x16x128xf32, #tpu.memory_space<hbm>>
        %dma_wait3A_1093 = tpu.memref_squeeze %dma_wait3A_1092 : memref<1x16x128xf32, #tpu.memory_space<hbm>> -> memref<16x128xf32, #tpu.memory_space<hbm>>
        %dma_wait3A_1094 = arith.constant 9984 : i32
        %dma_wait3A_1095 = arith.constant 0 : i32
        %dma_wait3A_1096 = tpu.memref_slice %arg11[%dma_wait3A_1094, %dma_wait3A_1095] : memref<10240x128xf32, #tpu.memory_space<vmem_shared>> -> memref<16x128xf32, #tpu.memory_space<vmem_shared>>
        tpu.wait_dma2 semaphore(%run_scoped3A_1082 : memref<!tpu.dma_semaphore, #tpu.memory_space<semaphore_mem>>) src(%dma_wait3A_1096 : memref<16x128xf32, #tpu.memory_space<vmem_shared>>) dst(%dma_wait3A_1093 : memref<16x128xf32, #tpu.memory_space<hbm>>)
        tpu.yield
      }) : () -> ()
    } else {
    }
    return
  }
}

</mosaic_0001>

<sc_bundles>
// kernel: _sc_call.3.cloned.1.call-start
scs
__scs_entry_jumppad:
0x0: {  	(pc) =	sbr.rel $0x88, $3  }
0x1: {  	(tag) =	ssettag $0x0;
	lr =	simm.s32 $0x1  }
0x2: {  	[smem:$0x3F9E] =	sst lr;
	_ =	strace $0xD0000000  }
0x3: {  	_ = 	snop  }
0x4: {  	_ = 	snop  }
0x5: {  	_ = 	snop  }
0x6: {  	_ = 	snop  }
0x7: {  	_ = 	snop  }
__scs_overlays_trampoline_lowered:
0x8: {  	[smem:$0x3FAD] =	sst s0  }
0x9: {  	[smem:$0x3FAE] =	sst s1  }
0xa: {  	[smem:$0x3FAF] =	sst s2  }
0xb: {  	[smem:$0x3FB0] =	sst s3  }
0xc: {  	[smem:$0x3FB1] =	sst s4  }
0xd: {  	[smem:$0x3FB2] =	sst s5  }
0xe: {  	[smem:$0x3FB3] =	sst s6  }
0xf: {  	[smem:$0x3FB4] =	sst s7  }
0x10: {  	[smem:$0x3FB5] =	sst s8  }
0x11: {  	[smem:$0x3FB6] =	sst s9;
	s0 =	simm.s32 @!p0 $0x0  }
0x12: {  	s1 =	sld [smem:$0x3F9C];
	s0 =	simm.s32 @p0 $0x1  }
0x13: {  	[smem:$0x3FB7] =	sst s0;
	s0 =	simm.s32 @!p1 $0x0  }
0x14: {  	s2 =	sld [smem:$0x3F9B];
	s0 =	simm.s32 @p1 $0x1  }
0x15: {  	[smem:$0x3FB8] =	sst s0;
	s0 =	simm.s32 @!p2 $0x0  }
0x16: {  	s3 =	sld [smem:$0x3FDB];
	s0 =	simm.s32 @p2 $0x1  }
0x17: {  	s4 =	simm.s32 $0x1BF5;
	[smem:$0x3FBA] =	sst s0  }
0x18: {  	s0 =	sld [smem:$0x3F9D];
	_ =	swait.ge [sflag:s4], $0x0  }
0x19: {  	s7 =	sld [smem:$0x3F9E]  }
0x1a: {  	s8 =	sadd.s32 $0xFFFFE003, lr  }
0x1b: {  	s9 =	sadd.s32 $0xFFFFFEF7, lr;
	s5 =	simm.s32 $0xFFFFFFFF;
	p2 =	slt.u32 s8, $0xFFFFF086  }
0x1c: {  	p1 =	slt.u32 s9, $0xF7A;
	s5 =	simm.s32 @!p2 $0x0  }
0x1d: {  	s5 =	simm.s32 @p1 $0x1;
	p0 =	seq.s32 s7, s2  }
0x1e: {  	s7 =	smul.u32 @!p0 $0xF7A, s2;
	p2 =	seq.s32 @!p0 s5, $0x0  }
0x1f: {  	s9 =	smul.u32 $0xF7A, s1;
	s8 =	simm.s32 @!p0 $0x1BF5;
	p2 =	por !p2, p0  }
0x20: {  	[sflag:s8] =	ssyncset.s32 @!p0 $0xFFFFF086;
	s6 =	sadd.s32 @!p0 s3, s7;
	s7 =	simm.s32 @!p0 $0x108  }
0x21: {  	s3 =	sadd.s32 s3, s9;
	s6 =	sadd.s32 @!p0 $0x88, s6;
	s7 =	simm.s32 @p2 $0x1082  }
0x22: {  	[simem:s7], [sflag:s8] =	dma.local @!p0 [hbm:s6], $0xF7A  }
0x23: {  	s9 =	sor.u32 $0xD0000000, s2;
	s6 =	simm.s32 $0x108;
	_ =	swait.ge @!p0 [sflag:s8], $0x0  }
0x24: {  	s3 =	sadd.s32 $0x88, s3;
	s6 =	simm.s32 @!p1 $0x1082;
	[sflag:s4] =	ssyncset.s32 $0xFFFFF086  }
0x25: {  	[simem:s6], [sflag:s4] =	dma.local [hbm:s3], $0xF7A  }
0x26: {  	[smem:$0x3F9E] =	sst s1;
	(tag) =	ssettag s2;
	_ =	strace s9  }
0x27: {  	s1 =	sld [smem:$0x3FAE]  }
0x28: {  	s2 =	sld [smem:$0x3FAF]  }
0x29: {  	s4 =	sld [smem:$0x3FB1]  }
0x2a: {  	p0 =	seq.s32 s5, $0x0;
	s5 =	sld [smem:$0x3FB2]  }
0x2b: {  	s6 =	sld [smem:$0x3FB3]  }
0x2c: {  	s7 =	sld [smem:$0x3FB4]  }
0x2d: {  	s3 =	simm.s32 $0x108;
	s8 =	sld [smem:$0x3FB5]  }
0x2e: {  	s3 =	simm.s32 @!p0 $0x1082;
	s9 =	sld [smem:$0x3FB6]  }
0x2f: {  	lr =	sadd.s32 s0, s3;
	s0 =	sld [smem:$0x3FAD]  }
0x30: {  	s3 =	sld [smem:$0x3FB0]  }
0x31: {  	[smem:$0x3FB9] =	sst s10  }
0x32: {  	s10 =	sld [smem:$0x3FB7];
	_ =	sdelay $0x3  }
0x33: {  	p0 =	seq.s32 s10, $0x1;
	s10 =	sld [smem:$0x3FB9];
	_ =	sdelay $0x3  }
0x34: {  	[smem:$0x3FB9] =	sst s10  }
0x35: {  	s10 =	sld [smem:$0x3FB8];
	_ =	sdelay $0x3  }
0x36: {  	p1 =	seq.s32 s10, $0x1;
	s10 =	sld [smem:$0x3FB9];
	_ =	sdelay $0x3  }
0x37: {  	[smem:$0x3FB9] =	sst s10  }
0x38: {  	s10 =	sld [smem:$0x3FBA]  }
0x39: {  	_ = 	snop;
	(pc) =	sbr.ind lr, $3  }
0x3a: {  	_ = 	snop  }
0x3b: {  	_ = 	snop  }
0x3c: {  	p2 =	seq.s32 s10, $0x1;
	s10 =	sld [smem:$0x3FB9]  }
0x3d: {  	_ =	shalt  }
0x3e: {  	_ =	shalt  }
0x3f: {  	_ =	shalt  }
0x40: {  	_ =	shalt  }
0x41: {  	_ =	shalt  }
0x42: {  	_ =	shalt  }
0x43: {  	_ =	shalt  }
0x44: {  	_ =	shalt  }
0x45: {  	_ =	shalt  }
0x46: {  	_ =	shalt  }
0x47: {  	_ =	shalt  }
0x48: {  	_ =	shalt  }
0x49: {  	_ =	shalt  }
0x4a: {  	_ =	shalt  }
0x4b: {  	_ =	shalt  }
0x4c: {  	_ =	shalt  }
0x4d: {  	_ =	shalt  }
0x4e: {  	_ =	shalt  }
0x4f: {  	_ =	shalt  }
0x50: {  	_ =	shalt  }
0x51: {  	_ =	shalt  }
0x52: {  	_ =	shalt  }
0x53: {  	_ =	shalt  }
0x54: {  	_ =	shalt  }
0x55: {  	_ =	shalt  }
0x56: {  	_ =	shalt  }
0x57: {  	_ =	shalt  }
0x58: {  	_ =	shalt  }
0x59: {  	_ =	shalt  }
0x5a: {  	_ =	shalt  }
0x5b: {  	_ =	shalt  }
0x5c: {  	_ =	shalt  }
0x5d: {  	_ =	shalt  }
0x5e: {  	_ =	shalt  }
0x5f: {  	_ =	shalt  }
0x60: {  	_ =	shalt  }
0x61: {  	_ =	shalt  }
0x62: {  	_ =	shalt  }
0x63: {  	_ =	shalt  }
0x64: {  	_ =	shalt  }
0x65: {  	_ =	shalt  }
0x66: {  	_ =	shalt  }
0x67: {  	_ =	shalt  }
0x68: {  	_ =	shalt  }
0x69: {  	_ =	shalt  }
0x6a: {  	_ =	shalt  }
0x6b: {  	_ =	shalt  }
0x6c: {  	_ =	shalt  }
0x6d: {  	_ =	shalt  }
0x6e: {  	_ =	shalt  }
0x6f: {  	_ =	shalt  }
0x70: {  	_ =	shalt  }
0x71: {  	_ =	shalt  }
0x72: {  	_ =	shalt  }
0x73: {  	_ =	shalt  }
0x74: {  	_ =	shalt  }
0x75: {  	_ =	shalt  }
0x76: {  	_ =	shalt  }
0x77: {  	_ =	shalt  }
0x78: {  	_ =	shalt  }
0x79: {  	_ =	shalt  }
0x7a: {  	_ =	shalt  }
0x7b: {  	_ =	shalt  }
0x7c: {  	_ =	shalt  }
0x7d: {  	_ =	shalt  }
0x7e: {  	_ =	shalt  }
0x7f: {  	_ =	shalt  }
0x80: {  	_ =	shalt  }
0x81: {  	_ =	shalt  }
0x82: {  	_ =	shalt  }
0x83: {  	_ =	shalt  }
0x84: {  	_ =	shalt  }
0x85: {  	_ =	shalt  }
0x86: {  	_ =	shalt  }
0x87: {  	_ =	shalt  }
.Lfunc_end0:
.L_simem_size_0:
called_computation_lowered:
.L_overlay_start_0:
0x88: {  	s2 =	sld [smem:$0x3FD9]  }
0x89: {  	s3 =	sld [smem:$0x3FFE];
	_ =	sdelay $0x1  }
0x8a: {  	s1 =	srdreg.scid  }
0x8b: {  	s0 =	sand.u32 $0x1, s1  }
0x8c: {  	s15 =	sshll.u32 s0, $0xA;
	s2 =	sadd.s32 s3, s2  }
0x8d: {  	s2 =	sadd.s32 s2, s15  }
0x8e: {  	[smem:$0x3FC5] =	sst s2  }
0x8f: {  	_ = 	snop  }
0x90: {  	s2 =	sld [smem:$0x3FD0]  }
0x91: {  	s16 =	sld [smem:$0x3FC9]  }
0x92: {  	s4 =	sld [smem:$0x3FC8]  }
0x93: {  	s6 =	simm.s32 $0xA;
	s7 =	simm.s32 $0x10;
	s5 =	sld [smem:$0x3FC7]  }
0x94: {  	[smem:s7], [sflag:s6] =	dma.local [hbm:s2], $0x1  }
0x95: {  	_ =	swait.eq [sflag:s6], $0x1  }
0x96: {  	[sflag:s6] =	ssyncset.done $0x0  }
0x97: {  	s17 =	sld [smem:$0x10];
	[sflag:s6] =	ssyncadd.s32 $0xFFFFFFFF  }
0x98: {  	s18 =	sld [smem:$0x11];
	(tm) =	ssettm $0x1  }
0x99: {  	s19 =	sld [smem:$0x3FFB];
	_ =	sdelay $0x3  }
0x9a: {  	_ =	strace s19  }
0x9b: {  	s7 =	sld [smem:$0x3FFC];
	_ =	sdelay $0x3  }
0x9c: {  	_ =	strace s7  }
0x9d: {  	s7 =	sld [smem:$0x3FFD];
	_ =	sdelay $0x3  }
0x9e: {  	_ =	strace s7  }
0x9f: {  	_ =	strace $0x8FFFFFFF  }
0xa0: {  	s20 =	sld [smem:$0x3FDB];
	_ =	sdelay $0x1  }
0xa1: {  	s8 =	simm.s32 $_scs_section_size  }
0xa2: {  	s9 =	simm.s32 $_size__tile_overlayer_lowered;
	s10 =	simm.s32 $_tile_overlayer_lowered  }
0xa3: {  	s23 =	simm.s32 $0x1BFF;
	s22 =	sshll.u32 s10, $0x1;
	s7 =	sadd.s32 s8, s20  }
0xa4: {  	s11 =	simm.s32 $0x0;
	s21 =	sshll.u32 s9, $0x1;
	s9 =	sadd.s32 s22, s7  }
0xa5: {  	[timem:s11], [sflag:s23] =	dma.local [hbm:s9], s21  }
0xa6: {  	_ =	swait.ge [sflag:s23], s21  }
0xa7: {  	s8 =	ssub.s32 $0x0, s21;
	[sflag:s23] =	ssyncset.done $0x0  }
0xa8: {  	[sflag:s23] =	ssyncadd.s32 s8;
	_ =	sdelay $0x1  }
0xa9: {  	s24 =	simm.s32 $0x1B8B  }
0xaa: {  	_ =	swait.ge [sflag:s24], $0x1  }
0xab: {  	[sflag:s24] =	ssyncset.done $0x0  }
0xac: {  	s25 =	simm.s32 $0x1B8E;
	[sflag:s24] =	ssyncadd.s32 $0xFFFFFFFF  }
0xad: {  	s26 =	simm.s32 $execute0_lowered;
	[smem:$0x3FD2] =	sst s25  }
0xae: {  	s8 =	sshll.u32 s26, $0x1;
	_ =	strace $0x80000046;
	[dreg:$0x1] =	wrdreg $0xFFFFFFFF  }
0xaf: {  	s28 =	simm.s32 $_size_execute0_lowered;
	s7 =	sadd.s32 s7, s8;
	[dreg:$0x0] =	wrdreg $0x0  }
0xb0: {  	s8 =	sshll.u32 s28, $0x1;
	[dreg:$0x2] =	wrdreg s7  }
0xb1: {  	[dreg:$0x3] =	wrdreg s8  }
0xb2: {  	[dreg:$0x4] =	wrdreg $0xC0  }
0xb3: {  	_ =	task [dreg:s11], $0x5FFFF  }
0xb4: {  	[dreg:$0x1] =	wrdreg $0xFFFFFFFF  }
0xb5: {  	[dreg:$0x0] =	wrdreg $0x60  }
0xb6: {  	[dreg:$0x2] =	wrdreg s16  }
0xb7: {  	[dreg:$0x3] =	wrdreg s4  }
0xb8: {  	[dreg:$0x4] =	wrdreg s5  }
0xb9: {  	[dreg:$0x5] =	wrdreg s17  }
0xba: {  	[dreg:$0x6] =	wrdreg s18  }
0xbb: {  	[dreg:$0x7] =	wrdreg $0xB8000  }
0xbc: {  	[dreg:$0x8] =	wrdreg $0x9  }
0xbd: {  	_ =	task.clear_ibuf [dreg:s11], $0x9FFFF;
	_ =	strace $0x90000046  }
0xbe: {  	s29 =	simm.s32 $0x9;
	_ =	strace $0x80000048  }
0xbf: {  	_ =	swait.ge [sflag:s29], $0x1  }
0xc0: {  	[sflag:s29] =	ssyncadd.s32 $0xFFFFFFFF  }
0xc1: {  	_ =	strace $0x90000048  }
0xc2: {  	_ =	sfence  }
0xc3: {  	s30 =	sld [smem:$0x0];
	_ =	sdelay $0x2  }
0xc4: {  	s31 =	sshll.u32 s1, $0xD;
	s1 =	sshrl.u32 s1, $0x2  }
0xc5: {  	s3 =	sand.u32 $0x4000, s31;
	s1 =	sadd.s32 s1, s30  }
0xc6: {  	s0 =	sor.u32 s3, s0;
	s1 =	sshll.u32 s1, $0x11  }
0xc7: {  	s0 =	sor.u32 s1, s0  }
0xc8: {  	s0 =	sadd.s32 $0x8F2B, s0  }
0xc9: {  	[sflag:s0] =	ssyncadd.remote.s32 $0x1  }
0xca: {  	_ =	sfence.sel $0xFFFF  }
0xcb: {  	[dreg:$0x0] =	wrdreg $0xFFFFFFFF;
	(pc) =	sbr.abs _section_cstart, $3  }
0xcc: {  	[dreg:$0x1] =	wrdreg $0xFFFFFFFF  }
0xcd: {  	_ =	task.clear_ibuf [dreg:s11], $0x2FFFF;
	_ =	strace $0x9FFFFFFF  }
0xce: {  	(tm) =	ssettm $0x7FFFFFFF  }
0xcf: {  	_ =	shalt  }
tec
execute0_lowered:
.L_overlay_start_1:
0x0: {  	(tag) =	ssettag $0x1  }
0x1: {  	s0 =	rddreg [dreg:$0x0]  }
0x2: {  	s1 =	rddreg [dreg:$0x1]  }
0x3: {  	s4 =	rddreg [dreg:$0x2]  }
0x4: {  	s6 =	rddreg [dreg:$0x3]  }
0x5: {  	s7 =	rddreg [dreg:$0x4]  }
0x6: {  	s3 =	srdreg.scid;
	s2 =	rddreg [dreg:$0x5]  }
0x7: {  	s18 =	stileid.u32;
	s12 =	simm.s32 $0x13;
	s28 =	simm.s32 $0x9000  }
0x8: {  	s29 =	simm.s32 $0x5000;
	s30 =	simm.s32 $0x400;
	s10 =	smul.u32 $0x50000, s18  }
0x9: {  	s31 =	simm.s32 $0x2;
	s8 =	sand.u32 $0x1, s3;
	s11 =	smul.u32 $0x98, s18  }
0xa: {  	s3 =	simm.s32 $0x0;
	s19 =	sshll.u32 s18, $0x3;
	s26 =	smul.u32 $0x13800, s18  }
0xb: {  	s15 =	sshrl.u32 s18, $0x3;
	s16 =	sshll.u32 s18, $0x7;
	s24 =	smul.u32 $0x28000, s8  }
0xc: {  	s5 =	ssub.s32 $0x2, s8;
	[smem:$0x7FF] =	sst s3;
	s15 =	smul.u32 $0x14000, s15  }
0xd: {  	p0 =	seq.s32 s8, $0x0;
	s14 =	sor.u32 $0x980, s19;
	s17 =	smul.u32 $0x138800, s8  }
0xe: {  	s25 =	sand.u32 $0x380, s16;
	p1 =	sne.s32 s8, $0x0;
	s9 =	sshrl.u32 s5, $0x1  }
0xf: {  	_ =	strace $0x80000047;
	s12 =	simm.s32 @!p0 $0x1;
	s10 =	sshrl.u32 s10, $0x2  }
0x10: {  	s14 =	smov.u32 @p0 s11;
	p0 =	sne.s32 s18, $0x0;
	s9 =	ssub.s32 s5, s9  }
0x11: {  	s13 =	sadd.s32 $0xFFFFFFFF, s12;
	s5 =	sadd.s32 s10, s2;
	s23 =	sshll.u32 s14, $0x4  }
0x12: {  	s14 =	sadd.s32 s24, s15;
	[dreg:$0x7] =	wrdreg s13;
	s10 =	sadd.s32 $0x4000, s5  }
0x13: {  	s24 =	sshrl.u32 s17, $0x3;
	s20 =	sadd.s32 $0x8000, s5;
	[dreg:$0x9] =	wrdreg s10  }
0x14: {  	s21 =	sadd.s32 $0xC000, s5;
	s22 =	sadd.s32 $0x10000, s5;
	[dreg:$0xa] =	wrdreg s20  }
0x15: {  	s11 =	sadd.s32 s4, s23;
	s13 =	sadd.s32 $0x80, s23;
	[dreg:$0xb] =	wrdreg s21  }
0x16: {  	[dreg:$0xc] =	wrdreg s22;
	s10 =	sadd.s32 s1, s23;
	s1 =	sadd.s32 s1, s13  }
0x17: {  	s19 =	sadd.s32 s4, s13;
	s20 =	sor.u32 s25, s14;
	s21 =	sadd.s32 s26, s17  }
0x18: {  	s22 =	smul.u32 $0x4E000, s18;
	s4 =	sadd.s32 s6, s24;
	s26 =	smax.u32 s12, $0x2  }
0x19: {  	s17 =	smax.u32 s9, $0x1;
	s12 =	sadd.s32 $0x100, s11;
	[dreg:$0xd] =	wrdreg s1  }
0x1a: {  	[dreg:$0xe] =	wrdreg s19;
	s1 =	sshrl.u32 s20, $0x3;
	s23 =	sshrl.u32 s21, $0x3  }
0x1b: {  	s4 =	sadd.s32 $0x27000, s4;
	[dreg:$0x8] =	wrdreg s26;
	s16 =	smov.u32 s10  }
0x1c: {  	s9 =	sadd.s32 $0x100, s10;
	s20 =	simm.s32 $0x1000;
	s21 =	simm.s32 $0x7  }
0x1d: {  	s26 =	simm.s32 $0x80;
	s1 =	sadd.s32 s7, s1;
	s25 =	sshrl.u32 s22, $0x2  }
.Ltmp0:
0x1e: {  	[dreg:$0x11] =	wrdreg s4;
	s22 =	smov.u32 s11;
	(pc) =	sbr.rel .LBB2_1-.Ltmp0, $4  }
0x1f: {  	s4 =	simm.s32 $0x4;
	s7 =	simm.s32 $0x0;
	[dreg:$0xf] =	wrdreg s1  }
0x20: {  	s1 =	sadd.s32 s6, s23;
	s6 =	sadd.s32 $0x138000, s2;
	s23 =	simm.s32 $0x5  }
0x21: {  	[dreg:$0x10] =	wrdreg s1;
	s1 =	sadd.s32 s25, s2;
	s25 =	sshrl.u32 @!p0 s6, $0x3  }
0x22: {  	v0 =	vimm.f32 $0.0e+00;
	v1 =	vimm.f32 $1.000000000e+00;
	s6 =	simm.s32 $0x1;
	s24 =	sshrl.u32 s1, $0x3;
	s1 =	simm.s32 $0x3  }
.LBB2_7:
0x23: {  	_ =	swait.ge [sflag:s31], $0x4000  }
0x24: {  	[sflag:s31] =	ssyncset.done $0x0  }
0x25: {  	s8 =	simm.s32 $0xB80;
	[sflag:s31] =	ssyncadd.s32 $0xFFFFC000  }
0x26: {  	[spmem:s2] =	stream.indirect.scatter.add.f32 [tilespmem:s29], [sflag:$0x4], $0x80, s8, s26, $0xb8;
	[tilespmem:$0x1F800] =	vst v63  }
0x27: {  	_ =	swait.ge [sflag:s1], $0x4000  }
0x28: {  	[sflag:s1] =	ssyncset.done $0x0  }
0x29: {  	[sflag:s1] =	ssyncadd.s32 $0xFFFFC000  }
0x2a: {  	_ =	swait.ge [sflag:s4], $0x4000  }
0x2b: {  	[sflag:s4] =	ssyncset.done $0x0  }
0x2c: {  	s18 =	rddreg [dreg:$0xf];
	[sflag:s4] =	ssyncadd.s32 $0xFFFFC000  }
0x2d: {  	[hbm4b:s18+s26] =	stream.strided.scatter [tilespmem:s28], [sflag:$0x7], $0x2800, s30, s26, $0x38;
	[tilespmem:$0x1F800] =	vst v63  }
0x2e: {  	_ =	swait.ge [sflag:s21], $0x2800  }
0x2f: {  	[sflag:s21] =	ssyncset.done $0x0  }
0x30: {  	s19 =	stileid.u32;
	[sflag:s21] =	ssyncadd.s32 $0xFFFFD800  }
0x31: {  	s8 =	sshll.u32 s19, $0x6;
	[bflag:$0x0] =	sbarrier.arrive $0xFFFF  }
0x32: {  	s8 =	sor.u32 $0x1C07, s8;
	s10 =	rddreg [dreg:$0x10]  }
0x33: {  	[hbm:s10], [sflag:s8] =	dma.local [spmem:s24], $0x2700  }
0x34: {  	_ =	swait.ge [sflag:s21], $0x2700  }
0x35: {  	s7 =	sadd.s32 $0x1, s7;
	[sflag:s21] =	ssyncset.done $0x0  }
0x36: {  	p2 =	sne.s32 s7, s17;
	s10 =	rddreg [dreg:$0x11];
	[sflag:s21] =	ssyncadd.s32 $0xFFFFD900  }
0x37: {  	[hbm:s10], [sflag:s8] =	dma.local @!p0 [spmem:s25], $0x100  }
.Ltmp1:
0x38: {  	_ = 	snop;
	(pc) =	sbr.rel @!p2 .LBB2_8-.Ltmp1, $4  }
0x39: {  	s8 =	simm.s32 @!p0 $0x7  }
0x3a: {  	_ =	swait.ge @!p0 [sflag:s8], $0x100  }
0x3b: {  	[sflag:s8] =	ssyncset.done @!p0 $0x0  }
0x3c: {  	[sflag:s8] =	ssyncadd.s32 @!p0 $0xFFFFFF00  }
.LBB2_1:
0x3d: {  	s8 =	simm.s32 $0x0;
	s13 =	simm.s32 $0x0  }
.LBB2_2:
0x3e: {  	p2 =	sne.s32 s13, $0xFFC0  }
.Ltmp2:
0x3f: {  	_ = 	snop;
	(pc) =	sbr.rel @p2 .LBB2_2-.Ltmp2, $4  }
0x40: {  	s18 =	sand.u32 $0xFE00, s13  }
0x41: {  	s19 =	sand.u32 $0x70, s8;
	s18 =	sshrl.u32 s18, $0x2  }
0x42: {  	s18 =	sor.u32 s19, s18  }
0x43: {  	s8 =	sadd.s32 $0x10, s8;
	s13 =	sadd.s32 $0x40, s13;
	[tilespmem:s18+$0x1000] =	vst v0  }
0x44: {  	s8 =	simm.s32 $0x40;
	s13 =	simm.s32 $0x0  }
.LBB2_4:
0x45: {  	p2 =	sne.s32 s8, $0x9FC0;
	[tilespmem:s13+$0x9000] =	vst v0;
	s13 =	smov.u32 s8;
	s8 =	sadd.s32 $0x40, s8  }
.Ltmp3:
0x46: {  	(pc) =	sbr.rel @p2 .LBB2_4-.Ltmp3, $2  }
0x47: {  	_ =	sdelay $0x2  }
0x48: {  	s13 =	sshra.s32 s13, $0x2  }
0x49: {  	[tilespmem:s13+$0x9000] =	vst v0  }
0x4a: {  	[spmem:s5] =	stream.linear.scatter [tilespmem:s20], [sflag:$0x7], $0x4000, $0x38;
	[tilespmem:$0x1F800] =	vst v63  }
0x4b: {  	_ =	swait.ge [sflag:s21], $0x4000  }
0x4c: {  	[sflag:s21] =	ssyncset.done $0x0  }
0x4d: {  	s8 =	rddreg [dreg:$0x9];
	[sflag:s21] =	ssyncadd.s32 $0xFFFFC000  }
0x4e: {  	[spmem:s8] =	stream.linear.scatter [tilespmem:s20], [sflag:$0x7], $0x4000, $0x38;
	[tilespmem:$0x1F800] =	vst v63  }
0x4f: {  	_ =	swait.ge [sflag:s21], $0x4000  }
0x50: {  	[sflag:s21] =	ssyncset.done $0x0  }
0x51: {  	s13 =	rddreg [dreg:$0xa];
	[sflag:s21] =	ssyncadd.s32 $0xFFFFC000  }
0x52: {  	[spmem:s13] =	stream.linear.scatter [tilespmem:s20], [sflag:$0x7], $0x4000, $0x38;
	[tilespmem:$0x1F800] =	vst v63  }
0x53: {  	_ =	swait.ge [sflag:s21], $0x4000  }
0x54: {  	[sflag:s21] =	ssyncset.done $0x0  }
0x55: {  	s14 =	rddreg [dreg:$0xb];
	[sflag:s21] =	ssyncadd.s32 $0xFFFFC000  }
0x56: {  	[spmem:s14] =	stream.linear.scatter [tilespmem:s20], [sflag:$0x7], $0x4000, $0x38;
	[tilespmem:$0x1F800] =	vst v63  }
0x57: {  	_ =	swait.ge [sflag:s21], $0x4000  }
0x58: {  	[sflag:s21] =	ssyncset.done $0x0  }
0x59: {  	s15 =	rddreg [dreg:$0xc];
	[sflag:s21] =	ssyncadd.s32 $0xFFFFC000  }
0x5a: {  	[spmem:s15] =	stream.linear.scatter [tilespmem:s20], [sflag:$0x7], $0x4000, $0x38;
	[tilespmem:$0x1F800] =	vst v63  }
0x5b: {  	_ =	swait.ge [sflag:s21], $0x4000  }
0x5c: {  	[sflag:s21] =	ssyncset.done $0x0  }
0x5d: {  	[sflag:s21] =	ssyncadd.s32 $0xFFFFC000  }
0x5e: {  	[bflag:$0x0] =	sbarrier.arrive $0xFFFF  }
0x5f: {  	[tilespmem:s3], [sflag:$0x5] =	stream.linear.gather [hbm4b:s16+s3], $0x400, $0x38;
	[tilespmem:$0x1F800] =	vst v63  }
0x60: {  	s10 =	simm.s32 $0x800  }
0x61: {  	[tilespmem:s10], [sflag:$0x5] =	stream.linear.gather [hbm4b:s22+s3], $0x400, $0x38;
	[tilespmem:$0x1F800] =	vst v63  }
0x62: {  	_ =	swait.ge [sflag:s23], $0x400  }
0x63: {  	[sflag:s23] =	ssyncset.done $0x0  }
0x64: {  	[sflag:s23] =	ssyncadd.s32 $0xFFFFFC00  }
0x65: {  	_ =	swait.ge [sflag:s23], $0x400  }
0x66: {  	[sflag:s23] =	ssyncset.done $0x0  }
0x67: {  	[sflag:s23] =	ssyncadd.s32 $0xFFFFFC00  }
0x68: {  	[tilespmem:s20], [sflag:$0x1] =	stream.indirect.gather [hbm4b:s0+s26], $0x80, s3, s26, $0xb8;
	[tilespmem:$0x1F800] =	vst v63  }
0x69: {  	v2 =	vld [tilespmem:$0x800];
	_ =	sdelay $0x7  }
0x6a: {  	[tilespmem:v2+s28+$0x0] =	vst.idx.add.f32.msk $0xffff, v1  }
0x6b: {  	v2 =	vld [tilespmem:$0x810];
	_ =	sdelay $0x7  }
0x6c: {  	[tilespmem:v2+s28+$0x0] =	vst.idx.add.f32.msk $0xffff, v1  }
0x6d: {  	v2 =	vld [tilespmem:$0x820];
	_ =	sdelay $0x7  }
0x6e: {  	[tilespmem:v2+s28+$0x0] =	vst.idx.add.f32.msk $0xffff, v1  }
0x6f: {  	v2 =	vld [tilespmem:$0x830];
	_ =	sdelay $0x7  }
0x70: {  	[tilespmem:v2+s28+$0x0] =	vst.idx.add.f32.msk $0xffff, v1  }
0x71: {  	v2 =	vld [tilespmem:$0x840];
	_ =	sdelay $0x7  }
0x72: {  	[tilespmem:v2+s28+$0x0] =	vst.idx.add.f32.msk $0xffff, v1  }
0x73: {  	v2 =	vld [tilespmem:$0x850];
	_ =	sdelay $0x7  }
0x74: {  	[tilespmem:v2+s28+$0x0] =	vst.idx.add.f32.msk $0xffff, v1  }
0x75: {  	v2 =	vld [tilespmem:$0x860];
	_ =	sdelay $0x7  }
0x76: {  	[tilespmem:v2+s28+$0x0] =	vst.idx.add.f32.msk $0xffff, v1  }
0x77: {  	v2 =	vld [tilespmem:$0x870];
	_ =	sdelay $0x7  }
0x78: {  	[tilespmem:v2+s28+$0x0] =	vst.idx.add.f32.msk $0xffff, v1  }
0x79: {  	[tilespmem:s29], [sflag:$0x2] =	stream.indirect.gather [hbm4b:s0+s26], $0x80, s26, s26, $0xb8;
	[tilespmem:$0x1F800] =	vst v63  }
0x7a: {  	v2 =	vld [tilespmem:$0x880];
	_ =	sdelay $0x7  }
0x7b: {  	[tilespmem:v2+s28+$0x0] =	vst.idx.add.f32.msk $0xffff, v1  }
0x7c: {  	v2 =	vld [tilespmem:$0x890];
	_ =	sdelay $0x7  }
0x7d: {  	[tilespmem:v2+s28+$0x0] =	vst.idx.add.f32.msk $0xffff, v1  }
0x7e: {  	v2 =	vld [tilespmem:$0x8A0];
	_ =	sdelay $0x7  }
0x7f: {  	[tilespmem:v2+s28+$0x0] =	vst.idx.add.f32.msk $0xffff, v1  }
0x80: {  	v2 =	vld [tilespmem:$0x8B0];
	_ =	sdelay $0x7  }
0x81: {  	[tilespmem:v2+s28+$0x0] =	vst.idx.add.f32.msk $0xffff, v1  }
0x82: {  	v2 =	vld [tilespmem:$0x8C0];
	_ =	sdelay $0x7  }
0x83: {  	[tilespmem:v2+s28+$0x0] =	vst.idx.add.f32.msk $0xffff, v1  }
0x84: {  	v2 =	vld [tilespmem:$0x8D0];
	_ =	sdelay $0x7  }
0x85: {  	[tilespmem:v2+s28+$0x0] =	vst.idx.add.f32.msk $0xffff, v1  }
0x86: {  	v2 =	vld [tilespmem:$0x8E0];
	_ =	sdelay $0x7  }
0x87: {  	[tilespmem:v2+s28+$0x0] =	vst.idx.add.f32.msk $0xffff, v1  }
0x88: {  	v2 =	vld [tilespmem:$0x8F0];
	_ =	sdelay $0x7  }
0x89: {  	s8 =	simm.s32 $0x1;
	[tilespmem:v2+s28+$0x0] =	vst.idx.add.f32.msk $0xffff, v1  }
0x8a: {  	_ =	swait.ge [sflag:s8], $0x4000  }
0x8b: {  	[sflag:s8] =	ssyncset.done $0x0  }
0x8c: {  	[sflag:s8] =	ssyncadd.s32 $0xFFFFC000  }
0x8d: {  	[spmem:s2] =	stream.indirect.scatter.add.f32 [tilespmem:s20], [sflag:$0x3], $0x80, s10, s26, $0xb8;
	[tilespmem:$0x1F800] =	vst v63  }
0x8e: {  	s18 =	rddreg [dreg:$0xd]  }
0x8f: {  	[tilespmem:s30], [sflag:$0x6] =	stream.linear.gather [hbm4b:s18+s3], $0x400, $0x38;
	[tilespmem:$0x1F800] =	vst v63  }
0x90: {  	s11 =	simm.s32 $0xC00;
	s19 =	rddreg [dreg:$0xe]  }
0x91: {  	[tilespmem:s11], [sflag:$0x6] =	stream.linear.gather [hbm4b:s19+s3], $0x400, $0x38;
	[tilespmem:$0x1F800] =	vst v63  }
0x92: {  	_ =	swait.ge [sflag:s1], $0x4000  }
0x93: {  	[sflag:s1] =	ssyncset.done $0x0  }
0x94: {  	s11 =	simm.s32 $0x100;
	[sflag:s1] =	ssyncadd.s32 $0xFFFFC000  }
0x95: {  	[tilespmem:s20], [sflag:$0x1] =	stream.indirect.gather [hbm4b:s0+s26], $0x80, s11, s26, $0xb8;
	[tilespmem:$0x1F800] =	vst v63  }
0x96: {  	v2 =	vld [tilespmem:$0x900];
	_ =	sdelay $0x7  }
0x97: {  	[tilespmem:v2+s28+$0x0] =	vst.idx.add.f32.msk $0xffff, v1  }
0x98: {  	v2 =	vld [tilespmem:$0x910];
	_ =	sdelay $0x7  }
0x99: {  	[tilespmem:v2+s28+$0x0] =	vst.idx.add.f32.msk $0xffff, v1  }
0x9a: {  	v2 =	vld [tilespmem:$0x920];
	_ =	sdelay $0x7  }
0x9b: {  	[tilespmem:v2+s28+$0x0] =	vst.idx.add.f32.msk $0xffff, v1  }
0x9c: {  	v2 =	vld [tilespmem:$0x930];
	_ =	sdelay $0x7  }
0x9d: {  	[tilespmem:v2+s28+$0x0] =	vst.idx.add.f32.msk $0xffff, v1  }
0x9e: {  	v2 =	vld [tilespmem:$0x940];
	_ =	sdelay $0x7  }
0x9f: {  	[tilespmem:v2+s28+$0x0] =	vst.idx.add.f32.msk $0xffff, v1  }
0xa0: {  	v2 =	vld [tilespmem:$0x950];
	_ =	sdelay $0x7  }
0xa1: {  	[tilespmem:v2+s28+$0x0] =	vst.idx.add.f32.msk $0xffff, v1  }
0xa2: {  	v2 =	vld [tilespmem:$0x960];
	_ =	sdelay $0x7  }
0xa3: {  	[tilespmem:v2+s28+$0x0] =	vst.idx.add.f32.msk $0xffff, v1  }
0xa4: {  	v2 =	vld [tilespmem:$0x970];
	_ =	sdelay $0x7  }
0xa5: {  	[tilespmem:v2+s28+$0x0] =	vst.idx.add.f32.msk $0xffff, v1  }
0xa6: {  	_ =	swait.ge [sflag:s31], $0x4000  }
0xa7: {  	[sflag:s31] =	ssyncset.done $0x0  }
0xa8: {  	s13 =	simm.s32 $0x880;
	[sflag:s31] =	ssyncadd.s32 $0xFFFFC000  }
0xa9: {  	[spmem:s2] =	stream.indirect.scatter.add.f32 [tilespmem:s29], [sflag:$0x4], $0x80, s13, s26, $0xb8;
	[tilespmem:$0x1F800] =	vst v63  }
0xaa: {  	_ =	swait.ge [sflag:s4], $0x4000  }
0xab: {  	[sflag:s4] =	ssyncset.done $0x0  }
0xac: {  	s14 =	simm.s32 $0x180;
	[sflag:s4] =	ssyncadd.s32 $0xFFFFC000  }
0xad: {  	[tilespmem:s29], [sflag:$0x2] =	stream.indirect.gather [hbm4b:s0+s26], $0x80, s14, s26, $0xb8;
	[tilespmem:$0x1F800] =	vst v63  }
0xae: {  	v2 =	vld [tilespmem:$0x980];
	_ =	sdelay $0x7  }
0xaf: {  	[tilespmem:v2+s28+$0x0] =	vst.idx.add.f32.msk $0xffff, v1  }
0xb0: {  	v2 =	vld [tilespmem:$0x990];
	_ =	sdelay $0x7  }
0xb1: {  	[tilespmem:v2+s28+$0x0] =	vst.idx.add.f32.msk $0xffff, v1  }
0xb2: {  	v2 =	vld [tilespmem:$0x9A0];
	_ =	sdelay $0x7  }
0xb3: {  	[tilespmem:v2+s28+$0x0] =	vst.idx.add.f32.msk $0xffff, v1  }
0xb4: {  	v2 =	vld [tilespmem:$0x9B0];
	_ =	sdelay $0x7  }
0xb5: {  	[tilespmem:v2+s28+$0x0] =	vst.idx.add.f32.msk $0xffff, v1  }
0xb6: {  	v2 =	vld [tilespmem:$0x9C0];
	_ =	sdelay $0x7  }
0xb7: {  	[tilespmem:v2+s28+$0x0] =	vst.idx.add.f32.msk $0xffff, v1  }
0xb8: {  	v2 =	vld [tilespmem:$0x9D0];
	_ =	sdelay $0x7  }
0xb9: {  	[tilespmem:v2+s28+$0x0] =	vst.idx.add.f32.msk $0xffff, v1  }
0xba: {  	v2 =	vld [tilespmem:$0x9E0];
	_ =	sdelay $0x7  }
0xbb: {  	[tilespmem:v2+s28+$0x0] =	vst.idx.add.f32.msk $0xffff, v1  }
0xbc: {  	v2 =	vld [tilespmem:$0x9F0];
	_ =	sdelay $0x7  }
0xbd: {  	[tilespmem:v2+s28+$0x0] =	vst.idx.add.f32.msk $0xffff, v1  }
0xbe: {  	_ =	swait.ge [sflag:s8], $0x4000  }
0xbf: {  	[sflag:s8] =	ssyncset.done $0x0  }
0xc0: {  	s15 =	simm.s32 $0x900;
	[sflag:s8] =	ssyncadd.s32 $0xFFFFC000  }
0xc1: {  	[spmem:s2] =	stream.indirect.scatter.add.f32 [tilespmem:s20], [sflag:$0x3], $0x80, s15, s26, $0xb8;
	[tilespmem:$0x1F800] =	vst v63  }
0xc2: {  	_ =	swait.ge [sflag:s1], $0x4000  }
0xc3: {  	[sflag:s1] =	ssyncset.done $0x0  }
0xc4: {  	s18 =	simm.s32 $0x200;
	[sflag:s1] =	ssyncadd.s32 $0xFFFFC000  }
0xc5: {  	[tilespmem:s20], [sflag:$0x1] =	stream.indirect.gather [hbm4b:s0+s26], $0x80, s18, s26, $0xb8;
	[tilespmem:$0x1F800] =	vst v63  }
0xc6: {  	v2 =	vld [tilespmem:$0xA00];
	_ =	sdelay $0x7  }
0xc7: {  	[tilespmem:v2+s28+$0x0] =	vst.idx.add.f32.msk $0xffff, v1  }
0xc8: {  	v2 =	vld [tilespmem:$0xA10];
	_ =	sdelay $0x7  }
0xc9: {  	[tilespmem:v2+s28+$0x0] =	vst.idx.add.f32.msk $0xffff, v1  }
0xca: {  	v2 =	vld [tilespmem:$0xA20];
	_ =	sdelay $0x7  }
0xcb: {  	[tilespmem:v2+s28+$0x0] =	vst.idx.add.f32.msk $0xffff, v1  }
0xcc: {  	v2 =	vld [tilespmem:$0xA30];
	_ =	sdelay $0x7  }
0xcd: {  	[tilespmem:v2+s28+$0x0] =	vst.idx.add.f32.msk $0xffff, v1  }
0xce: {  	v2 =	vld [tilespmem:$0xA40];
	_ =	sdelay $0x7  }
0xcf: {  	[tilespmem:v2+s28+$0x0] =	vst.idx.add.f32.msk $0xffff, v1  }
0xd0: {  	v2 =	vld [tilespmem:$0xA50];
	_ =	sdelay $0x7  }
0xd1: {  	[tilespmem:v2+s28+$0x0] =	vst.idx.add.f32.msk $0xffff, v1  }
0xd2: {  	v2 =	vld [tilespmem:$0xA60];
	_ =	sdelay $0x7  }
0xd3: {  	[tilespmem:v2+s28+$0x0] =	vst.idx.add.f32.msk $0xffff, v1  }
0xd4: {  	v2 =	vld [tilespmem:$0xA70];
	_ =	sdelay $0x7  }
0xd5: {  	[tilespmem:v2+s28+$0x0] =	vst.idx.add.f32.msk $0xffff, v1  }
0xd6: {  	_ =	swait.ge [sflag:s31], $0x4000  }
0xd7: {  	[sflag:s31] =	ssyncset.done $0x0  }
0xd8: {  	s19 =	simm.s32 $0x980;
	[sflag:s31] =	ssyncadd.s32 $0xFFFFC000  }
0xd9: {  	[spmem:s2] =	stream.indirect.scatter.add.f32 [tilespmem:s29], [sflag:$0x4], $0x80, s19, s26, $0xb8;
	[tilespmem:$0x1F800] =	vst v63  }
0xda: {  	_ =	swait.ge [sflag:s4], $0x4000  }
0xdb: {  	[sflag:s4] =	ssyncset.done $0x0  }
0xdc: {  	s11 =	simm.s32 $0x280;
	[sflag:s4] =	ssyncadd.s32 $0xFFFFC000  }
0xdd: {  	[tilespmem:s29], [sflag:$0x2] =	stream.indirect.gather [hbm4b:s0+s26], $0x80, s11, s26, $0xb8;
	[tilespmem:$0x1F800] =	vst v63  }
0xde: {  	v2 =	vld [tilespmem:$0xA80];
	_ =	sdelay $0x7  }
0xdf: {  	[tilespmem:v2+s28+$0x0] =	vst.idx.add.f32.msk $0xffff, v1  }
0xe0: {  	v2 =	vld [tilespmem:$0xA90];
	_ =	sdelay $0x7  }
0xe1: {  	[tilespmem:v2+s28+$0x0] =	vst.idx.add.f32.msk $0xffff, v1  }
0xe2: {  	v2 =	vld [tilespmem:$0xAA0];
	_ =	sdelay $0x7  }
0xe3: {  	[tilespmem:v2+s28+$0x0] =	vst.idx.add.f32.msk $0xffff, v1  }
0xe4: {  	v2 =	vld [tilespmem:$0xAB0];
	_ =	sdelay $0x7  }
0xe5: {  	[tilespmem:v2+s28+$0x0] =	vst.idx.add.f32.msk $0xffff, v1  }
0xe6: {  	v2 =	vld [tilespmem:$0xAC0];
	_ =	sdelay $0x7  }
0xe7: {  	[tilespmem:v2+s28+$0x0] =	vst.idx.add.f32.msk $0xffff, v1  }
0xe8: {  	v2 =	vld [tilespmem:$0xAD0];
	_ =	sdelay $0x7  }
0xe9: {  	[tilespmem:v2+s28+$0x0] =	vst.idx.add.f32.msk $0xffff, v1  }
0xea: {  	v2 =	vld [tilespmem:$0xAE0];
	_ =	sdelay $0x7  }
0xeb: {  	[tilespmem:v2+s28+$0x0] =	vst.idx.add.f32.msk $0xffff, v1  }
0xec: {  	v2 =	vld [tilespmem:$0xAF0];
	_ =	sdelay $0x7  }
0xed: {  	[tilespmem:v2+s28+$0x0] =	vst.idx.add.f32.msk $0xffff, v1  }
0xee: {  	_ =	swait.ge [sflag:s8], $0x4000  }
0xef: {  	[sflag:s8] =	ssyncset.done $0x0  }
0xf0: {  	s13 =	simm.s32 $0xA00;
	[sflag:s8] =	ssyncadd.s32 $0xFFFFC000  }
0xf1: {  	[spmem:s2] =	stream.indirect.scatter.add.f32 [tilespmem:s20], [sflag:$0x3], $0x80, s13, s26, $0xb8;
	[tilespmem:$0x1F800] =	vst v63  }
0xf2: {  	_ =	swait.ge [sflag:s1], $0x4000  }
0xf3: {  	[sflag:s1] =	ssyncset.done $0x0  }
0xf4: {  	s14 =	simm.s32 $0x300;
	[sflag:s1] =	ssyncadd.s32 $0xFFFFC000  }
0xf5: {  	[tilespmem:s20], [sflag:$0x1] =	stream.indirect.gather [hbm4b:s0+s26], $0x80, s14, s26, $0xb8;
	[tilespmem:$0x1F800] =	vst v63  }
0xf6: {  	v2 =	vld [tilespmem:$0xB00];
	_ =	sdelay $0x7  }
0xf7: {  	[tilespmem:v2+s28+$0x0] =	vst.idx.add.f32.msk $0xffff, v1  }
0xf8: {  	v2 =	vld [tilespmem:$0xB10];
	_ =	sdelay $0x7  }
0xf9: {  	[tilespmem:v2+s28+$0x0] =	vst.idx.add.f32.msk $0xffff, v1  }
0xfa: {  	v2 =	vld [tilespmem:$0xB20];
	_ =	sdelay $0x7  }
0xfb: {  	[tilespmem:v2+s28+$0x0] =	vst.idx.add.f32.msk $0xffff, v1  }
0xfc: {  	v2 =	vld [tilespmem:$0xB30];
	_ =	sdelay $0x7  }
0xfd: {  	[tilespmem:v2+s28+$0x0] =	vst.idx.add.f32.msk $0xffff, v1  }
0xfe: {  	v2 =	vld [tilespmem:$0xB40];
	_ =	sdelay $0x7  }
0xff: {  	[tilespmem:v2+s28+$0x0] =	vst.idx.add.f32.msk $0xffff, v1  }
0x100: {  	v2 =	vld [tilespmem:$0xB50];
	_ =	sdelay $0x7  }
0x101: {  	[tilespmem:v2+s28+$0x0] =	vst.idx.add.f32.msk $0xffff, v1  }
0x102: {  	v2 =	vld [tilespmem:$0xB60];
	_ =	sdelay $0x7  }
0x103: {  	[tilespmem:v2+s28+$0x0] =	vst.idx.add.f32.msk $0xffff, v1  }
0x104: {  	v2 =	vld [tilespmem:$0xB70];
	_ =	sdelay $0x7  }
0x105: {  	[tilespmem:v2+s28+$0x0] =	vst.idx.add.f32.msk $0xffff, v1  }
0x106: {  	_ =	swait.ge [sflag:s31], $0x4000  }
0x107: {  	[sflag:s31] =	ssyncset.done $0x0  }
0x108: {  	s15 =	simm.s32 $0xA80;
	[sflag:s31] =	ssyncadd.s32 $0xFFFFC000  }
0x109: {  	[spmem:s2] =	stream.indirect.scatter.add.f32 [tilespmem:s29], [sflag:$0x4], $0x80, s15, s26, $0xb8;
	[tilespmem:$0x1F800] =	vst v63  }
0x10a: {  	_ =	swait.ge [sflag:s4], $0x4000  }
0x10b: {  	[sflag:s4] =	ssyncset.done $0x0  }
0x10c: {  	s18 =	simm.s32 $0x380;
	[sflag:s4] =	ssyncadd.s32 $0xFFFFC000  }
0x10d: {  	[tilespmem:s29], [sflag:$0x2] =	stream.indirect.gather [hbm4b:s0+s26], $0x80, s18, s26, $0xb8;
	[tilespmem:$0x1F800] =	vst v63  }
0x10e: {  	v2 =	vld [tilespmem:$0xB80];
	_ =	sdelay $0x7  }
0x10f: {  	[tilespmem:v2+s28+$0x0] =	vst.idx.add.f32.msk $0xffff, v1  }
0x110: {  	v2 =	vld [tilespmem:$0xB90];
	_ =	sdelay $0x7  }
0x111: {  	[tilespmem:v2+s28+$0x0] =	vst.idx.add.f32.msk $0xffff, v1  }
0x112: {  	v2 =	vld [tilespmem:$0xBA0];
	_ =	sdelay $0x7  }
0x113: {  	[tilespmem:v2+s28+$0x0] =	vst.idx.add.f32.msk $0xffff, v1  }
0x114: {  	v2 =	vld [tilespmem:$0xBB0];
	_ =	sdelay $0x7  }
0x115: {  	[tilespmem:v2+s28+$0x0] =	vst.idx.add.f32.msk $0xffff, v1  }
0x116: {  	v2 =	vld [tilespmem:$0xBC0];
	_ =	sdelay $0x7  }
0x117: {  	[tilespmem:v2+s28+$0x0] =	vst.idx.add.f32.msk $0xffff, v1  }
0x118: {  	v2 =	vld [tilespmem:$0xBD0];
	_ =	sdelay $0x7  }
0x119: {  	[tilespmem:v2+s28+$0x0] =	vst.idx.add.f32.msk $0xffff, v1  }
0x11a: {  	v2 =	vld [tilespmem:$0xBE0];
	_ =	sdelay $0x7  }
0x11b: {  	[tilespmem:v2+s28+$0x0] =	vst.idx.add.f32.msk $0xffff, v1  }
0x11c: {  	v2 =	vld [tilespmem:$0xBF0];
	_ =	sdelay $0x7  }
0x11d: {  	[tilespmem:v2+s28+$0x0] =	vst.idx.add.f32.msk $0xffff, v1  }
.Ltmp4:
0x11e: {  	_ =	swait.ge [sflag:s8], $0x4000;
	(pc) =	sbr.rel @p1 .LBB2_7-.Ltmp4, $4  }
0x11f: {  	[sflag:s8] =	ssyncset.done $0x0  }
0x120: {  	s19 =	simm.s32 $0xB00;
	[sflag:s8] =	ssyncadd.s32 $0xFFFFC000  }
0x121: {  	[spmem:s2] =	stream.indirect.scatter.add.f32 [tilespmem:s20], [sflag:$0x3], $0x80, s19, s26, $0xb8;
	[tilespmem:$0x1F800] =	vst v63  }
0x122: {  	s18 =	smov.u32 s12;
	s19 =	smov.u32 s9  }
.LBB2_6:
0x123: {  	_ =	swait.ge [sflag:s1], $0x4000  }
0x124: {  	s14 =	sand.u32 $0x1, s8;
	[sflag:s1] =	ssyncset.done $0x0  }
0x125: {  	s13 =	sadd.s32 $0x5, s14;
	[sflag:s1] =	ssyncadd.s32 $0xFFFFC000  }
0x126: {  	_ =	swait.ge [sflag:s13], $0x400  }
0x127: {  	[sflag:s13] =	ssyncset.done $0x0  }
0x128: {  	[sflag:s13] =	ssyncadd.s32 $0xFFFFFC00  }
0x129: {  	_ =	swait.ge [sflag:s13], $0x400  }
0x12a: {  	[sflag:s13] =	ssyncset.done $0x0  }
0x12b: {  	[sflag:s13] =	ssyncadd.s32 $0xFFFFFC00;
	s13 =	sshll.u32 s14, $0xA  }
0x12c: {  	[tilespmem:s20], [sflag:$0x1] =	stream.indirect.gather [hbm4b:s0+s26], $0x80, s13, s26, $0xb8;
	[tilespmem:$0x1F800] =	vst v63  }
0x12d: {  	v2 =	vld [tilespmem:s13+$0x800];
	_ =	sdelay $0x7  }
0x12e: {  	[tilespmem:v2+s28+$0x0] =	vst.idx.add.f32.msk $0xffff, v1  }
0x12f: {  	v2 =	vld [tilespmem:s13+$0x810];
	_ =	sdelay $0x7  }
0x130: {  	[tilespmem:v2+s28+$0x0] =	vst.idx.add.f32.msk $0xffff, v1  }
0x131: {  	v2 =	vld [tilespmem:s13+$0x820];
	_ =	sdelay $0x7  }
0x132: {  	[tilespmem:v2+s28+$0x0] =	vst.idx.add.f32.msk $0xffff, v1  }
0x133: {  	v2 =	vld [tilespmem:s13+$0x830];
	_ =	sdelay $0x7  }
0x134: {  	[tilespmem:v2+s28+$0x0] =	vst.idx.add.f32.msk $0xffff, v1  }
0x135: {  	v2 =	vld [tilespmem:s13+$0x840];
	_ =	sdelay $0x7  }
0x136: {  	[tilespmem:v2+s28+$0x0] =	vst.idx.add.f32.msk $0xffff, v1  }
0x137: {  	v2 =	vld [tilespmem:s13+$0x850];
	_ =	sdelay $0x7  }
0x138: {  	[tilespmem:v2+s28+$0x0] =	vst.idx.add.f32.msk $0xffff, v1  }
0x139: {  	v2 =	vld [tilespmem:s13+$0x860];
	_ =	sdelay $0x7  }
0x13a: {  	[tilespmem:v2+s28+$0x0] =	vst.idx.add.f32.msk $0xffff, v1  }
0x13b: {  	v2 =	vld [tilespmem:s13+$0x870];
	_ =	sdelay $0x7  }
0x13c: {  	[tilespmem:v2+s28+$0x0] =	vst.idx.add.f32.msk $0xffff, v1  }
0x13d: {  	s14 =	sxor.u32 $0x1, s14;
	_ =	swait.ge [sflag:s31], $0x4000  }
0x13e: {  	s10 =	sshll.u32 s14, $0xA;
	[sflag:s31] =	ssyncset.done $0x0  }
0x13f: {  	s15 =	sor.u32 $0xB80, s10;
	[sflag:s31] =	ssyncadd.s32 $0xFFFFC000  }
0x140: {  	[spmem:s2] =	stream.indirect.scatter.add.f32 [tilespmem:s29], [sflag:$0x4], $0x80, s15, s26, $0xb8;
	[tilespmem:$0x1F800] =	vst v63  }
0x141: {  	_ =	swait.ge [sflag:s4], $0x4000  }
0x142: {  	[sflag:s4] =	ssyncset.done $0x0  }
0x143: {  	s11 =	sor.u32 $0x80, s13;
	[sflag:s4] =	ssyncadd.s32 $0xFFFFC000  }
0x144: {  	[tilespmem:s29], [sflag:$0x2] =	stream.indirect.gather [hbm4b:s0+s26], $0x80, s11, s26, $0xb8;
	[tilespmem:$0x1F800] =	vst v63  }
0x145: {  	v2 =	vld [tilespmem:s13+$0x880];
	_ =	sdelay $0x7  }
0x146: {  	[tilespmem:v2+s28+$0x0] =	vst.idx.add.f32.msk $0xffff, v1  }
0x147: {  	v2 =	vld [tilespmem:s13+$0x890];
	_ =	sdelay $0x7  }
0x148: {  	[tilespmem:v2+s28+$0x0] =	vst.idx.add.f32.msk $0xffff, v1  }
0x149: {  	v2 =	vld [tilespmem:s13+$0x8A0];
	_ =	sdelay $0x7  }
0x14a: {  	[tilespmem:v2+s28+$0x0] =	vst.idx.add.f32.msk $0xffff, v1  }
0x14b: {  	v2 =	vld [tilespmem:s13+$0x8B0];
	_ =	sdelay $0x7  }
0x14c: {  	[tilespmem:v2+s28+$0x0] =	vst.idx.add.f32.msk $0xffff, v1  }
0x14d: {  	v2 =	vld [tilespmem:s13+$0x8C0];
	_ =	sdelay $0x7  }
0x14e: {  	[tilespmem:v2+s28+$0x0] =	vst.idx.add.f32.msk $0xffff, v1  }
0x14f: {  	v2 =	vld [tilespmem:s13+$0x8D0];
	_ =	sdelay $0x7  }
0x150: {  	[tilespmem:v2+s28+$0x0] =	vst.idx.add.f32.msk $0xffff, v1  }
0x151: {  	v2 =	vld [tilespmem:s13+$0x8E0];
	_ =	sdelay $0x7  }
0x152: {  	[tilespmem:v2+s28+$0x0] =	vst.idx.add.f32.msk $0xffff, v1  }
0x153: {  	v2 =	vld [tilespmem:s13+$0x8F0];
	_ =	sdelay $0x7  }
0x154: {  	[tilespmem:v2+s28+$0x0] =	vst.idx.add.f32.msk $0xffff, v1  }
0x155: {  	_ =	swait.ge [sflag:s6], $0x4000  }
0x156: {  	[sflag:s6] =	ssyncset.done $0x0;
	s15 =	rddreg [dreg:$0x7]  }
0x157: {  	s11 =	sor.u32 $0x800, s13;
	[sflag:s6] =	ssyncadd.s32 $0xFFFFC000;
	p2 =	sge.u32 s8, s15  }
0x158: {  	[spmem:s2] =	stream.indirect.scatter.add.f32 [tilespmem:s20], [sflag:$0x3], $0x80, s11, s26, $0xb8;
	[tilespmem:$0x1F800] =	vst v63  }
0x159: {  	s11 =	sadd.s32 @!p2 $0x5, s14;
	s14 =	simm.s32 @!p2 $0x0  }
0x15a: {  	[tilespmem:s10], [sflag:s11] =	stream.linear.gather @!p2 [hbm4b:s19+s14], $0x400, $0x38;
	[tilespmem:$0x1F800] =	vst v63  }
0x15b: {  	s10 =	sor.u32 $0x800, s10  }
0x15c: {  	[tilespmem:s10], [sflag:s11] =	stream.linear.gather @!p2 [hbm4b:s18+s14], $0x400, $0x38;
	[tilespmem:$0x1F800] =	vst v63  }
0x15d: {  	_ =	swait.ge [sflag:s1], $0x4000  }
0x15e: {  	[sflag:s1] =	ssyncset.done $0x0  }
0x15f: {  	s11 =	sor.u32 $0x100, s13;
	s10 =	sor.u32 $0x900, s13;
	[sflag:s1] =	ssyncadd.s32 $0xFFFFC000  }
0x160: {  	[tilespmem:s20], [sflag:$0x1] =	stream.indirect.gather [hbm4b:s0+s26], $0x80, s11, s26, $0xb8;
	[tilespmem:$0x1F800] =	vst v63  }
0x161: {  	v2 =	vld [tilespmem:s10+$0x0];
	_ =	sdelay $0x7  }
0x162: {  	[tilespmem:v2+s28+$0x0] =	vst.idx.add.f32.msk $0xffff, v1  }
0x163: {  	v2 =	vld [tilespmem:s13+$0x910];
	_ =	sdelay $0x7  }
0x164: {  	[tilespmem:v2+s28+$0x0] =	vst.idx.add.f32.msk $0xffff, v1  }
0x165: {  	v2 =	vld [tilespmem:s13+$0x920];
	_ =	sdelay $0x7  }
0x166: {  	[tilespmem:v2+s28+$0x0] =	vst.idx.add.f32.msk $0xffff, v1  }
0x167: {  	v2 =	vld [tilespmem:s13+$0x930];
	_ =	sdelay $0x7  }
0x168: {  	[tilespmem:v2+s28+$0x0] =	vst.idx.add.f32.msk $0xffff, v1  }
0x169: {  	v2 =	vld [tilespmem:s13+$0x940];
	_ =	sdelay $0x7  }
0x16a: {  	[tilespmem:v2+s28+$0x0] =	vst.idx.add.f32.msk $0xffff, v1  }
0x16b: {  	v2 =	vld [tilespmem:s13+$0x950];
	_ =	sdelay $0x7  }
0x16c: {  	[tilespmem:v2+s28+$0x0] =	vst.idx.add.f32.msk $0xffff, v1  }
0x16d: {  	v2 =	vld [tilespmem:s13+$0x960];
	_ =	sdelay $0x7  }
0x16e: {  	[tilespmem:v2+s28+$0x0] =	vst.idx.add.f32.msk $0xffff, v1  }
0x16f: {  	v2 =	vld [tilespmem:s13+$0x970];
	_ =	sdelay $0x7  }
0x170: {  	[tilespmem:v2+s28+$0x0] =	vst.idx.add.f32.msk $0xffff, v1  }
0x171: {  	_ =	swait.ge [sflag:s31], $0x4000  }
0x172: {  	[sflag:s31] =	ssyncset.done $0x0  }
0x173: {  	s14 =	sor.u32 $0x880, s13;
	[sflag:s31] =	ssyncadd.s32 $0xFFFFC000  }
0x174: {  	[spmem:s2] =	stream.indirect.scatter.add.f32 [tilespmem:s29], [sflag:$0x4], $0x80, s14, s26, $0xb8;
	[tilespmem:$0x1F800] =	vst v63  }
0x175: {  	_ =	swait.ge [sflag:s4], $0x4000  }
0x176: {  	[sflag:s4] =	ssyncset.done $0x0  }
0x177: {  	s15 =	sor.u32 $0x180, s13;
	s14 =	sor.u32 $0x980, s13;
	[sflag:s4] =	ssyncadd.s32 $0xFFFFC000  }
0x178: {  	[tilespmem:s29], [sflag:$0x2] =	stream.indirect.gather [hbm4b:s0+s26], $0x80, s15, s26, $0xb8;
	[tilespmem:$0x1F800] =	vst v63  }
0x179: {  	v2 =	vld [tilespmem:s14+$0x0];
	_ =	sdelay $0x7  }
0x17a: {  	[tilespmem:v2+s28+$0x0] =	vst.idx.add.f32.msk $0xffff, v1  }
0x17b: {  	v2 =	vld [tilespmem:s13+$0x990];
	_ =	sdelay $0x7  }
0x17c: {  	[tilespmem:v2+s28+$0x0] =	vst.idx.add.f32.msk $0xffff, v1  }
0x17d: {  	v2 =	vld [tilespmem:s13+$0x9A0];
	_ =	sdelay $0x7  }
0x17e: {  	[tilespmem:v2+s28+$0x0] =	vst.idx.add.f32.msk $0xffff, v1  }
0x17f: {  	v2 =	vld [tilespmem:s13+$0x9B0];
	_ =	sdelay $0x7  }
0x180: {  	[tilespmem:v2+s28+$0x0] =	vst.idx.add.f32.msk $0xffff, v1  }
0x181: {  	v2 =	vld [tilespmem:s13+$0x9C0];
	_ =	sdelay $0x7  }
0x182: {  	[tilespmem:v2+s28+$0x0] =	vst.idx.add.f32.msk $0xffff, v1  }
0x183: {  	v2 =	vld [tilespmem:s13+$0x9D0];
	_ =	sdelay $0x7  }
0x184: {  	[tilespmem:v2+s28+$0x0] =	vst.idx.add.f32.msk $0xffff, v1  }
0x185: {  	v2 =	vld [tilespmem:s13+$0x9E0];
	_ =	sdelay $0x7  }
0x186: {  	[tilespmem:v2+s28+$0x0] =	vst.idx.add.f32.msk $0xffff, v1  }
0x187: {  	v2 =	vld [tilespmem:s13+$0x9F0];
	_ =	sdelay $0x7  }
0x188: {  	[tilespmem:v2+s28+$0x0] =	vst.idx.add.f32.msk $0xffff, v1  }
0x189: {  	_ =	swait.ge [sflag:s6], $0x4000  }
0x18a: {  	[sflag:s6] =	ssyncset.done $0x0  }
0x18b: {  	[sflag:s6] =	ssyncadd.s32 $0xFFFFC000  }
0x18c: {  	[spmem:s2] =	stream.indirect.scatter.add.f32 [tilespmem:s20], [sflag:$0x3], $0x80, s10, s26, $0xb8;
	[tilespmem:$0x1F800] =	vst v63  }
0x18d: {  	_ =	swait.ge [sflag:s1], $0x4000  }
0x18e: {  	[sflag:s1] =	ssyncset.done $0x0  }
0x18f: {  	s15 =	sor.u32 $0x200, s13;
	s10 =	sor.u32 $0xA00, s13;
	[sflag:s1] =	ssyncadd.s32 $0xFFFFC000  }
0x190: {  	[tilespmem:s20], [sflag:$0x1] =	stream.indirect.gather [hbm4b:s0+s26], $0x80, s15, s26, $0xb8;
	[tilespmem:$0x1F800] =	vst v63  }
0x191: {  	v2 =	vld [tilespmem:s10+$0x0];
	_ =	sdelay $0x7  }
0x192: {  	[tilespmem:v2+s28+$0x0] =	vst.idx.add.f32.msk $0xffff, v1  }
0x193: {  	v2 =	vld [tilespmem:s13+$0xA10];
	_ =	sdelay $0x7  }
0x194: {  	[tilespmem:v2+s28+$0x0] =	vst.idx.add.f32.msk $0xffff, v1  }
0x195: {  	v2 =	vld [tilespmem:s13+$0xA20];
	_ =	sdelay $0x7  }
0x196: {  	[tilespmem:v2+s28+$0x0] =	vst.idx.add.f32.msk $0xffff, v1  }
0x197: {  	v2 =	vld [tilespmem:s13+$0xA30];
	_ =	sdelay $0x7  }
0x198: {  	[tilespmem:v2+s28+$0x0] =	vst.idx.add.f32.msk $0xffff, v1  }
0x199: {  	v2 =	vld [tilespmem:s13+$0xA40];
	_ =	sdelay $0x7  }
0x19a: {  	[tilespmem:v2+s28+$0x0] =	vst.idx.add.f32.msk $0xffff, v1  }
0x19b: {  	v2 =	vld [tilespmem:s13+$0xA50];
	_ =	sdelay $0x7  }
0x19c: {  	[tilespmem:v2+s28+$0x0] =	vst.idx.add.f32.msk $0xffff, v1  }
0x19d: {  	v2 =	vld [tilespmem:s13+$0xA60];
	_ =	sdelay $0x7  }
0x19e: {  	[tilespmem:v2+s28+$0x0] =	vst.idx.add.f32.msk $0xffff, v1  }
0x19f: {  	v2 =	vld [tilespmem:s13+$0xA70];
	_ =	sdelay $0x7  }
0x1a0: {  	[tilespmem:v2+s28+$0x0] =	vst.idx.add.f32.msk $0xffff, v1  }
0x1a1: {  	_ =	swait.ge [sflag:s31], $0x4000  }
0x1a2: {  	[sflag:s31] =	ssyncset.done $0x0  }
0x1a3: {  	[sflag:s31] =	ssyncadd.s32 $0xFFFFC000  }
0x1a4: {  	[spmem:s2] =	stream.indirect.scatter.add.f32 [tilespmem:s29], [sflag:$0x4], $0x80, s14, s26, $0xb8;
	[tilespmem:$0x1F800] =	vst v63  }
0x1a5: {  	_ =	swait.ge [sflag:s4], $0x4000  }
0x1a6: {  	[sflag:s4] =	ssyncset.done $0x0  }
0x1a7: {  	s15 =	sor.u32 $0xA80, s13;
	s14 =	sor.u32 $0x280, s13;
	[sflag:s4] =	ssyncadd.s32 $0xFFFFC000  }
0x1a8: {  	[tilespmem:s29], [sflag:$0x2] =	stream.indirect.gather [hbm4b:s0+s26], $0x80, s14, s26, $0xb8;
	[tilespmem:$0x1F800] =	vst v63  }
0x1a9: {  	v2 =	vld [tilespmem:s15+$0x0];
	_ =	sdelay $0x7  }
0x1aa: {  	[tilespmem:v2+s28+$0x0] =	vst.idx.add.f32.msk $0xffff, v1  }
0x1ab: {  	v2 =	vld [tilespmem:s13+$0xA90];
	_ =	sdelay $0x7  }
0x1ac: {  	[tilespmem:v2+s28+$0x0] =	vst.idx.add.f32.msk $0xffff, v1  }
0x1ad: {  	v2 =	vld [tilespmem:s13+$0xAA0];
	_ =	sdelay $0x7  }
0x1ae: {  	[tilespmem:v2+s28+$0x0] =	vst.idx.add.f32.msk $0xffff, v1  }
0x1af: {  	v2 =	vld [tilespmem:s13+$0xAB0];
	_ =	sdelay $0x7  }
0x1b0: {  	[tilespmem:v2+s28+$0x0] =	vst.idx.add.f32.msk $0xffff, v1  }
0x1b1: {  	v2 =	vld [tilespmem:s13+$0xAC0];
	_ =	sdelay $0x7  }
0x1b2: {  	[tilespmem:v2+s28+$0x0] =	vst.idx.add.f32.msk $0xffff, v1  }
0x1b3: {  	v2 =	vld [tilespmem:s13+$0xAD0];
	_ =	sdelay $0x7  }
0x1b4: {  	[tilespmem:v2+s28+$0x0] =	vst.idx.add.f32.msk $0xffff, v1  }
0x1b5: {  	v2 =	vld [tilespmem:s13+$0xAE0];
	_ =	sdelay $0x7  }
0x1b6: {  	[tilespmem:v2+s28+$0x0] =	vst.idx.add.f32.msk $0xffff, v1  }
0x1b7: {  	v2 =	vld [tilespmem:s13+$0xAF0];
	_ =	sdelay $0x7  }
0x1b8: {  	[tilespmem:v2+s28+$0x0] =	vst.idx.add.f32.msk $0xffff, v1  }
0x1b9: {  	_ =	swait.ge [sflag:s6], $0x4000  }
0x1ba: {  	[sflag:s6] =	ssyncset.done $0x0  }
0x1bb: {  	[sflag:s6] =	ssyncadd.s32 $0xFFFFC000  }
0x1bc: {  	[spmem:s2] =	stream.indirect.scatter.add.f32 [tilespmem:s20], [sflag:$0x3], $0x80, s10, s26, $0xb8;
	[tilespmem:$0x1F800] =	vst v63  }
0x1bd: {  	_ =	swait.ge [sflag:s1], $0x4000  }
0x1be: {  	[sflag:s1] =	ssyncset.done $0x0  }
0x1bf: {  	s14 =	sor.u32 $0x300, s13;
	s10 =	sor.u32 $0xB00, s13;
	[sflag:s1] =	ssyncadd.s32 $0xFFFFC000  }
0x1c0: {  	[tilespmem:s20], [sflag:$0x1] =	stream.indirect.gather [hbm4b:s0+s26], $0x80, s14, s26, $0xb8;
	[tilespmem:$0x1F800] =	vst v63  }
0x1c1: {  	v2 =	vld [tilespmem:s10+$0x0];
	_ =	sdelay $0x7  }
0x1c2: {  	[tilespmem:v2+s28+$0x0] =	vst.idx.add.f32.msk $0xffff, v1  }
0x1c3: {  	v2 =	vld [tilespmem:s13+$0xB10];
	_ =	sdelay $0x7  }
0x1c4: {  	[tilespmem:v2+s28+$0x0] =	vst.idx.add.f32.msk $0xffff, v1  }
0x1c5: {  	v2 =	vld [tilespmem:s13+$0xB20];
	_ =	sdelay $0x7  }
0x1c6: {  	[tilespmem:v2+s28+$0x0] =	vst.idx.add.f32.msk $0xffff, v1  }
0x1c7: {  	v2 =	vld [tilespmem:s13+$0xB30];
	_ =	sdelay $0x7  }
0x1c8: {  	[tilespmem:v2+s28+$0x0] =	vst.idx.add.f32.msk $0xffff, v1  }
0x1c9: {  	v2 =	vld [tilespmem:s13+$0xB40];
	_ =	sdelay $0x7  }
0x1ca: {  	[tilespmem:v2+s28+$0x0] =	vst.idx.add.f32.msk $0xffff, v1  }
0x1cb: {  	v2 =	vld [tilespmem:s13+$0xB50];
	_ =	sdelay $0x7  }
0x1cc: {  	[tilespmem:v2+s28+$0x0] =	vst.idx.add.f32.msk $0xffff, v1  }
0x1cd: {  	v2 =	vld [tilespmem:s13+$0xB60];
	_ =	sdelay $0x7  }
0x1ce: {  	[tilespmem:v2+s28+$0x0] =	vst.idx.add.f32.msk $0xffff, v1  }
0x1cf: {  	v2 =	vld [tilespmem:s13+$0xB70];
	_ =	sdelay $0x7  }
0x1d0: {  	[tilespmem:v2+s28+$0x0] =	vst.idx.add.f32.msk $0xffff, v1  }
0x1d1: {  	_ =	swait.ge [sflag:s31], $0x4000  }
0x1d2: {  	[sflag:s31] =	ssyncset.done $0x0  }
0x1d3: {  	[sflag:s31] =	ssyncadd.s32 $0xFFFFC000  }
0x1d4: {  	[spmem:s2] =	stream.indirect.scatter.add.f32 [tilespmem:s29], [sflag:$0x4], $0x80, s15, s26, $0xb8;
	[tilespmem:$0x1F800] =	vst v63  }
0x1d5: {  	_ =	swait.ge [sflag:s4], $0x4000  }
0x1d6: {  	[sflag:s4] =	ssyncset.done $0x0  }
0x1d7: {  	s14 =	sor.u32 $0xB80, s13;
	s15 =	sor.u32 $0x380, s13;
	[sflag:s4] =	ssyncadd.s32 $0xFFFFC000  }
0x1d8: {  	[tilespmem:s29], [sflag:$0x2] =	stream.indirect.gather [hbm4b:s0+s26], $0x80, s15, s26, $0xb8;
	[tilespmem:$0x1F800] =	vst v63  }
0x1d9: {  	v2 =	vld [tilespmem:s14+$0x0];
	_ =	sdelay $0x7  }
0x1da: {  	[tilespmem:v2+s28+$0x0] =	vst.idx.add.f32.msk $0xffff, v1  }
0x1db: {  	v2 =	vld [tilespmem:s13+$0xB90];
	_ =	sdelay $0x7  }
0x1dc: {  	[tilespmem:v2+s28+$0x0] =	vst.idx.add.f32.msk $0xffff, v1  }
0x1dd: {  	v2 =	vld [tilespmem:s13+$0xBA0];
	_ =	sdelay $0x7  }
0x1de: {  	[tilespmem:v2+s28+$0x0] =	vst.idx.add.f32.msk $0xffff, v1  }
0x1df: {  	v2 =	vld [tilespmem:s13+$0xBB0];
	_ =	sdelay $0x7  }
0x1e0: {  	[tilespmem:v2+s28+$0x0] =	vst.idx.add.f32.msk $0xffff, v1  }
0x1e1: {  	v2 =	vld [tilespmem:s13+$0xBC0];
	_ =	sdelay $0x7  }
0x1e2: {  	[tilespmem:v2+s28+$0x0] =	vst.idx.add.f32.msk $0xffff, v1  }
0x1e3: {  	v2 =	vld [tilespmem:s13+$0xBD0];
	_ =	sdelay $0x7  }
0x1e4: {  	[tilespmem:v2+s28+$0x0] =	vst.idx.add.f32.msk $0xffff, v1  }
0x1e5: {  	v2 =	vld [tilespmem:s13+$0xBE0];
	_ =	sdelay $0x7  }
0x1e6: {  	[tilespmem:v2+s28+$0x0] =	vst.idx.add.f32.msk $0xffff, v1  }
0x1e7: {  	v2 =	vld [tilespmem:s13+$0xBF0];
	_ =	sdelay $0x7  }
0x1e8: {  	[tilespmem:v2+s28+$0x0] =	vst.idx.add.f32.msk $0xffff, v1  }
0x1e9: {  	_ =	swait.ge [sflag:s6], $0x4000  }
0x1ea: {  	s8 =	sadd.s32 $0x1, s8;
	s15 =	rddreg [dreg:$0x8]  }
0x1eb: {  	p2 =	sne.s32 s15, s8  }
.Ltmp5:
0x1ec: {  	_ = 	snop;
	(pc) =	sbr.rel @p2 .LBB2_6-.Ltmp5, $4  }
0x1ed: {  	_ = 	snop  }
0x1ee: {  	[sflag:s6] =	ssyncset.done $0x0  }
0x1ef: {  	s19 =	sadd.s32 $0x80, s19;
	s18 =	sadd.s32 $0x80, s18;
	[sflag:s6] =	ssyncadd.s32 $0xFFFFC000  }
0x1f0: {  	[spmem:s2] =	stream.indirect.scatter.add.f32 [tilespmem:s20], [sflag:$0x3], $0x80, s10, s26, $0xb8;
	[tilespmem:$0x1F800] =	vst v63  }
.Ltmp6:
0x1f1: {  	_ = 	snop;
	(pc) =	sbr.rel .LBB2_7-.Ltmp6, $1  }
0x1f2: {  	_ =	sdelay $0x3  }
.LBB2_8:
0x1f3: {  	_ =	sfence.sel $0x180000  }
0x1f4: {  	[bflag:$0x0] =	sbarrier.arrive $0xFFFF  }
0x1f5: {  	_ =	strace $0x90000047  }
0x1f6: {  	[bflag:$0x2] =	sbarrier.arrive $0xFFFF  }
0x1f7: {  	s0 =	rddreg [dreg:$0x6]  }
0x1f8: {  	s0 =	sadd.s32 @!p0 $0x100000, s0  }
0x1f9: {  	[sflag:s0] =	ssyncadd.tile.s32 @!p0 $0x1;
	_ =	shalt  }
.Lfunc_end2:
_tile_overlayer_lowered:
.L_overlay_start_2:
0x1fa: {  	(tag) =	ssettag $0x2  }
0x1fb: {  	s0 =	rddreg [dreg:$0x0];
	s2 =	stileid.u32  }
0x1fc: {  	s1 =	rddreg [dreg:$0x1];
	p0 =	sne.s32 s2, $0x0  }
0x1fd: {  	s3 =	rddreg [dreg:$0x2];
	[bflag:$0x3] =	sbarrier.arrive $0xFFFF;
	s2 =	simm.s32 @!p0 $0x1C07  }
0x1fe: {  	[timem:s3], [sflag:s2] =	dma.local @!p0 [hbm:s0], s1  }
0x1ff: {  	s0 =	simm.s32 @!p0 $0x7  }
0x200: {  	_ =	swait.ge @!p0 [sflag:s0], s1  }
0x201: {  	s1 =	ssub.s32 @!p0 $0x0, s1;
	[sflag:s0] =	ssyncset.done @!p0 $0x0  }
0x202: {  	[sflag:s0] =	ssyncadd.s32 @!p0 s1  }
0x203: {  	[bflag:$0x3] =	sbarrier.arrive $0xFFFF  }
0x204: {  	_ =	shalt  }

</sc_bundles>
